<compile_context>
chip_gen: v7x
topology: tpu7x:2x2x1
jax: 0.10.2.dev20260603
libtpu: 0.0.44.dev20260713+nightly
codegen_flags: <defaults>
</compile_context>

<pallas_src>
import functools

import jax
import jax.numpy as jnp
from jax import lax
from jax.experimental import pallas as pl
from jax.experimental.pallas import tpu as pltpu
from jax.experimental.pallas import tpu_sc as plsc

NC = 2
NS = 16
NW = NC * NS
NPOS = 4096
T = 200
D = 64
LB = 128
NT = NPOS // LB
NTASK = T * NT
TPW = NTASK // NW
NBUF = 4

_mesh = plsc.VectorSubcoreMesh(
    core_axis_name="c", subcore_axis_name="s", num_cores=NC, num_subcores=NS
)


@functools.partial(
    pl.kernel,
    out_type=jax.ShapeDtypeStruct((T, D // 8, NT, 8, LB), jnp.float32),
    mesh=_mesh,
    scratch_types=[
        pltpu.VMEM((TPW, LB), jnp.int32),
        [pltpu.VMEM((LB, D), jnp.float32) for _ in range(NBUF)],
        [pltpu.VMEM((D, LB), jnp.float32) for _ in range(NBUF)],
        [pltpu.SemaphoreType.DMA for _ in range(NBUF)],
        [pltpu.SemaphoreType.DMA for _ in range(NBUF)],
    ],
    compiler_params=pltpu.CompilerParams(
        use_tc_tiling_on_sc=False, needs_layout_passes=False
    ),
)
def _gather_t(table_hbm, idx_hbm, out_hbm, idx_v, bufa, bufb, gsem, wsem):
    wid = lax.axis_index("s") * NC + lax.axis_index("c")
    k0 = wid * TPW
    pltpu.sync_copy(idx_hbm.at[pl.ds(k0, TPW)], idx_v)

    def g_start(j, b):
        pltpu.async_copy(table_hbm.at[idx_v.at[j]], bufa[b], gsem[b])

    def g_wait(b):
        pltpu.make_async_copy(
            table_hbm.at[idx_v.at[0]], bufa[b], gsem[b]
        ).wait()

    def w_start(k, b):
        tb = k // (NT * 8)
        r = k % (NT * 8)
        ih = r // 8
        t = tb * 8 + r % 8
        for ch in range(D // 8):
            pltpu.async_copy(
                bufb[b].at[pl.ds(ch * 8, 8)], out_hbm.at[t, ch, ih], wsem[b]
            )

    def w_wait(b):
        for ch in range(D // 8):
            pltpu.make_async_copy(
                bufb[b].at[pl.ds(0, 8)], out_hbm.at[0, 0, 0], wsem[b]
            ).wait()

    row_ids = [
        lax.iota(jnp.int32, 16) + (blk * 16) for blk in range(LB // 16)
    ]

    def transpose(b):
        a, bb = bufa[b], bufb[b]

        @plsc.parallel_loop(0, D, 1, unroll=8)
        def _(d):
            dv = jnp.full((16,), d, jnp.int32)
            for blk in range(LB // 16):
                il = row_ids[blk]
                cv = (dv + il) & (D - 1)
                v = plsc.load_gather(a, [il, cv])
                plsc.store_scatter(bb, [cv, il], v)

    for b in range(NBUF):
        g_start(b, b)

    def body(i, carry):
        for b in range(NBUF):
            j = i * NBUF + b
            g_wait(b)

            @pl.when(j >= NBUF)
            def _():
                w_wait(b)

            transpose(b)
            w_start(k0 + j, b)

            @pl.when(j < TPW - NBUF)
            def _():
                g_start(j + NBUF, b)

        return carry

    lax.fori_loop(0, TPW // NBUF, body, 0)
    for b in range(NBUF):
        w_wait(b)


def kernel(embeddings, pos_ids):
    idx_t = (
        pos_ids.T.reshape(T // 8, 8, NT, LB)
        .transpose(0, 2, 1, 3)
        .reshape(NTASK, LB)
    )
    out5 = _gather_t(embeddings, idx_t)
    return jnp.transpose(out5, (2, 4, 0, 1, 3)).reshape(NPOS, T, D)

# --- scband reference (transcript-rebuilt; emitter-appended) ---
"""Pipeline reference for scband-sinusoidal-position-embedding-65180423684741 (READ-ONLY COPY).

The authoritative reference and input builder live on the scoring server;
editing this copy changes nothing except your own understanding.
"""

import jax, jax.numpy as jnp
import numpy as np

NUM_EMBEDDINGS = 100000
DIM = 64

def make_sinusoidal_table(num_embeddings, dim):
    even_indices = np.arange(0, dim, 2).astype(np.float32)
    log_term = np.log(10000.0) / dim
    div_term = np.exp(even_indices * -log_term)
    embed_indices = np.arange(num_embeddings).astype(np.float32)[:, None]
    emb = np.zeros((num_embeddings, dim), dtype=np.float32)
    emb[:, 0::2] = np.sin(embed_indices * div_term)
    emb[:, 1::2] = np.cos(embed_indices * div_term)
    return jnp.asarray(emb)

def setup_inputs(seed: int = 0) -> dict:
    key = jax.random.key(seed)
    pos_ids = jax.random.randint(key, (4096, 200), 0, NUM_EMBEDDINGS, dtype=jnp.int32)
    embeddings = make_sinusoidal_table(NUM_EMBEDDINGS, DIM)
    return {"embeddings": embeddings, "pos_ids": pos_ids}

def reference(embeddings, pos_ids):
    # Faithful translation of forward: table gather by position ids
    return jnp.take(embeddings, pos_ids, axis=0)

if __name__ == "__main__":
    import jax
    _d = setup_inputs()
    print(jax.jit(kernel)(*tuple(_d.values())))

</pallas_src>

<mosaic_0001>
#map = affine_map<(d0, d1) -> (0, 0)>
#map1 = affine_map<(d0, d1) -> (0, 0, 0, 0, 0)>
module attributes {stable_mosaic.version = 14 : i64} {
  func.func @_gather_t(%arg0: i32, %arg1: i32, %arg2: memref<100000x64xf32, #tpu.memory_space<hbm>>, %arg3: memref<6400x128xi32, #tpu.memory_space<hbm>>, %arg4: memref<200x8x32x8x128xf32, #tpu.memory_space<hbm>>, %arg5: memref<200x128xi32, #tpu.memory_space<vmem>>, %arg6: memref<128x64xf32, #tpu.memory_space<vmem>>, %arg7: memref<128x64xf32, #tpu.memory_space<vmem>>, %arg8: memref<128x64xf32, #tpu.memory_space<vmem>>, %arg9: memref<128x64xf32, #tpu.memory_space<vmem>>, %arg10: memref<64x128xf32, #tpu.memory_space<vmem>>, %arg11: memref<64x128xf32, #tpu.memory_space<vmem>>, %arg12: memref<64x128xf32, #tpu.memory_space<vmem>>, %arg13: memref<64x128xf32, #tpu.memory_space<vmem>>, %arg14: memref<!tpu.dma_semaphore, #tpu.memory_space<semaphore_mem>>, %arg15: memref<!tpu.dma_semaphore, #tpu.memory_space<semaphore_mem>>, %arg16: memref<!tpu.dma_semaphore, #tpu.memory_space<semaphore_mem>>, %arg17: memref<!tpu.dma_semaphore, #tpu.memory_space<semaphore_mem>>, %arg18: memref<!tpu.dma_semaphore, #tpu.memory_space<semaphore_mem>>, %arg19: memref<!tpu.dma_semaphore, #tpu.memory_space<semaphore_mem>>, %arg20: memref<!tpu.dma_semaphore, #tpu.memory_space<semaphore_mem>>, %arg21: memref<!tpu.dma_semaphore, #tpu.memory_space<semaphore_mem>>) attributes {dimension_semantics = [#tpu.dimension_semantics<core_parallel>, #tpu.dimension_semantics<subcore_parallel>], iteration_bounds = array<i64: 2, 16>, scalar_prefetch = 0 : i64, scratch_operands = 17 : i64, tpu.core_type = #tpu.core_type<sc_vector_subcore>, window_params = [{transform_indices = #map}, {transform_indices = #map}, {transform_indices = #map1}]} {
    %mul3A = arith.constant 2 : i32
    %mul3A_0 = arith.muli %arg1, %mul3A : i32
    %add3A = arith.addi %mul3A_0, %arg0 : i32
    %mul3A_1 = arith.constant 200 : i32
    %mul3A_2 = arith.muli %add3A, %mul3A_1 : i32
    "tpu.region"() ({
      %run_scoped3A = tpu.sem_alloc : memref<!tpu.dma_semaphore, #tpu.memory_space<semaphore_mem>>
      %dma_start3A_609 = arith.constant 0 : i32
      %dma_start3A_610 = tpu.memref_slice %arg3[%mul3A_2, %dma_start3A_609] : memref<6400x128xi32, #tpu.memory_space<hbm>> -> memref<200x128xi32, #tpu.memory_space<hbm>>
      %dma_start3A_611 = arith.constant 0 : i32
      %dma_start3A_612 = tpu.memref_slice %arg3[%mul3A_2, %dma_start3A_611] : memref<6400x128xi32, #tpu.memory_space<hbm>> -> memref<200x128xi32, #tpu.memory_space<hbm>>
      tpu.enqueue_dma source(%dma_start3A_612 : memref<200x128xi32, #tpu.memory_space<hbm>>) target(%arg5 : memref<200x128xi32, #tpu.memory_space<vmem>>) target_semaphore(%run_scoped3A : memref<!tpu.dma_semaphore, #tpu.memory_space<semaphore_mem>>)
      %dma_wait3A_613 = arith.constant 0 : i32
      %dma_wait3A_614 = tpu.memref_slice %arg3[%mul3A_2, %dma_wait3A_613] : memref<6400x128xi32, #tpu.memory_space<hbm>> -> memref<200x128xi32, #tpu.memory_space<hbm>>
      %dma_wait3A_615 = arith.constant 0 : i32
      %dma_wait3A_616 = tpu.memref_slice %arg3[%mul3A_2, %dma_wait3A_615] : memref<6400x128xi32, #tpu.memory_space<hbm>> -> memref<200x128xi32, #tpu.memory_space<hbm>>
      tpu.wait_dma2 semaphore(%run_scoped3A : memref<!tpu.dma_semaphore, #tpu.memory_space<semaphore_mem>>) src(%dma_wait3A_616 : memref<200x128xi32, #tpu.memory_space<hbm>>) dst(%arg5 : memref<200x128xi32, #tpu.memory_space<vmem>>)
      tpu.yield
    }) : () -> ()
    %iota3A = tpu.iota {dimensions = array<i32: 0>} : vector<16xi32>
    %add3A_3 = arith.constant 0 : i32
    %add3A_4 = vector.broadcast %add3A_3 : i32 to vector<16xi32>
    %add3A_5 = arith.addi %iota3A, %add3A_4 : vector<16xi32>
    %iota3A_6 = tpu.iota {dimensions = array<i32: 0>} : vector<16xi32>
    %add3A_7 = arith.constant 16 : i32
    %add3A_8 = vector.broadcast %add3A_7 : i32 to vector<16xi32>
    %add3A_9 = arith.addi %iota3A_6, %add3A_8 : vector<16xi32>
    %iota3A_10 = tpu.iota {dimensions = array<i32: 0>} : vector<16xi32>
    %add3A_11 = arith.constant 32 : i32
    %add3A_12 = vector.broadcast %add3A_11 : i32 to vector<16xi32>
    %add3A_13 = arith.addi %iota3A_10, %add3A_12 : vector<16xi32>
    %iota3A_14 = tpu.iota {dimensions = array<i32: 0>} : vector<16xi32>
    %add3A_15 = arith.constant 48 : i32
    %add3A_16 = vector.broadcast %add3A_15 : i32 to vector<16xi32>
    %add3A_17 = arith.addi %iota3A_14, %add3A_16 : vector<16xi32>
    %iota3A_18 = tpu.iota {dimensions = array<i32: 0>} : vector<16xi32>
    %add3A_19 = arith.constant 64 : i32
    %add3A_20 = vector.broadcast %add3A_19 : i32 to vector<16xi32>
    %add3A_21 = arith.addi %iota3A_18, %add3A_20 : vector<16xi32>
    %iota3A_22 = tpu.iota {dimensions = array<i32: 0>} : vector<16xi32>
    %add3A_23 = arith.constant 80 : i32
    %add3A_24 = vector.broadcast %add3A_23 : i32 to vector<16xi32>
    %add3A_25 = arith.addi %iota3A_22, %add3A_24 : vector<16xi32>
    %iota3A_26 = tpu.iota {dimensions = array<i32: 0>} : vector<16xi32>
    %add3A_27 = arith.constant 96 : i32
    %add3A_28 = vector.broadcast %add3A_27 : i32 to vector<16xi32>
    %add3A_29 = arith.addi %iota3A_26, %add3A_28 : vector<16xi32>
    %iota3A_30 = tpu.iota {dimensions = array<i32: 0>} : vector<16xi32>
    %add3A_31 = arith.constant 112 : i32
    %add3A_32 = vector.broadcast %add3A_31 : i32 to vector<16xi32>
    %add3A_33 = arith.addi %iota3A_30, %add3A_32 : vector<16xi32>
    %dma_start3A = arith.constant 0 : i32
    %dma_start3A_34 = arith.constant 0 : i32
    %dma_start3A_35 = tpu.memref_slice %arg5[%dma_start3A, %dma_start3A_34] : memref<200x128xi32, #tpu.memory_space<vmem>> -> memref<1x128xi32, #tpu.memory_space<vmem>>
    %dma_start3A_36 = tpu.memref_squeeze %dma_start3A_35 : memref<1x128xi32, #tpu.memory_space<vmem>> -> memref<128xi32, #tpu.memory_space<vmem>>
    %dma_start3A_37 = arith.constant 0 : i32
    %dma_start3A_38 = arith.constant 0 : i32
    %dma_start3A_39 = tpu.memref_slice %arg2[%dma_start3A_37, %dma_start3A_38] : memref<100000x64xf32, #tpu.memory_space<hbm>> -> memref<100000x64xf32, #tpu.memory_space<hbm>>
    tpu.enqueue_indirect_dma source(%dma_start3A_39 : memref<100000x64xf32, #tpu.memory_space<hbm>>) target(%arg6 : memref<128x64xf32, #tpu.memory_space<vmem>>) offsets(%dma_start3A_36 : memref<128xi32, #tpu.memory_space<vmem>>) semaphore(%arg14 : memref<!tpu.dma_semaphore, #tpu.memory_space<semaphore_mem>>)
    %dma_start3A_40 = arith.constant 1 : i32
    %dma_start3A_41 = arith.constant 0 : i32
    %dma_start3A_42 = tpu.memref_slice %arg5[%dma_start3A_40, %dma_start3A_41] : memref<200x128xi32, #tpu.memory_space<vmem>> -> memref<1x128xi32, #tpu.memory_space<vmem>>
    %dma_start3A_43 = tpu.memref_squeeze %dma_start3A_42 : memref<1x128xi32, #tpu.memory_space<vmem>> -> memref<128xi32, #tpu.memory_space<vmem>>
    %dma_start3A_44 = arith.constant 0 : i32
    %dma_start3A_45 = arith.constant 0 : i32
    %dma_start3A_46 = tpu.memref_slice %arg2[%dma_start3A_44, %dma_start3A_45] : memref<100000x64xf32, #tpu.memory_space<hbm>> -> memref<100000x64xf32, #tpu.memory_space<hbm>>
    tpu.enqueue_indirect_dma source(%dma_start3A_46 : memref<100000x64xf32, #tpu.memory_space<hbm>>) target(%arg7 : memref<128x64xf32, #tpu.memory_space<vmem>>) offsets(%dma_start3A_43 : memref<128xi32, #tpu.memory_space<vmem>>) semaphore(%arg15 : memref<!tpu.dma_semaphore, #tpu.memory_space<semaphore_mem>>)
    %dma_start3A_47 = arith.constant 2 : i32
    %dma_start3A_48 = arith.constant 0 : i32
    %dma_start3A_49 = tpu.memref_slice %arg5[%dma_start3A_47, %dma_start3A_48] : memref<200x128xi32, #tpu.memory_space<vmem>> -> memref<1x128xi32, #tpu.memory_space<vmem>>
    %dma_start3A_50 = tpu.memref_squeeze %dma_start3A_49 : memref<1x128xi32, #tpu.memory_space<vmem>> -> memref<128xi32, #tpu.memory_space<vmem>>
    %dma_start3A_51 = arith.constant 0 : i32
    %dma_start3A_52 = arith.constant 0 : i32
    %dma_start3A_53 = tpu.memref_slice %arg2[%dma_start3A_51, %dma_start3A_52] : memref<100000x64xf32, #tpu.memory_space<hbm>> -> memref<100000x64xf32, #tpu.memory_space<hbm>>
    tpu.enqueue_indirect_dma source(%dma_start3A_53 : memref<100000x64xf32, #tpu.memory_space<hbm>>) target(%arg8 : memref<128x64xf32, #tpu.memory_space<vmem>>) offsets(%dma_start3A_50 : memref<128xi32, #tpu.memory_space<vmem>>) semaphore(%arg16 : memref<!tpu.dma_semaphore, #tpu.memory_space<semaphore_mem>>)
    %dma_start3A_54 = arith.constant 3 : i32
    %dma_start3A_55 = arith.constant 0 : i32
    %dma_start3A_56 = tpu.memref_slice %arg5[%dma_start3A_54, %dma_start3A_55] : memref<200x128xi32, #tpu.memory_space<vmem>> -> memref<1x128xi32, #tpu.memory_space<vmem>>
    %dma_start3A_57 = tpu.memref_squeeze %dma_start3A_56 : memref<1x128xi32, #tpu.memory_space<vmem>> -> memref<128xi32, #tpu.memory_space<vmem>>
    %dma_start3A_58 = arith.constant 0 : i32
    %dma_start3A_59 = arith.constant 0 : i32
    %dma_start3A_60 = tpu.memref_slice %arg2[%dma_start3A_58, %dma_start3A_59] : memref<100000x64xf32, #tpu.memory_space<hbm>> -> memref<100000x64xf32, #tpu.memory_space<hbm>>
    tpu.enqueue_indirect_dma source(%dma_start3A_60 : memref<100000x64xf32, #tpu.memory_space<hbm>>) target(%arg9 : memref<128x64xf32, #tpu.memory_space<vmem>>) offsets(%dma_start3A_57 : memref<128xi32, #tpu.memory_space<vmem>>) semaphore(%arg17 : memref<!tpu.dma_semaphore, #tpu.memory_space<semaphore_mem>>)
    %scan3A = arith.constant 0 : i32
    %scan3A_61 = arith.constant 0 : i32
    %scan3A_62 = arith.constant 50 : i32
    %scan3A_63 = arith.addi %scan3A_61, %scan3A_62 : i32
    %scan3A_64 = arith.constant 1 : i32
    scf.for %scan3A_609 = %scan3A_61 to %scan3A_63 step %scan3A_64  : i32 {
      %mul3A_610 = arith.constant 4 : i32
      %mul3A_611 = arith.muli %scan3A_609, %mul3A_610 : i32
      %add3A_612 = arith.constant 0 : i32
      %add3A_613 = arith.addi %mul3A_611, %add3A_612 : i32
      %dma_wait3A_614 = arith.constant 0 : i32
      %dma_wait3A_615 = arith.constant 0 : i32
      %dma_wait3A_616 = tpu.memref_slice %arg5[%dma_wait3A_614, %dma_wait3A_615] : memref<200x128xi32, #tpu.memory_space<vmem>> -> memref<1x128xi32, #tpu.memory_space<vmem>>
      %dma_wait3A_617 = tpu.memref_squeeze %dma_wait3A_616 : memref<1x128xi32, #tpu.memory_space<vmem>> -> memref<128xi32, #tpu.memory_space<vmem>>
      %dma_wait3A_618 = arith.constant 0 : i32
      %dma_wait3A_619 = arith.constant 0 : i32
      %dma_wait3A_620 = tpu.memref_slice %arg2[%dma_wait3A_618, %dma_wait3A_619] : memref<100000x64xf32, #tpu.memory_space<hbm>> -> memref<100000x64xf32, #tpu.memory_space<hbm>>
      tpu.wait_indirect_dma semaphore(%arg14 : memref<!tpu.dma_semaphore, #tpu.memory_space<semaphore_mem>>) src(%dma_wait3A_620 : memref<100000x64xf32, #tpu.memory_space<hbm>>) dst(%arg6 : memref<128x64xf32, #tpu.memory_space<vmem>>)
      %ge3A = arith.constant 4 : i32
      %ge3A_621 = arith.cmpi sge, %add3A_613, %ge3A : i32
      %convert_element_type3A = arith.extui %ge3A_621 : i1 to i32
      %cond3A = arith.constant 0 : i32
      %cond3A_622 = arith.cmpi ne, %convert_element_type3A, %cond3A : i32
      scf.if %cond3A_622 {
        %dma_wait3A_1508 = arith.constant 0 : i32
        %dma_wait3A_1509 = arith.constant 0 : i32
        %dma_wait3A_1510 = arith.constant 0 : i32
        %dma_wait3A_1511 = arith.constant 0 : i32
        %dma_wait3A_1512 = arith.constant 0 : i32
        %dma_wait3A_1513 = tpu.memref_slice %arg10[%dma_wait3A_1511, %dma_wait3A_1512] : memref<64x128xf32, #tpu.memory_space<vmem>> -> memref<8x128xf32, #tpu.memory_space<vmem>>
        %dma_wait3A_1514 = arith.constant 0 : i32
        %dma_wait3A_1515 = arith.constant 0 : i32
        %dma_wait3A_1516 = tpu.memref_slice %arg4[%dma_wait3A_1508, %dma_wait3A_1509, %dma_wait3A_1510, %dma_wait3A_1514, %dma_wait3A_1515] : memref<200x8x32x8x128xf32, #tpu.memory_space<hbm>> -> memref<1x1x1x8x128xf32, #tpu.memory_space<hbm>>
        %dma_wait3A_1517 = tpu.memref_squeeze %dma_wait3A_1516 : memref<1x1x1x8x128xf32, #tpu.memory_space<hbm>> -> memref<8x128xf32, #tpu.memory_space<hbm>>
        %dma_wait3A_1518 = arith.constant 0 : i32
        %dma_wait3A_1519 = arith.constant 0 : i32
        %dma_wait3A_1520 = tpu.memref_slice %arg4[%dma_wait3A_1508, %dma_wait3A_1509, %dma_wait3A_1510, %dma_wait3A_1518, %dma_wait3A_1519] : memref<200x8x32x8x128xf32, #tpu.memory_space<hbm>> -> memref<1x1x1x8x128xf32, #tpu.memory_space<hbm>>
        %dma_wait3A_1521 = tpu.memref_squeeze %dma_wait3A_1520 : memref<1x1x1x8x128xf32, #tpu.memory_space<hbm>> -> memref<8x128xf32, #tpu.memory_space<hbm>>
        %dma_wait3A_1522 = arith.constant 0 : i32
        %dma_wait3A_1523 = arith.constant 0 : i32
        %dma_wait3A_1524 = tpu.memref_slice %arg10[%dma_wait3A_1522, %dma_wait3A_1523] : memref<64x128xf32, #tpu.memory_space<vmem>> -> memref<8x128xf32, #tpu.memory_space<vmem>>
        tpu.wait_dma2 semaphore(%arg18 : memref<!tpu.dma_semaphore, #tpu.memory_space<semaphore_mem>>) src(%dma_wait3A_1524 : memref<8x128xf32, #tpu.memory_space<vmem>>) dst(%dma_wait3A_1521 : memref<8x128xf32, #tpu.memory_space<hbm>>)
        %dma_wait3A_1525 = arith.constant 0 : i32
        %dma_wait3A_1526 = arith.constant 0 : i32
        %dma_wait3A_1527 = arith.constant 0 : i32
        %dma_wait3A_1528 = arith.constant 0 : i32
        %dma_wait3A_1529 = arith.constant 0 : i32
        %dma_wait3A_1530 = tpu.memref_slice %arg10[%dma_wait3A_1528, %dma_wait3A_1529] : memref<64x128xf32, #tpu.memory_space<vmem>> -> memref<8x128xf32, #tpu.memory_space<vmem>>
        %dma_wait3A_1531 = arith.constant 0 : i32
        %dma_wait3A_1532 = arith.constant 0 : i32
        %dma_wait3A_1533 = tpu.memref_slice %arg4[%dma_wait3A_1525, %dma_wait3A_1526, %dma_wait3A_1527, %dma_wait3A_1531, %dma_wait3A_1532] : memref<200x8x32x8x128xf32, #tpu.memory_space<hbm>> -> memref<1x1x1x8x128xf32, #tpu.memory_space<hbm>>
        %dma_wait3A_1534 = tpu.memref_squeeze %dma_wait3A_1533 : memref<1x1x1x8x128xf32, #tpu.memory_space<hbm>> -> memref<8x128xf32, #tpu.memory_space<hbm>>
        %dma_wait3A_1535 = arith.constant 0 : i32
        %dma_wait3A_1536 = arith.constant 0 : i32
        %dma_wait3A_1537 = tpu.memref_slice %arg4[%dma_wait3A_1525, %dma_wait3A_1526, %dma_wait3A_1527, %dma_wait3A_1535, %dma_wait3A_1536] : memref<200x8x32x8x128xf32, #tpu.memory_space<hbm>> -> memref<1x1x1x8x128xf32, #tpu.memory_space<hbm>>
        %dma_wait3A_1538 = tpu.memref_squeeze %dma_wait3A_1537 : memref<1x1x1x8x128xf32, #tpu.memory_space<hbm>> -> memref<8x128xf32, #tpu.memory_space<hbm>>
        %dma_wait3A_1539 = arith.constant 0 : i32
        %dma_wait3A_1540 = arith.constant 0 : i32
        %dma_wait3A_1541 = tpu.memref_slice %arg10[%dma_wait3A_1539, %dma_wait3A_1540] : memref<64x128xf32, #tpu.memory_space<vmem>> -> memref<8x128xf32, #tpu.memory_space<vmem>>
        tpu.wait_dma2 semaphore(%arg18 : memref<!tpu.dma_semaphore, #tpu.memory_space<semaphore_mem>>) src(%dma_wait3A_1541 : memref<8x128xf32, #tpu.memory_space<vmem>>) dst(%dma_wait3A_1538 : memref<8x128xf32, #tpu.memory_space<hbm>>)
        %dma_wait3A_1542 = arith.constant 0 : i32
        %dma_wait3A_1543 = arith.constant 0 : i32
        %dma_wait3A_1544 = arith.constant 0 : i32
        %dma_wait3A_1545 = arith.constant 0 : i32
        %dma_wait3A_1546 = arith.constant 0 : i32
        %dma_wait3A_1547 = tpu.memref_slice %arg10[%dma_wait3A_1545, %dma_wait3A_1546] : memref<64x128xf32, #tpu.memory_space<vmem>> -> memref<8x128xf32, #tpu.memory_space<vmem>>
        %dma_wait3A_1548 = arith.constant 0 : i32
        %dma_wait3A_1549 = arith.constant 0 : i32
        %dma_wait3A_1550 = tpu.memref_slice %arg4[%dma_wait3A_1542, %dma_wait3A_1543, %dma_wait3A_1544, %dma_wait3A_1548, %dma_wait3A_1549] : memref<200x8x32x8x128xf32, #tpu.memory_space<hbm>> -> memref<1x1x1x8x128xf32, #tpu.memory_space<hbm>>
        %dma_wait3A_1551 = tpu.memref_squeeze %dma_wait3A_1550 : memref<1x1x1x8x128xf32, #tpu.memory_space<hbm>> -> memref<8x128xf32, #tpu.memory_space<hbm>>
        %dma_wait3A_1552 = arith.constant 0 : i32
        %dma_wait3A_1553 = arith.constant 0 : i32
        %dma_wait3A_1554 = tpu.memref_slice %arg4[%dma_wait3A_1542, %dma_wait3A_1543, %dma_wait3A_1544, %dma_wait3A_1552, %dma_wait3A_1553] : memref<200x8x32x8x128xf32, #tpu.memory_space<hbm>> -> memref<1x1x1x8x128xf32, #tpu.memory_space<hbm>>
        %dma_wait3A_1555 = tpu.memref_squeeze %dma_wait3A_1554 : memref<1x1x1x8x128xf32, #tpu.memory_space<hbm>> -> memref<8x128xf32, #tpu.memory_space<hbm>>
        %dma_wait3A_1556 = arith.constant 0 : i32
        %dma_wait3A_1557 = arith.constant 0 : i32
        %dma_wait3A_1558 = tpu.memref_slice %arg10[%dma_wait3A_1556, %dma_wait3A_1557] : memref<64x128xf32, #tpu.memory_space<vmem>> -> memref<8x128xf32, #tpu.memory_space<vmem>>
        tpu.wait_dma2 semaphore(%arg18 : memref<!tpu.dma_semaphore, #tpu.memory_space<semaphore_mem>>) src(%dma_wait3A_1558 : memref<8x128xf32, #tpu.memory_space<vmem>>) dst(%dma_wait3A_1555 : memref<8x128xf32, #tpu.memory_space<hbm>>)
        %dma_wait3A_1559 = arith.constant 0 : i32
        %dma_wait3A_1560 = arith.constant 0 : i32
        %dma_wait3A_1561 = arith.constant 0 : i32
        %dma_wait3A_1562 = arith.constant 0 : i32
        %dma_wait3A_1563 = arith.constant 0 : i32
        %dma_wait3A_1564 = tpu.memref_slice %arg10[%dma_wait3A_1562, %dma_wait3A_1563] : memref<64x128xf32, #tpu.memory_space<vmem>> -> memref<8x128xf32, #tpu.memory_space<vmem>>
        %dma_wait3A_1565 = arith.constant 0 : i32
        %dma_wait3A_1566 = arith.constant 0 : i32
        %dma_wait3A_1567 = tpu.memref_slice %arg4[%dma_wait3A_1559, %dma_wait3A_1560, %dma_wait3A_1561, %dma_wait3A_1565, %dma_wait3A_1566] : memref<200x8x32x8x128xf32, #tpu.memory_space<hbm>> -> memref<1x1x1x8x128xf32, #tpu.memory_space<hbm>>
        %dma_wait3A_1568 = tpu.memref_squeeze %dma_wait3A_1567 : memref<1x1x1x8x128xf32, #tpu.memory_space<hbm>> -> memref<8x128xf32, #tpu.memory_space<hbm>>
        %dma_wait3A_1569 = arith.constant 0 : i32
        %dma_wait3A_1570 = arith.constant 0 : i32
        %dma_wait3A_1571 = tpu.memref_slice %arg4[%dma_wait3A_1559, %dma_wait3A_1560, %dma_wait3A_1561, %dma_wait3A_1569, %dma_wait3A_1570] : memref<200x8x32x8x128xf32, #tpu.memory_space<hbm>> -> memref<1x1x1x8x128xf32, #tpu.memory_space<hbm>>
        %dma_wait3A_1572 = tpu.memref_squeeze %dma_wait3A_1571 : memref<1x1x1x8x128xf32, #tpu.memory_space<hbm>> -> memref<8x128xf32, #tpu.memory_space<hbm>>
        %dma_wait3A_1573 = arith.constant 0 : i32
        %dma_wait3A_1574 = arith.constant 0 : i32
        %dma_wait3A_1575 = tpu.memref_slice %arg10[%dma_wait3A_1573, %dma_wait3A_1574] : memref<64x128xf32, #tpu.memory_space<vmem>> -> memref<8x128xf32, #tpu.memory_space<vmem>>
        tpu.wait_dma2 semaphore(%arg18 : memref<!tpu.dma_semaphore, #tpu.memory_space<semaphore_mem>>) src(%dma_wait3A_1575 : memref<8x128xf32, #tpu.memory_space<vmem>>) dst(%dma_wait3A_1572 : memref<8x128xf32, #tpu.memory_space<hbm>>)
        %dma_wait3A_1576 = arith.constant 0 : i32
        %dma_wait3A_1577 = arith.constant 0 : i32
        %dma_wait3A_1578 = arith.constant 0 : i32
        %dma_wait3A_1579 = arith.constant 0 : i32
        %dma_wait3A_1580 = arith.constant 0 : i32
        %dma_wait3A_1581 = tpu.memref_slice %arg10[%dma_wait3A_1579, %dma_wait3A_1580] : memref<64x128xf32, #tpu.memory_space<vmem>> -> memref<8x128xf32, #tpu.memory_space<vmem>>
        %dma_wait3A_1582 = arith.constant 0 : i32
        %dma_wait3A_1583 = arith.constant 0 : i32
        %dma_wait3A_1584 = tpu.memref_slice %arg4[%dma_wait3A_1576, %dma_wait3A_1577, %dma_wait3A_1578, %dma_wait3A_1582, %dma_wait3A_1583] : memref<200x8x32x8x128xf32, #tpu.memory_space<hbm>> -> memref<1x1x1x8x128xf32, #tpu.memory_space<hbm>>
        %dma_wait3A_1585 = tpu.memref_squeeze %dma_wait3A_1584 : memref<1x1x1x8x128xf32, #tpu.memory_space<hbm>> -> memref<8x128xf32, #tpu.memory_space<hbm>>
        %dma_wait3A_1586 = arith.constant 0 : i32
        %dma_wait3A_1587 = arith.constant 0 : i32
        %dma_wait3A_1588 = tpu.memref_slice %arg4[%dma_wait3A_1576, %dma_wait3A_1577, %dma_wait3A_1578, %dma_wait3A_1586, %dma_wait3A_1587] : memref<200x8x32x8x128xf32, #tpu.memory_space<hbm>> -> memref<1x1x1x8x128xf32, #tpu.memory_space<hbm>>
        %dma_wait3A_1589 = tpu.memref_squeeze %dma_wait3A_1588 : memref<1x1x1x8x128xf32, #tpu.memory_space<hbm>> -> memref<8x128xf32, #tpu.memory_space<hbm>>
        %dma_wait3A_1590 = arith.constant 0 : i32
        %dma_wait3A_1591 = arith.constant 0 : i32
        %dma_wait3A_1592 = tpu.memref_slice %arg10[%dma_wait3A_1590, %dma_wait3A_1591] : memref<64x128xf32, #tpu.memory_space<vmem>> -> memref<8x128xf32, #tpu.memory_space<vmem>>
        tpu.wait_dma2 semaphore(%arg18 : memref<!tpu.dma_semaphore, #tpu.memory_space<semaphore_mem>>) src(%dma_wait3A_1592 : memref<8x128xf32, #tpu.memory_space<vmem>>) dst(%dma_wait3A_1589 : memref<8x128xf32, #tpu.memory_space<hbm>>)
        %dma_wait3A_1593 = arith.constant 0 : i32
        %dma_wait3A_1594 = arith.constant 0 : i32
        %dma_wait3A_1595 = arith.constant 0 : i32
        %dma_wait3A_1596 = arith.constant 0 : i32
        %dma_wait3A_1597 = arith.constant 0 : i32
        %dma_wait3A_1598 = tpu.memref_slice %arg10[%dma_wait3A_1596, %dma_wait3A_1597] : memref<64x128xf32, #tpu.memory_space<vmem>> -> memref<8x128xf32, #tpu.memory_space<vmem>>
        %dma_wait3A_1599 = arith.constant 0 : i32
        %dma_wait3A_1600 = arith.constant 0 : i32
        %dma_wait3A_1601 = tpu.memref_slice %arg4[%dma_wait3A_1593, %dma_wait3A_1594, %dma_wait3A_1595, %dma_wait3A_1599, %dma_wait3A_1600] : memref<200x8x32x8x128xf32, #tpu.memory_space<hbm>> -> memref<1x1x1x8x128xf32, #tpu.memory_space<hbm>>
        %dma_wait3A_1602 = tpu.memref_squeeze %dma_wait3A_1601 : memref<1x1x1x8x128xf32, #tpu.memory_space<hbm>> -> memref<8x128xf32, #tpu.memory_space<hbm>>
        %dma_wait3A_1603 = arith.constant 0 : i32
        %dma_wait3A_1604 = arith.constant 0 : i32
        %dma_wait3A_1605 = tpu.memref_slice %arg4[%dma_wait3A_1593, %dma_wait3A_1594, %dma_wait3A_1595, %dma_wait3A_1603, %dma_wait3A_1604] : memref<200x8x32x8x128xf32, #tpu.memory_space<hbm>> -> memref<1x1x1x8x128xf32, #tpu.memory_space<hbm>>
        %dma_wait3A_1606 = tpu.memref_squeeze %dma_wait3A_1605 : memref<1x1x1x8x128xf32, #tpu.memory_space<hbm>> -> memref<8x128xf32, #tpu.memory_space<hbm>>
        %dma_wait3A_1607 = arith.constant 0 : i32
        %dma_wait3A_1608 = arith.constant 0 : i32
        %dma_wait3A_1609 = tpu.memref_slice %arg10[%dma_wait3A_1607, %dma_wait3A_1608] : memref<64x128xf32, #tpu.memory_space<vmem>> -> memref<8x128xf32, #tpu.memory_space<vmem>>
        tpu.wait_dma2 semaphore(%arg18 : memref<!tpu.dma_semaphore, #tpu.memory_space<semaphore_mem>>) src(%dma_wait3A_1609 : memref<8x128xf32, #tpu.memory_space<vmem>>) dst(%dma_wait3A_1606 : memref<8x128xf32, #tpu.memory_space<hbm>>)
        %dma_wait3A_1610 = arith.constant 0 : i32
        %dma_wait3A_1611 = arith.constant 0 : i32
        %dma_wait3A_1612 = arith.constant 0 : i32
        %dma_wait3A_1613 = arith.constant 0 : i32
        %dma_wait3A_1614 = arith.constant 0 : i32
        %dma_wait3A_1615 = tpu.memref_slice %arg10[%dma_wait3A_1613, %dma_wait3A_1614] : memref<64x128xf32, #tpu.memory_space<vmem>> -> memref<8x128xf32, #tpu.memory_space<vmem>>
        %dma_wait3A_1616 = arith.constant 0 : i32
        %dma_wait3A_1617 = arith.constant 0 : i32
        %dma_wait3A_1618 = tpu.memref_slice %arg4[%dma_wait3A_1610, %dma_wait3A_1611, %dma_wait3A_1612, %dma_wait3A_1616, %dma_wait3A_1617] : memref<200x8x32x8x128xf32, #tpu.memory_space<hbm>> -> memref<1x1x1x8x128xf32, #tpu.memory_space<hbm>>
        %dma_wait3A_1619 = tpu.memref_squeeze %dma_wait3A_1618 : memref<1x1x1x8x128xf32, #tpu.memory_space<hbm>> -> memref<8x128xf32, #tpu.memory_space<hbm>>
        %dma_wait3A_1620 = arith.constant 0 : i32
        %dma_wait3A_1621 = arith.constant 0 : i32
        %dma_wait3A_1622 = tpu.memref_slice %arg4[%dma_wait3A_1610, %dma_wait3A_1611, %dma_wait3A_1612, %dma_wait3A_1620, %dma_wait3A_1621] : memref<200x8x32x8x128xf32, #tpu.memory_space<hbm>> -> memref<1x1x1x8x128xf32, #tpu.memory_space<hbm>>
        %dma_wait3A_1623 = tpu.memref_squeeze %dma_wait3A_1622 : memref<1x1x1x8x128xf32, #tpu.memory_space<hbm>> -> memref<8x128xf32, #tpu.memory_space<hbm>>
        %dma_wait3A_1624 = arith.constant 0 : i32
        %dma_wait3A_1625 = arith.constant 0 : i32
        %dma_wait3A_1626 = tpu.memref_slice %arg10[%dma_wait3A_1624, %dma_wait3A_1625] : memref<64x128xf32, #tpu.memory_space<vmem>> -> memref<8x128xf32, #tpu.memory_space<vmem>>
        tpu.wait_dma2 semaphore(%arg18 : memref<!tpu.dma_semaphore, #tpu.memory_space<semaphore_mem>>) src(%dma_wait3A_1626 : memref<8x128xf32, #tpu.memory_space<vmem>>) dst(%dma_wait3A_1623 : memref<8x128xf32, #tpu.memory_space<hbm>>)
        %dma_wait3A_1627 = arith.constant 0 : i32
        %dma_wait3A_1628 = arith.constant 0 : i32
        %dma_wait3A_1629 = arith.constant 0 : i32
        %dma_wait3A_1630 = arith.constant 0 : i32
        %dma_wait3A_1631 = arith.constant 0 : i32
        %dma_wait3A_1632 = tpu.memref_slice %arg10[%dma_wait3A_1630, %dma_wait3A_1631] : memref<64x128xf32, #tpu.memory_space<vmem>> -> memref<8x128xf32, #tpu.memory_space<vmem>>
        %dma_wait3A_1633 = arith.constant 0 : i32
        %dma_wait3A_1634 = arith.constant 0 : i32
        %dma_wait3A_1635 = tpu.memref_slice %arg4[%dma_wait3A_1627, %dma_wait3A_1628, %dma_wait3A_1629, %dma_wait3A_1633, %dma_wait3A_1634] : memref<200x8x32x8x128xf32, #tpu.memory_space<hbm>> -> memref<1x1x1x8x128xf32, #tpu.memory_space<hbm>>
        %dma_wait3A_1636 = tpu.memref_squeeze %dma_wait3A_1635 : memref<1x1x1x8x128xf32, #tpu.memory_space<hbm>> -> memref<8x128xf32, #tpu.memory_space<hbm>>
        %dma_wait3A_1637 = arith.constant 0 : i32
        %dma_wait3A_1638 = arith.constant 0 : i32
        %dma_wait3A_1639 = tpu.memref_slice %arg4[%dma_wait3A_1627, %dma_wait3A_1628, %dma_wait3A_1629, %dma_wait3A_1637, %dma_wait3A_1638] : memref<200x8x32x8x128xf32, #tpu.memory_space<hbm>> -> memref<1x1x1x8x128xf32, #tpu.memory_space<hbm>>
        %dma_wait3A_1640 = tpu.memref_squeeze %dma_wait3A_1639 : memref<1x1x1x8x128xf32, #tpu.memory_space<hbm>> -> memref<8x128xf32, #tpu.memory_space<hbm>>
        %dma_wait3A_1641 = arith.constant 0 : i32
        %dma_wait3A_1642 = arith.constant 0 : i32
        %dma_wait3A_1643 = tpu.memref_slice %arg10[%dma_wait3A_1641, %dma_wait3A_1642] : memref<64x128xf32, #tpu.memory_space<vmem>> -> memref<8x128xf32, #tpu.memory_space<vmem>>
        tpu.wait_dma2 semaphore(%arg18 : memref<!tpu.dma_semaphore, #tpu.memory_space<semaphore_mem>>) src(%dma_wait3A_1643 : memref<8x128xf32, #tpu.memory_space<vmem>>) dst(%dma_wait3A_1640 : memref<8x128xf32, #tpu.memory_space<hbm>>)
      } else {
      }
      %parallel_loop3A = arith.constant 0 : i32
      %parallel_loop3A_623 = arith.constant 64 : i32
      %parallel_loop3A_624 = arith.constant 1 : i32
      scf.for %parallel_loop3A_1508 = %parallel_loop3A to %parallel_loop3A_623 step %parallel_loop3A_624  : i32 {
        %parallel_loop3A_1509 = vector.broadcast %parallel_loop3A_1508 : i32 to vector<16xi32>
        %parallel_loop3A_1510 = arith.addi %parallel_loop3A_1509, %add3A_5 : vector<16xi32>
        %parallel_loop3A_1511 = arith.constant 63 : i32
        %parallel_loop3A_1512 = vector.broadcast %parallel_loop3A_1511 : i32 to vector<16xi32>
        %parallel_loop3A_1513 = arith.andi %parallel_loop3A_1510, %parallel_loop3A_1512 : vector<16xi32>
        %parallel_loop3A_1514 = tpu.vector_load_idx %arg6[%add3A_5, %parallel_loop3A_1513] : memref<128x64xf32, #tpu.memory_space<vmem>>[vector<16xi32>, vector<16xi32>], vector<16xf32>,
        tpu.vector_store_idx %arg10[%parallel_loop3A_1513, %add3A_5], %parallel_loop3A_1514 : memref<64x128xf32, #tpu.memory_space<vmem>>[vector<16xi32>, vector<16xi32>], vector<16xf32>,
        %parallel_loop3A_1515 = arith.addi %parallel_loop3A_1509, %add3A_9 : vector<16xi32>
        %parallel_loop3A_1516 = arith.constant 63 : i32
        %parallel_loop3A_1517 = vector.broadcast %parallel_loop3A_1516 : i32 to vector<16xi32>
        %parallel_loop3A_1518 = arith.andi %parallel_loop3A_1515, %parallel_loop3A_1517 : vector<16xi32>
        %parallel_loop3A_1519 = tpu.vector_load_idx %arg6[%add3A_9, %parallel_loop3A_1518] : memref<128x64xf32, #tpu.memory_space<vmem>>[vector<16xi32>, vector<16xi32>], vector<16xf32>,
        tpu.vector_store_idx %arg10[%parallel_loop3A_1518, %add3A_9], %parallel_loop3A_1519 : memref<64x128xf32, #tpu.memory_space<vmem>>[vector<16xi32>, vector<16xi32>], vector<16xf32>,
        %parallel_loop3A_1520 = arith.addi %parallel_loop3A_1509, %add3A_13 : vector<16xi32>
        %parallel_loop3A_1521 = arith.constant 63 : i32
        %parallel_loop3A_1522 = vector.broadcast %parallel_loop3A_1521 : i32 to vector<16xi32>
        %parallel_loop3A_1523 = arith.andi %parallel_loop3A_1520, %parallel_loop3A_1522 : vector<16xi32>
        %parallel_loop3A_1524 = tpu.vector_load_idx %arg6[%add3A_13, %parallel_loop3A_1523] : memref<128x64xf32, #tpu.memory_space<vmem>>[vector<16xi32>, vector<16xi32>], vector<16xf32>,
        tpu.vector_store_idx %arg10[%parallel_loop3A_1523, %add3A_13], %parallel_loop3A_1524 : memref<64x128xf32, #tpu.memory_space<vmem>>[vector<16xi32>, vector<16xi32>], vector<16xf32>,
        %parallel_loop3A_1525 = arith.addi %parallel_loop3A_1509, %add3A_17 : vector<16xi32>
        %parallel_loop3A_1526 = arith.constant 63 : i32
        %parallel_loop3A_1527 = vector.broadcast %parallel_loop3A_1526 : i32 to vector<16xi32>
        %parallel_loop3A_1528 = arith.andi %parallel_loop3A_1525, %parallel_loop3A_1527 : vector<16xi32>
        %parallel_loop3A_1529 = tpu.vector_load_idx %arg6[%add3A_17, %parallel_loop3A_1528] : memref<128x64xf32, #tpu.memory_space<vmem>>[vector<16xi32>, vector<16xi32>], vector<16xf32>,
        tpu.vector_store_idx %arg10[%parallel_loop3A_1528, %add3A_17], %parallel_loop3A_1529 : memref<64x128xf32, #tpu.memory_space<vmem>>[vector<16xi32>, vector<16xi32>], vector<16xf32>,
        %parallel_loop3A_1530 = arith.addi %parallel_loop3A_1509, %add3A_21 : vector<16xi32>
        %parallel_loop3A_1531 = arith.constant 63 : i32
        %parallel_loop3A_1532 = vector.broadcast %parallel_loop3A_1531 : i32 to vector<16xi32>
        %parallel_loop3A_1533 = arith.andi %parallel_loop3A_1530, %parallel_loop3A_1532 : vector<16xi32>
        %parallel_loop3A_1534 = tpu.vector_load_idx %arg6[%add3A_21, %parallel_loop3A_1533] : memref<128x64xf32, #tpu.memory_space<vmem>>[vector<16xi32>, vector<16xi32>], vector<16xf32>,
        tpu.vector_store_idx %arg10[%parallel_loop3A_1533, %add3A_21], %parallel_loop3A_1534 : memref<64x128xf32, #tpu.memory_space<vmem>>[vector<16xi32>, vector<16xi32>], vector<16xf32>,
        %parallel_loop3A_1535 = arith.addi %parallel_loop3A_1509, %add3A_25 : vector<16xi32>
        %parallel_loop3A_1536 = arith.constant 63 : i32
        %parallel_loop3A_1537 = vector.broadcast %parallel_loop3A_1536 : i32 to vector<16xi32>
        %parallel_loop3A_1538 = arith.andi %parallel_loop3A_1535, %parallel_loop3A_1537 : vector<16xi32>
        %parallel_loop3A_1539 = tpu.vector_load_idx %arg6[%add3A_25, %parallel_loop3A_1538] : memref<128x64xf32, #tpu.memory_space<vmem>>[vector<16xi32>, vector<16xi32>], vector<16xf32>,
        tpu.vector_store_idx %arg10[%parallel_loop3A_1538, %add3A_25], %parallel_loop3A_1539 : memref<64x128xf32, #tpu.memory_space<vmem>>[vector<16xi32>, vector<16xi32>], vector<16xf32>,
        %parallel_loop3A_1540 = arith.addi %parallel_loop3A_1509, %add3A_29 : vector<16xi32>
        %parallel_loop3A_1541 = arith.constant 63 : i32
        %parallel_loop3A_1542 = vector.broadcast %parallel_loop3A_1541 : i32 to vector<16xi32>
        %parallel_loop3A_1543 = arith.andi %parallel_loop3A_1540, %parallel_loop3A_1542 : vector<16xi32>
        %parallel_loop3A_1544 = tpu.vector_load_idx %arg6[%add3A_29, %parallel_loop3A_1543] : memref<128x64xf32, #tpu.memory_space<vmem>>[vector<16xi32>, vector<16xi32>], vector<16xf32>,
        tpu.vector_store_idx %arg10[%parallel_loop3A_1543, %add3A_29], %parallel_loop3A_1544 : memref<64x128xf32, #tpu.memory_space<vmem>>[vector<16xi32>, vector<16xi32>], vector<16xf32>,
        %parallel_loop3A_1545 = arith.addi %parallel_loop3A_1509, %add3A_33 : vector<16xi32>
        %parallel_loop3A_1546 = arith.constant 63 : i32
        %parallel_loop3A_1547 = vector.broadcast %parallel_loop3A_1546 : i32 to vector<16xi32>
        %parallel_loop3A_1548 = arith.andi %parallel_loop3A_1545, %parallel_loop3A_1547 : vector<16xi32>
        %parallel_loop3A_1549 = tpu.vector_load_idx %arg6[%add3A_33, %parallel_loop3A_1548] : memref<128x64xf32, #tpu.memory_space<vmem>>[vector<16xi32>, vector<16xi32>], vector<16xf32>,
        tpu.vector_store_idx %arg10[%parallel_loop3A_1548, %add3A_33], %parallel_loop3A_1549 : memref<64x128xf32, #tpu.memory_space<vmem>>[vector<16xi32>, vector<16xi32>], vector<16xf32>,
      } {sc.loop_unroll_factor = 8 : i64, sc.parallel_access}
      %add3A_625 = arith.addi %mul3A_2, %add3A_613 : i32
      %jit3A = arith.constant 256 : i32
      %div3A = arith.divsi %add3A_625, %jit3A : i32
      %sign3A = arith.constant 0 : i32
      %sign3A_626 = arith.cmpi sgt, %add3A_625, %sign3A : i32
      %sign3A_627 = arith.extui %sign3A_626 : i1 to i32
      %sign3A_628 = arith.constant 0 : i32
      %sign3A_629 = arith.cmpi slt, %add3A_625, %sign3A_628 : i32
      %sign3A_630 = arith.extui %sign3A_629 : i1 to i32
      %sign3A_631 = arith.subi %sign3A_627, %sign3A_630 : i32
      %sign3A_632 = arith.constant 0 : i32
      %sign3A_633 = arith.cmpi sgt, %jit3A, %sign3A_632 : i32
      %sign3A_634 = arith.extui %sign3A_633 : i1 to i32
      %sign3A_635 = arith.constant 0 : i32
      %sign3A_636 = arith.cmpi slt, %jit3A, %sign3A_635 : i32
      %sign3A_637 = arith.extui %sign3A_636 : i1 to i32
      %sign3A_638 = arith.subi %sign3A_634, %sign3A_637 : i32
      %ne3A = arith.cmpi ne, %sign3A_631, %sign3A_638 : i32
      %rem3A = arith.remsi %add3A_625, %jit3A : i32
      %ne3A_639 = arith.constant 0 : i32
      %ne3A_640 = arith.cmpi ne, %rem3A, %ne3A_639 : i32
      %and3A = arith.andi %ne3A, %ne3A_640 : i1
      %sub3A = arith.constant 1 : i32
      %sub3A_641 = arith.subi %div3A, %sub3A : i32
      %select_n3A = arith.select %and3A, %sub3A_641, %div3A : i32
      %jit3A_642 = arith.constant 256 : i32
      %eq3A = arith.constant 0 : i32
      %eq3A_643 = arith.cmpi eq, %jit3A_642, %eq3A : i32
      %jit3A_644 = arith.constant 1 : i32
      %select_n3A_645 = arith.select %eq3A_643, %jit3A_644, %jit3A_642 : i32
      %rem3A_646 = arith.remsi %add3A_625, %select_n3A_645 : i32
      %ne3A_647 = arith.constant 0 : i32
      %ne3A_648 = arith.cmpi ne, %rem3A_646, %ne3A_647 : i32
      %lt3A = arith.constant 0 : i32
      %lt3A_649 = arith.cmpi slt, %rem3A_646, %lt3A : i32
      %lt3A_650 = arith.constant 0 : i32
      %lt3A_651 = arith.cmpi slt, %select_n3A_645, %lt3A_650 : i32
      %ne3A_652 = arith.xori %lt3A_649, %lt3A_651 : i1
      %and3A_653 = arith.andi %ne3A_652, %ne3A_648 : i1
      %add3A_654 = arith.addi %rem3A_646, %select_n3A_645 : i32
      %select_n3A_655 = arith.select %and3A_653, %add3A_654, %rem3A_646 : i32
      %jit3A_656 = arith.constant 8 : i32
      %div3A_657 = arith.divsi %select_n3A_655, %jit3A_656 : i32
      %sign3A_658 = arith.constant 0 : i32
      %sign3A_659 = arith.cmpi sgt, %select_n3A_655, %sign3A_658 : i32
      %sign3A_660 = arith.extui %sign3A_659 : i1 to i32
      %sign3A_661 = arith.constant 0 : i32
      %sign3A_662 = arith.cmpi slt, %select_n3A_655, %sign3A_661 : i32
      %sign3A_663 = arith.extui %sign3A_662 : i1 to i32
      %sign3A_664 = arith.subi %sign3A_660, %sign3A_663 : i32
      %sign3A_665 = arith.constant 0 : i32
      %sign3A_666 = arith.cmpi sgt, %jit3A_656, %sign3A_665 : i32
      %sign3A_667 = arith.extui %sign3A_666 : i1 to i32
      %sign3A_668 = arith.constant 0 : i32
      %sign3A_669 = arith.cmpi slt, %jit3A_656, %sign3A_668 : i32
      %sign3A_670 = arith.extui %sign3A_669 : i1 to i32
      %sign3A_671 = arith.subi %sign3A_667, %sign3A_670 : i32
      %ne3A_672 = arith.cmpi ne, %sign3A_664, %sign3A_671 : i32
      %rem3A_673 = arith.remsi %select_n3A_655, %jit3A_656 : i32
      %ne3A_674 = arith.constant 0 : i32
      %ne3A_675 = arith.cmpi ne, %rem3A_673, %ne3A_674 : i32
      %and3A_676 = arith.andi %ne3A_672, %ne3A_675 : i1
      %sub3A_677 = arith.constant 1 : i32
      %sub3A_678 = arith.subi %div3A_657, %sub3A_677 : i32
      %select_n3A_679 = arith.select %and3A_676, %sub3A_678, %div3A_657 : i32
      %mul3A_680 = arith.constant 8 : i32
      %mul3A_681 = arith.muli %select_n3A, %mul3A_680 : i32
      %jit3A_682 = arith.constant 8 : i32
      %eq3A_683 = arith.constant 0 : i32
      %eq3A_684 = arith.cmpi eq, %jit3A_682, %eq3A_683 : i32
      %jit3A_685 = arith.constant 1 : i32
      %select_n3A_686 = arith.select %eq3A_684, %jit3A_685, %jit3A_682 : i32
      %rem3A_687 = arith.remsi %select_n3A_655, %select_n3A_686 : i32
      %ne3A_688 = arith.constant 0 : i32
      %ne3A_689 = arith.cmpi ne, %rem3A_687, %ne3A_688 : i32
      %lt3A_690 = arith.constant 0 : i32
      %lt3A_691 = arith.cmpi slt, %rem3A_687, %lt3A_690 : i32
      %lt3A_692 = arith.constant 0 : i32
      %lt3A_693 = arith.cmpi slt, %select_n3A_686, %lt3A_692 : i32
      %ne3A_694 = arith.xori %lt3A_691, %lt3A_693 : i1
      %and3A_695 = arith.andi %ne3A_694, %ne3A_689 : i1
      %add3A_696 = arith.addi %rem3A_687, %select_n3A_686 : i32
      %select_n3A_697 = arith.select %and3A_695, %add3A_696, %rem3A_687 : i32
      %add3A_698 = arith.addi %mul3A_681, %select_n3A_697 : i32
      %dma_start3A_699 = arith.constant 0 : i32
      %dma_start3A_700 = arith.constant 0 : i32
      %dma_start3A_701 = arith.constant 0 : i32
      %dma_start3A_702 = tpu.memref_slice %arg10[%dma_start3A_700, %dma_start3A_701] : memref<64x128xf32, #tpu.memory_space<vmem>> -> memref<8x128xf32, #tpu.memory_space<vmem>>
      %dma_start3A_703 = arith.constant 0 : i32
      %dma_start3A_704 = arith.constant 0 : i32
      %dma_start3A_705 = tpu.memref_slice %arg4[%add3A_698, %dma_start3A_699, %select_n3A_679, %dma_start3A_703, %dma_start3A_704] : memref<200x8x32x8x128xf32, #tpu.memory_space<hbm>> -> memref<1x1x1x8x128xf32, #tpu.memory_space<hbm>>
      %dma_start3A_706 = tpu.memref_squeeze %dma_start3A_705 : memref<1x1x1x8x128xf32, #tpu.memory_space<hbm>> -> memref<8x128xf32, #tpu.memory_space<hbm>>
      %dma_start3A_707 = arith.constant 0 : i32
      %dma_start3A_708 = arith.constant 0 : i32
      %dma_start3A_709 = tpu.memref_slice %arg4[%add3A_698, %dma_start3A_699, %select_n3A_679, %dma_start3A_707, %dma_start3A_708] : memref<200x8x32x8x128xf32, #tpu.memory_space<hbm>> -> memref<1x1x1x8x128xf32, #tpu.memory_space<hbm>>
      %dma_start3A_710 = tpu.memref_squeeze %dma_start3A_709 : memref<1x1x1x8x128xf32, #tpu.memory_space<hbm>> -> memref<8x128xf32, #tpu.memory_space<hbm>>
      %dma_start3A_711 = arith.constant 0 : i32
      %dma_start3A_712 = arith.constant 0 : i32
      %dma_start3A_713 = tpu.memref_slice %arg10[%dma_start3A_711, %dma_start3A_712] : memref<64x128xf32, #tpu.memory_space<vmem>> -> memref<8x128xf32, #tpu.memory_space<vmem>>
      tpu.enqueue_dma source(%dma_start3A_713 : memref<8x128xf32, #tpu.memory_space<vmem>>) target(%dma_start3A_710 : memref<8x128xf32, #tpu.memory_space<hbm>>) target_semaphore(%arg18 : memref<!tpu.dma_semaphore, #tpu.memory_space<semaphore_mem>>)
      %dma_start3A_714 = arith.constant 1 : i32
      %dma_start3A_715 = arith.constant 8 : i32
      %dma_start3A_716 = arith.constant 0 : i32
      %dma_start3A_717 = tpu.memref_slice %arg10[%dma_start3A_715, %dma_start3A_716] : memref<64x128xf32, #tpu.memory_space<vmem>> -> memref<8x128xf32, #tpu.memory_space<vmem>>
      %dma_start3A_718 = arith.constant 0 : i32
      %dma_start3A_719 = arith.constant 0 : i32
      %dma_start3A_720 = tpu.memref_slice %arg4[%add3A_698, %dma_start3A_714, %select_n3A_679, %dma_start3A_718, %dma_start3A_719] : memref<200x8x32x8x128xf32, #tpu.memory_space<hbm>> -> memref<1x1x1x8x128xf32, #tpu.memory_space<hbm>>
      %dma_start3A_721 = tpu.memref_squeeze %dma_start3A_720 : memref<1x1x1x8x128xf32, #tpu.memory_space<hbm>> -> memref<8x128xf32, #tpu.memory_space<hbm>>
      %dma_start3A_722 = arith.constant 0 : i32
      %dma_start3A_723 = arith.constant 0 : i32
      %dma_start3A_724 = tpu.memref_slice %arg4[%add3A_698, %dma_start3A_714, %select_n3A_679, %dma_start3A_722, %dma_start3A_723] : memref<200x8x32x8x128xf32, #tpu.memory_space<hbm>> -> memref<1x1x1x8x128xf32, #tpu.memory_space<hbm>>
      %dma_start3A_725 = tpu.memref_squeeze %dma_start3A_724 : memref<1x1x1x8x128xf32, #tpu.memory_space<hbm>> -> memref<8x128xf32, #tpu.memory_space<hbm>>
      %dma_start3A_726 = arith.constant 8 : i32
      %dma_start3A_727 = arith.constant 0 : i32
      %dma_start3A_728 = tpu.memref_slice %arg10[%dma_start3A_726, %dma_start3A_727] : memref<64x128xf32, #tpu.memory_space<vmem>> -> memref<8x128xf32, #tpu.memory_space<vmem>>
      tpu.enqueue_dma source(%dma_start3A_728 : memref<8x128xf32, #tpu.memory_space<vmem>>) target(%dma_start3A_725 : memref<8x128xf32, #tpu.memory_space<hbm>>) target_semaphore(%arg18 : memref<!tpu.dma_semaphore, #tpu.memory_space<semaphore_mem>>)
      %dma_start3A_729 = arith.constant 2 : i32
      %dma_start3A_730 = arith.constant 16 : i32
      %dma_start3A_731 = arith.constant 0 : i32
      %dma_start3A_732 = tpu.memref_slice %arg10[%dma_start3A_730, %dma_start3A_731] : memref<64x128xf32, #tpu.memory_space<vmem>> -> memref<8x128xf32, #tpu.memory_space<vmem>>
      %dma_start3A_733 = arith.constant 0 : i32
      %dma_start3A_734 = arith.constant 0 : i32
      %dma_start3A_735 = tpu.memref_slice %arg4[%add3A_698, %dma_start3A_729, %select_n3A_679, %dma_start3A_733, %dma_start3A_734] : memref<200x8x32x8x128xf32, #tpu.memory_space<hbm>> -> memref<1x1x1x8x128xf32, #tpu.memory_space<hbm>>
      %dma_start3A_736 = tpu.memref_squeeze %dma_start3A_735 : memref<1x1x1x8x128xf32, #tpu.memory_space<hbm>> -> memref<8x128xf32, #tpu.memory_space<hbm>>
      %dma_start3A_737 = arith.constant 0 : i32
      %dma_start3A_738 = arith.constant 0 : i32
      %dma_start3A_739 = tpu.memref_slice %arg4[%add3A_698, %dma_start3A_729, %select_n3A_679, %dma_start3A_737, %dma_start3A_738] : memref<200x8x32x8x128xf32, #tpu.memory_space<hbm>> -> memref<1x1x1x8x128xf32, #tpu.memory_space<hbm>>
      %dma_start3A_740 = tpu.memref_squeeze %dma_start3A_739 : memref<1x1x1x8x128xf32, #tpu.memory_space<hbm>> -> memref<8x128xf32, #tpu.memory_space<hbm>>
      %dma_start3A_741 = arith.constant 16 : i32
      %dma_start3A_742 = arith.constant 0 : i32
      %dma_start3A_743 = tpu.memref_slice %arg10[%dma_start3A_741, %dma_start3A_742] : memref<64x128xf32, #tpu.memory_space<vmem>> -> memref<8x128xf32, #tpu.memory_space<vmem>>
      tpu.enqueue_dma source(%dma_start3A_743 : memref<8x128xf32, #tpu.memory_space<vmem>>) target(%dma_start3A_740 : memref<8x128xf32, #tpu.memory_space<hbm>>) target_semaphore(%arg18 : memref<!tpu.dma_semaphore, #tpu.memory_space<semaphore_mem>>)
      %dma_start3A_744 = arith.constant 3 : i32
      %dma_start3A_745 = arith.constant 24 : i32
      %dma_start3A_746 = arith.constant 0 : i32
      %dma_start3A_747 = tpu.memref_slice %arg10[%dma_start3A_745, %dma_start3A_746] : memref<64x128xf32, #tpu.memory_space<vmem>> -> memref<8x128xf32, #tpu.memory_space<vmem>>
      %dma_start3A_748 = arith.constant 0 : i32
      %dma_start3A_749 = arith.constant 0 : i32
      %dma_start3A_750 = tpu.memref_slice %arg4[%add3A_698, %dma_start3A_744, %select_n3A_679, %dma_start3A_748, %dma_start3A_749] : memref<200x8x32x8x128xf32, #tpu.memory_space<hbm>> -> memref<1x1x1x8x128xf32, #tpu.memory_space<hbm>>
      %dma_start3A_751 = tpu.memref_squeeze %dma_start3A_750 : memref<1x1x1x8x128xf32, #tpu.memory_space<hbm>> -> memref<8x128xf32, #tpu.memory_space<hbm>>
      %dma_start3A_752 = arith.constant 0 : i32
      %dma_start3A_753 = arith.constant 0 : i32
      %dma_start3A_754 = tpu.memref_slice %arg4[%add3A_698, %dma_start3A_744, %select_n3A_679, %dma_start3A_752, %dma_start3A_753] : memref<200x8x32x8x128xf32, #tpu.memory_space<hbm>> -> memref<1x1x1x8x128xf32, #tpu.memory_space<hbm>>
      %dma_start3A_755 = tpu.memref_squeeze %dma_start3A_754 : memref<1x1x1x8x128xf32, #tpu.memory_space<hbm>> -> memref<8x128xf32, #tpu.memory_space<hbm>>
      %dma_start3A_756 = arith.constant 24 : i32
      %dma_start3A_757 = arith.constant 0 : i32
      %dma_start3A_758 = tpu.memref_slice %arg10[%dma_start3A_756, %dma_start3A_757] : memref<64x128xf32, #tpu.memory_space<vmem>> -> memref<8x128xf32, #tpu.memory_space<vmem>>
      tpu.enqueue_dma source(%dma_start3A_758 : memref<8x128xf32, #tpu.memory_space<vmem>>) target(%dma_start3A_755 : memref<8x128xf32, #tpu.memory_space<hbm>>) target_semaphore(%arg18 : memref<!tpu.dma_semaphore, #tpu.memory_space<semaphore_mem>>)
      %dma_start3A_759 = arith.constant 4 : i32
      %dma_start3A_760 = arith.constant 32 : i32
      %dma_start3A_761 = arith.constant 0 : i32
      %dma_start3A_762 = tpu.memref_slice %arg10[%dma_start3A_760, %dma_start3A_761] : memref<64x128xf32, #tpu.memory_space<vmem>> -> memref<8x128xf32, #tpu.memory_space<vmem>>
      %dma_start3A_763 = arith.constant 0 : i32
      %dma_start3A_764 = arith.constant 0 : i32
      %dma_start3A_765 = tpu.memref_slice %arg4[%add3A_698, %dma_start3A_759, %select_n3A_679, %dma_start3A_763, %dma_start3A_764] : memref<200x8x32x8x128xf32, #tpu.memory_space<hbm>> -> memref<1x1x1x8x128xf32, #tpu.memory_space<hbm>>
      %dma_start3A_766 = tpu.memref_squeeze %dma_start3A_765 : memref<1x1x1x8x128xf32, #tpu.memory_space<hbm>> -> memref<8x128xf32, #tpu.memory_space<hbm>>
      %dma_start3A_767 = arith.constant 0 : i32
      %dma_start3A_768 = arith.constant 0 : i32
      %dma_start3A_769 = tpu.memref_slice %arg4[%add3A_698, %dma_start3A_759, %select_n3A_679, %dma_start3A_767, %dma_start3A_768] : memref<200x8x32x8x128xf32, #tpu.memory_space<hbm>> -> memref<1x1x1x8x128xf32, #tpu.memory_space<hbm>>
      %dma_start3A_770 = tpu.memref_squeeze %dma_start3A_769 : memref<1x1x1x8x128xf32, #tpu.memory_space<hbm>> -> memref<8x128xf32, #tpu.memory_space<hbm>>
      %dma_start3A_771 = arith.constant 32 : i32
      %dma_start3A_772 = arith.constant 0 : i32
      %dma_start3A_773 = tpu.memref_slice %arg10[%dma_start3A_771, %dma_start3A_772] : memref<64x128xf32, #tpu.memory_space<vmem>> -> memref<8x128xf32, #tpu.memory_space<vmem>>
      tpu.enqueue_dma source(%dma_start3A_773 : memref<8x128xf32, #tpu.memory_space<vmem>>) target(%dma_start3A_770 : memref<8x128xf32, #tpu.memory_space<hbm>>) target_semaphore(%arg18 : memref<!tpu.dma_semaphore, #tpu.memory_space<semaphore_mem>>)
      %dma_start3A_774 = arith.constant 5 : i32
      %dma_start3A_775 = arith.constant 40 : i32
      %dma_start3A_776 = arith.constant 0 : i32
      %dma_start3A_777 = tpu.memref_slice %arg10[%dma_start3A_775, %dma_start3A_776] : memref<64x128xf32, #tpu.memory_space<vmem>> -> memref<8x128xf32, #tpu.memory_space<vmem>>
      %dma_start3A_778 = arith.constant 0 : i32
      %dma_start3A_779 = arith.constant 0 : i32
      %dma_start3A_780 = tpu.memref_slice %arg4[%add3A_698, %dma_start3A_774, %select_n3A_679, %dma_start3A_778, %dma_start3A_779] : memref<200x8x32x8x128xf32, #tpu.memory_space<hbm>> -> memref<1x1x1x8x128xf32, #tpu.memory_space<hbm>>
      %dma_start3A_781 = tpu.memref_squeeze %dma_start3A_780 : memref<1x1x1x8x128xf32, #tpu.memory_space<hbm>> -> memref<8x128xf32, #tpu.memory_space<hbm>>
      %dma_start3A_782 = arith.constant 0 : i32
      %dma_start3A_783 = arith.constant 0 : i32
      %dma_start3A_784 = tpu.memref_slice %arg4[%add3A_698, %dma_start3A_774, %select_n3A_679, %dma_start3A_782, %dma_start3A_783] : memref<200x8x32x8x128xf32, #tpu.memory_space<hbm>> -> memref<1x1x1x8x128xf32, #tpu.memory_space<hbm>>
      %dma_start3A_785 = tpu.memref_squeeze %dma_start3A_784 : memref<1x1x1x8x128xf32, #tpu.memory_space<hbm>> -> memref<8x128xf32, #tpu.memory_space<hbm>>
      %dma_start3A_786 = arith.constant 40 : i32
      %dma_start3A_787 = arith.constant 0 : i32
      %dma_start3A_788 = tpu.memref_slice %arg10[%dma_start3A_786, %dma_start3A_787] : memref<64x128xf32, #tpu.memory_space<vmem>> -> memref<8x128xf32, #tpu.memory_space<vmem>>
      tpu.enqueue_dma source(%dma_start3A_788 : memref<8x128xf32, #tpu.memory_space<vmem>>) target(%dma_start3A_785 : memref<8x128xf32, #tpu.memory_space<hbm>>) target_semaphore(%arg18 : memref<!tpu.dma_semaphore, #tpu.memory_space<semaphore_mem>>)
      %dma_start3A_789 = arith.constant 6 : i32
      %dma_start3A_790 = arith.constant 48 : i32
      %dma_start3A_791 = arith.constant 0 : i32
      %dma_start3A_792 = tpu.memref_slice %arg10[%dma_start3A_790, %dma_start3A_791] : memref<64x128xf32, #tpu.memory_space<vmem>> -> memref<8x128xf32, #tpu.memory_space<vmem>>
      %dma_start3A_793 = arith.constant 0 : i32
      %dma_start3A_794 = arith.constant 0 : i32
      %dma_start3A_795 = tpu.memref_slice %arg4[%add3A_698, %dma_start3A_789, %select_n3A_679, %dma_start3A_793, %dma_start3A_794] : memref<200x8x32x8x128xf32, #tpu.memory_space<hbm>> -> memref<1x1x1x8x128xf32, #tpu.memory_space<hbm>>
      %dma_start3A_796 = tpu.memref_squeeze %dma_start3A_795 : memref<1x1x1x8x128xf32, #tpu.memory_space<hbm>> -> memref<8x128xf32, #tpu.memory_space<hbm>>
      %dma_start3A_797 = arith.constant 0 : i32
      %dma_start3A_798 = arith.constant 0 : i32
      %dma_start3A_799 = tpu.memref_slice %arg4[%add3A_698, %dma_start3A_789, %select_n3A_679, %dma_start3A_797, %dma_start3A_798] : memref<200x8x32x8x128xf32, #tpu.memory_space<hbm>> -> memref<1x1x1x8x128xf32, #tpu.memory_space<hbm>>
      %dma_start3A_800 = tpu.memref_squeeze %dma_start3A_799 : memref<1x1x1x8x128xf32, #tpu.memory_space<hbm>> -> memref<8x128xf32, #tpu.memory_space<hbm>>
      %dma_start3A_801 = arith.constant 48 : i32
      %dma_start3A_802 = arith.constant 0 : i32
      %dma_start3A_803 = tpu.memref_slice %arg10[%dma_start3A_801, %dma_start3A_802] : memref<64x128xf32, #tpu.memory_space<vmem>> -> memref<8x128xf32, #tpu.memory_space<vmem>>
      tpu.enqueue_dma source(%dma_start3A_803 : memref<8x128xf32, #tpu.memory_space<vmem>>) target(%dma_start3A_800 : memref<8x128xf32, #tpu.memory_space<hbm>>) target_semaphore(%arg18 : memref<!tpu.dma_semaphore, #tpu.memory_space<semaphore_mem>>)
      %dma_start3A_804 = arith.constant 7 : i32
      %dma_start3A_805 = arith.constant 56 : i32
      %dma_start3A_806 = arith.constant 0 : i32
      %dma_start3A_807 = tpu.memref_slice %arg10[%dma_start3A_805, %dma_start3A_806] : memref<64x128xf32, #tpu.memory_space<vmem>> -> memref<8x128xf32, #tpu.memory_space<vmem>>
      %dma_start3A_808 = arith.constant 0 : i32
      %dma_start3A_809 = arith.constant 0 : i32
      %dma_start3A_810 = tpu.memref_slice %arg4[%add3A_698, %dma_start3A_804, %select_n3A_679, %dma_start3A_808, %dma_start3A_809] : memref<200x8x32x8x128xf32, #tpu.memory_space<hbm>> -> memref<1x1x1x8x128xf32, #tpu.memory_space<hbm>>
      %dma_start3A_811 = tpu.memref_squeeze %dma_start3A_810 : memref<1x1x1x8x128xf32, #tpu.memory_space<hbm>> -> memref<8x128xf32, #tpu.memory_space<hbm>>
      %dma_start3A_812 = arith.constant 0 : i32
      %dma_start3A_813 = arith.constant 0 : i32
      %dma_start3A_814 = tpu.memref_slice %arg4[%add3A_698, %dma_start3A_804, %select_n3A_679, %dma_start3A_812, %dma_start3A_813] : memref<200x8x32x8x128xf32, #tpu.memory_space<hbm>> -> memref<1x1x1x8x128xf32, #tpu.memory_space<hbm>>
      %dma_start3A_815 = tpu.memref_squeeze %dma_start3A_814 : memref<1x1x1x8x128xf32, #tpu.memory_space<hbm>> -> memref<8x128xf32, #tpu.memory_space<hbm>>
      %dma_start3A_816 = arith.constant 56 : i32
      %dma_start3A_817 = arith.constant 0 : i32
      %dma_start3A_818 = tpu.memref_slice %arg10[%dma_start3A_816, %dma_start3A_817] : memref<64x128xf32, #tpu.memory_space<vmem>> -> memref<8x128xf32, #tpu.memory_space<vmem>>
      tpu.enqueue_dma source(%dma_start3A_818 : memref<8x128xf32, #tpu.memory_space<vmem>>) target(%dma_start3A_815 : memref<8x128xf32, #tpu.memory_space<hbm>>) target_semaphore(%arg18 : memref<!tpu.dma_semaphore, #tpu.memory_space<semaphore_mem>>)
      %lt3A_819 = arith.constant 196 : i32
      %lt3A_820 = arith.cmpi slt, %add3A_613, %lt3A_819 : i32
      %convert_element_type3A_821 = arith.extui %lt3A_820 : i1 to i32
      %cond3A_822 = arith.constant 0 : i32
      %cond3A_823 = arith.cmpi ne, %convert_element_type3A_821, %cond3A_822 : i32
      scf.if %cond3A_823 {
        %add3A_1508 = arith.constant 4 : i32
        %add3A_1509 = arith.addi %add3A_613, %add3A_1508 : i32
        %dma_start3A_1510 = arith.constant 0 : i32
        %dma_start3A_1511 = tpu.memref_slice %arg5[%add3A_1509, %dma_start3A_1510] : memref<200x128xi32, #tpu.memory_space<vmem>> -> memref<1x128xi32, #tpu.memory_space<vmem>>
        %dma_start3A_1512 = tpu.memref_squeeze %dma_start3A_1511 : memref<1x128xi32, #tpu.memory_space<vmem>> -> memref<128xi32, #tpu.memory_space<vmem>>
        %dma_start3A_1513 = arith.constant 0 : i32
        %dma_start3A_1514 = arith.constant 0 : i32
        %dma_start3A_1515 = tpu.memref_slice %arg2[%dma_start3A_1513, %dma_start3A_1514] : memref<100000x64xf32, #tpu.memory_space<hbm>> -> memref<100000x64xf32, #tpu.memory_space<hbm>>
        tpu.enqueue_indirect_dma source(%dma_start3A_1515 : memref<100000x64xf32, #tpu.memory_space<hbm>>) target(%arg6 : memref<128x64xf32, #tpu.memory_space<vmem>>) offsets(%dma_start3A_1512 : memref<128xi32, #tpu.memory_space<vmem>>) semaphore(%arg14 : memref<!tpu.dma_semaphore, #tpu.memory_space<semaphore_mem>>)
      } else {
      }
      %mul3A_824 = arith.constant 4 : i32
      %mul3A_825 = arith.muli %scan3A_609, %mul3A_824 : i32
      %add3A_826 = arith.constant 1 : i32
      %add3A_827 = arith.addi %mul3A_825, %add3A_826 : i32
      %dma_wait3A_828 = arith.constant 0 : i32
      %dma_wait3A_829 = arith.constant 0 : i32
      %dma_wait3A_830 = tpu.memref_slice %arg5[%dma_wait3A_828, %dma_wait3A_829] : memref<200x128xi32, #tpu.memory_space<vmem>> -> memref<1x128xi32, #tpu.memory_space<vmem>>
      %dma_wait3A_831 = tpu.memref_squeeze %dma_wait3A_830 : memref<1x128xi32, #tpu.memory_space<vmem>> -> memref<128xi32, #tpu.memory_space<vmem>>
      %dma_wait3A_832 = arith.constant 0 : i32
      %dma_wait3A_833 = arith.constant 0 : i32
      %dma_wait3A_834 = tpu.memref_slice %arg2[%dma_wait3A_832, %dma_wait3A_833] : memref<100000x64xf32, #tpu.memory_space<hbm>> -> memref<100000x64xf32, #tpu.memory_space<hbm>>
      tpu.wait_indirect_dma semaphore(%arg15 : memref<!tpu.dma_semaphore, #tpu.memory_space<semaphore_mem>>) src(%dma_wait3A_834 : memref<100000x64xf32, #tpu.memory_space<hbm>>) dst(%arg7 : memref<128x64xf32, #tpu.memory_space<vmem>>)
      %ge3A_835 = arith.constant 4 : i32
      %ge3A_836 = arith.cmpi sge, %add3A_827, %ge3A_835 : i32
      %convert_element_type3A_837 = arith.extui %ge3A_836 : i1 to i32
      %cond3A_838 = arith.constant 0 : i32
      %cond3A_839 = arith.cmpi ne, %convert_element_type3A_837, %cond3A_838 : i32
      scf.if %cond3A_839 {
        %dma_wait3A_1508 = arith.constant 0 : i32
        %dma_wait3A_1509 = arith.constant 0 : i32
        %dma_wait3A_1510 = arith.constant 0 : i32
        %dma_wait3A_1511 = arith.constant 0 : i32
        %dma_wait3A_1512 = arith.constant 0 : i32
        %dma_wait3A_1513 = tpu.memref_slice %arg11[%dma_wait3A_1511, %dma_wait3A_1512] : memref<64x128xf32, #tpu.memory_space<vmem>> -> memref<8x128xf32, #tpu.memory_space<vmem>>
        %dma_wait3A_1514 = arith.constant 0 : i32
        %dma_wait3A_1515 = arith.constant 0 : i32
        %dma_wait3A_1516 = tpu.memref_slice %arg4[%dma_wait3A_1508, %dma_wait3A_1509, %dma_wait3A_1510, %dma_wait3A_1514, %dma_wait3A_1515] : memref<200x8x32x8x128xf32, #tpu.memory_space<hbm>> -> memref<1x1x1x8x128xf32, #tpu.memory_space<hbm>>
        %dma_wait3A_1517 = tpu.memref_squeeze %dma_wait3A_1516 : memref<1x1x1x8x128xf32, #tpu.memory_space<hbm>> -> memref<8x128xf32, #tpu.memory_space<hbm>>
        %dma_wait3A_1518 = arith.constant 0 : i32
        %dma_wait3A_1519 = arith.constant 0 : i32
        %dma_wait3A_1520 = tpu.memref_slice %arg4[%dma_wait3A_1508, %dma_wait3A_1509, %dma_wait3A_1510, %dma_wait3A_1518, %dma_wait3A_1519] : memref<200x8x32x8x128xf32, #tpu.memory_space<hbm>> -> memref<1x1x1x8x128xf32, #tpu.memory_space<hbm>>
        %dma_wait3A_1521 = tpu.memref_squeeze %dma_wait3A_1520 : memref<1x1x1x8x128xf32, #tpu.memory_space<hbm>> -> memref<8x128xf32, #tpu.memory_space<hbm>>
        %dma_wait3A_1522 = arith.constant 0 : i32
        %dma_wait3A_1523 = arith.constant 0 : i32
        %dma_wait3A_1524 = tpu.memref_slice %arg11[%dma_wait3A_1522, %dma_wait3A_1523] : memref<64x128xf32, #tpu.memory_space<vmem>> -> memref<8x128xf32, #tpu.memory_space<vmem>>
        tpu.wait_dma2 semaphore(%arg19 : memref<!tpu.dma_semaphore, #tpu.memory_space<semaphore_mem>>) src(%dma_wait3A_1524 : memref<8x128xf32, #tpu.memory_space<vmem>>) dst(%dma_wait3A_1521 : memref<8x128xf32, #tpu.memory_space<hbm>>)
        %dma_wait3A_1525 = arith.constant 0 : i32
        %dma_wait3A_1526 = arith.constant 0 : i32
        %dma_wait3A_1527 = arith.constant 0 : i32
        %dma_wait3A_1528 = arith.constant 0 : i32
        %dma_wait3A_1529 = arith.constant 0 : i32
        %dma_wait3A_1530 = tpu.memref_slice %arg11[%dma_wait3A_1528, %dma_wait3A_1529] : memref<64x128xf32, #tpu.memory_space<vmem>> -> memref<8x128xf32, #tpu.memory_space<vmem>>
        %dma_wait3A_1531 = arith.constant 0 : i32
        %dma_wait3A_1532 = arith.constant 0 : i32
        %dma_wait3A_1533 = tpu.memref_slice %arg4[%dma_wait3A_1525, %dma_wait3A_1526, %dma_wait3A_1527, %dma_wait3A_1531, %dma_wait3A_1532] : memref<200x8x32x8x128xf32, #tpu.memory_space<hbm>> -> memref<1x1x1x8x128xf32, #tpu.memory_space<hbm>>
        %dma_wait3A_1534 = tpu.memref_squeeze %dma_wait3A_1533 : memref<1x1x1x8x128xf32, #tpu.memory_space<hbm>> -> memref<8x128xf32, #tpu.memory_space<hbm>>
        %dma_wait3A_1535 = arith.constant 0 : i32
        %dma_wait3A_1536 = arith.constant 0 : i32
        %dma_wait3A_1537 = tpu.memref_slice %arg4[%dma_wait3A_1525, %dma_wait3A_1526, %dma_wait3A_1527, %dma_wait3A_1535, %dma_wait3A_1536] : memref<200x8x32x8x128xf32, #tpu.memory_space<hbm>> -> memref<1x1x1x8x128xf32, #tpu.memory_space<hbm>>
        %dma_wait3A_1538 = tpu.memref_squeeze %dma_wait3A_1537 : memref<1x1x1x8x128xf32, #tpu.memory_space<hbm>> -> memref<8x128xf32, #tpu.memory_space<hbm>>
        %dma_wait3A_1539 = arith.constant 0 : i32
        %dma_wait3A_1540 = arith.constant 0 : i32
        %dma_wait3A_1541 = tpu.memref_slice %arg11[%dma_wait3A_1539, %dma_wait3A_1540] : memref<64x128xf32, #tpu.memory_space<vmem>> -> memref<8x128xf32, #tpu.memory_space<vmem>>
        tpu.wait_dma2 semaphore(%arg19 : memref<!tpu.dma_semaphore, #tpu.memory_space<semaphore_mem>>) src(%dma_wait3A_1541 : memref<8x128xf32, #tpu.memory_space<vmem>>) dst(%dma_wait3A_1538 : memref<8x128xf32, #tpu.memory_space<hbm>>)
        %dma_wait3A_1542 = arith.constant 0 : i32
        %dma_wait3A_1543 = arith.constant 0 : i32
        %dma_wait3A_1544 = arith.constant 0 : i32
        %dma_wait3A_1545 = arith.constant 0 : i32
        %dma_wait3A_1546 = arith.constant 0 : i32
        %dma_wait3A_1547 = tpu.memref_slice %arg11[%dma_wait3A_1545, %dma_wait3A_1546] : memref<64x128xf32, #tpu.memory_space<vmem>> -> memref<8x128xf32, #tpu.memory_space<vmem>>
        %dma_wait3A_1548 = arith.constant 0 : i32
        %dma_wait3A_1549 = arith.constant 0 : i32
        %dma_wait3A_1550 = tpu.memref_slice %arg4[%dma_wait3A_1542, %dma_wait3A_1543, %dma_wait3A_1544, %dma_wait3A_1548, %dma_wait3A_1549] : memref<200x8x32x8x128xf32, #tpu.memory_space<hbm>> -> memref<1x1x1x8x128xf32, #tpu.memory_space<hbm>>
        %dma_wait3A_1551 = tpu.memref_squeeze %dma_wait3A_1550 : memref<1x1x1x8x128xf32, #tpu.memory_space<hbm>> -> memref<8x128xf32, #tpu.memory_space<hbm>>
        %dma_wait3A_1552 = arith.constant 0 : i32
        %dma_wait3A_1553 = arith.constant 0 : i32
        %dma_wait3A_1554 = tpu.memref_slice %arg4[%dma_wait3A_1542, %dma_wait3A_1543, %dma_wait3A_1544, %dma_wait3A_1552, %dma_wait3A_1553] : memref<200x8x32x8x128xf32, #tpu.memory_space<hbm>> -> memref<1x1x1x8x128xf32, #tpu.memory_space<hbm>>
        %dma_wait3A_1555 = tpu.memref_squeeze %dma_wait3A_1554 : memref<1x1x1x8x128xf32, #tpu.memory_space<hbm>> -> memref<8x128xf32, #tpu.memory_space<hbm>>
        %dma_wait3A_1556 = arith.constant 0 : i32
        %dma_wait3A_1557 = arith.constant 0 : i32
        %dma_wait3A_1558 = tpu.memref_slice %arg11[%dma_wait3A_1556, %dma_wait3A_1557] : memref<64x128xf32, #tpu.memory_space<vmem>> -> memref<8x128xf32, #tpu.memory_space<vmem>>
        tpu.wait_dma2 semaphore(%arg19 : memref<!tpu.dma_semaphore, #tpu.memory_space<semaphore_mem>>) src(%dma_wait3A_1558 : memref<8x128xf32, #tpu.memory_space<vmem>>) dst(%dma_wait3A_1555 : memref<8x128xf32, #tpu.memory_space<hbm>>)
        %dma_wait3A_1559 = arith.constant 0 : i32
        %dma_wait3A_1560 = arith.constant 0 : i32
        %dma_wait3A_1561 = arith.constant 0 : i32
        %dma_wait3A_1562 = arith.constant 0 : i32
        %dma_wait3A_1563 = arith.constant 0 : i32
        %dma_wait3A_1564 = tpu.memref_slice %arg11[%dma_wait3A_1562, %dma_wait3A_1563] : memref<64x128xf32, #tpu.memory_space<vmem>> -> memref<8x128xf32, #tpu.memory_space<vmem>>
        %dma_wait3A_1565 = arith.constant 0 : i32
        %dma_wait3A_1566 = arith.constant 0 : i32
        %dma_wait3A_1567 = tpu.memref_slice %arg4[%dma_wait3A_1559, %dma_wait3A_1560, %dma_wait3A_1561, %dma_wait3A_1565, %dma_wait3A_1566] : memref<200x8x32x8x128xf32, #tpu.memory_space<hbm>> -> memref<1x1x1x8x128xf32, #tpu.memory_space<hbm>>
        %dma_wait3A_1568 = tpu.memref_squeeze %dma_wait3A_1567 : memref<1x1x1x8x128xf32, #tpu.memory_space<hbm>> -> memref<8x128xf32, #tpu.memory_space<hbm>>
        %dma_wait3A_1569 = arith.constant 0 : i32
        %dma_wait3A_1570 = arith.constant 0 : i32
        %dma_wait3A_1571 = tpu.memref_slice %arg4[%dma_wait3A_1559, %dma_wait3A_1560, %dma_wait3A_1561, %dma_wait3A_1569, %dma_wait3A_1570] : memref<200x8x32x8x128xf32, #tpu.memory_space<hbm>> -> memref<1x1x1x8x128xf32, #tpu.memory_space<hbm>>
        %dma_wait3A_1572 = tpu.memref_squeeze %dma_wait3A_1571 : memref<1x1x1x8x128xf32, #tpu.memory_space<hbm>> -> memref<8x128xf32, #tpu.memory_space<hbm>>
        %dma_wait3A_1573 = arith.constant 0 : i32
        %dma_wait3A_1574 = arith.constant 0 : i32
        %dma_wait3A_1575 = tpu.memref_slice %arg11[%dma_wait3A_1573, %dma_wait3A_1574] : memref<64x128xf32, #tpu.memory_space<vmem>> -> memref<8x128xf32, #tpu.memory_space<vmem>>
        tpu.wait_dma2 semaphore(%arg19 : memref<!tpu.dma_semaphore, #tpu.memory_space<semaphore_mem>>) src(%dma_wait3A_1575 : memref<8x128xf32, #tpu.memory_space<vmem>>) dst(%dma_wait3A_1572 : memref<8x128xf32, #tpu.memory_space<hbm>>)
        %dma_wait3A_1576 = arith.constant 0 : i32
        %dma_wait3A_1577 = arith.constant 0 : i32
        %dma_wait3A_1578 = arith.constant 0 : i32
        %dma_wait3A_1579 = arith.constant 0 : i32
        %dma_wait3A_1580 = arith.constant 0 : i32
        %dma_wait3A_1581 = tpu.memref_slice %arg11[%dma_wait3A_1579, %dma_wait3A_1580] : memref<64x128xf32, #tpu.memory_space<vmem>> -> memref<8x128xf32, #tpu.memory_space<vmem>>
        %dma_wait3A_1582 = arith.constant 0 : i32
        %dma_wait3A_1583 = arith.constant 0 : i32
        %dma_wait3A_1584 = tpu.memref_slice %arg4[%dma_wait3A_1576, %dma_wait3A_1577, %dma_wait3A_1578, %dma_wait3A_1582, %dma_wait3A_1583] : memref<200x8x32x8x128xf32, #tpu.memory_space<hbm>> -> memref<1x1x1x8x128xf32, #tpu.memory_space<hbm>>
        %dma_wait3A_1585 = tpu.memref_squeeze %dma_wait3A_1584 : memref<1x1x1x8x128xf32, #tpu.memory_space<hbm>> -> memref<8x128xf32, #tpu.memory_space<hbm>>
        %dma_wait3A_1586 = arith.constant 0 : i32
        %dma_wait3A_1587 = arith.constant 0 : i32
        %dma_wait3A_1588 = tpu.memref_slice %arg4[%dma_wait3A_1576, %dma_wait3A_1577, %dma_wait3A_1578, %dma_wait3A_1586, %dma_wait3A_1587] : memref<200x8x32x8x128xf32, #tpu.memory_space<hbm>> -> memref<1x1x1x8x128xf32, #tpu.memory_space<hbm>>
        %dma_wait3A_1589 = tpu.memref_squeeze %dma_wait3A_1588 : memref<1x1x1x8x128xf32, #tpu.memory_space<hbm>> -> memref<8x128xf32, #tpu.memory_space<hbm>>
        %dma_wait3A_1590 = arith.constant 0 : i32
        %dma_wait3A_1591 = arith.constant 0 : i32
        %dma_wait3A_1592 = tpu.memref_slice %arg11[%dma_wait3A_1590, %dma_wait3A_1591] : memref<64x128xf32, #tpu.memory_space<vmem>> -> memref<8x128xf32, #tpu.memory_space<vmem>>
        tpu.wait_dma2 semaphore(%arg19 : memref<!tpu.dma_semaphore, #tpu.memory_space<semaphore_mem>>) src(%dma_wait3A_1592 : memref<8x128xf32, #tpu.memory_space<vmem>>) dst(%dma_wait3A_1589 : memref<8x128xf32, #tpu.memory_space<hbm>>)
        %dma_wait3A_1593 = arith.constant 0 : i32
        %dma_wait3A_1594 = arith.constant 0 : i32
        %dma_wait3A_1595 = arith.constant 0 : i32
        %dma_wait3A_1596 = arith.constant 0 : i32
        %dma_wait3A_1597 = arith.constant 0 : i32
        %dma_wait3A_1598 = tpu.memref_slice %arg11[%dma_wait3A_1596, %dma_wait3A_1597] : memref<64x128xf32, #tpu.memory_space<vmem>> -> memref<8x128xf32, #tpu.memory_space<vmem>>
        %dma_wait3A_1599 = arith.constant 0 : i32
        %dma_wait3A_1600 = arith.constant 0 : i32
        %dma_wait3A_1601 = tpu.memref_slice %arg4[%dma_wait3A_1593, %dma_wait3A_1594, %dma_wait3A_1595, %dma_wait3A_1599, %dma_wait3A_1600] : memref<200x8x32x8x128xf32, #tpu.memory_space<hbm>> -> memref<1x1x1x8x128xf32, #tpu.memory_space<hbm>>
        %dma_wait3A_1602 = tpu.memref_squeeze %dma_wait3A_1601 : memref<1x1x1x8x128xf32, #tpu.memory_space<hbm>> -> memref<8x128xf32, #tpu.memory_space<hbm>>
        %dma_wait3A_1603 = arith.constant 0 : i32
        %dma_wait3A_1604 = arith.constant 0 : i32
        %dma_wait3A_1605 = tpu.memref_slice %arg4[%dma_wait3A_1593, %dma_wait3A_1594, %dma_wait3A_1595, %dma_wait3A_1603, %dma_wait3A_1604] : memref<200x8x32x8x128xf32, #tpu.memory_space<hbm>> -> memref<1x1x1x8x128xf32, #tpu.memory_space<hbm>>
        %dma_wait3A_1606 = tpu.memref_squeeze %dma_wait3A_1605 : memref<1x1x1x8x128xf32, #tpu.memory_space<hbm>> -> memref<8x128xf32, #tpu.memory_space<hbm>>
        %dma_wait3A_1607 = arith.constant 0 : i32
        %dma_wait3A_1608 = arith.constant 0 : i32
        %dma_wait3A_1609 = tpu.memref_slice %arg11[%dma_wait3A_1607, %dma_wait3A_1608] : memref<64x128xf32, #tpu.memory_space<vmem>> -> memref<8x128xf32, #tpu.memory_space<vmem>>
        tpu.wait_dma2 semaphore(%arg19 : memref<!tpu.dma_semaphore, #tpu.memory_space<semaphore_mem>>) src(%dma_wait3A_1609 : memref<8x128xf32, #tpu.memory_space<vmem>>) dst(%dma_wait3A_1606 : memref<8x128xf32, #tpu.memory_space<hbm>>)
        %dma_wait3A_1610 = arith.constant 0 : i32
        %dma_wait3A_1611 = arith.constant 0 : i32
        %dma_wait3A_1612 = arith.constant 0 : i32
        %dma_wait3A_1613 = arith.constant 0 : i32
        %dma_wait3A_1614 = arith.constant 0 : i32
        %dma_wait3A_1615 = tpu.memref_slice %arg11[%dma_wait3A_1613, %dma_wait3A_1614] : memref<64x128xf32, #tpu.memory_space<vmem>> -> memref<8x128xf32, #tpu.memory_space<vmem>>
        %dma_wait3A_1616 = arith.constant 0 : i32
        %dma_wait3A_1617 = arith.constant 0 : i32
        %dma_wait3A_1618 = tpu.memref_slice %arg4[%dma_wait3A_1610, %dma_wait3A_1611, %dma_wait3A_1612, %dma_wait3A_1616, %dma_wait3A_1617] : memref<200x8x32x8x128xf32, #tpu.memory_space<hbm>> -> memref<1x1x1x8x128xf32, #tpu.memory_space<hbm>>
        %dma_wait3A_1619 = tpu.memref_squeeze %dma_wait3A_1618 : memref<1x1x1x8x128xf32, #tpu.memory_space<hbm>> -> memref<8x128xf32, #tpu.memory_space<hbm>>
        %dma_wait3A_1620 = arith.constant 0 : i32
        %dma_wait3A_1621 = arith.constant 0 : i32
        %dma_wait3A_1622 = tpu.memref_slice %arg4[%dma_wait3A_1610, %dma_wait3A_1611, %dma_wait3A_1612, %dma_wait3A_1620, %dma_wait3A_1621] : memref<200x8x32x8x128xf32, #tpu.memory_space<hbm>> -> memref<1x1x1x8x128xf32, #tpu.memory_space<hbm>>
        %dma_wait3A_1623 = tpu.memref_squeeze %dma_wait3A_1622 : memref<1x1x1x8x128xf32, #tpu.memory_space<hbm>> -> memref<8x128xf32, #tpu.memory_space<hbm>>
        %dma_wait3A_1624 = arith.constant 0 : i32
        %dma_wait3A_1625 = arith.constant 0 : i32
        %dma_wait3A_1626 = tpu.memref_slice %arg11[%dma_wait3A_1624, %dma_wait3A_1625] : memref<64x128xf32, #tpu.memory_space<vmem>> -> memref<8x128xf32, #tpu.memory_space<vmem>>
        tpu.wait_dma2 semaphore(%arg19 : memref<!tpu.dma_semaphore, #tpu.memory_space<semaphore_mem>>) src(%dma_wait3A_1626 : memref<8x128xf32, #tpu.memory_space<vmem>>) dst(%dma_wait3A_1623 : memref<8x128xf32, #tpu.memory_space<hbm>>)
        %dma_wait3A_1627 = arith.constant 0 : i32
        %dma_wait3A_1628 = arith.constant 0 : i32
        %dma_wait3A_1629 = arith.constant 0 : i32
        %dma_wait3A_1630 = arith.constant 0 : i32
        %dma_wait3A_1631 = arith.constant 0 : i32
        %dma_wait3A_1632 = tpu.memref_slice %arg11[%dma_wait3A_1630, %dma_wait3A_1631] : memref<64x128xf32, #tpu.memory_space<vmem>> -> memref<8x128xf32, #tpu.memory_space<vmem>>
        %dma_wait3A_1633 = arith.constant 0 : i32
        %dma_wait3A_1634 = arith.constant 0 : i32
        %dma_wait3A_1635 = tpu.memref_slice %arg4[%dma_wait3A_1627, %dma_wait3A_1628, %dma_wait3A_1629, %dma_wait3A_1633, %dma_wait3A_1634] : memref<200x8x32x8x128xf32, #tpu.memory_space<hbm>> -> memref<1x1x1x8x128xf32, #tpu.memory_space<hbm>>
        %dma_wait3A_1636 = tpu.memref_squeeze %dma_wait3A_1635 : memref<1x1x1x8x128xf32, #tpu.memory_space<hbm>> -> memref<8x128xf32, #tpu.memory_space<hbm>>
        %dma_wait3A_1637 = arith.constant 0 : i32
        %dma_wait3A_1638 = arith.constant 0 : i32
        %dma_wait3A_1639 = tpu.memref_slice %arg4[%dma_wait3A_1627, %dma_wait3A_1628, %dma_wait3A_1629, %dma_wait3A_1637, %dma_wait3A_1638] : memref<200x8x32x8x128xf32, #tpu.memory_space<hbm>> -> memref<1x1x1x8x128xf32, #tpu.memory_space<hbm>>
        %dma_wait3A_1640 = tpu.memref_squeeze %dma_wait3A_1639 : memref<1x1x1x8x128xf32, #tpu.memory_space<hbm>> -> memref<8x128xf32, #tpu.memory_space<hbm>>
        %dma_wait3A_1641 = arith.constant 0 : i32
        %dma_wait3A_1642 = arith.constant 0 : i32
        %dma_wait3A_1643 = tpu.memref_slice %arg11[%dma_wait3A_1641, %dma_wait3A_1642] : memref<64x128xf32, #tpu.memory_space<vmem>> -> memref<8x128xf32, #tpu.memory_space<vmem>>
        tpu.wait_dma2 semaphore(%arg19 : memref<!tpu.dma_semaphore, #tpu.memory_space<semaphore_mem>>) src(%dma_wait3A_1643 : memref<8x128xf32, #tpu.memory_space<vmem>>) dst(%dma_wait3A_1640 : memref<8x128xf32, #tpu.memory_space<hbm>>)
      } else {
      }
      %parallel_loop3A_840 = arith.constant 0 : i32
      %parallel_loop3A_841 = arith.constant 64 : i32
      %parallel_loop3A_842 = arith.constant 1 : i32
      scf.for %parallel_loop3A_1508 = %parallel_loop3A_840 to %parallel_loop3A_841 step %parallel_loop3A_842  : i32 {
        %parallel_loop3A_1509 = vector.broadcast %parallel_loop3A_1508 : i32 to vector<16xi32>
        %parallel_loop3A_1510 = arith.addi %parallel_loop3A_1509, %add3A_5 : vector<16xi32>
        %parallel_loop3A_1511 = arith.constant 63 : i32
        %parallel_loop3A_1512 = vector.broadcast %parallel_loop3A_1511 : i32 to vector<16xi32>
        %parallel_loop3A_1513 = arith.andi %parallel_loop3A_1510, %parallel_loop3A_1512 : vector<16xi32>
        %parallel_loop3A_1514 = tpu.vector_load_idx %arg7[%add3A_5, %parallel_loop3A_1513] : memref<128x64xf32, #tpu.memory_space<vmem>>[vector<16xi32>, vector<16xi32>], vector<16xf32>,
        tpu.vector_store_idx %arg11[%parallel_loop3A_1513, %add3A_5], %parallel_loop3A_1514 : memref<64x128xf32, #tpu.memory_space<vmem>>[vector<16xi32>, vector<16xi32>], vector<16xf32>,
        %parallel_loop3A_1515 = arith.addi %parallel_loop3A_1509, %add3A_9 : vector<16xi32>
        %parallel_loop3A_1516 = arith.constant 63 : i32
        %parallel_loop3A_1517 = vector.broadcast %parallel_loop3A_1516 : i32 to vector<16xi32>
        %parallel_loop3A_1518 = arith.andi %parallel_loop3A_1515, %parallel_loop3A_1517 : vector<16xi32>
        %parallel_loop3A_1519 = tpu.vector_load_idx %arg7[%add3A_9, %parallel_loop3A_1518] : memref<128x64xf32, #tpu.memory_space<vmem>>[vector<16xi32>, vector<16xi32>], vector<16xf32>,
        tpu.vector_store_idx %arg11[%parallel_loop3A_1518, %add3A_9], %parallel_loop3A_1519 : memref<64x128xf32, #tpu.memory_space<vmem>>[vector<16xi32>, vector<16xi32>], vector<16xf32>,
        %parallel_loop3A_1520 = arith.addi %parallel_loop3A_1509, %add3A_13 : vector<16xi32>
        %parallel_loop3A_1521 = arith.constant 63 : i32
        %parallel_loop3A_1522 = vector.broadcast %parallel_loop3A_1521 : i32 to vector<16xi32>
        %parallel_loop3A_1523 = arith.andi %parallel_loop3A_1520, %parallel_loop3A_1522 : vector<16xi32>
        %parallel_loop3A_1524 = tpu.vector_load_idx %arg7[%add3A_13, %parallel_loop3A_1523] : memref<128x64xf32, #tpu.memory_space<vmem>>[vector<16xi32>, vector<16xi32>], vector<16xf32>,
        tpu.vector_store_idx %arg11[%parallel_loop3A_1523, %add3A_13], %parallel_loop3A_1524 : memref<64x128xf32, #tpu.memory_space<vmem>>[vector<16xi32>, vector<16xi32>], vector<16xf32>,
        %parallel_loop3A_1525 = arith.addi %parallel_loop3A_1509, %add3A_17 : vector<16xi32>
        %parallel_loop3A_1526 = arith.constant 63 : i32
        %parallel_loop3A_1527 = vector.broadcast %parallel_loop3A_1526 : i32 to vector<16xi32>
        %parallel_loop3A_1528 = arith.andi %parallel_loop3A_1525, %parallel_loop3A_1527 : vector<16xi32>
        %parallel_loop3A_1529 = tpu.vector_load_idx %arg7[%add3A_17, %parallel_loop3A_1528] : memref<128x64xf32, #tpu.memory_space<vmem>>[vector<16xi32>, vector<16xi32>], vector<16xf32>,
        tpu.vector_store_idx %arg11[%parallel_loop3A_1528, %add3A_17], %parallel_loop3A_1529 : memref<64x128xf32, #tpu.memory_space<vmem>>[vector<16xi32>, vector<16xi32>], vector<16xf32>,
        %parallel_loop3A_1530 = arith.addi %parallel_loop3A_1509, %add3A_21 : vector<16xi32>
        %parallel_loop3A_1531 = arith.constant 63 : i32
        %parallel_loop3A_1532 = vector.broadcast %parallel_loop3A_1531 : i32 to vector<16xi32>
        %parallel_loop3A_1533 = arith.andi %parallel_loop3A_1530, %parallel_loop3A_1532 : vector<16xi32>
        %parallel_loop3A_1534 = tpu.vector_load_idx %arg7[%add3A_21, %parallel_loop3A_1533] : memref<128x64xf32, #tpu.memory_space<vmem>>[vector<16xi32>, vector<16xi32>], vector<16xf32>,
        tpu.vector_store_idx %arg11[%parallel_loop3A_1533, %add3A_21], %parallel_loop3A_1534 : memref<64x128xf32, #tpu.memory_space<vmem>>[vector<16xi32>, vector<16xi32>], vector<16xf32>,
        %parallel_loop3A_1535 = arith.addi %parallel_loop3A_1509, %add3A_25 : vector<16xi32>
        %parallel_loop3A_1536 = arith.constant 63 : i32
        %parallel_loop3A_1537 = vector.broadcast %parallel_loop3A_1536 : i32 to vector<16xi32>
        %parallel_loop3A_1538 = arith.andi %parallel_loop3A_1535, %parallel_loop3A_1537 : vector<16xi32>
        %parallel_loop3A_1539 = tpu.vector_load_idx %arg7[%add3A_25, %parallel_loop3A_1538] : memref<128x64xf32, #tpu.memory_space<vmem>>[vector<16xi32>, vector<16xi32>], vector<16xf32>,
        tpu.vector_store_idx %arg11[%parallel_loop3A_1538, %add3A_25], %parallel_loop3A_1539 : memref<64x128xf32, #tpu.memory_space<vmem>>[vector<16xi32>, vector<16xi32>], vector<16xf32>,
        %parallel_loop3A_1540 = arith.addi %parallel_loop3A_1509, %add3A_29 : vector<16xi32>
        %parallel_loop3A_1541 = arith.constant 63 : i32
        %parallel_loop3A_1542 = vector.broadcast %parallel_loop3A_1541 : i32 to vector<16xi32>
        %parallel_loop3A_1543 = arith.andi %parallel_loop3A_1540, %parallel_loop3A_1542 : vector<16xi32>
        %parallel_loop3A_1544 = tpu.vector_load_idx %arg7[%add3A_29, %parallel_loop3A_1543] : memref<128x64xf32, #tpu.memory_space<vmem>>[vector<16xi32>, vector<16xi32>], vector<16xf32>,
        tpu.vector_store_idx %arg11[%parallel_loop3A_1543, %add3A_29], %parallel_loop3A_1544 : memref<64x128xf32, #tpu.memory_space<vmem>>[vector<16xi32>, vector<16xi32>], vector<16xf32>,
        %parallel_loop3A_1545 = arith.addi %parallel_loop3A_1509, %add3A_33 : vector<16xi32>
        %parallel_loop3A_1546 = arith.constant 63 : i32
        %parallel_loop3A_1547 = vector.broadcast %parallel_loop3A_1546 : i32 to vector<16xi32>
        %parallel_loop3A_1548 = arith.andi %parallel_loop3A_1545, %parallel_loop3A_1547 : vector<16xi32>
        %parallel_loop3A_1549 = tpu.vector_load_idx %arg7[%add3A_33, %parallel_loop3A_1548] : memref<128x64xf32, #tpu.memory_space<vmem>>[vector<16xi32>, vector<16xi32>], vector<16xf32>,
        tpu.vector_store_idx %arg11[%parallel_loop3A_1548, %add3A_33], %parallel_loop3A_1549 : memref<64x128xf32, #tpu.memory_space<vmem>>[vector<16xi32>, vector<16xi32>], vector<16xf32>,
      } {sc.loop_unroll_factor = 8 : i64, sc.parallel_access}
      %add3A_843 = arith.addi %mul3A_2, %add3A_827 : i32
      %jit3A_844 = arith.constant 256 : i32
      %div3A_845 = arith.divsi %add3A_843, %jit3A_844 : i32
      %sign3A_846 = arith.constant 0 : i32
      %sign3A_847 = arith.cmpi sgt, %add3A_843, %sign3A_846 : i32
      %sign3A_848 = arith.extui %sign3A_847 : i1 to i32
      %sign3A_849 = arith.constant 0 : i32
      %sign3A_850 = arith.cmpi slt, %add3A_843, %sign3A_849 : i32
      %sign3A_851 = arith.extui %sign3A_850 : i1 to i32
      %sign3A_852 = arith.subi %sign3A_848, %sign3A_851 : i32
      %sign3A_853 = arith.constant 0 : i32
      %sign3A_854 = arith.cmpi sgt, %jit3A_844, %sign3A_853 : i32
      %sign3A_855 = arith.extui %sign3A_854 : i1 to i32
      %sign3A_856 = arith.constant 0 : i32
      %sign3A_857 = arith.cmpi slt, %jit3A_844, %sign3A_856 : i32
      %sign3A_858 = arith.extui %sign3A_857 : i1 to i32
      %sign3A_859 = arith.subi %sign3A_855, %sign3A_858 : i32
      %ne3A_860 = arith.cmpi ne, %sign3A_852, %sign3A_859 : i32
      %rem3A_861 = arith.remsi %add3A_843, %jit3A_844 : i32
      %ne3A_862 = arith.constant 0 : i32
      %ne3A_863 = arith.cmpi ne, %rem3A_861, %ne3A_862 : i32
      %and3A_864 = arith.andi %ne3A_860, %ne3A_863 : i1
      %sub3A_865 = arith.constant 1 : i32
      %sub3A_866 = arith.subi %div3A_845, %sub3A_865 : i32
      %select_n3A_867 = arith.select %and3A_864, %sub3A_866, %div3A_845 : i32
      %jit3A_868 = arith.constant 256 : i32
      %eq3A_869 = arith.constant 0 : i32
      %eq3A_870 = arith.cmpi eq, %jit3A_868, %eq3A_869 : i32
      %jit3A_871 = arith.constant 1 : i32
      %select_n3A_872 = arith.select %eq3A_870, %jit3A_871, %jit3A_868 : i32
      %rem3A_873 = arith.remsi %add3A_843, %select_n3A_872 : i32
      %ne3A_874 = arith.constant 0 : i32
      %ne3A_875 = arith.cmpi ne, %rem3A_873, %ne3A_874 : i32
      %lt3A_876 = arith.constant 0 : i32
      %lt3A_877 = arith.cmpi slt, %rem3A_873, %lt3A_876 : i32
      %lt3A_878 = arith.constant 0 : i32
      %lt3A_879 = arith.cmpi slt, %select_n3A_872, %lt3A_878 : i32
      %ne3A_880 = arith.xori %lt3A_877, %lt3A_879 : i1
      %and3A_881 = arith.andi %ne3A_880, %ne3A_875 : i1
      %add3A_882 = arith.addi %rem3A_873, %select_n3A_872 : i32
      %select_n3A_883 = arith.select %and3A_881, %add3A_882, %rem3A_873 : i32
      %jit3A_884 = arith.constant 8 : i32
      %div3A_885 = arith.divsi %select_n3A_883, %jit3A_884 : i32
      %sign3A_886 = arith.constant 0 : i32
      %sign3A_887 = arith.cmpi sgt, %select_n3A_883, %sign3A_886 : i32
      %sign3A_888 = arith.extui %sign3A_887 : i1 to i32
      %sign3A_889 = arith.constant 0 : i32
      %sign3A_890 = arith.cmpi slt, %select_n3A_883, %sign3A_889 : i32
      %sign3A_891 = arith.extui %sign3A_890 : i1 to i32
      %sign3A_892 = arith.subi %sign3A_888, %sign3A_891 : i32
      %sign3A_893 = arith.constant 0 : i32
      %sign3A_894 = arith.cmpi sgt, %jit3A_884, %sign3A_893 : i32
      %sign3A_895 = arith.extui %sign3A_894 : i1 to i32
      %sign3A_896 = arith.constant 0 : i32
      %sign3A_897 = arith.cmpi slt, %jit3A_884, %sign3A_896 : i32
      %sign3A_898 = arith.extui %sign3A_897 : i1 to i32
      %sign3A_899 = arith.subi %sign3A_895, %sign3A_898 : i32
      %ne3A_900 = arith.cmpi ne, %sign3A_892, %sign3A_899 : i32
      %rem3A_901 = arith.remsi %select_n3A_883, %jit3A_884 : i32
      %ne3A_902 = arith.constant 0 : i32
      %ne3A_903 = arith.cmpi ne, %rem3A_901, %ne3A_902 : i32
      %and3A_904 = arith.andi %ne3A_900, %ne3A_903 : i1
      %sub3A_905 = arith.constant 1 : i32
      %sub3A_906 = arith.subi %div3A_885, %sub3A_905 : i32
      %select_n3A_907 = arith.select %and3A_904, %sub3A_906, %div3A_885 : i32
      %mul3A_908 = arith.constant 8 : i32
      %mul3A_909 = arith.muli %select_n3A_867, %mul3A_908 : i32
      %jit3A_910 = arith.constant 8 : i32
      %eq3A_911 = arith.constant 0 : i32
      %eq3A_912 = arith.cmpi eq, %jit3A_910, %eq3A_911 : i32
      %jit3A_913 = arith.constant 1 : i32
      %select_n3A_914 = arith.select %eq3A_912, %jit3A_913, %jit3A_910 : i32
      %rem3A_915 = arith.remsi %select_n3A_883, %select_n3A_914 : i32
      %ne3A_916 = arith.constant 0 : i32
      %ne3A_917 = arith.cmpi ne, %rem3A_915, %ne3A_916 : i32
      %lt3A_918 = arith.constant 0 : i32
      %lt3A_919 = arith.cmpi slt, %rem3A_915, %lt3A_918 : i32
      %lt3A_920 = arith.constant 0 : i32
      %lt3A_921 = arith.cmpi slt, %select_n3A_914, %lt3A_920 : i32
      %ne3A_922 = arith.xori %lt3A_919, %lt3A_921 : i1
      %and3A_923 = arith.andi %ne3A_922, %ne3A_917 : i1
      %add3A_924 = arith.addi %rem3A_915, %select_n3A_914 : i32
      %select_n3A_925 = arith.select %and3A_923, %add3A_924, %rem3A_915 : i32
      %add3A_926 = arith.addi %mul3A_909, %select_n3A_925 : i32
      %dma_start3A_927 = arith.constant 0 : i32
      %dma_start3A_928 = arith.constant 0 : i32
      %dma_start3A_929 = arith.constant 0 : i32
      %dma_start3A_930 = tpu.memref_slice %arg11[%dma_start3A_928, %dma_start3A_929] : memref<64x128xf32, #tpu.memory_space<vmem>> -> memref<8x128xf32, #tpu.memory_space<vmem>>
      %dma_start3A_931 = arith.constant 0 : i32
      %dma_start3A_932 = arith.constant 0 : i32
      %dma_start3A_933 = tpu.memref_slice %arg4[%add3A_926, %dma_start3A_927, %select_n3A_907, %dma_start3A_931, %dma_start3A_932] : memref<200x8x32x8x128xf32, #tpu.memory_space<hbm>> -> memref<1x1x1x8x128xf32, #tpu.memory_space<hbm>>
      %dma_start3A_934 = tpu.memref_squeeze %dma_start3A_933 : memref<1x1x1x8x128xf32, #tpu.memory_space<hbm>> -> memref<8x128xf32, #tpu.memory_space<hbm>>
      %dma_start3A_935 = arith.constant 0 : i32
      %dma_start3A_936 = arith.constant 0 : i32
      %dma_start3A_937 = tpu.memref_slice %arg4[%add3A_926, %dma_start3A_927, %select_n3A_907, %dma_start3A_935, %dma_start3A_936] : memref<200x8x32x8x128xf32, #tpu.memory_space<hbm>> -> memref<1x1x1x8x128xf32, #tpu.memory_space<hbm>>
      %dma_start3A_938 = tpu.memref_squeeze %dma_start3A_937 : memref<1x1x1x8x128xf32, #tpu.memory_space<hbm>> -> memref<8x128xf32, #tpu.memory_space<hbm>>
      %dma_start3A_939 = arith.constant 0 : i32
      %dma_start3A_940 = arith.constant 0 : i32
      %dma_start3A_941 = tpu.memref_slice %arg11[%dma_start3A_939, %dma_start3A_940] : memref<64x128xf32, #tpu.memory_space<vmem>> -> memref<8x128xf32, #tpu.memory_space<vmem>>
      tpu.enqueue_dma source(%dma_start3A_941 : memref<8x128xf32, #tpu.memory_space<vmem>>) target(%dma_start3A_938 : memref<8x128xf32, #tpu.memory_space<hbm>>) target_semaphore(%arg19 : memref<!tpu.dma_semaphore, #tpu.memory_space<semaphore_mem>>)
      %dma_start3A_942 = arith.constant 1 : i32
      %dma_start3A_943 = arith.constant 8 : i32
      %dma_start3A_944 = arith.constant 0 : i32
      %dma_start3A_945 = tpu.memref_slice %arg11[%dma_start3A_943, %dma_start3A_944] : memref<64x128xf32, #tpu.memory_space<vmem>> -> memref<8x128xf32, #tpu.memory_space<vmem>>
      %dma_start3A_946 = arith.constant 0 : i32
      %dma_start3A_947 = arith.constant 0 : i32
      %dma_start3A_948 = tpu.memref_slice %arg4[%add3A_926, %dma_start3A_942, %select_n3A_907, %dma_start3A_946, %dma_start3A_947] : memref<200x8x32x8x128xf32, #tpu.memory_space<hbm>> -> memref<1x1x1x8x128xf32, #tpu.memory_space<hbm>>
      %dma_start3A_949 = tpu.memref_squeeze %dma_start3A_948 : memref<1x1x1x8x128xf32, #tpu.memory_space<hbm>> -> memref<8x128xf32, #tpu.memory_space<hbm>>
      %dma_start3A_950 = arith.constant 0 : i32
      %dma_start3A_951 = arith.constant 0 : i32
      %dma_start3A_952 = tpu.memref_slice %arg4[%add3A_926, %dma_start3A_942, %select_n3A_907, %dma_start3A_950, %dma_start3A_951] : memref<200x8x32x8x128xf32, #tpu.memory_space<hbm>> -> memref<1x1x1x8x128xf32, #tpu.memory_space<hbm>>
      %dma_start3A_953 = tpu.memref_squeeze %dma_start3A_952 : memref<1x1x1x8x128xf32, #tpu.memory_space<hbm>> -> memref<8x128xf32, #tpu.memory_space<hbm>>
      %dma_start3A_954 = arith.constant 8 : i32
      %dma_start3A_955 = arith.constant 0 : i32
      %dma_start3A_956 = tpu.memref_slice %arg11[%dma_start3A_954, %dma_start3A_955] : memref<64x128xf32, #tpu.memory_space<vmem>> -> memref<8x128xf32, #tpu.memory_space<vmem>>
      tpu.enqueue_dma source(%dma_start3A_956 : memref<8x128xf32, #tpu.memory_space<vmem>>) target(%dma_start3A_953 : memref<8x128xf32, #tpu.memory_space<hbm>>) target_semaphore(%arg19 : memref<!tpu.dma_semaphore, #tpu.memory_space<semaphore_mem>>)
      %dma_start3A_957 = arith.constant 2 : i32
      %dma_start3A_958 = arith.constant 16 : i32
      %dma_start3A_959 = arith.constant 0 : i32
      %dma_start3A_960 = tpu.memref_slice %arg11[%dma_start3A_958, %dma_start3A_959] : memref<64x128xf32, #tpu.memory_space<vmem>> -> memref<8x128xf32, #tpu.memory_space<vmem>>
      %dma_start3A_961 = arith.constant 0 : i32
      %dma_start3A_962 = arith.constant 0 : i32
      %dma_start3A_963 = tpu.memref_slice %arg4[%add3A_926, %dma_start3A_957, %select_n3A_907, %dma_start3A_961, %dma_start3A_962] : memref<200x8x32x8x128xf32, #tpu.memory_space<hbm>> -> memref<1x1x1x8x128xf32, #tpu.memory_space<hbm>>
      %dma_start3A_964 = tpu.memref_squeeze %dma_start3A_963 : memref<1x1x1x8x128xf32, #tpu.memory_space<hbm>> -> memref<8x128xf32, #tpu.memory_space<hbm>>
      %dma_start3A_965 = arith.constant 0 : i32
      %dma_start3A_966 = arith.constant 0 : i32
      %dma_start3A_967 = tpu.memref_slice %arg4[%add3A_926, %dma_start3A_957, %select_n3A_907, %dma_start3A_965, %dma_start3A_966] : memref<200x8x32x8x128xf32, #tpu.memory_space<hbm>> -> memref<1x1x1x8x128xf32, #tpu.memory_space<hbm>>
      %dma_start3A_968 = tpu.memref_squeeze %dma_start3A_967 : memref<1x1x1x8x128xf32, #tpu.memory_space<hbm>> -> memref<8x128xf32, #tpu.memory_space<hbm>>
      %dma_start3A_969 = arith.constant 16 : i32
      %dma_start3A_970 = arith.constant 0 : i32
      %dma_start3A_971 = tpu.memref_slice %arg11[%dma_start3A_969, %dma_start3A_970] : memref<64x128xf32, #tpu.memory_space<vmem>> -> memref<8x128xf32, #tpu.memory_space<vmem>>
      tpu.enqueue_dma source(%dma_start3A_971 : memref<8x128xf32, #tpu.memory_space<vmem>>) target(%dma_start3A_968 : memref<8x128xf32, #tpu.memory_space<hbm>>) target_semaphore(%arg19 : memref<!tpu.dma_semaphore, #tpu.memory_space<semaphore_mem>>)
      %dma_start3A_972 = arith.constant 3 : i32
      %dma_start3A_973 = arith.constant 24 : i32
      %dma_start3A_974 = arith.constant 0 : i32
      %dma_start3A_975 = tpu.memref_slice %arg11[%dma_start3A_973, %dma_start3A_974] : memref<64x128xf32, #tpu.memory_space<vmem>> -> memref<8x128xf32, #tpu.memory_space<vmem>>
      %dma_start3A_976 = arith.constant 0 : i32
      %dma_start3A_977 = arith.constant 0 : i32
      %dma_start3A_978 = tpu.memref_slice %arg4[%add3A_926, %dma_start3A_972, %select_n3A_907, %dma_start3A_976, %dma_start3A_977] : memref<200x8x32x8x128xf32, #tpu.memory_space<hbm>> -> memref<1x1x1x8x128xf32, #tpu.memory_space<hbm>>
      %dma_start3A_979 = tpu.memref_squeeze %dma_start3A_978 : memref<1x1x1x8x128xf32, #tpu.memory_space<hbm>> -> memref<8x128xf32, #tpu.memory_space<hbm>>
      %dma_start3A_980 = arith.constant 0 : i32
      %dma_start3A_981 = arith.constant 0 : i32
      %dma_start3A_982 = tpu.memref_slice %arg4[%add3A_926, %dma_start3A_972, %select_n3A_907, %dma_start3A_980, %dma_start3A_981] : memref<200x8x32x8x128xf32, #tpu.memory_space<hbm>> -> memref<1x1x1x8x128xf32, #tpu.memory_space<hbm>>
      %dma_start3A_983 = tpu.memref_squeeze %dma_start3A_982 : memref<1x1x1x8x128xf32, #tpu.memory_space<hbm>> -> memref<8x128xf32, #tpu.memory_space<hbm>>
      %dma_start3A_984 = arith.constant 24 : i32
      %dma_start3A_985 = arith.constant 0 : i32
      %dma_start3A_986 = tpu.memref_slice %arg11[%dma_start3A_984, %dma_start3A_985] : memref<64x128xf32, #tpu.memory_space<vmem>> -> memref<8x128xf32, #tpu.memory_space<vmem>>
      tpu.enqueue_dma source(%dma_start3A_986 : memref<8x128xf32, #tpu.memory_space<vmem>>) target(%dma_start3A_983 : memref<8x128xf32, #tpu.memory_space<hbm>>) target_semaphore(%arg19 : memref<!tpu.dma_semaphore, #tpu.memory_space<semaphore_mem>>)
      %dma_start3A_987 = arith.constant 4 : i32
      %dma_start3A_988 = arith.constant 32 : i32
      %dma_start3A_989 = arith.constant 0 : i32
      %dma_start3A_990 = tpu.memref_slice %arg11[%dma_start3A_988, %dma_start3A_989] : memref<64x128xf32, #tpu.memory_space<vmem>> -> memref<8x128xf32, #tpu.memory_space<vmem>>
      %dma_start3A_991 = arith.constant 0 : i32
      %dma_start3A_992 = arith.constant 0 : i32
      %dma_start3A_993 = tpu.memref_slice %arg4[%add3A_926, %dma_start3A_987, %select_n3A_907, %dma_start3A_991, %dma_start3A_992] : memref<200x8x32x8x128xf32, #tpu.memory_space<hbm>> -> memref<1x1x1x8x128xf32, #tpu.memory_space<hbm>>
      %dma_start3A_994 = tpu.memref_squeeze %dma_start3A_993 : memref<1x1x1x8x128xf32, #tpu.memory_space<hbm>> -> memref<8x128xf32, #tpu.memory_space<hbm>>
      %dma_start3A_995 = arith.constant 0 : i32
      %dma_start3A_996 = arith.constant 0 : i32
      %dma_start3A_997 = tpu.memref_slice %arg4[%add3A_926, %dma_start3A_987, %select_n3A_907, %dma_start3A_995, %dma_start3A_996] : memref<200x8x32x8x128xf32, #tpu.memory_space<hbm>> -> memref<1x1x1x8x128xf32, #tpu.memory_space<hbm>>
      %dma_start3A_998 = tpu.memref_squeeze %dma_start3A_997 : memref<1x1x1x8x128xf32, #tpu.memory_space<hbm>> -> memref<8x128xf32, #tpu.memory_space<hbm>>
      %dma_start3A_999 = arith.constant 32 : i32
      %dma_start3A_1000 = arith.constant 0 : i32
      %dma_start3A_1001 = tpu.memref_slice %arg11[%dma_start3A_999, %dma_start3A_1000] : memref<64x128xf32, #tpu.memory_space<vmem>> -> memref<8x128xf32, #tpu.memory_space<vmem>>
      tpu.enqueue_dma source(%dma_start3A_1001 : memref<8x128xf32, #tpu.memory_space<vmem>>) target(%dma_start3A_998 : memref<8x128xf32, #tpu.memory_space<hbm>>) target_semaphore(%arg19 : memref<!tpu.dma_semaphore, #tpu.memory_space<semaphore_mem>>)
      %dma_start3A_1002 = arith.constant 5 : i32
      %dma_start3A_1003 = arith.constant 40 : i32
      %dma_start3A_1004 = arith.constant 0 : i32
      %dma_start3A_1005 = tpu.memref_slice %arg11[%dma_start3A_1003, %dma_start3A_1004] : memref<64x128xf32, #tpu.memory_space<vmem>> -> memref<8x128xf32, #tpu.memory_space<vmem>>
      %dma_start3A_1006 = arith.constant 0 : i32
      %dma_start3A_1007 = arith.constant 0 : i32
      %dma_start3A_1008 = tpu.memref_slice %arg4[%add3A_926, %dma_start3A_1002, %select_n3A_907, %dma_start3A_1006, %dma_start3A_1007] : memref<200x8x32x8x128xf32, #tpu.memory_space<hbm>> -> memref<1x1x1x8x128xf32, #tpu.memory_space<hbm>>
      %dma_start3A_1009 = tpu.memref_squeeze %dma_start3A_1008 : memref<1x1x1x8x128xf32, #tpu.memory_space<hbm>> -> memref<8x128xf32, #tpu.memory_space<hbm>>
      %dma_start3A_1010 = arith.constant 0 : i32
      %dma_start3A_1011 = arith.constant 0 : i32
      %dma_start3A_1012 = tpu.memref_slice %arg4[%add3A_926, %dma_start3A_1002, %select_n3A_907, %dma_start3A_1010, %dma_start3A_1011] : memref<200x8x32x8x128xf32, #tpu.memory_space<hbm>> -> memref<1x1x1x8x128xf32, #tpu.memory_space<hbm>>
      %dma_start3A_1013 = tpu.memref_squeeze %dma_start3A_1012 : memref<1x1x1x8x128xf32, #tpu.memory_space<hbm>> -> memref<8x128xf32, #tpu.memory_space<hbm>>
      %dma_start3A_1014 = arith.constant 40 : i32
      %dma_start3A_1015 = arith.constant 0 : i32
      %dma_start3A_1016 = tpu.memref_slice %arg11[%dma_start3A_1014, %dma_start3A_1015] : memref<64x128xf32, #tpu.memory_space<vmem>> -> memref<8x128xf32, #tpu.memory_space<vmem>>
      tpu.enqueue_dma source(%dma_start3A_1016 : memref<8x128xf32, #tpu.memory_space<vmem>>) target(%dma_start3A_1013 : memref<8x128xf32, #tpu.memory_space<hbm>>) target_semaphore(%arg19 : memref<!tpu.dma_semaphore, #tpu.memory_space<semaphore_mem>>)
      %dma_start3A_1017 = arith.constant 6 : i32
      %dma_start3A_1018 = arith.constant 48 : i32
      %dma_start3A_1019 = arith.constant 0 : i32
      %dma_start3A_1020 = tpu.memref_slice %arg11[%dma_start3A_1018, %dma_start3A_1019] : memref<64x128xf32, #tpu.memory_space<vmem>> -> memref<8x128xf32, #tpu.memory_space<vmem>>
      %dma_start3A_1021 = arith.constant 0 : i32
      %dma_start3A_1022 = arith.constant 0 : i32
      %dma_start3A_1023 = tpu.memref_slice %arg4[%add3A_926, %dma_start3A_1017, %select_n3A_907, %dma_start3A_1021, %dma_start3A_1022] : memref<200x8x32x8x128xf32, #tpu.memory_space<hbm>> -> memref<1x1x1x8x128xf32, #tpu.memory_space<hbm>>
      %dma_start3A_1024 = tpu.memref_squeeze %dma_start3A_1023 : memref<1x1x1x8x128xf32, #tpu.memory_space<hbm>> -> memref<8x128xf32, #tpu.memory_space<hbm>>
      %dma_start3A_1025 = arith.constant 0 : i32
      %dma_start3A_1026 = arith.constant 0 : i32
      %dma_start3A_1027 = tpu.memref_slice %arg4[%add3A_926, %dma_start3A_1017, %select_n3A_907, %dma_start3A_1025, %dma_start3A_1026] : memref<200x8x32x8x128xf32, #tpu.memory_space<hbm>> -> memref<1x1x1x8x128xf32, #tpu.memory_space<hbm>>
      %dma_start3A_1028 = tpu.memref_squeeze %dma_start3A_1027 : memref<1x1x1x8x128xf32, #tpu.memory_space<hbm>> -> memref<8x128xf32, #tpu.memory_space<hbm>>
      %dma_start3A_1029 = arith.constant 48 : i32
      %dma_start3A_1030 = arith.constant 0 : i32
      %dma_start3A_1031 = tpu.memref_slice %arg11[%dma_start3A_1029, %dma_start3A_1030] : memref<64x128xf32, #tpu.memory_space<vmem>> -> memref<8x128xf32, #tpu.memory_space<vmem>>
      tpu.enqueue_dma source(%dma_start3A_1031 : memref<8x128xf32, #tpu.memory_space<vmem>>) target(%dma_start3A_1028 : memref<8x128xf32, #tpu.memory_space<hbm>>) target_semaphore(%arg19 : memref<!tpu.dma_semaphore, #tpu.memory_space<semaphore_mem>>)
      %dma_start3A_1032 = arith.constant 7 : i32
      %dma_start3A_1033 = arith.constant 56 : i32
      %dma_start3A_1034 = arith.constant 0 : i32
      %dma_start3A_1035 = tpu.memref_slice %arg11[%dma_start3A_1033, %dma_start3A_1034] : memref<64x128xf32, #tpu.memory_space<vmem>> -> memref<8x128xf32, #tpu.memory_space<vmem>>
      %dma_start3A_1036 = arith.constant 0 : i32
      %dma_start3A_1037 = arith.constant 0 : i32
      %dma_start3A_1038 = tpu.memref_slice %arg4[%add3A_926, %dma_start3A_1032, %select_n3A_907, %dma_start3A_1036, %dma_start3A_1037] : memref<200x8x32x8x128xf32, #tpu.memory_space<hbm>> -> memref<1x1x1x8x128xf32, #tpu.memory_space<hbm>>
      %dma_start3A_1039 = tpu.memref_squeeze %dma_start3A_1038 : memref<1x1x1x8x128xf32, #tpu.memory_space<hbm>> -> memref<8x128xf32, #tpu.memory_space<hbm>>
      %dma_start3A_1040 = arith.constant 0 : i32
      %dma_start3A_1041 = arith.constant 0 : i32
      %dma_start3A_1042 = tpu.memref_slice %arg4[%add3A_926, %dma_start3A_1032, %select_n3A_907, %dma_start3A_1040, %dma_start3A_1041] : memref<200x8x32x8x128xf32, #tpu.memory_space<hbm>> -> memref<1x1x1x8x128xf32, #tpu.memory_space<hbm>>
      %dma_start3A_1043 = tpu.memref_squeeze %dma_start3A_1042 : memref<1x1x1x8x128xf32, #tpu.memory_space<hbm>> -> memref<8x128xf32, #tpu.memory_space<hbm>>
      %dma_start3A_1044 = arith.constant 56 : i32
      %dma_start3A_1045 = arith.constant 0 : i32
      %dma_start3A_1046 = tpu.memref_slice %arg11[%dma_start3A_1044, %dma_start3A_1045] : memref<64x128xf32, #tpu.memory_space<vmem>> -> memref<8x128xf32, #tpu.memory_space<vmem>>
      tpu.enqueue_dma source(%dma_start3A_1046 : memref<8x128xf32, #tpu.memory_space<vmem>>) target(%dma_start3A_1043 : memref<8x128xf32, #tpu.memory_space<hbm>>) target_semaphore(%arg19 : memref<!tpu.dma_semaphore, #tpu.memory_space<semaphore_mem>>)
      %lt3A_1047 = arith.constant 196 : i32
      %lt3A_1048 = arith.cmpi slt, %add3A_827, %lt3A_1047 : i32
      %convert_element_type3A_1049 = arith.extui %lt3A_1048 : i1 to i32
      %cond3A_1050 = arith.constant 0 : i32
      %cond3A_1051 = arith.cmpi ne, %convert_element_type3A_1049, %cond3A_1050 : i32
      scf.if %cond3A_1051 {
        %add3A_1508 = arith.constant 4 : i32
        %add3A_1509 = arith.addi %add3A_827, %add3A_1508 : i32
        %dma_start3A_1510 = arith.constant 0 : i32
        %dma_start3A_1511 = tpu.memref_slice %arg5[%add3A_1509, %dma_start3A_1510] : memref<200x128xi32, #tpu.memory_space<vmem>> -> memref<1x128xi32, #tpu.memory_space<vmem>>
        %dma_start3A_1512 = tpu.memref_squeeze %dma_start3A_1511 : memref<1x128xi32, #tpu.memory_space<vmem>> -> memref<128xi32, #tpu.memory_space<vmem>>
        %dma_start3A_1513 = arith.constant 0 : i32
        %dma_start3A_1514 = arith.constant 0 : i32
        %dma_start3A_1515 = tpu.memref_slice %arg2[%dma_start3A_1513, %dma_start3A_1514] : memref<100000x64xf32, #tpu.memory_space<hbm>> -> memref<100000x64xf32, #tpu.memory_space<hbm>>
        tpu.enqueue_indirect_dma source(%dma_start3A_1515 : memref<100000x64xf32, #tpu.memory_space<hbm>>) target(%arg7 : memref<128x64xf32, #tpu.memory_space<vmem>>) offsets(%dma_start3A_1512 : memref<128xi32, #tpu.memory_space<vmem>>) semaphore(%arg15 : memref<!tpu.dma_semaphore, #tpu.memory_space<semaphore_mem>>)
      } else {
      }
      %mul3A_1052 = arith.constant 4 : i32
      %mul3A_1053 = arith.muli %scan3A_609, %mul3A_1052 : i32
      %add3A_1054 = arith.constant 2 : i32
      %add3A_1055 = arith.addi %mul3A_1053, %add3A_1054 : i32
      %dma_wait3A_1056 = arith.constant 0 : i32
      %dma_wait3A_1057 = arith.constant 0 : i32
      %dma_wait3A_1058 = tpu.memref_slice %arg5[%dma_wait3A_1056, %dma_wait3A_1057] : memref<200x128xi32, #tpu.memory_space<vmem>> -> memref<1x128xi32, #tpu.memory_space<vmem>>
      %dma_wait3A_1059 = tpu.memref_squeeze %dma_wait3A_1058 : memref<1x128xi32, #tpu.memory_space<vmem>> -> memref<128xi32, #tpu.memory_space<vmem>>
      %dma_wait3A_1060 = arith.constant 0 : i32
      %dma_wait3A_1061 = arith.constant 0 : i32
      %dma_wait3A_1062 = tpu.memref_slice %arg2[%dma_wait3A_1060, %dma_wait3A_1061] : memref<100000x64xf32, #tpu.memory_space<hbm>> -> memref<100000x64xf32, #tpu.memory_space<hbm>>
      tpu.wait_indirect_dma semaphore(%arg16 : memref<!tpu.dma_semaphore, #tpu.memory_space<semaphore_mem>>) src(%dma_wait3A_1062 : memref<100000x64xf32, #tpu.memory_space<hbm>>) dst(%arg8 : memref<128x64xf32, #tpu.memory_space<vmem>>)
      %ge3A_1063 = arith.constant 4 : i32
      %ge3A_1064 = arith.cmpi sge, %add3A_1055, %ge3A_1063 : i32
      %convert_element_type3A_1065 = arith.extui %ge3A_1064 : i1 to i32
      %cond3A_1066 = arith.constant 0 : i32
      %cond3A_1067 = arith.cmpi ne, %convert_element_type3A_1065, %cond3A_1066 : i32
      scf.if %cond3A_1067 {
        %dma_wait3A_1508 = arith.constant 0 : i32
        %dma_wait3A_1509 = arith.constant 0 : i32
        %dma_wait3A_1510 = arith.constant 0 : i32
        %dma_wait3A_1511 = arith.constant 0 : i32
        %dma_wait3A_1512 = arith.constant 0 : i32
        %dma_wait3A_1513 = tpu.memref_slice %arg12[%dma_wait3A_1511, %dma_wait3A_1512] : memref<64x128xf32, #tpu.memory_space<vmem>> -> memref<8x128xf32, #tpu.memory_space<vmem>>
        %dma_wait3A_1514 = arith.constant 0 : i32
        %dma_wait3A_1515 = arith.constant 0 : i32
        %dma_wait3A_1516 = tpu.memref_slice %arg4[%dma_wait3A_1508, %dma_wait3A_1509, %dma_wait3A_1510, %dma_wait3A_1514, %dma_wait3A_1515] : memref<200x8x32x8x128xf32, #tpu.memory_space<hbm>> -> memref<1x1x1x8x128xf32, #tpu.memory_space<hbm>>
        %dma_wait3A_1517 = tpu.memref_squeeze %dma_wait3A_1516 : memref<1x1x1x8x128xf32, #tpu.memory_space<hbm>> -> memref<8x128xf32, #tpu.memory_space<hbm>>
        %dma_wait3A_1518 = arith.constant 0 : i32
        %dma_wait3A_1519 = arith.constant 0 : i32
        %dma_wait3A_1520 = tpu.memref_slice %arg4[%dma_wait3A_1508, %dma_wait3A_1509, %dma_wait3A_1510, %dma_wait3A_1518, %dma_wait3A_1519] : memref<200x8x32x8x128xf32, #tpu.memory_space<hbm>> -> memref<1x1x1x8x128xf32, #tpu.memory_space<hbm>>
        %dma_wait3A_1521 = tpu.memref_squeeze %dma_wait3A_1520 : memref<1x1x1x8x128xf32, #tpu.memory_space<hbm>> -> memref<8x128xf32, #tpu.memory_space<hbm>>
        %dma_wait3A_1522 = arith.constant 0 : i32
        %dma_wait3A_1523 = arith.constant 0 : i32
        %dma_wait3A_1524 = tpu.memref_slice %arg12[%dma_wait3A_1522, %dma_wait3A_1523] : memref<64x128xf32, #tpu.memory_space<vmem>> -> memref<8x128xf32, #tpu.memory_space<vmem>>
        tpu.wait_dma2 semaphore(%arg20 : memref<!tpu.dma_semaphore, #tpu.memory_space<semaphore_mem>>) src(%dma_wait3A_1524 : memref<8x128xf32, #tpu.memory_space<vmem>>) dst(%dma_wait3A_1521 : memref<8x128xf32, #tpu.memory_space<hbm>>)
        %dma_wait3A_1525 = arith.constant 0 : i32
        %dma_wait3A_1526 = arith.constant 0 : i32
        %dma_wait3A_1527 = arith.constant 0 : i32
        %dma_wait3A_1528 = arith.constant 0 : i32
        %dma_wait3A_1529 = arith.constant 0 : i32
        %dma_wait3A_1530 = tpu.memref_slice %arg12[%dma_wait3A_1528, %dma_wait3A_1529] : memref<64x128xf32, #tpu.memory_space<vmem>> -> memref<8x128xf32, #tpu.memory_space<vmem>>
        %dma_wait3A_1531 = arith.constant 0 : i32
        %dma_wait3A_1532 = arith.constant 0 : i32
        %dma_wait3A_1533 = tpu.memref_slice %arg4[%dma_wait3A_1525, %dma_wait3A_1526, %dma_wait3A_1527, %dma_wait3A_1531, %dma_wait3A_1532] : memref<200x8x32x8x128xf32, #tpu.memory_space<hbm>> -> memref<1x1x1x8x128xf32, #tpu.memory_space<hbm>>
        %dma_wait3A_1534 = tpu.memref_squeeze %dma_wait3A_1533 : memref<1x1x1x8x128xf32, #tpu.memory_space<hbm>> -> memref<8x128xf32, #tpu.memory_space<hbm>>
        %dma_wait3A_1535 = arith.constant 0 : i32
        %dma_wait3A_1536 = arith.constant 0 : i32
        %dma_wait3A_1537 = tpu.memref_slice %arg4[%dma_wait3A_1525, %dma_wait3A_1526, %dma_wait3A_1527, %dma_wait3A_1535, %dma_wait3A_1536] : memref<200x8x32x8x128xf32, #tpu.memory_space<hbm>> -> memref<1x1x1x8x128xf32, #tpu.memory_space<hbm>>
        %dma_wait3A_1538 = tpu.memref_squeeze %dma_wait3A_1537 : memref<1x1x1x8x128xf32, #tpu.memory_space<hbm>> -> memref<8x128xf32, #tpu.memory_space<hbm>>
        %dma_wait3A_1539 = arith.constant 0 : i32
        %dma_wait3A_1540 = arith.constant 0 : i32
        %dma_wait3A_1541 = tpu.memref_slice %arg12[%dma_wait3A_1539, %dma_wait3A_1540] : memref<64x128xf32, #tpu.memory_space<vmem>> -> memref<8x128xf32, #tpu.memory_space<vmem>>
        tpu.wait_dma2 semaphore(%arg20 : memref<!tpu.dma_semaphore, #tpu.memory_space<semaphore_mem>>) src(%dma_wait3A_1541 : memref<8x128xf32, #tpu.memory_space<vmem>>) dst(%dma_wait3A_1538 : memref<8x128xf32, #tpu.memory_space<hbm>>)
        %dma_wait3A_1542 = arith.constant 0 : i32
        %dma_wait3A_1543 = arith.constant 0 : i32
        %dma_wait3A_1544 = arith.constant 0 : i32
        %dma_wait3A_1545 = arith.constant 0 : i32
        %dma_wait3A_1546 = arith.constant 0 : i32
        %dma_wait3A_1547 = tpu.memref_slice %arg12[%dma_wait3A_1545, %dma_wait3A_1546] : memref<64x128xf32, #tpu.memory_space<vmem>> -> memref<8x128xf32, #tpu.memory_space<vmem>>
        %dma_wait3A_1548 = arith.constant 0 : i32
        %dma_wait3A_1549 = arith.constant 0 : i32
        %dma_wait3A_1550 = tpu.memref_slice %arg4[%dma_wait3A_1542, %dma_wait3A_1543, %dma_wait3A_1544, %dma_wait3A_1548, %dma_wait3A_1549] : memref<200x8x32x8x128xf32, #tpu.memory_space<hbm>> -> memref<1x1x1x8x128xf32, #tpu.memory_space<hbm>>
        %dma_wait3A_1551 = tpu.memref_squeeze %dma_wait3A_1550 : memref<1x1x1x8x128xf32, #tpu.memory_space<hbm>> -> memref<8x128xf32, #tpu.memory_space<hbm>>
        %dma_wait3A_1552 = arith.constant 0 : i32
        %dma_wait3A_1553 = arith.constant 0 : i32
        %dma_wait3A_1554 = tpu.memref_slice %arg4[%dma_wait3A_1542, %dma_wait3A_1543, %dma_wait3A_1544, %dma_wait3A_1552, %dma_wait3A_1553] : memref<200x8x32x8x128xf32, #tpu.memory_space<hbm>> -> memref<1x1x1x8x128xf32, #tpu.memory_space<hbm>>
        %dma_wait3A_1555 = tpu.memref_squeeze %dma_wait3A_1554 : memref<1x1x1x8x128xf32, #tpu.memory_space<hbm>> -> memref<8x128xf32, #tpu.memory_space<hbm>>
        %dma_wait3A_1556 = arith.constant 0 : i32
        %dma_wait3A_1557 = arith.constant 0 : i32
        %dma_wait3A_1558 = tpu.memref_slice %arg12[%dma_wait3A_1556, %dma_wait3A_1557] : memref<64x128xf32, #tpu.memory_space<vmem>> -> memref<8x128xf32, #tpu.memory_space<vmem>>
        tpu.wait_dma2 semaphore(%arg20 : memref<!tpu.dma_semaphore, #tpu.memory_space<semaphore_mem>>) src(%dma_wait3A_1558 : memref<8x128xf32, #tpu.memory_space<vmem>>) dst(%dma_wait3A_1555 : memref<8x128xf32, #tpu.memory_space<hbm>>)
        %dma_wait3A_1559 = arith.constant 0 : i32
        %dma_wait3A_1560 = arith.constant 0 : i32
        %dma_wait3A_1561 = arith.constant 0 : i32
        %dma_wait3A_1562 = arith.constant 0 : i32
        %dma_wait3A_1563 = arith.constant 0 : i32
        %dma_wait3A_1564 = tpu.memref_slice %arg12[%dma_wait3A_1562, %dma_wait3A_1563] : memref<64x128xf32, #tpu.memory_space<vmem>> -> memref<8x128xf32, #tpu.memory_space<vmem>>
        %dma_wait3A_1565 = arith.constant 0 : i32
        %dma_wait3A_1566 = arith.constant 0 : i32
        %dma_wait3A_1567 = tpu.memref_slice %arg4[%dma_wait3A_1559, %dma_wait3A_1560, %dma_wait3A_1561, %dma_wait3A_1565, %dma_wait3A_1566] : memref<200x8x32x8x128xf32, #tpu.memory_space<hbm>> -> memref<1x1x1x8x128xf32, #tpu.memory_space<hbm>>
        %dma_wait3A_1568 = tpu.memref_squeeze %dma_wait3A_1567 : memref<1x1x1x8x128xf32, #tpu.memory_space<hbm>> -> memref<8x128xf32, #tpu.memory_space<hbm>>
        %dma_wait3A_1569 = arith.constant 0 : i32
        %dma_wait3A_1570 = arith.constant 0 : i32
        %dma_wait3A_1571 = tpu.memref_slice %arg4[%dma_wait3A_1559, %dma_wait3A_1560, %dma_wait3A_1561, %dma_wait3A_1569, %dma_wait3A_1570] : memref<200x8x32x8x128xf32, #tpu.memory_space<hbm>> -> memref<1x1x1x8x128xf32, #tpu.memory_space<hbm>>
        %dma_wait3A_1572 = tpu.memref_squeeze %dma_wait3A_1571 : memref<1x1x1x8x128xf32, #tpu.memory_space<hbm>> -> memref<8x128xf32, #tpu.memory_space<hbm>>
        %dma_wait3A_1573 = arith.constant 0 : i32
        %dma_wait3A_1574 = arith.constant 0 : i32
        %dma_wait3A_1575 = tpu.memref_slice %arg12[%dma_wait3A_1573, %dma_wait3A_1574] : memref<64x128xf32, #tpu.memory_space<vmem>> -> memref<8x128xf32, #tpu.memory_space<vmem>>
        tpu.wait_dma2 semaphore(%arg20 : memref<!tpu.dma_semaphore, #tpu.memory_space<semaphore_mem>>) src(%dma_wait3A_1575 : memref<8x128xf32, #tpu.memory_space<vmem>>) dst(%dma_wait3A_1572 : memref<8x128xf32, #tpu.memory_space<hbm>>)
        %dma_wait3A_1576 = arith.constant 0 : i32
        %dma_wait3A_1577 = arith.constant 0 : i32
        %dma_wait3A_1578 = arith.constant 0 : i32
        %dma_wait3A_1579 = arith.constant 0 : i32
        %dma_wait3A_1580 = arith.constant 0 : i32
        %dma_wait3A_1581 = tpu.memref_slice %arg12[%dma_wait3A_1579, %dma_wait3A_1580] : memref<64x128xf32, #tpu.memory_space<vmem>> -> memref<8x128xf32, #tpu.memory_space<vmem>>
        %dma_wait3A_1582 = arith.constant 0 : i32
        %dma_wait3A_1583 = arith.constant 0 : i32
        %dma_wait3A_1584 = tpu.memref_slice %arg4[%dma_wait3A_1576, %dma_wait3A_1577, %dma_wait3A_1578, %dma_wait3A_1582, %dma_wait3A_1583] : memref<200x8x32x8x128xf32, #tpu.memory_space<hbm>> -> memref<1x1x1x8x128xf32, #tpu.memory_space<hbm>>
        %dma_wait3A_1585 = tpu.memref_squeeze %dma_wait3A_1584 : memref<1x1x1x8x128xf32, #tpu.memory_space<hbm>> -> memref<8x128xf32, #tpu.memory_space<hbm>>
        %dma_wait3A_1586 = arith.constant 0 : i32
        %dma_wait3A_1587 = arith.constant 0 : i32
        %dma_wait3A_1588 = tpu.memref_slice %arg4[%dma_wait3A_1576, %dma_wait3A_1577, %dma_wait3A_1578, %dma_wait3A_1586, %dma_wait3A_1587] : memref<200x8x32x8x128xf32, #tpu.memory_space<hbm>> -> memref<1x1x1x8x128xf32, #tpu.memory_space<hbm>>
        %dma_wait3A_1589 = tpu.memref_squeeze %dma_wait3A_1588 : memref<1x1x1x8x128xf32, #tpu.memory_space<hbm>> -> memref<8x128xf32, #tpu.memory_space<hbm>>
        %dma_wait3A_1590 = arith.constant 0 : i32
        %dma_wait3A_1591 = arith.constant 0 : i32
        %dma_wait3A_1592 = tpu.memref_slice %arg12[%dma_wait3A_1590, %dma_wait3A_1591] : memref<64x128xf32, #tpu.memory_space<vmem>> -> memref<8x128xf32, #tpu.memory_space<vmem>>
        tpu.wait_dma2 semaphore(%arg20 : memref<!tpu.dma_semaphore, #tpu.memory_space<semaphore_mem>>) src(%dma_wait3A_1592 : memref<8x128xf32, #tpu.memory_space<vmem>>) dst(%dma_wait3A_1589 : memref<8x128xf32, #tpu.memory_space<hbm>>)
        %dma_wait3A_1593 = arith.constant 0 : i32
        %dma_wait3A_1594 = arith.constant 0 : i32
        %dma_wait3A_1595 = arith.constant 0 : i32
        %dma_wait3A_1596 = arith.constant 0 : i32
        %dma_wait3A_1597 = arith.constant 0 : i32
        %dma_wait3A_1598 = tpu.memref_slice %arg12[%dma_wait3A_1596, %dma_wait3A_1597] : memref<64x128xf32, #tpu.memory_space<vmem>> -> memref<8x128xf32, #tpu.memory_space<vmem>>
        %dma_wait3A_1599 = arith.constant 0 : i32
        %dma_wait3A_1600 = arith.constant 0 : i32
        %dma_wait3A_1601 = tpu.memref_slice %arg4[%dma_wait3A_1593, %dma_wait3A_1594, %dma_wait3A_1595, %dma_wait3A_1599, %dma_wait3A_1600] : memref<200x8x32x8x128xf32, #tpu.memory_space<hbm>> -> memref<1x1x1x8x128xf32, #tpu.memory_space<hbm>>
        %dma_wait3A_1602 = tpu.memref_squeeze %dma_wait3A_1601 : memref<1x1x1x8x128xf32, #tpu.memory_space<hbm>> -> memref<8x128xf32, #tpu.memory_space<hbm>>
        %dma_wait3A_1603 = arith.constant 0 : i32
        %dma_wait3A_1604 = arith.constant 0 : i32
        %dma_wait3A_1605 = tpu.memref_slice %arg4[%dma_wait3A_1593, %dma_wait3A_1594, %dma_wait3A_1595, %dma_wait3A_1603, %dma_wait3A_1604] : memref<200x8x32x8x128xf32, #tpu.memory_space<hbm>> -> memref<1x1x1x8x128xf32, #tpu.memory_space<hbm>>
        %dma_wait3A_1606 = tpu.memref_squeeze %dma_wait3A_1605 : memref<1x1x1x8x128xf32, #tpu.memory_space<hbm>> -> memref<8x128xf32, #tpu.memory_space<hbm>>
        %dma_wait3A_1607 = arith.constant 0 : i32
        %dma_wait3A_1608 = arith.constant 0 : i32
        %dma_wait3A_1609 = tpu.memref_slice %arg12[%dma_wait3A_1607, %dma_wait3A_1608] : memref<64x128xf32, #tpu.memory_space<vmem>> -> memref<8x128xf32, #tpu.memory_space<vmem>>
        tpu.wait_dma2 semaphore(%arg20 : memref<!tpu.dma_semaphore, #tpu.memory_space<semaphore_mem>>) src(%dma_wait3A_1609 : memref<8x128xf32, #tpu.memory_space<vmem>>) dst(%dma_wait3A_1606 : memref<8x128xf32, #tpu.memory_space<hbm>>)
        %dma_wait3A_1610 = arith.constant 0 : i32
        %dma_wait3A_1611 = arith.constant 0 : i32
        %dma_wait3A_1612 = arith.constant 0 : i32
        %dma_wait3A_1613 = arith.constant 0 : i32
        %dma_wait3A_1614 = arith.constant 0 : i32
        %dma_wait3A_1615 = tpu.memref_slice %arg12[%dma_wait3A_1613, %dma_wait3A_1614] : memref<64x128xf32, #tpu.memory_space<vmem>> -> memref<8x128xf32, #tpu.memory_space<vmem>>
        %dma_wait3A_1616 = arith.constant 0 : i32
        %dma_wait3A_1617 = arith.constant 0 : i32
        %dma_wait3A_1618 = tpu.memref_slice %arg4[%dma_wait3A_1610, %dma_wait3A_1611, %dma_wait3A_1612, %dma_wait3A_1616, %dma_wait3A_1617] : memref<200x8x32x8x128xf32, #tpu.memory_space<hbm>> -> memref<1x1x1x8x128xf32, #tpu.memory_space<hbm>>
        %dma_wait3A_1619 = tpu.memref_squeeze %dma_wait3A_1618 : memref<1x1x1x8x128xf32, #tpu.memory_space<hbm>> -> memref<8x128xf32, #tpu.memory_space<hbm>>
        %dma_wait3A_1620 = arith.constant 0 : i32
        %dma_wait3A_1621 = arith.constant 0 : i32
        %dma_wait3A_1622 = tpu.memref_slice %arg4[%dma_wait3A_1610, %dma_wait3A_1611, %dma_wait3A_1612, %dma_wait3A_1620, %dma_wait3A_1621] : memref<200x8x32x8x128xf32, #tpu.memory_space<hbm>> -> memref<1x1x1x8x128xf32, #tpu.memory_space<hbm>>
        %dma_wait3A_1623 = tpu.memref_squeeze %dma_wait3A_1622 : memref<1x1x1x8x128xf32, #tpu.memory_space<hbm>> -> memref<8x128xf32, #tpu.memory_space<hbm>>
        %dma_wait3A_1624 = arith.constant 0 : i32
        %dma_wait3A_1625 = arith.constant 0 : i32
        %dma_wait3A_1626 = tpu.memref_slice %arg12[%dma_wait3A_1624, %dma_wait3A_1625] : memref<64x128xf32, #tpu.memory_space<vmem>> -> memref<8x128xf32, #tpu.memory_space<vmem>>
        tpu.wait_dma2 semaphore(%arg20 : memref<!tpu.dma_semaphore, #tpu.memory_space<semaphore_mem>>) src(%dma_wait3A_1626 : memref<8x128xf32, #tpu.memory_space<vmem>>) dst(%dma_wait3A_1623 : memref<8x128xf32, #tpu.memory_space<hbm>>)
        %dma_wait3A_1627 = arith.constant 0 : i32
        %dma_wait3A_1628 = arith.constant 0 : i32
        %dma_wait3A_1629 = arith.constant 0 : i32
        %dma_wait3A_1630 = arith.constant 0 : i32
        %dma_wait3A_1631 = arith.constant 0 : i32
        %dma_wait3A_1632 = tpu.memref_slice %arg12[%dma_wait3A_1630, %dma_wait3A_1631] : memref<64x128xf32, #tpu.memory_space<vmem>> -> memref<8x128xf32, #tpu.memory_space<vmem>>
        %dma_wait3A_1633 = arith.constant 0 : i32
        %dma_wait3A_1634 = arith.constant 0 : i32
        %dma_wait3A_1635 = tpu.memref_slice %arg4[%dma_wait3A_1627, %dma_wait3A_1628, %dma_wait3A_1629, %dma_wait3A_1633, %dma_wait3A_1634] : memref<200x8x32x8x128xf32, #tpu.memory_space<hbm>> -> memref<1x1x1x8x128xf32, #tpu.memory_space<hbm>>
        %dma_wait3A_1636 = tpu.memref_squeeze %dma_wait3A_1635 : memref<1x1x1x8x128xf32, #tpu.memory_space<hbm>> -> memref<8x128xf32, #tpu.memory_space<hbm>>
        %dma_wait3A_1637 = arith.constant 0 : i32
        %dma_wait3A_1638 = arith.constant 0 : i32
        %dma_wait3A_1639 = tpu.memref_slice %arg4[%dma_wait3A_1627, %dma_wait3A_1628, %dma_wait3A_1629, %dma_wait3A_1637, %dma_wait3A_1638] : memref<200x8x32x8x128xf32, #tpu.memory_space<hbm>> -> memref<1x1x1x8x128xf32, #tpu.memory_space<hbm>>
        %dma_wait3A_1640 = tpu.memref_squeeze %dma_wait3A_1639 : memref<1x1x1x8x128xf32, #tpu.memory_space<hbm>> -> memref<8x128xf32, #tpu.memory_space<hbm>>
        %dma_wait3A_1641 = arith.constant 0 : i32
        %dma_wait3A_1642 = arith.constant 0 : i32
        %dma_wait3A_1643 = tpu.memref_slice %arg12[%dma_wait3A_1641, %dma_wait3A_1642] : memref<64x128xf32, #tpu.memory_space<vmem>> -> memref<8x128xf32, #tpu.memory_space<vmem>>
        tpu.wait_dma2 semaphore(%arg20 : memref<!tpu.dma_semaphore, #tpu.memory_space<semaphore_mem>>) src(%dma_wait3A_1643 : memref<8x128xf32, #tpu.memory_space<vmem>>) dst(%dma_wait3A_1640 : memref<8x128xf32, #tpu.memory_space<hbm>>)
      } else {
      }
      %parallel_loop3A_1068 = arith.constant 0 : i32
      %parallel_loop3A_1069 = arith.constant 64 : i32
      %parallel_loop3A_1070 = arith.constant 1 : i32
      scf.for %parallel_loop3A_1508 = %parallel_loop3A_1068 to %parallel_loop3A_1069 step %parallel_loop3A_1070  : i32 {
        %parallel_loop3A_1509 = vector.broadcast %parallel_loop3A_1508 : i32 to vector<16xi32>
        %parallel_loop3A_1510 = arith.addi %parallel_loop3A_1509, %add3A_5 : vector<16xi32>
        %parallel_loop3A_1511 = arith.constant 63 : i32
        %parallel_loop3A_1512 = vector.broadcast %parallel_loop3A_1511 : i32 to vector<16xi32>
        %parallel_loop3A_1513 = arith.andi %parallel_loop3A_1510, %parallel_loop3A_1512 : vector<16xi32>
        %parallel_loop3A_1514 = tpu.vector_load_idx %arg8[%add3A_5, %parallel_loop3A_1513] : memref<128x64xf32, #tpu.memory_space<vmem>>[vector<16xi32>, vector<16xi32>], vector<16xf32>,
        tpu.vector_store_idx %arg12[%parallel_loop3A_1513, %add3A_5], %parallel_loop3A_1514 : memref<64x128xf32, #tpu.memory_space<vmem>>[vector<16xi32>, vector<16xi32>], vector<16xf32>,
        %parallel_loop3A_1515 = arith.addi %parallel_loop3A_1509, %add3A_9 : vector<16xi32>
        %parallel_loop3A_1516 = arith.constant 63 : i32
        %parallel_loop3A_1517 = vector.broadcast %parallel_loop3A_1516 : i32 to vector<16xi32>
        %parallel_loop3A_1518 = arith.andi %parallel_loop3A_1515, %parallel_loop3A_1517 : vector<16xi32>
        %parallel_loop3A_1519 = tpu.vector_load_idx %arg8[%add3A_9, %parallel_loop3A_1518] : memref<128x64xf32, #tpu.memory_space<vmem>>[vector<16xi32>, vector<16xi32>], vector<16xf32>,
        tpu.vector_store_idx %arg12[%parallel_loop3A_1518, %add3A_9], %parallel_loop3A_1519 : memref<64x128xf32, #tpu.memory_space<vmem>>[vector<16xi32>, vector<16xi32>], vector<16xf32>,
        %parallel_loop3A_1520 = arith.addi %parallel_loop3A_1509, %add3A_13 : vector<16xi32>
        %parallel_loop3A_1521 = arith.constant 63 : i32
        %parallel_loop3A_1522 = vector.broadcast %parallel_loop3A_1521 : i32 to vector<16xi32>
        %parallel_loop3A_1523 = arith.andi %parallel_loop3A_1520, %parallel_loop3A_1522 : vector<16xi32>
        %parallel_loop3A_1524 = tpu.vector_load_idx %arg8[%add3A_13, %parallel_loop3A_1523] : memref<128x64xf32, #tpu.memory_space<vmem>>[vector<16xi32>, vector<16xi32>], vector<16xf32>,
        tpu.vector_store_idx %arg12[%parallel_loop3A_1523, %add3A_13], %parallel_loop3A_1524 : memref<64x128xf32, #tpu.memory_space<vmem>>[vector<16xi32>, vector<16xi32>], vector<16xf32>,
        %parallel_loop3A_1525 = arith.addi %parallel_loop3A_1509, %add3A_17 : vector<16xi32>
        %parallel_loop3A_1526 = arith.constant 63 : i32
        %parallel_loop3A_1527 = vector.broadcast %parallel_loop3A_1526 : i32 to vector<16xi32>
        %parallel_loop3A_1528 = arith.andi %parallel_loop3A_1525, %parallel_loop3A_1527 : vector<16xi32>
        %parallel_loop3A_1529 = tpu.vector_load_idx %arg8[%add3A_17, %parallel_loop3A_1528] : memref<128x64xf32, #tpu.memory_space<vmem>>[vector<16xi32>, vector<16xi32>], vector<16xf32>,
        tpu.vector_store_idx %arg12[%parallel_loop3A_1528, %add3A_17], %parallel_loop3A_1529 : memref<64x128xf32, #tpu.memory_space<vmem>>[vector<16xi32>, vector<16xi32>], vector<16xf32>,
        %parallel_loop3A_1530 = arith.addi %parallel_loop3A_1509, %add3A_21 : vector<16xi32>
        %parallel_loop3A_1531 = arith.constant 63 : i32
        %parallel_loop3A_1532 = vector.broadcast %parallel_loop3A_1531 : i32 to vector<16xi32>
        %parallel_loop3A_1533 = arith.andi %parallel_loop3A_1530, %parallel_loop3A_1532 : vector<16xi32>
        %parallel_loop3A_1534 = tpu.vector_load_idx %arg8[%add3A_21, %parallel_loop3A_1533] : memref<128x64xf32, #tpu.memory_space<vmem>>[vector<16xi32>, vector<16xi32>], vector<16xf32>,
        tpu.vector_store_idx %arg12[%parallel_loop3A_1533, %add3A_21], %parallel_loop3A_1534 : memref<64x128xf32, #tpu.memory_space<vmem>>[vector<16xi32>, vector<16xi32>], vector<16xf32>,
        %parallel_loop3A_1535 = arith.addi %parallel_loop3A_1509, %add3A_25 : vector<16xi32>
        %parallel_loop3A_1536 = arith.constant 63 : i32
        %parallel_loop3A_1537 = vector.broadcast %parallel_loop3A_1536 : i32 to vector<16xi32>
        %parallel_loop3A_1538 = arith.andi %parallel_loop3A_1535, %parallel_loop3A_1537 : vector<16xi32>
        %parallel_loop3A_1539 = tpu.vector_load_idx %arg8[%add3A_25, %parallel_loop3A_1538] : memref<128x64xf32, #tpu.memory_space<vmem>>[vector<16xi32>, vector<16xi32>], vector<16xf32>,
        tpu.vector_store_idx %arg12[%parallel_loop3A_1538, %add3A_25], %parallel_loop3A_1539 : memref<64x128xf32, #tpu.memory_space<vmem>>[vector<16xi32>, vector<16xi32>], vector<16xf32>,
        %parallel_loop3A_1540 = arith.addi %parallel_loop3A_1509, %add3A_29 : vector<16xi32>
        %parallel_loop3A_1541 = arith.constant 63 : i32
        %parallel_loop3A_1542 = vector.broadcast %parallel_loop3A_1541 : i32 to vector<16xi32>
        %parallel_loop3A_1543 = arith.andi %parallel_loop3A_1540, %parallel_loop3A_1542 : vector<16xi32>
        %parallel_loop3A_1544 = tpu.vector_load_idx %arg8[%add3A_29, %parallel_loop3A_1543] : memref<128x64xf32, #tpu.memory_space<vmem>>[vector<16xi32>, vector<16xi32>], vector<16xf32>,
        tpu.vector_store_idx %arg12[%parallel_loop3A_1543, %add3A_29], %parallel_loop3A_1544 : memref<64x128xf32, #tpu.memory_space<vmem>>[vector<16xi32>, vector<16xi32>], vector<16xf32>,
        %parallel_loop3A_1545 = arith.addi %parallel_loop3A_1509, %add3A_33 : vector<16xi32>
        %parallel_loop3A_1546 = arith.constant 63 : i32
        %parallel_loop3A_1547 = vector.broadcast %parallel_loop3A_1546 : i32 to vector<16xi32>
        %parallel_loop3A_1548 = arith.andi %parallel_loop3A_1545, %parallel_loop3A_1547 : vector<16xi32>
        %parallel_loop3A_1549 = tpu.vector_load_idx %arg8[%add3A_33, %parallel_loop3A_1548] : memref<128x64xf32, #tpu.memory_space<vmem>>[vector<16xi32>, vector<16xi32>], vector<16xf32>,
        tpu.vector_store_idx %arg12[%parallel_loop3A_1548, %add3A_33], %parallel_loop3A_1549 : memref<64x128xf32, #tpu.memory_space<vmem>>[vector<16xi32>, vector<16xi32>], vector<16xf32>,
      } {sc.loop_unroll_factor = 8 : i64, sc.parallel_access}
      %add3A_1071 = arith.addi %mul3A_2, %add3A_1055 : i32
      %jit3A_1072 = arith.constant 256 : i32
      %div3A_1073 = arith.divsi %add3A_1071, %jit3A_1072 : i32
      %sign3A_1074 = arith.constant 0 : i32
      %sign3A_1075 = arith.cmpi sgt, %add3A_1071, %sign3A_1074 : i32
      %sign3A_1076 = arith.extui %sign3A_1075 : i1 to i32
      %sign3A_1077 = arith.constant 0 : i32
      %sign3A_1078 = arith.cmpi slt, %add3A_1071, %sign3A_1077 : i32
      %sign3A_1079 = arith.extui %sign3A_1078 : i1 to i32
      %sign3A_1080 = arith.subi %sign3A_1076, %sign3A_1079 : i32
      %sign3A_1081 = arith.constant 0 : i32
      %sign3A_1082 = arith.cmpi sgt, %jit3A_1072, %sign3A_1081 : i32
      %sign3A_1083 = arith.extui %sign3A_1082 : i1 to i32
      %sign3A_1084 = arith.constant 0 : i32
      %sign3A_1085 = arith.cmpi slt, %jit3A_1072, %sign3A_1084 : i32
      %sign3A_1086 = arith.extui %sign3A_1085 : i1 to i32
      %sign3A_1087 = arith.subi %sign3A_1083, %sign3A_1086 : i32
      %ne3A_1088 = arith.cmpi ne, %sign3A_1080, %sign3A_1087 : i32
      %rem3A_1089 = arith.remsi %add3A_1071, %jit3A_1072 : i32
      %ne3A_1090 = arith.constant 0 : i32
      %ne3A_1091 = arith.cmpi ne, %rem3A_1089, %ne3A_1090 : i32
      %and3A_1092 = arith.andi %ne3A_1088, %ne3A_1091 : i1
      %sub3A_1093 = arith.constant 1 : i32
      %sub3A_1094 = arith.subi %div3A_1073, %sub3A_1093 : i32
      %select_n3A_1095 = arith.select %and3A_1092, %sub3A_1094, %div3A_1073 : i32
      %jit3A_1096 = arith.constant 256 : i32
      %eq3A_1097 = arith.constant 0 : i32
      %eq3A_1098 = arith.cmpi eq, %jit3A_1096, %eq3A_1097 : i32
      %jit3A_1099 = arith.constant 1 : i32
      %select_n3A_1100 = arith.select %eq3A_1098, %jit3A_1099, %jit3A_1096 : i32
      %rem3A_1101 = arith.remsi %add3A_1071, %select_n3A_1100 : i32
      %ne3A_1102 = arith.constant 0 : i32
      %ne3A_1103 = arith.cmpi ne, %rem3A_1101, %ne3A_1102 : i32
      %lt3A_1104 = arith.constant 0 : i32
      %lt3A_1105 = arith.cmpi slt, %rem3A_1101, %lt3A_1104 : i32
      %lt3A_1106 = arith.constant 0 : i32
      %lt3A_1107 = arith.cmpi slt, %select_n3A_1100, %lt3A_1106 : i32
      %ne3A_1108 = arith.xori %lt3A_1105, %lt3A_1107 : i1
      %and3A_1109 = arith.andi %ne3A_1108, %ne3A_1103 : i1
      %add3A_1110 = arith.addi %rem3A_1101, %select_n3A_1100 : i32
      %select_n3A_1111 = arith.select %and3A_1109, %add3A_1110, %rem3A_1101 : i32
      %jit3A_1112 = arith.constant 8 : i32
      %div3A_1113 = arith.divsi %select_n3A_1111, %jit3A_1112 : i32
      %sign3A_1114 = arith.constant 0 : i32
      %sign3A_1115 = arith.cmpi sgt, %select_n3A_1111, %sign3A_1114 : i32
      %sign3A_1116 = arith.extui %sign3A_1115 : i1 to i32
      %sign3A_1117 = arith.constant 0 : i32
      %sign3A_1118 = arith.cmpi slt, %select_n3A_1111, %sign3A_1117 : i32
      %sign3A_1119 = arith.extui %sign3A_1118 : i1 to i32
      %sign3A_1120 = arith.subi %sign3A_1116, %sign3A_1119 : i32
      %sign3A_1121 = arith.constant 0 : i32
      %sign3A_1122 = arith.cmpi sgt, %jit3A_1112, %sign3A_1121 : i32
      %sign3A_1123 = arith.extui %sign3A_1122 : i1 to i32
      %sign3A_1124 = arith.constant 0 : i32
      %sign3A_1125 = arith.cmpi slt, %jit3A_1112, %sign3A_1124 : i32
      %sign3A_1126 = arith.extui %sign3A_1125 : i1 to i32
      %sign3A_1127 = arith.subi %sign3A_1123, %sign3A_1126 : i32
      %ne3A_1128 = arith.cmpi ne, %sign3A_1120, %sign3A_1127 : i32
      %rem3A_1129 = arith.remsi %select_n3A_1111, %jit3A_1112 : i32
      %ne3A_1130 = arith.constant 0 : i32
      %ne3A_1131 = arith.cmpi ne, %rem3A_1129, %ne3A_1130 : i32
      %and3A_1132 = arith.andi %ne3A_1128, %ne3A_1131 : i1
      %sub3A_1133 = arith.constant 1 : i32
      %sub3A_1134 = arith.subi %div3A_1113, %sub3A_1133 : i32
      %select_n3A_1135 = arith.select %and3A_1132, %sub3A_1134, %div3A_1113 : i32
      %mul3A_1136 = arith.constant 8 : i32
      %mul3A_1137 = arith.muli %select_n3A_1095, %mul3A_1136 : i32
      %jit3A_1138 = arith.constant 8 : i32
      %eq3A_1139 = arith.constant 0 : i32
      %eq3A_1140 = arith.cmpi eq, %jit3A_1138, %eq3A_1139 : i32
      %jit3A_1141 = arith.constant 1 : i32
      %select_n3A_1142 = arith.select %eq3A_1140, %jit3A_1141, %jit3A_1138 : i32
      %rem3A_1143 = arith.remsi %select_n3A_1111, %select_n3A_1142 : i32
      %ne3A_1144 = arith.constant 0 : i32
      %ne3A_1145 = arith.cmpi ne, %rem3A_1143, %ne3A_1144 : i32
      %lt3A_1146 = arith.constant 0 : i32
      %lt3A_1147 = arith.cmpi slt, %rem3A_1143, %lt3A_1146 : i32
      %lt3A_1148 = arith.constant 0 : i32
      %lt3A_1149 = arith.cmpi slt, %select_n3A_1142, %lt3A_1148 : i32
      %ne3A_1150 = arith.xori %lt3A_1147, %lt3A_1149 : i1
      %and3A_1151 = arith.andi %ne3A_1150, %ne3A_1145 : i1
      %add3A_1152 = arith.addi %rem3A_1143, %select_n3A_1142 : i32
      %select_n3A_1153 = arith.select %and3A_1151, %add3A_1152, %rem3A_1143 : i32
      %add3A_1154 = arith.addi %mul3A_1137, %select_n3A_1153 : i32
      %dma_start3A_1155 = arith.constant 0 : i32
      %dma_start3A_1156 = arith.constant 0 : i32
      %dma_start3A_1157 = arith.constant 0 : i32
      %dma_start3A_1158 = tpu.memref_slice %arg12[%dma_start3A_1156, %dma_start3A_1157] : memref<64x128xf32, #tpu.memory_space<vmem>> -> memref<8x128xf32, #tpu.memory_space<vmem>>
      %dma_start3A_1159 = arith.constant 0 : i32
      %dma_start3A_1160 = arith.constant 0 : i32
      %dma_start3A_1161 = tpu.memref_slice %arg4[%add3A_1154, %dma_start3A_1155, %select_n3A_1135, %dma_start3A_1159, %dma_start3A_1160] : memref<200x8x32x8x128xf32, #tpu.memory_space<hbm>> -> memref<1x1x1x8x128xf32, #tpu.memory_space<hbm>>
      %dma_start3A_1162 = tpu.memref_squeeze %dma_start3A_1161 : memref<1x1x1x8x128xf32, #tpu.memory_space<hbm>> -> memref<8x128xf32, #tpu.memory_space<hbm>>
      %dma_start3A_1163 = arith.constant 0 : i32
      %dma_start3A_1164 = arith.constant 0 : i32
      %dma_start3A_1165 = tpu.memref_slice %arg4[%add3A_1154, %dma_start3A_1155, %select_n3A_1135, %dma_start3A_1163, %dma_start3A_1164] : memref<200x8x32x8x128xf32, #tpu.memory_space<hbm>> -> memref<1x1x1x8x128xf32, #tpu.memory_space<hbm>>
      %dma_start3A_1166 = tpu.memref_squeeze %dma_start3A_1165 : memref<1x1x1x8x128xf32, #tpu.memory_space<hbm>> -> memref<8x128xf32, #tpu.memory_space<hbm>>
      %dma_start3A_1167 = arith.constant 0 : i32
      %dma_start3A_1168 = arith.constant 0 : i32
      %dma_start3A_1169 = tpu.memref_slice %arg12[%dma_start3A_1167, %dma_start3A_1168] : memref<64x128xf32, #tpu.memory_space<vmem>> -> memref<8x128xf32, #tpu.memory_space<vmem>>
      tpu.enqueue_dma source(%dma_start3A_1169 : memref<8x128xf32, #tpu.memory_space<vmem>>) target(%dma_start3A_1166 : memref<8x128xf32, #tpu.memory_space<hbm>>) target_semaphore(%arg20 : memref<!tpu.dma_semaphore, #tpu.memory_space<semaphore_mem>>)
      %dma_start3A_1170 = arith.constant 1 : i32
      %dma_start3A_1171 = arith.constant 8 : i32
      %dma_start3A_1172 = arith.constant 0 : i32
      %dma_start3A_1173 = tpu.memref_slice %arg12[%dma_start3A_1171, %dma_start3A_1172] : memref<64x128xf32, #tpu.memory_space<vmem>> -> memref<8x128xf32, #tpu.memory_space<vmem>>
      %dma_start3A_1174 = arith.constant 0 : i32
      %dma_start3A_1175 = arith.constant 0 : i32
      %dma_start3A_1176 = tpu.memref_slice %arg4[%add3A_1154, %dma_start3A_1170, %select_n3A_1135, %dma_start3A_1174, %dma_start3A_1175] : memref<200x8x32x8x128xf32, #tpu.memory_space<hbm>> -> memref<1x1x1x8x128xf32, #tpu.memory_space<hbm>>
      %dma_start3A_1177 = tpu.memref_squeeze %dma_start3A_1176 : memref<1x1x1x8x128xf32, #tpu.memory_space<hbm>> -> memref<8x128xf32, #tpu.memory_space<hbm>>
      %dma_start3A_1178 = arith.constant 0 : i32
      %dma_start3A_1179 = arith.constant 0 : i32
      %dma_start3A_1180 = tpu.memref_slice %arg4[%add3A_1154, %dma_start3A_1170, %select_n3A_1135, %dma_start3A_1178, %dma_start3A_1179] : memref<200x8x32x8x128xf32, #tpu.memory_space<hbm>> -> memref<1x1x1x8x128xf32, #tpu.memory_space<hbm>>
      %dma_start3A_1181 = tpu.memref_squeeze %dma_start3A_1180 : memref<1x1x1x8x128xf32, #tpu.memory_space<hbm>> -> memref<8x128xf32, #tpu.memory_space<hbm>>
      %dma_start3A_1182 = arith.constant 8 : i32
      %dma_start3A_1183 = arith.constant 0 : i32
      %dma_start3A_1184 = tpu.memref_slice %arg12[%dma_start3A_1182, %dma_start3A_1183] : memref<64x128xf32, #tpu.memory_space<vmem>> -> memref<8x128xf32, #tpu.memory_space<vmem>>
      tpu.enqueue_dma source(%dma_start3A_1184 : memref<8x128xf32, #tpu.memory_space<vmem>>) target(%dma_start3A_1181 : memref<8x128xf32, #tpu.memory_space<hbm>>) target_semaphore(%arg20 : memref<!tpu.dma_semaphore, #tpu.memory_space<semaphore_mem>>)
      %dma_start3A_1185 = arith.constant 2 : i32
      %dma_start3A_1186 = arith.constant 16 : i32
      %dma_start3A_1187 = arith.constant 0 : i32
      %dma_start3A_1188 = tpu.memref_slice %arg12[%dma_start3A_1186, %dma_start3A_1187] : memref<64x128xf32, #tpu.memory_space<vmem>> -> memref<8x128xf32, #tpu.memory_space<vmem>>
      %dma_start3A_1189 = arith.constant 0 : i32
      %dma_start3A_1190 = arith.constant 0 : i32
      %dma_start3A_1191 = tpu.memref_slice %arg4[%add3A_1154, %dma_start3A_1185, %select_n3A_1135, %dma_start3A_1189, %dma_start3A_1190] : memref<200x8x32x8x128xf32, #tpu.memory_space<hbm>> -> memref<1x1x1x8x128xf32, #tpu.memory_space<hbm>>
      %dma_start3A_1192 = tpu.memref_squeeze %dma_start3A_1191 : memref<1x1x1x8x128xf32, #tpu.memory_space<hbm>> -> memref<8x128xf32, #tpu.memory_space<hbm>>
      %dma_start3A_1193 = arith.constant 0 : i32
      %dma_start3A_1194 = arith.constant 0 : i32
      %dma_start3A_1195 = tpu.memref_slice %arg4[%add3A_1154, %dma_start3A_1185, %select_n3A_1135, %dma_start3A_1193, %dma_start3A_1194] : memref<200x8x32x8x128xf32, #tpu.memory_space<hbm>> -> memref<1x1x1x8x128xf32, #tpu.memory_space<hbm>>
      %dma_start3A_1196 = tpu.memref_squeeze %dma_start3A_1195 : memref<1x1x1x8x128xf32, #tpu.memory_space<hbm>> -> memref<8x128xf32, #tpu.memory_space<hbm>>
      %dma_start3A_1197 = arith.constant 16 : i32
      %dma_start3A_1198 = arith.constant 0 : i32
      %dma_start3A_1199 = tpu.memref_slice %arg12[%dma_start3A_1197, %dma_start3A_1198] : memref<64x128xf32, #tpu.memory_space<vmem>> -> memref<8x128xf32, #tpu.memory_space<vmem>>
      tpu.enqueue_dma source(%dma_start3A_1199 : memref<8x128xf32, #tpu.memory_space<vmem>>) target(%dma_start3A_1196 : memref<8x128xf32, #tpu.memory_space<hbm>>) target_semaphore(%arg20 : memref<!tpu.dma_semaphore, #tpu.memory_space<semaphore_mem>>)
      %dma_start3A_1200 = arith.constant 3 : i32
      %dma_start3A_1201 = arith.constant 24 : i32
      %dma_start3A_1202 = arith.constant 0 : i32
      %dma_start3A_1203 = tpu.memref_slice %arg12[%dma_start3A_1201, %dma_start3A_1202] : memref<64x128xf32, #tpu.memory_space<vmem>> -> memref<8x128xf32, #tpu.memory_space<vmem>>
      %dma_start3A_1204 = arith.constant 0 : i32
      %dma_start3A_1205 = arith.constant 0 : i32
      %dma_start3A_1206 = tpu.memref_slice %arg4[%add3A_1154, %dma_start3A_1200, %select_n3A_1135, %dma_start3A_1204, %dma_start3A_1205] : memref<200x8x32x8x128xf32, #tpu.memory_space<hbm>> -> memref<1x1x1x8x128xf32, #tpu.memory_space<hbm>>
      %dma_start3A_1207 = tpu.memref_squeeze %dma_start3A_1206 : memref<1x1x1x8x128xf32, #tpu.memory_space<hbm>> -> memref<8x128xf32, #tpu.memory_space<hbm>>
      %dma_start3A_1208 = arith.constant 0 : i32
      %dma_start3A_1209 = arith.constant 0 : i32
      %dma_start3A_1210 = tpu.memref_slice %arg4[%add3A_1154, %dma_start3A_1200, %select_n3A_1135, %dma_start3A_1208, %dma_start3A_1209] : memref<200x8x32x8x128xf32, #tpu.memory_space<hbm>> -> memref<1x1x1x8x128xf32, #tpu.memory_space<hbm>>
      %dma_start3A_1211 = tpu.memref_squeeze %dma_start3A_1210 : memref<1x1x1x8x128xf32, #tpu.memory_space<hbm>> -> memref<8x128xf32, #tpu.memory_space<hbm>>
      %dma_start3A_1212 = arith.constant 24 : i32
      %dma_start3A_1213 = arith.constant 0 : i32
      %dma_start3A_1214 = tpu.memref_slice %arg12[%dma_start3A_1212, %dma_start3A_1213] : memref<64x128xf32, #tpu.memory_space<vmem>> -> memref<8x128xf32, #tpu.memory_space<vmem>>
      tpu.enqueue_dma source(%dma_start3A_1214 : memref<8x128xf32, #tpu.memory_space<vmem>>) target(%dma_start3A_1211 : memref<8x128xf32, #tpu.memory_space<hbm>>) target_semaphore(%arg20 : memref<!tpu.dma_semaphore, #tpu.memory_space<semaphore_mem>>)
      %dma_start3A_1215 = arith.constant 4 : i32
      %dma_start3A_1216 = arith.constant 32 : i32
      %dma_start3A_1217 = arith.constant 0 : i32
      %dma_start3A_1218 = tpu.memref_slice %arg12[%dma_start3A_1216, %dma_start3A_1217] : memref<64x128xf32, #tpu.memory_space<vmem>> -> memref<8x128xf32, #tpu.memory_space<vmem>>
      %dma_start3A_1219 = arith.constant 0 : i32
      %dma_start3A_1220 = arith.constant 0 : i32
      %dma_start3A_1221 = tpu.memref_slice %arg4[%add3A_1154, %dma_start3A_1215, %select_n3A_1135, %dma_start3A_1219, %dma_start3A_1220] : memref<200x8x32x8x128xf32, #tpu.memory_space<hbm>> -> memref<1x1x1x8x128xf32, #tpu.memory_space<hbm>>
      %dma_start3A_1222 = tpu.memref_squeeze %dma_start3A_1221 : memref<1x1x1x8x128xf32, #tpu.memory_space<hbm>> -> memref<8x128xf32, #tpu.memory_space<hbm>>
      %dma_start3A_1223 = arith.constant 0 : i32
      %dma_start3A_1224 = arith.constant 0 : i32
      %dma_start3A_1225 = tpu.memref_slice %arg4[%add3A_1154, %dma_start3A_1215, %select_n3A_1135, %dma_start3A_1223, %dma_start3A_1224] : memref<200x8x32x8x128xf32, #tpu.memory_space<hbm>> -> memref<1x1x1x8x128xf32, #tpu.memory_space<hbm>>
      %dma_start3A_1226 = tpu.memref_squeeze %dma_start3A_1225 : memref<1x1x1x8x128xf32, #tpu.memory_space<hbm>> -> memref<8x128xf32, #tpu.memory_space<hbm>>
      %dma_start3A_1227 = arith.constant 32 : i32
      %dma_start3A_1228 = arith.constant 0 : i32
      %dma_start3A_1229 = tpu.memref_slice %arg12[%dma_start3A_1227, %dma_start3A_1228] : memref<64x128xf32, #tpu.memory_space<vmem>> -> memref<8x128xf32, #tpu.memory_space<vmem>>
      tpu.enqueue_dma source(%dma_start3A_1229 : memref<8x128xf32, #tpu.memory_space<vmem>>) target(%dma_start3A_1226 : memref<8x128xf32, #tpu.memory_space<hbm>>) target_semaphore(%arg20 : memref<!tpu.dma_semaphore, #tpu.memory_space<semaphore_mem>>)
      %dma_start3A_1230 = arith.constant 5 : i32
      %dma_start3A_1231 = arith.constant 40 : i32
      %dma_start3A_1232 = arith.constant 0 : i32
      %dma_start3A_1233 = tpu.memref_slice %arg12[%dma_start3A_1231, %dma_start3A_1232] : memref<64x128xf32, #tpu.memory_space<vmem>> -> memref<8x128xf32, #tpu.memory_space<vmem>>
      %dma_start3A_1234 = arith.constant 0 : i32
      %dma_start3A_1235 = arith.constant 0 : i32
      %dma_start3A_1236 = tpu.memref_slice %arg4[%add3A_1154, %dma_start3A_1230, %select_n3A_1135, %dma_start3A_1234, %dma_start3A_1235] : memref<200x8x32x8x128xf32, #tpu.memory_space<hbm>> -> memref<1x1x1x8x128xf32, #tpu.memory_space<hbm>>
      %dma_start3A_1237 = tpu.memref_squeeze %dma_start3A_1236 : memref<1x1x1x8x128xf32, #tpu.memory_space<hbm>> -> memref<8x128xf32, #tpu.memory_space<hbm>>
      %dma_start3A_1238 = arith.constant 0 : i32
      %dma_start3A_1239 = arith.constant 0 : i32
      %dma_start3A_1240 = tpu.memref_slice %arg4[%add3A_1154, %dma_start3A_1230, %select_n3A_1135, %dma_start3A_1238, %dma_start3A_1239] : memref<200x8x32x8x128xf32, #tpu.memory_space<hbm>> -> memref<1x1x1x8x128xf32, #tpu.memory_space<hbm>>
      %dma_start3A_1241 = tpu.memref_squeeze %dma_start3A_1240 : memref<1x1x1x8x128xf32, #tpu.memory_space<hbm>> -> memref<8x128xf32, #tpu.memory_space<hbm>>
      %dma_start3A_1242 = arith.constant 40 : i32
      %dma_start3A_1243 = arith.constant 0 : i32
      %dma_start3A_1244 = tpu.memref_slice %arg12[%dma_start3A_1242, %dma_start3A_1243] : memref<64x128xf32, #tpu.memory_space<vmem>> -> memref<8x128xf32, #tpu.memory_space<vmem>>
      tpu.enqueue_dma source(%dma_start3A_1244 : memref<8x128xf32, #tpu.memory_space<vmem>>) target(%dma_start3A_1241 : memref<8x128xf32, #tpu.memory_space<hbm>>) target_semaphore(%arg20 : memref<!tpu.dma_semaphore, #tpu.memory_space<semaphore_mem>>)
      %dma_start3A_1245 = arith.constant 6 : i32
      %dma_start3A_1246 = arith.constant 48 : i32
      %dma_start3A_1247 = arith.constant 0 : i32
      %dma_start3A_1248 = tpu.memref_slice %arg12[%dma_start3A_1246, %dma_start3A_1247] : memref<64x128xf32, #tpu.memory_space<vmem>> -> memref<8x128xf32, #tpu.memory_space<vmem>>
      %dma_start3A_1249 = arith.constant 0 : i32
      %dma_start3A_1250 = arith.constant 0 : i32
      %dma_start3A_1251 = tpu.memref_slice %arg4[%add3A_1154, %dma_start3A_1245, %select_n3A_1135, %dma_start3A_1249, %dma_start3A_1250] : memref<200x8x32x8x128xf32, #tpu.memory_space<hbm>> -> memref<1x1x1x8x128xf32, #tpu.memory_space<hbm>>
      %dma_start3A_1252 = tpu.memref_squeeze %dma_start3A_1251 : memref<1x1x1x8x128xf32, #tpu.memory_space<hbm>> -> memref<8x128xf32, #tpu.memory_space<hbm>>
      %dma_start3A_1253 = arith.constant 0 : i32
      %dma_start3A_1254 = arith.constant 0 : i32
      %dma_start3A_1255 = tpu.memref_slice %arg4[%add3A_1154, %dma_start3A_1245, %select_n3A_1135, %dma_start3A_1253, %dma_start3A_1254] : memref<200x8x32x8x128xf32, #tpu.memory_space<hbm>> -> memref<1x1x1x8x128xf32, #tpu.memory_space<hbm>>
      %dma_start3A_1256 = tpu.memref_squeeze %dma_start3A_1255 : memref<1x1x1x8x128xf32, #tpu.memory_space<hbm>> -> memref<8x128xf32, #tpu.memory_space<hbm>>
      %dma_start3A_1257 = arith.constant 48 : i32
      %dma_start3A_1258 = arith.constant 0 : i32
      %dma_start3A_1259 = tpu.memref_slice %arg12[%dma_start3A_1257, %dma_start3A_1258] : memref<64x128xf32, #tpu.memory_space<vmem>> -> memref<8x128xf32, #tpu.memory_space<vmem>>
      tpu.enqueue_dma source(%dma_start3A_1259 : memref<8x128xf32, #tpu.memory_space<vmem>>) target(%dma_start3A_1256 : memref<8x128xf32, #tpu.memory_space<hbm>>) target_semaphore(%arg20 : memref<!tpu.dma_semaphore, #tpu.memory_space<semaphore_mem>>)
      %dma_start3A_1260 = arith.constant 7 : i32
      %dma_start3A_1261 = arith.constant 56 : i32
      %dma_start3A_1262 = arith.constant 0 : i32
      %dma_start3A_1263 = tpu.memref_slice %arg12[%dma_start3A_1261, %dma_start3A_1262] : memref<64x128xf32, #tpu.memory_space<vmem>> -> memref<8x128xf32, #tpu.memory_space<vmem>>
      %dma_start3A_1264 = arith.constant 0 : i32
      %dma_start3A_1265 = arith.constant 0 : i32
      %dma_start3A_1266 = tpu.memref_slice %arg4[%add3A_1154, %dma_start3A_1260, %select_n3A_1135, %dma_start3A_1264, %dma_start3A_1265] : memref<200x8x32x8x128xf32, #tpu.memory_space<hbm>> -> memref<1x1x1x8x128xf32, #tpu.memory_space<hbm>>
      %dma_start3A_1267 = tpu.memref_squeeze %dma_start3A_1266 : memref<1x1x1x8x128xf32, #tpu.memory_space<hbm>> -> memref<8x128xf32, #tpu.memory_space<hbm>>
      %dma_start3A_1268 = arith.constant 0 : i32
      %dma_start3A_1269 = arith.constant 0 : i32
      %dma_start3A_1270 = tpu.memref_slice %arg4[%add3A_1154, %dma_start3A_1260, %select_n3A_1135, %dma_start3A_1268, %dma_start3A_1269] : memref<200x8x32x8x128xf32, #tpu.memory_space<hbm>> -> memref<1x1x1x8x128xf32, #tpu.memory_space<hbm>>
      %dma_start3A_1271 = tpu.memref_squeeze %dma_start3A_1270 : memref<1x1x1x8x128xf32, #tpu.memory_space<hbm>> -> memref<8x128xf32, #tpu.memory_space<hbm>>
      %dma_start3A_1272 = arith.constant 56 : i32
      %dma_start3A_1273 = arith.constant 0 : i32
      %dma_start3A_1274 = tpu.memref_slice %arg12[%dma_start3A_1272, %dma_start3A_1273] : memref<64x128xf32, #tpu.memory_space<vmem>> -> memref<8x128xf32, #tpu.memory_space<vmem>>
      tpu.enqueue_dma source(%dma_start3A_1274 : memref<8x128xf32, #tpu.memory_space<vmem>>) target(%dma_start3A_1271 : memref<8x128xf32, #tpu.memory_space<hbm>>) target_semaphore(%arg20 : memref<!tpu.dma_semaphore, #tpu.memory_space<semaphore_mem>>)
      %lt3A_1275 = arith.constant 196 : i32
      %lt3A_1276 = arith.cmpi slt, %add3A_1055, %lt3A_1275 : i32
      %convert_element_type3A_1277 = arith.extui %lt3A_1276 : i1 to i32
      %cond3A_1278 = arith.constant 0 : i32
      %cond3A_1279 = arith.cmpi ne, %convert_element_type3A_1277, %cond3A_1278 : i32
      scf.if %cond3A_1279 {
        %add3A_1508 = arith.constant 4 : i32
        %add3A_1509 = arith.addi %add3A_1055, %add3A_1508 : i32
        %dma_start3A_1510 = arith.constant 0 : i32
        %dma_start3A_1511 = tpu.memref_slice %arg5[%add3A_1509, %dma_start3A_1510] : memref<200x128xi32, #tpu.memory_space<vmem>> -> memref<1x128xi32, #tpu.memory_space<vmem>>
        %dma_start3A_1512 = tpu.memref_squeeze %dma_start3A_1511 : memref<1x128xi32, #tpu.memory_space<vmem>> -> memref<128xi32, #tpu.memory_space<vmem>>
        %dma_start3A_1513 = arith.constant 0 : i32
        %dma_start3A_1514 = arith.constant 0 : i32
        %dma_start3A_1515 = tpu.memref_slice %arg2[%dma_start3A_1513, %dma_start3A_1514] : memref<100000x64xf32, #tpu.memory_space<hbm>> -> memref<100000x64xf32, #tpu.memory_space<hbm>>
        tpu.enqueue_indirect_dma source(%dma_start3A_1515 : memref<100000x64xf32, #tpu.memory_space<hbm>>) target(%arg8 : memref<128x64xf32, #tpu.memory_space<vmem>>) offsets(%dma_start3A_1512 : memref<128xi32, #tpu.memory_space<vmem>>) semaphore(%arg16 : memref<!tpu.dma_semaphore, #tpu.memory_space<semaphore_mem>>)
      } else {
      }
      %mul3A_1280 = arith.constant 4 : i32
      %mul3A_1281 = arith.muli %scan3A_609, %mul3A_1280 : i32
      %add3A_1282 = arith.constant 3 : i32
      %add3A_1283 = arith.addi %mul3A_1281, %add3A_1282 : i32
      %dma_wait3A_1284 = arith.constant 0 : i32
      %dma_wait3A_1285 = arith.constant 0 : i32
      %dma_wait3A_1286 = tpu.memref_slice %arg5[%dma_wait3A_1284, %dma_wait3A_1285] : memref<200x128xi32, #tpu.memory_space<vmem>> -> memref<1x128xi32, #tpu.memory_space<vmem>>
      %dma_wait3A_1287 = tpu.memref_squeeze %dma_wait3A_1286 : memref<1x128xi32, #tpu.memory_space<vmem>> -> memref<128xi32, #tpu.memory_space<vmem>>
      %dma_wait3A_1288 = arith.constant 0 : i32
      %dma_wait3A_1289 = arith.constant 0 : i32
      %dma_wait3A_1290 = tpu.memref_slice %arg2[%dma_wait3A_1288, %dma_wait3A_1289] : memref<100000x64xf32, #tpu.memory_space<hbm>> -> memref<100000x64xf32, #tpu.memory_space<hbm>>
      tpu.wait_indirect_dma semaphore(%arg17 : memref<!tpu.dma_semaphore, #tpu.memory_space<semaphore_mem>>) src(%dma_wait3A_1290 : memref<100000x64xf32, #tpu.memory_space<hbm>>) dst(%arg9 : memref<128x64xf32, #tpu.memory_space<vmem>>)
      %ge3A_1291 = arith.constant 4 : i32
      %ge3A_1292 = arith.cmpi sge, %add3A_1283, %ge3A_1291 : i32
      %convert_element_type3A_1293 = arith.extui %ge3A_1292 : i1 to i32
      %cond3A_1294 = arith.constant 0 : i32
      %cond3A_1295 = arith.cmpi ne, %convert_element_type3A_1293, %cond3A_1294 : i32
      scf.if %cond3A_1295 {
        %dma_wait3A_1508 = arith.constant 0 : i32
        %dma_wait3A_1509 = arith.constant 0 : i32
        %dma_wait3A_1510 = arith.constant 0 : i32
        %dma_wait3A_1511 = arith.constant 0 : i32
        %dma_wait3A_1512 = arith.constant 0 : i32
        %dma_wait3A_1513 = tpu.memref_slice %arg13[%dma_wait3A_1511, %dma_wait3A_1512] : memref<64x128xf32, #tpu.memory_space<vmem>> -> memref<8x128xf32, #tpu.memory_space<vmem>>
        %dma_wait3A_1514 = arith.constant 0 : i32
        %dma_wait3A_1515 = arith.constant 0 : i32
        %dma_wait3A_1516 = tpu.memref_slice %arg4[%dma_wait3A_1508, %dma_wait3A_1509, %dma_wait3A_1510, %dma_wait3A_1514, %dma_wait3A_1515] : memref<200x8x32x8x128xf32, #tpu.memory_space<hbm>> -> memref<1x1x1x8x128xf32, #tpu.memory_space<hbm>>
        %dma_wait3A_1517 = tpu.memref_squeeze %dma_wait3A_1516 : memref<1x1x1x8x128xf32, #tpu.memory_space<hbm>> -> memref<8x128xf32, #tpu.memory_space<hbm>>
        %dma_wait3A_1518 = arith.constant 0 : i32
        %dma_wait3A_1519 = arith.constant 0 : i32
        %dma_wait3A_1520 = tpu.memref_slice %arg4[%dma_wait3A_1508, %dma_wait3A_1509, %dma_wait3A_1510, %dma_wait3A_1518, %dma_wait3A_1519] : memref<200x8x32x8x128xf32, #tpu.memory_space<hbm>> -> memref<1x1x1x8x128xf32, #tpu.memory_space<hbm>>
        %dma_wait3A_1521 = tpu.memref_squeeze %dma_wait3A_1520 : memref<1x1x1x8x128xf32, #tpu.memory_space<hbm>> -> memref<8x128xf32, #tpu.memory_space<hbm>>
        %dma_wait3A_1522 = arith.constant 0 : i32
        %dma_wait3A_1523 = arith.constant 0 : i32
        %dma_wait3A_1524 = tpu.memref_slice %arg13[%dma_wait3A_1522, %dma_wait3A_1523] : memref<64x128xf32, #tpu.memory_space<vmem>> -> memref<8x128xf32, #tpu.memory_space<vmem>>
        tpu.wait_dma2 semaphore(%arg21 : memref<!tpu.dma_semaphore, #tpu.memory_space<semaphore_mem>>) src(%dma_wait3A_1524 : memref<8x128xf32, #tpu.memory_space<vmem>>) dst(%dma_wait3A_1521 : memref<8x128xf32, #tpu.memory_space<hbm>>)
        %dma_wait3A_1525 = arith.constant 0 : i32
        %dma_wait3A_1526 = arith.constant 0 : i32
        %dma_wait3A_1527 = arith.constant 0 : i32
        %dma_wait3A_1528 = arith.constant 0 : i32
        %dma_wait3A_1529 = arith.constant 0 : i32
        %dma_wait3A_1530 = tpu.memref_slice %arg13[%dma_wait3A_1528, %dma_wait3A_1529] : memref<64x128xf32, #tpu.memory_space<vmem>> -> memref<8x128xf32, #tpu.memory_space<vmem>>
        %dma_wait3A_1531 = arith.constant 0 : i32
        %dma_wait3A_1532 = arith.constant 0 : i32
        %dma_wait3A_1533 = tpu.memref_slice %arg4[%dma_wait3A_1525, %dma_wait3A_1526, %dma_wait3A_1527, %dma_wait3A_1531, %dma_wait3A_1532] : memref<200x8x32x8x128xf32, #tpu.memory_space<hbm>> -> memref<1x1x1x8x128xf32, #tpu.memory_space<hbm>>
        %dma_wait3A_1534 = tpu.memref_squeeze %dma_wait3A_1533 : memref<1x1x1x8x128xf32, #tpu.memory_space<hbm>> -> memref<8x128xf32, #tpu.memory_space<hbm>>
        %dma_wait3A_1535 = arith.constant 0 : i32
        %dma_wait3A_1536 = arith.constant 0 : i32
        %dma_wait3A_1537 = tpu.memref_slice %arg4[%dma_wait3A_1525, %dma_wait3A_1526, %dma_wait3A_1527, %dma_wait3A_1535, %dma_wait3A_1536] : memref<200x8x32x8x128xf32, #tpu.memory_space<hbm>> -> memref<1x1x1x8x128xf32, #tpu.memory_space<hbm>>
        %dma_wait3A_1538 = tpu.memref_squeeze %dma_wait3A_1537 : memref<1x1x1x8x128xf32, #tpu.memory_space<hbm>> -> memref<8x128xf32, #tpu.memory_space<hbm>>
        %dma_wait3A_1539 = arith.constant 0 : i32
        %dma_wait3A_1540 = arith.constant 0 : i32
        %dma_wait3A_1541 = tpu.memref_slice %arg13[%dma_wait3A_1539, %dma_wait3A_1540] : memref<64x128xf32, #tpu.memory_space<vmem>> -> memref<8x128xf32, #tpu.memory_space<vmem>>
        tpu.wait_dma2 semaphore(%arg21 : memref<!tpu.dma_semaphore, #tpu.memory_space<semaphore_mem>>) src(%dma_wait3A_1541 : memref<8x128xf32, #tpu.memory_space<vmem>>) dst(%dma_wait3A_1538 : memref<8x128xf32, #tpu.memory_space<hbm>>)
        %dma_wait3A_1542 = arith.constant 0 : i32
        %dma_wait3A_1543 = arith.constant 0 : i32
        %dma_wait3A_1544 = arith.constant 0 : i32
        %dma_wait3A_1545 = arith.constant 0 : i32
        %dma_wait3A_1546 = arith.constant 0 : i32
        %dma_wait3A_1547 = tpu.memref_slice %arg13[%dma_wait3A_1545, %dma_wait3A_1546] : memref<64x128xf32, #tpu.memory_space<vmem>> -> memref<8x128xf32, #tpu.memory_space<vmem>>
        %dma_wait3A_1548 = arith.constant 0 : i32
        %dma_wait3A_1549 = arith.constant 0 : i32
        %dma_wait3A_1550 = tpu.memref_slice %arg4[%dma_wait3A_1542, %dma_wait3A_1543, %dma_wait3A_1544, %dma_wait3A_1548, %dma_wait3A_1549] : memref<200x8x32x8x128xf32, #tpu.memory_space<hbm>> -> memref<1x1x1x8x128xf32, #tpu.memory_space<hbm>>
        %dma_wait3A_1551 = tpu.memref_squeeze %dma_wait3A_1550 : memref<1x1x1x8x128xf32, #tpu.memory_space<hbm>> -> memref<8x128xf32, #tpu.memory_space<hbm>>
        %dma_wait3A_1552 = arith.constant 0 : i32
        %dma_wait3A_1553 = arith.constant 0 : i32
        %dma_wait3A_1554 = tpu.memref_slice %arg4[%dma_wait3A_1542, %dma_wait3A_1543, %dma_wait3A_1544, %dma_wait3A_1552, %dma_wait3A_1553] : memref<200x8x32x8x128xf32, #tpu.memory_space<hbm>> -> memref<1x1x1x8x128xf32, #tpu.memory_space<hbm>>
        %dma_wait3A_1555 = tpu.memref_squeeze %dma_wait3A_1554 : memref<1x1x1x8x128xf32, #tpu.memory_space<hbm>> -> memref<8x128xf32, #tpu.memory_space<hbm>>
        %dma_wait3A_1556 = arith.constant 0 : i32
        %dma_wait3A_1557 = arith.constant 0 : i32
        %dma_wait3A_1558 = tpu.memref_slice %arg13[%dma_wait3A_1556, %dma_wait3A_1557] : memref<64x128xf32, #tpu.memory_space<vmem>> -> memref<8x128xf32, #tpu.memory_space<vmem>>
        tpu.wait_dma2 semaphore(%arg21 : memref<!tpu.dma_semaphore, #tpu.memory_space<semaphore_mem>>) src(%dma_wait3A_1558 : memref<8x128xf32, #tpu.memory_space<vmem>>) dst(%dma_wait3A_1555 : memref<8x128xf32, #tpu.memory_space<hbm>>)
        %dma_wait3A_1559 = arith.constant 0 : i32
        %dma_wait3A_1560 = arith.constant 0 : i32
        %dma_wait3A_1561 = arith.constant 0 : i32
        %dma_wait3A_1562 = arith.constant 0 : i32
        %dma_wait3A_1563 = arith.constant 0 : i32
        %dma_wait3A_1564 = tpu.memref_slice %arg13[%dma_wait3A_1562, %dma_wait3A_1563] : memref<64x128xf32, #tpu.memory_space<vmem>> -> memref<8x128xf32, #tpu.memory_space<vmem>>
        %dma_wait3A_1565 = arith.constant 0 : i32
        %dma_wait3A_1566 = arith.constant 0 : i32
        %dma_wait3A_1567 = tpu.memref_slice %arg4[%dma_wait3A_1559, %dma_wait3A_1560, %dma_wait3A_1561, %dma_wait3A_1565, %dma_wait3A_1566] : memref<200x8x32x8x128xf32, #tpu.memory_space<hbm>> -> memref<1x1x1x8x128xf32, #tpu.memory_space<hbm>>
        %dma_wait3A_1568 = tpu.memref_squeeze %dma_wait3A_1567 : memref<1x1x1x8x128xf32, #tpu.memory_space<hbm>> -> memref<8x128xf32, #tpu.memory_space<hbm>>
        %dma_wait3A_1569 = arith.constant 0 : i32
        %dma_wait3A_1570 = arith.constant 0 : i32
        %dma_wait3A_1571 = tpu.memref_slice %arg4[%dma_wait3A_1559, %dma_wait3A_1560, %dma_wait3A_1561, %dma_wait3A_1569, %dma_wait3A_1570] : memref<200x8x32x8x128xf32, #tpu.memory_space<hbm>> -> memref<1x1x1x8x128xf32, #tpu.memory_space<hbm>>
        %dma_wait3A_1572 = tpu.memref_squeeze %dma_wait3A_1571 : memref<1x1x1x8x128xf32, #tpu.memory_space<hbm>> -> memref<8x128xf32, #tpu.memory_space<hbm>>
        %dma_wait3A_1573 = arith.constant 0 : i32
        %dma_wait3A_1574 = arith.constant 0 : i32
        %dma_wait3A_1575 = tpu.memref_slice %arg13[%dma_wait3A_1573, %dma_wait3A_1574] : memref<64x128xf32, #tpu.memory_space<vmem>> -> memref<8x128xf32, #tpu.memory_space<vmem>>
        tpu.wait_dma2 semaphore(%arg21 : memref<!tpu.dma_semaphore, #tpu.memory_space<semaphore_mem>>) src(%dma_wait3A_1575 : memref<8x128xf32, #tpu.memory_space<vmem>>) dst(%dma_wait3A_1572 : memref<8x128xf32, #tpu.memory_space<hbm>>)
        %dma_wait3A_1576 = arith.constant 0 : i32
        %dma_wait3A_1577 = arith.constant 0 : i32
        %dma_wait3A_1578 = arith.constant 0 : i32
        %dma_wait3A_1579 = arith.constant 0 : i32
        %dma_wait3A_1580 = arith.constant 0 : i32
        %dma_wait3A_1581 = tpu.memref_slice %arg13[%dma_wait3A_1579, %dma_wait3A_1580] : memref<64x128xf32, #tpu.memory_space<vmem>> -> memref<8x128xf32, #tpu.memory_space<vmem>>
        %dma_wait3A_1582 = arith.constant 0 : i32
        %dma_wait3A_1583 = arith.constant 0 : i32
        %dma_wait3A_1584 = tpu.memref_slice %arg4[%dma_wait3A_1576, %dma_wait3A_1577, %dma_wait3A_1578, %dma_wait3A_1582, %dma_wait3A_1583] : memref<200x8x32x8x128xf32, #tpu.memory_space<hbm>> -> memref<1x1x1x8x128xf32, #tpu.memory_space<hbm>>
        %dma_wait3A_1585 = tpu.memref_squeeze %dma_wait3A_1584 : memref<1x1x1x8x128xf32, #tpu.memory_space<hbm>> -> memref<8x128xf32, #tpu.memory_space<hbm>>
        %dma_wait3A_1586 = arith.constant 0 : i32
        %dma_wait3A_1587 = arith.constant 0 : i32
        %dma_wait3A_1588 = tpu.memref_slice %arg4[%dma_wait3A_1576, %dma_wait3A_1577, %dma_wait3A_1578, %dma_wait3A_1586, %dma_wait3A_1587] : memref<200x8x32x8x128xf32, #tpu.memory_space<hbm>> -> memref<1x1x1x8x128xf32, #tpu.memory_space<hbm>>
        %dma_wait3A_1589 = tpu.memref_squeeze %dma_wait3A_1588 : memref<1x1x1x8x128xf32, #tpu.memory_space<hbm>> -> memref<8x128xf32, #tpu.memory_space<hbm>>
        %dma_wait3A_1590 = arith.constant 0 : i32
        %dma_wait3A_1591 = arith.constant 0 : i32
        %dma_wait3A_1592 = tpu.memref_slice %arg13[%dma_wait3A_1590, %dma_wait3A_1591] : memref<64x128xf32, #tpu.memory_space<vmem>> -> memref<8x128xf32, #tpu.memory_space<vmem>>
        tpu.wait_dma2 semaphore(%arg21 : memref<!tpu.dma_semaphore, #tpu.memory_space<semaphore_mem>>) src(%dma_wait3A_1592 : memref<8x128xf32, #tpu.memory_space<vmem>>) dst(%dma_wait3A_1589 : memref<8x128xf32, #tpu.memory_space<hbm>>)
        %dma_wait3A_1593 = arith.constant 0 : i32
        %dma_wait3A_1594 = arith.constant 0 : i32
        %dma_wait3A_1595 = arith.constant 0 : i32
        %dma_wait3A_1596 = arith.constant 0 : i32
        %dma_wait3A_1597 = arith.constant 0 : i32
        %dma_wait3A_1598 = tpu.memref_slice %arg13[%dma_wait3A_1596, %dma_wait3A_1597] : memref<64x128xf32, #tpu.memory_space<vmem>> -> memref<8x128xf32, #tpu.memory_space<vmem>>
        %dma_wait3A_1599 = arith.constant 0 : i32
        %dma_wait3A_1600 = arith.constant 0 : i32
        %dma_wait3A_1601 = tpu.memref_slice %arg4[%dma_wait3A_1593, %dma_wait3A_1594, %dma_wait3A_1595, %dma_wait3A_1599, %dma_wait3A_1600] : memref<200x8x32x8x128xf32, #tpu.memory_space<hbm>> -> memref<1x1x1x8x128xf32, #tpu.memory_space<hbm>>
        %dma_wait3A_1602 = tpu.memref_squeeze %dma_wait3A_1601 : memref<1x1x1x8x128xf32, #tpu.memory_space<hbm>> -> memref<8x128xf32, #tpu.memory_space<hbm>>
        %dma_wait3A_1603 = arith.constant 0 : i32
        %dma_wait3A_1604 = arith.constant 0 : i32
        %dma_wait3A_1605 = tpu.memref_slice %arg4[%dma_wait3A_1593, %dma_wait3A_1594, %dma_wait3A_1595, %dma_wait3A_1603, %dma_wait3A_1604] : memref<200x8x32x8x128xf32, #tpu.memory_space<hbm>> -> memref<1x1x1x8x128xf32, #tpu.memory_space<hbm>>
        %dma_wait3A_1606 = tpu.memref_squeeze %dma_wait3A_1605 : memref<1x1x1x8x128xf32, #tpu.memory_space<hbm>> -> memref<8x128xf32, #tpu.memory_space<hbm>>
        %dma_wait3A_1607 = arith.constant 0 : i32
        %dma_wait3A_1608 = arith.constant 0 : i32
        %dma_wait3A_1609 = tpu.memref_slice %arg13[%dma_wait3A_1607, %dma_wait3A_1608] : memref<64x128xf32, #tpu.memory_space<vmem>> -> memref<8x128xf32, #tpu.memory_space<vmem>>
        tpu.wait_dma2 semaphore(%arg21 : memref<!tpu.dma_semaphore, #tpu.memory_space<semaphore_mem>>) src(%dma_wait3A_1609 : memref<8x128xf32, #tpu.memory_space<vmem>>) dst(%dma_wait3A_1606 : memref<8x128xf32, #tpu.memory_space<hbm>>)
        %dma_wait3A_1610 = arith.constant 0 : i32
        %dma_wait3A_1611 = arith.constant 0 : i32
        %dma_wait3A_1612 = arith.constant 0 : i32
        %dma_wait3A_1613 = arith.constant 0 : i32
        %dma_wait3A_1614 = arith.constant 0 : i32
        %dma_wait3A_1615 = tpu.memref_slice %arg13[%dma_wait3A_1613, %dma_wait3A_1614] : memref<64x128xf32, #tpu.memory_space<vmem>> -> memref<8x128xf32, #tpu.memory_space<vmem>>
        %dma_wait3A_1616 = arith.constant 0 : i32
        %dma_wait3A_1617 = arith.constant 0 : i32
        %dma_wait3A_1618 = tpu.memref_slice %arg4[%dma_wait3A_1610, %dma_wait3A_1611, %dma_wait3A_1612, %dma_wait3A_1616, %dma_wait3A_1617] : memref<200x8x32x8x128xf32, #tpu.memory_space<hbm>> -> memref<1x1x1x8x128xf32, #tpu.memory_space<hbm>>
        %dma_wait3A_1619 = tpu.memref_squeeze %dma_wait3A_1618 : memref<1x1x1x8x128xf32, #tpu.memory_space<hbm>> -> memref<8x128xf32, #tpu.memory_space<hbm>>
        %dma_wait3A_1620 = arith.constant 0 : i32
        %dma_wait3A_1621 = arith.constant 0 : i32
        %dma_wait3A_1622 = tpu.memref_slice %arg4[%dma_wait3A_1610, %dma_wait3A_1611, %dma_wait3A_1612, %dma_wait3A_1620, %dma_wait3A_1621] : memref<200x8x32x8x128xf32, #tpu.memory_space<hbm>> -> memref<1x1x1x8x128xf32, #tpu.memory_space<hbm>>
        %dma_wait3A_1623 = tpu.memref_squeeze %dma_wait3A_1622 : memref<1x1x1x8x128xf32, #tpu.memory_space<hbm>> -> memref<8x128xf32, #tpu.memory_space<hbm>>
        %dma_wait3A_1624 = arith.constant 0 : i32
        %dma_wait3A_1625 = arith.constant 0 : i32
        %dma_wait3A_1626 = tpu.memref_slice %arg13[%dma_wait3A_1624, %dma_wait3A_1625] : memref<64x128xf32, #tpu.memory_space<vmem>> -> memref<8x128xf32, #tpu.memory_space<vmem>>
        tpu.wait_dma2 semaphore(%arg21 : memref<!tpu.dma_semaphore, #tpu.memory_space<semaphore_mem>>) src(%dma_wait3A_1626 : memref<8x128xf32, #tpu.memory_space<vmem>>) dst(%dma_wait3A_1623 : memref<8x128xf32, #tpu.memory_space<hbm>>)
        %dma_wait3A_1627 = arith.constant 0 : i32
        %dma_wait3A_1628 = arith.constant 0 : i32
        %dma_wait3A_1629 = arith.constant 0 : i32
        %dma_wait3A_1630 = arith.constant 0 : i32
        %dma_wait3A_1631 = arith.constant 0 : i32
        %dma_wait3A_1632 = tpu.memref_slice %arg13[%dma_wait3A_1630, %dma_wait3A_1631] : memref<64x128xf32, #tpu.memory_space<vmem>> -> memref<8x128xf32, #tpu.memory_space<vmem>>
        %dma_wait3A_1633 = arith.constant 0 : i32
        %dma_wait3A_1634 = arith.constant 0 : i32
        %dma_wait3A_1635 = tpu.memref_slice %arg4[%dma_wait3A_1627, %dma_wait3A_1628, %dma_wait3A_1629, %dma_wait3A_1633, %dma_wait3A_1634] : memref<200x8x32x8x128xf32, #tpu.memory_space<hbm>> -> memref<1x1x1x8x128xf32, #tpu.memory_space<hbm>>
        %dma_wait3A_1636 = tpu.memref_squeeze %dma_wait3A_1635 : memref<1x1x1x8x128xf32, #tpu.memory_space<hbm>> -> memref<8x128xf32, #tpu.memory_space<hbm>>
        %dma_wait3A_1637 = arith.constant 0 : i32
        %dma_wait3A_1638 = arith.constant 0 : i32
        %dma_wait3A_1639 = tpu.memref_slice %arg4[%dma_wait3A_1627, %dma_wait3A_1628, %dma_wait3A_1629, %dma_wait3A_1637, %dma_wait3A_1638] : memref<200x8x32x8x128xf32, #tpu.memory_space<hbm>> -> memref<1x1x1x8x128xf32, #tpu.memory_space<hbm>>
        %dma_wait3A_1640 = tpu.memref_squeeze %dma_wait3A_1639 : memref<1x1x1x8x128xf32, #tpu.memory_space<hbm>> -> memref<8x128xf32, #tpu.memory_space<hbm>>
        %dma_wait3A_1641 = arith.constant 0 : i32
        %dma_wait3A_1642 = arith.constant 0 : i32
        %dma_wait3A_1643 = tpu.memref_slice %arg13[%dma_wait3A_1641, %dma_wait3A_1642] : memref<64x128xf32, #tpu.memory_space<vmem>> -> memref<8x128xf32, #tpu.memory_space<vmem>>
        tpu.wait_dma2 semaphore(%arg21 : memref<!tpu.dma_semaphore, #tpu.memory_space<semaphore_mem>>) src(%dma_wait3A_1643 : memref<8x128xf32, #tpu.memory_space<vmem>>) dst(%dma_wait3A_1640 : memref<8x128xf32, #tpu.memory_space<hbm>>)
      } else {
      }
      %parallel_loop3A_1296 = arith.constant 0 : i32
      %parallel_loop3A_1297 = arith.constant 64 : i32
      %parallel_loop3A_1298 = arith.constant 1 : i32
      scf.for %parallel_loop3A_1508 = %parallel_loop3A_1296 to %parallel_loop3A_1297 step %parallel_loop3A_1298  : i32 {
        %parallel_loop3A_1509 = vector.broadcast %parallel_loop3A_1508 : i32 to vector<16xi32>
        %parallel_loop3A_1510 = arith.addi %parallel_loop3A_1509, %add3A_5 : vector<16xi32>
        %parallel_loop3A_1511 = arith.constant 63 : i32
        %parallel_loop3A_1512 = vector.broadcast %parallel_loop3A_1511 : i32 to vector<16xi32>
        %parallel_loop3A_1513 = arith.andi %parallel_loop3A_1510, %parallel_loop3A_1512 : vector<16xi32>
        %parallel_loop3A_1514 = tpu.vector_load_idx %arg9[%add3A_5, %parallel_loop3A_1513] : memref<128x64xf32, #tpu.memory_space<vmem>>[vector<16xi32>, vector<16xi32>], vector<16xf32>,
        tpu.vector_store_idx %arg13[%parallel_loop3A_1513, %add3A_5], %parallel_loop3A_1514 : memref<64x128xf32, #tpu.memory_space<vmem>>[vector<16xi32>, vector<16xi32>], vector<16xf32>,
        %parallel_loop3A_1515 = arith.addi %parallel_loop3A_1509, %add3A_9 : vector<16xi32>
        %parallel_loop3A_1516 = arith.constant 63 : i32
        %parallel_loop3A_1517 = vector.broadcast %parallel_loop3A_1516 : i32 to vector<16xi32>
        %parallel_loop3A_1518 = arith.andi %parallel_loop3A_1515, %parallel_loop3A_1517 : vector<16xi32>
        %parallel_loop3A_1519 = tpu.vector_load_idx %arg9[%add3A_9, %parallel_loop3A_1518] : memref<128x64xf32, #tpu.memory_space<vmem>>[vector<16xi32>, vector<16xi32>], vector<16xf32>,
        tpu.vector_store_idx %arg13[%parallel_loop3A_1518, %add3A_9], %parallel_loop3A_1519 : memref<64x128xf32, #tpu.memory_space<vmem>>[vector<16xi32>, vector<16xi32>], vector<16xf32>,
        %parallel_loop3A_1520 = arith.addi %parallel_loop3A_1509, %add3A_13 : vector<16xi32>
        %parallel_loop3A_1521 = arith.constant 63 : i32
        %parallel_loop3A_1522 = vector.broadcast %parallel_loop3A_1521 : i32 to vector<16xi32>
        %parallel_loop3A_1523 = arith.andi %parallel_loop3A_1520, %parallel_loop3A_1522 : vector<16xi32>
        %parallel_loop3A_1524 = tpu.vector_load_idx %arg9[%add3A_13, %parallel_loop3A_1523] : memref<128x64xf32, #tpu.memory_space<vmem>>[vector<16xi32>, vector<16xi32>], vector<16xf32>,
        tpu.vector_store_idx %arg13[%parallel_loop3A_1523, %add3A_13], %parallel_loop3A_1524 : memref<64x128xf32, #tpu.memory_space<vmem>>[vector<16xi32>, vector<16xi32>], vector<16xf32>,
        %parallel_loop3A_1525 = arith.addi %parallel_loop3A_1509, %add3A_17 : vector<16xi32>
        %parallel_loop3A_1526 = arith.constant 63 : i32
        %parallel_loop3A_1527 = vector.broadcast %parallel_loop3A_1526 : i32 to vector<16xi32>
        %parallel_loop3A_1528 = arith.andi %parallel_loop3A_1525, %parallel_loop3A_1527 : vector<16xi32>
        %parallel_loop3A_1529 = tpu.vector_load_idx %arg9[%add3A_17, %parallel_loop3A_1528] : memref<128x64xf32, #tpu.memory_space<vmem>>[vector<16xi32>, vector<16xi32>], vector<16xf32>,
        tpu.vector_store_idx %arg13[%parallel_loop3A_1528, %add3A_17], %parallel_loop3A_1529 : memref<64x128xf32, #tpu.memory_space<vmem>>[vector<16xi32>, vector<16xi32>], vector<16xf32>,
        %parallel_loop3A_1530 = arith.addi %parallel_loop3A_1509, %add3A_21 : vector<16xi32>
        %parallel_loop3A_1531 = arith.constant 63 : i32
        %parallel_loop3A_1532 = vector.broadcast %parallel_loop3A_1531 : i32 to vector<16xi32>
        %parallel_loop3A_1533 = arith.andi %parallel_loop3A_1530, %parallel_loop3A_1532 : vector<16xi32>
        %parallel_loop3A_1534 = tpu.vector_load_idx %arg9[%add3A_21, %parallel_loop3A_1533] : memref<128x64xf32, #tpu.memory_space<vmem>>[vector<16xi32>, vector<16xi32>], vector<16xf32>,
        tpu.vector_store_idx %arg13[%parallel_loop3A_1533, %add3A_21], %parallel_loop3A_1534 : memref<64x128xf32, #tpu.memory_space<vmem>>[vector<16xi32>, vector<16xi32>], vector<16xf32>,
        %parallel_loop3A_1535 = arith.addi %parallel_loop3A_1509, %add3A_25 : vector<16xi32>
        %parallel_loop3A_1536 = arith.constant 63 : i32
        %parallel_loop3A_1537 = vector.broadcast %parallel_loop3A_1536 : i32 to vector<16xi32>
        %parallel_loop3A_1538 = arith.andi %parallel_loop3A_1535, %parallel_loop3A_1537 : vector<16xi32>
        %parallel_loop3A_1539 = tpu.vector_load_idx %arg9[%add3A_25, %parallel_loop3A_1538] : memref<128x64xf32, #tpu.memory_space<vmem>>[vector<16xi32>, vector<16xi32>], vector<16xf32>,
        tpu.vector_store_idx %arg13[%parallel_loop3A_1538, %add3A_25], %parallel_loop3A_1539 : memref<64x128xf32, #tpu.memory_space<vmem>>[vector<16xi32>, vector<16xi32>], vector<16xf32>,
        %parallel_loop3A_1540 = arith.addi %parallel_loop3A_1509, %add3A_29 : vector<16xi32>
        %parallel_loop3A_1541 = arith.constant 63 : i32
        %parallel_loop3A_1542 = vector.broadcast %parallel_loop3A_1541 : i32 to vector<16xi32>
        %parallel_loop3A_1543 = arith.andi %parallel_loop3A_1540, %parallel_loop3A_1542 : vector<16xi32>
        %parallel_loop3A_1544 = tpu.vector_load_idx %arg9[%add3A_29, %parallel_loop3A_1543] : memref<128x64xf32, #tpu.memory_space<vmem>>[vector<16xi32>, vector<16xi32>], vector<16xf32>,
        tpu.vector_store_idx %arg13[%parallel_loop3A_1543, %add3A_29], %parallel_loop3A_1544 : memref<64x128xf32, #tpu.memory_space<vmem>>[vector<16xi32>, vector<16xi32>], vector<16xf32>,
        %parallel_loop3A_1545 = arith.addi %parallel_loop3A_1509, %add3A_33 : vector<16xi32>
        %parallel_loop3A_1546 = arith.constant 63 : i32
        %parallel_loop3A_1547 = vector.broadcast %parallel_loop3A_1546 : i32 to vector<16xi32>
        %parallel_loop3A_1548 = arith.andi %parallel_loop3A_1545, %parallel_loop3A_1547 : vector<16xi32>
        %parallel_loop3A_1549 = tpu.vector_load_idx %arg9[%add3A_33, %parallel_loop3A_1548] : memref<128x64xf32, #tpu.memory_space<vmem>>[vector<16xi32>, vector<16xi32>], vector<16xf32>,
        tpu.vector_store_idx %arg13[%parallel_loop3A_1548, %add3A_33], %parallel_loop3A_1549 : memref<64x128xf32, #tpu.memory_space<vmem>>[vector<16xi32>, vector<16xi32>], vector<16xf32>,
      } {sc.loop_unroll_factor = 8 : i64, sc.parallel_access}
      %add3A_1299 = arith.addi %mul3A_2, %add3A_1283 : i32
      %jit3A_1300 = arith.constant 256 : i32
      %div3A_1301 = arith.divsi %add3A_1299, %jit3A_1300 : i32
      %sign3A_1302 = arith.constant 0 : i32
      %sign3A_1303 = arith.cmpi sgt, %add3A_1299, %sign3A_1302 : i32
      %sign3A_1304 = arith.extui %sign3A_1303 : i1 to i32
      %sign3A_1305 = arith.constant 0 : i32
      %sign3A_1306 = arith.cmpi slt, %add3A_1299, %sign3A_1305 : i32
      %sign3A_1307 = arith.extui %sign3A_1306 : i1 to i32
      %sign3A_1308 = arith.subi %sign3A_1304, %sign3A_1307 : i32
      %sign3A_1309 = arith.constant 0 : i32
      %sign3A_1310 = arith.cmpi sgt, %jit3A_1300, %sign3A_1309 : i32
      %sign3A_1311 = arith.extui %sign3A_1310 : i1 to i32
      %sign3A_1312 = arith.constant 0 : i32
      %sign3A_1313 = arith.cmpi slt, %jit3A_1300, %sign3A_1312 : i32
      %sign3A_1314 = arith.extui %sign3A_1313 : i1 to i32
      %sign3A_1315 = arith.subi %sign3A_1311, %sign3A_1314 : i32
      %ne3A_1316 = arith.cmpi ne, %sign3A_1308, %sign3A_1315 : i32
      %rem3A_1317 = arith.remsi %add3A_1299, %jit3A_1300 : i32
      %ne3A_1318 = arith.constant 0 : i32
      %ne3A_1319 = arith.cmpi ne, %rem3A_1317, %ne3A_1318 : i32
      %and3A_1320 = arith.andi %ne3A_1316, %ne3A_1319 : i1
      %sub3A_1321 = arith.constant 1 : i32
      %sub3A_1322 = arith.subi %div3A_1301, %sub3A_1321 : i32
      %select_n3A_1323 = arith.select %and3A_1320, %sub3A_1322, %div3A_1301 : i32
      %jit3A_1324 = arith.constant 256 : i32
      %eq3A_1325 = arith.constant 0 : i32
      %eq3A_1326 = arith.cmpi eq, %jit3A_1324, %eq3A_1325 : i32
      %jit3A_1327 = arith.constant 1 : i32
      %select_n3A_1328 = arith.select %eq3A_1326, %jit3A_1327, %jit3A_1324 : i32
      %rem3A_1329 = arith.remsi %add3A_1299, %select_n3A_1328 : i32
      %ne3A_1330 = arith.constant 0 : i32
      %ne3A_1331 = arith.cmpi ne, %rem3A_1329, %ne3A_1330 : i32
      %lt3A_1332 = arith.constant 0 : i32
      %lt3A_1333 = arith.cmpi slt, %rem3A_1329, %lt3A_1332 : i32
      %lt3A_1334 = arith.constant 0 : i32
      %lt3A_1335 = arith.cmpi slt, %select_n3A_1328, %lt3A_1334 : i32
      %ne3A_1336 = arith.xori %lt3A_1333, %lt3A_1335 : i1
      %and3A_1337 = arith.andi %ne3A_1336, %ne3A_1331 : i1
      %add3A_1338 = arith.addi %rem3A_1329, %select_n3A_1328 : i32
      %select_n3A_1339 = arith.select %and3A_1337, %add3A_1338, %rem3A_1329 : i32
      %jit3A_1340 = arith.constant 8 : i32
      %div3A_1341 = arith.divsi %select_n3A_1339, %jit3A_1340 : i32
      %sign3A_1342 = arith.constant 0 : i32
      %sign3A_1343 = arith.cmpi sgt, %select_n3A_1339, %sign3A_1342 : i32
      %sign3A_1344 = arith.extui %sign3A_1343 : i1 to i32
      %sign3A_1345 = arith.constant 0 : i32
      %sign3A_1346 = arith.cmpi slt, %select_n3A_1339, %sign3A_1345 : i32
      %sign3A_1347 = arith.extui %sign3A_1346 : i1 to i32
      %sign3A_1348 = arith.subi %sign3A_1344, %sign3A_1347 : i32
      %sign3A_1349 = arith.constant 0 : i32
      %sign3A_1350 = arith.cmpi sgt, %jit3A_1340, %sign3A_1349 : i32
      %sign3A_1351 = arith.extui %sign3A_1350 : i1 to i32
      %sign3A_1352 = arith.constant 0 : i32
      %sign3A_1353 = arith.cmpi slt, %jit3A_1340, %sign3A_1352 : i32
      %sign3A_1354 = arith.extui %sign3A_1353 : i1 to i32
      %sign3A_1355 = arith.subi %sign3A_1351, %sign3A_1354 : i32
      %ne3A_1356 = arith.cmpi ne, %sign3A_1348, %sign3A_1355 : i32
      %rem3A_1357 = arith.remsi %select_n3A_1339, %jit3A_1340 : i32
      %ne3A_1358 = arith.constant 0 : i32
      %ne3A_1359 = arith.cmpi ne, %rem3A_1357, %ne3A_1358 : i32
      %and3A_1360 = arith.andi %ne3A_1356, %ne3A_1359 : i1
      %sub3A_1361 = arith.constant 1 : i32
      %sub3A_1362 = arith.subi %div3A_1341, %sub3A_1361 : i32
      %select_n3A_1363 = arith.select %and3A_1360, %sub3A_1362, %div3A_1341 : i32
      %mul3A_1364 = arith.constant 8 : i32
      %mul3A_1365 = arith.muli %select_n3A_1323, %mul3A_1364 : i32
      %jit3A_1366 = arith.constant 8 : i32
      %eq3A_1367 = arith.constant 0 : i32
      %eq3A_1368 = arith.cmpi eq, %jit3A_1366, %eq3A_1367 : i32
      %jit3A_1369 = arith.constant 1 : i32
      %select_n3A_1370 = arith.select %eq3A_1368, %jit3A_1369, %jit3A_1366 : i32
      %rem3A_1371 = arith.remsi %select_n3A_1339, %select_n3A_1370 : i32
      %ne3A_1372 = arith.constant 0 : i32
      %ne3A_1373 = arith.cmpi ne, %rem3A_1371, %ne3A_1372 : i32
      %lt3A_1374 = arith.constant 0 : i32
      %lt3A_1375 = arith.cmpi slt, %rem3A_1371, %lt3A_1374 : i32
      %lt3A_1376 = arith.constant 0 : i32
      %lt3A_1377 = arith.cmpi slt, %select_n3A_1370, %lt3A_1376 : i32
      %ne3A_1378 = arith.xori %lt3A_1375, %lt3A_1377 : i1
      %and3A_1379 = arith.andi %ne3A_1378, %ne3A_1373 : i1
      %add3A_1380 = arith.addi %rem3A_1371, %select_n3A_1370 : i32
      %select_n3A_1381 = arith.select %and3A_1379, %add3A_1380, %rem3A_1371 : i32
      %add3A_1382 = arith.addi %mul3A_1365, %select_n3A_1381 : i32
      %dma_start3A_1383 = arith.constant 0 : i32
      %dma_start3A_1384 = arith.constant 0 : i32
      %dma_start3A_1385 = arith.constant 0 : i32
      %dma_start3A_1386 = tpu.memref_slice %arg13[%dma_start3A_1384, %dma_start3A_1385] : memref<64x128xf32, #tpu.memory_space<vmem>> -> memref<8x128xf32, #tpu.memory_space<vmem>>
      %dma_start3A_1387 = arith.constant 0 : i32
      %dma_start3A_1388 = arith.constant 0 : i32
      %dma_start3A_1389 = tpu.memref_slice %arg4[%add3A_1382, %dma_start3A_1383, %select_n3A_1363, %dma_start3A_1387, %dma_start3A_1388] : memref<200x8x32x8x128xf32, #tpu.memory_space<hbm>> -> memref<1x1x1x8x128xf32, #tpu.memory_space<hbm>>
      %dma_start3A_1390 = tpu.memref_squeeze %dma_start3A_1389 : memref<1x1x1x8x128xf32, #tpu.memory_space<hbm>> -> memref<8x128xf32, #tpu.memory_space<hbm>>
      %dma_start3A_1391 = arith.constant 0 : i32
      %dma_start3A_1392 = arith.constant 0 : i32
      %dma_start3A_1393 = tpu.memref_slice %arg4[%add3A_1382, %dma_start3A_1383, %select_n3A_1363, %dma_start3A_1391, %dma_start3A_1392] : memref<200x8x32x8x128xf32, #tpu.memory_space<hbm>> -> memref<1x1x1x8x128xf32, #tpu.memory_space<hbm>>
      %dma_start3A_1394 = tpu.memref_squeeze %dma_start3A_1393 : memref<1x1x1x8x128xf32, #tpu.memory_space<hbm>> -> memref<8x128xf32, #tpu.memory_space<hbm>>
      %dma_start3A_1395 = arith.constant 0 : i32
      %dma_start3A_1396 = arith.constant 0 : i32
      %dma_start3A_1397 = tpu.memref_slice %arg13[%dma_start3A_1395, %dma_start3A_1396] : memref<64x128xf32, #tpu.memory_space<vmem>> -> memref<8x128xf32, #tpu.memory_space<vmem>>
      tpu.enqueue_dma source(%dma_start3A_1397 : memref<8x128xf32, #tpu.memory_space<vmem>>) target(%dma_start3A_1394 : memref<8x128xf32, #tpu.memory_space<hbm>>) target_semaphore(%arg21 : memref<!tpu.dma_semaphore, #tpu.memory_space<semaphore_mem>>)
      %dma_start3A_1398 = arith.constant 1 : i32
      %dma_start3A_1399 = arith.constant 8 : i32
      %dma_start3A_1400 = arith.constant 0 : i32
      %dma_start3A_1401 = tpu.memref_slice %arg13[%dma_start3A_1399, %dma_start3A_1400] : memref<64x128xf32, #tpu.memory_space<vmem>> -> memref<8x128xf32, #tpu.memory_space<vmem>>
      %dma_start3A_1402 = arith.constant 0 : i32
      %dma_start3A_1403 = arith.constant 0 : i32
      %dma_start3A_1404 = tpu.memref_slice %arg4[%add3A_1382, %dma_start3A_1398, %select_n3A_1363, %dma_start3A_1402, %dma_start3A_1403] : memref<200x8x32x8x128xf32, #tpu.memory_space<hbm>> -> memref<1x1x1x8x128xf32, #tpu.memory_space<hbm>>
      %dma_start3A_1405 = tpu.memref_squeeze %dma_start3A_1404 : memref<1x1x1x8x128xf32, #tpu.memory_space<hbm>> -> memref<8x128xf32, #tpu.memory_space<hbm>>
      %dma_start3A_1406 = arith.constant 0 : i32
      %dma_start3A_1407 = arith.constant 0 : i32
      %dma_start3A_1408 = tpu.memref_slice %arg4[%add3A_1382, %dma_start3A_1398, %select_n3A_1363, %dma_start3A_1406, %dma_start3A_1407] : memref<200x8x32x8x128xf32, #tpu.memory_space<hbm>> -> memref<1x1x1x8x128xf32, #tpu.memory_space<hbm>>
      %dma_start3A_1409 = tpu.memref_squeeze %dma_start3A_1408 : memref<1x1x1x8x128xf32, #tpu.memory_space<hbm>> -> memref<8x128xf32, #tpu.memory_space<hbm>>
      %dma_start3A_1410 = arith.constant 8 : i32
      %dma_start3A_1411 = arith.constant 0 : i32
      %dma_start3A_1412 = tpu.memref_slice %arg13[%dma_start3A_1410, %dma_start3A_1411] : memref<64x128xf32, #tpu.memory_space<vmem>> -> memref<8x128xf32, #tpu.memory_space<vmem>>
      tpu.enqueue_dma source(%dma_start3A_1412 : memref<8x128xf32, #tpu.memory_space<vmem>>) target(%dma_start3A_1409 : memref<8x128xf32, #tpu.memory_space<hbm>>) target_semaphore(%arg21 : memref<!tpu.dma_semaphore, #tpu.memory_space<semaphore_mem>>)
      %dma_start3A_1413 = arith.constant 2 : i32
      %dma_start3A_1414 = arith.constant 16 : i32
      %dma_start3A_1415 = arith.constant 0 : i32
      %dma_start3A_1416 = tpu.memref_slice %arg13[%dma_start3A_1414, %dma_start3A_1415] : memref<64x128xf32, #tpu.memory_space<vmem>> -> memref<8x128xf32, #tpu.memory_space<vmem>>
      %dma_start3A_1417 = arith.constant 0 : i32
      %dma_start3A_1418 = arith.constant 0 : i32
      %dma_start3A_1419 = tpu.memref_slice %arg4[%add3A_1382, %dma_start3A_1413, %select_n3A_1363, %dma_start3A_1417, %dma_start3A_1418] : memref<200x8x32x8x128xf32, #tpu.memory_space<hbm>> -> memref<1x1x1x8x128xf32, #tpu.memory_space<hbm>>
      %dma_start3A_1420 = tpu.memref_squeeze %dma_start3A_1419 : memref<1x1x1x8x128xf32, #tpu.memory_space<hbm>> -> memref<8x128xf32, #tpu.memory_space<hbm>>
      %dma_start3A_1421 = arith.constant 0 : i32
      %dma_start3A_1422 = arith.constant 0 : i32
      %dma_start3A_1423 = tpu.memref_slice %arg4[%add3A_1382, %dma_start3A_1413, %select_n3A_1363, %dma_start3A_1421, %dma_start3A_1422] : memref<200x8x32x8x128xf32, #tpu.memory_space<hbm>> -> memref<1x1x1x8x128xf32, #tpu.memory_space<hbm>>
      %dma_start3A_1424 = tpu.memref_squeeze %dma_start3A_1423 : memref<1x1x1x8x128xf32, #tpu.memory_space<hbm>> -> memref<8x128xf32, #tpu.memory_space<hbm>>
      %dma_start3A_1425 = arith.constant 16 : i32
      %dma_start3A_1426 = arith.constant 0 : i32
      %dma_start3A_1427 = tpu.memref_slice %arg13[%dma_start3A_1425, %dma_start3A_1426] : memref<64x128xf32, #tpu.memory_space<vmem>> -> memref<8x128xf32, #tpu.memory_space<vmem>>
      tpu.enqueue_dma source(%dma_start3A_1427 : memref<8x128xf32, #tpu.memory_space<vmem>>) target(%dma_start3A_1424 : memref<8x128xf32, #tpu.memory_space<hbm>>) target_semaphore(%arg21 : memref<!tpu.dma_semaphore, #tpu.memory_space<semaphore_mem>>)
      %dma_start3A_1428 = arith.constant 3 : i32
      %dma_start3A_1429 = arith.constant 24 : i32
      %dma_start3A_1430 = arith.constant 0 : i32
      %dma_start3A_1431 = tpu.memref_slice %arg13[%dma_start3A_1429, %dma_start3A_1430] : memref<64x128xf32, #tpu.memory_space<vmem>> -> memref<8x128xf32, #tpu.memory_space<vmem>>
      %dma_start3A_1432 = arith.constant 0 : i32
      %dma_start3A_1433 = arith.constant 0 : i32
      %dma_start3A_1434 = tpu.memref_slice %arg4[%add3A_1382, %dma_start3A_1428, %select_n3A_1363, %dma_start3A_1432, %dma_start3A_1433] : memref<200x8x32x8x128xf32, #tpu.memory_space<hbm>> -> memref<1x1x1x8x128xf32, #tpu.memory_space<hbm>>
      %dma_start3A_1435 = tpu.memref_squeeze %dma_start3A_1434 : memref<1x1x1x8x128xf32, #tpu.memory_space<hbm>> -> memref<8x128xf32, #tpu.memory_space<hbm>>
      %dma_start3A_1436 = arith.constant 0 : i32
      %dma_start3A_1437 = arith.constant 0 : i32
      %dma_start3A_1438 = tpu.memref_slice %arg4[%add3A_1382, %dma_start3A_1428, %select_n3A_1363, %dma_start3A_1436, %dma_start3A_1437] : memref<200x8x32x8x128xf32, #tpu.memory_space<hbm>> -> memref<1x1x1x8x128xf32, #tpu.memory_space<hbm>>
      %dma_start3A_1439 = tpu.memref_squeeze %dma_start3A_1438 : memref<1x1x1x8x128xf32, #tpu.memory_space<hbm>> -> memref<8x128xf32, #tpu.memory_space<hbm>>
      %dma_start3A_1440 = arith.constant 24 : i32
      %dma_start3A_1441 = arith.constant 0 : i32
      %dma_start3A_1442 = tpu.memref_slice %arg13[%dma_start3A_1440, %dma_start3A_1441] : memref<64x128xf32, #tpu.memory_space<vmem>> -> memref<8x128xf32, #tpu.memory_space<vmem>>
      tpu.enqueue_dma source(%dma_start3A_1442 : memref<8x128xf32, #tpu.memory_space<vmem>>) target(%dma_start3A_1439 : memref<8x128xf32, #tpu.memory_space<hbm>>) target_semaphore(%arg21 : memref<!tpu.dma_semaphore, #tpu.memory_space<semaphore_mem>>)
      %dma_start3A_1443 = arith.constant 4 : i32
      %dma_start3A_1444 = arith.constant 32 : i32
      %dma_start3A_1445 = arith.constant 0 : i32
      %dma_start3A_1446 = tpu.memref_slice %arg13[%dma_start3A_1444, %dma_start3A_1445] : memref<64x128xf32, #tpu.memory_space<vmem>> -> memref<8x128xf32, #tpu.memory_space<vmem>>
      %dma_start3A_1447 = arith.constant 0 : i32
      %dma_start3A_1448 = arith.constant 0 : i32
      %dma_start3A_1449 = tpu.memref_slice %arg4[%add3A_1382, %dma_start3A_1443, %select_n3A_1363, %dma_start3A_1447, %dma_start3A_1448] : memref<200x8x32x8x128xf32, #tpu.memory_space<hbm>> -> memref<1x1x1x8x128xf32, #tpu.memory_space<hbm>>
      %dma_start3A_1450 = tpu.memref_squeeze %dma_start3A_1449 : memref<1x1x1x8x128xf32, #tpu.memory_space<hbm>> -> memref<8x128xf32, #tpu.memory_space<hbm>>
      %dma_start3A_1451 = arith.constant 0 : i32
      %dma_start3A_1452 = arith.constant 0 : i32
      %dma_start3A_1453 = tpu.memref_slice %arg4[%add3A_1382, %dma_start3A_1443, %select_n3A_1363, %dma_start3A_1451, %dma_start3A_1452] : memref<200x8x32x8x128xf32, #tpu.memory_space<hbm>> -> memref<1x1x1x8x128xf32, #tpu.memory_space<hbm>>
      %dma_start3A_1454 = tpu.memref_squeeze %dma_start3A_1453 : memref<1x1x1x8x128xf32, #tpu.memory_space<hbm>> -> memref<8x128xf32, #tpu.memory_space<hbm>>
      %dma_start3A_1455 = arith.constant 32 : i32
      %dma_start3A_1456 = arith.constant 0 : i32
      %dma_start3A_1457 = tpu.memref_slice %arg13[%dma_start3A_1455, %dma_start3A_1456] : memref<64x128xf32, #tpu.memory_space<vmem>> -> memref<8x128xf32, #tpu.memory_space<vmem>>
      tpu.enqueue_dma source(%dma_start3A_1457 : memref<8x128xf32, #tpu.memory_space<vmem>>) target(%dma_start3A_1454 : memref<8x128xf32, #tpu.memory_space<hbm>>) target_semaphore(%arg21 : memref<!tpu.dma_semaphore, #tpu.memory_space<semaphore_mem>>)
      %dma_start3A_1458 = arith.constant 5 : i32
      %dma_start3A_1459 = arith.constant 40 : i32
      %dma_start3A_1460 = arith.constant 0 : i32
      %dma_start3A_1461 = tpu.memref_slice %arg13[%dma_start3A_1459, %dma_start3A_1460] : memref<64x128xf32, #tpu.memory_space<vmem>> -> memref<8x128xf32, #tpu.memory_space<vmem>>
      %dma_start3A_1462 = arith.constant 0 : i32
      %dma_start3A_1463 = arith.constant 0 : i32
      %dma_start3A_1464 = tpu.memref_slice %arg4[%add3A_1382, %dma_start3A_1458, %select_n3A_1363, %dma_start3A_1462, %dma_start3A_1463] : memref<200x8x32x8x128xf32, #tpu.memory_space<hbm>> -> memref<1x1x1x8x128xf32, #tpu.memory_space<hbm>>
      %dma_start3A_1465 = tpu.memref_squeeze %dma_start3A_1464 : memref<1x1x1x8x128xf32, #tpu.memory_space<hbm>> -> memref<8x128xf32, #tpu.memory_space<hbm>>
      %dma_start3A_1466 = arith.constant 0 : i32
      %dma_start3A_1467 = arith.constant 0 : i32
      %dma_start3A_1468 = tpu.memref_slice %arg4[%add3A_1382, %dma_start3A_1458, %select_n3A_1363, %dma_start3A_1466, %dma_start3A_1467] : memref<200x8x32x8x128xf32, #tpu.memory_space<hbm>> -> memref<1x1x1x8x128xf32, #tpu.memory_space<hbm>>
      %dma_start3A_1469 = tpu.memref_squeeze %dma_start3A_1468 : memref<1x1x1x8x128xf32, #tpu.memory_space<hbm>> -> memref<8x128xf32, #tpu.memory_space<hbm>>
      %dma_start3A_1470 = arith.constant 40 : i32
      %dma_start3A_1471 = arith.constant 0 : i32
      %dma_start3A_1472 = tpu.memref_slice %arg13[%dma_start3A_1470, %dma_start3A_1471] : memref<64x128xf32, #tpu.memory_space<vmem>> -> memref<8x128xf32, #tpu.memory_space<vmem>>
      tpu.enqueue_dma source(%dma_start3A_1472 : memref<8x128xf32, #tpu.memory_space<vmem>>) target(%dma_start3A_1469 : memref<8x128xf32, #tpu.memory_space<hbm>>) target_semaphore(%arg21 : memref<!tpu.dma_semaphore, #tpu.memory_space<semaphore_mem>>)
      %dma_start3A_1473 = arith.constant 6 : i32
      %dma_start3A_1474 = arith.constant 48 : i32
      %dma_start3A_1475 = arith.constant 0 : i32
      %dma_start3A_1476 = tpu.memref_slice %arg13[%dma_start3A_1474, %dma_start3A_1475] : memref<64x128xf32, #tpu.memory_space<vmem>> -> memref<8x128xf32, #tpu.memory_space<vmem>>
      %dma_start3A_1477 = arith.constant 0 : i32
      %dma_start3A_1478 = arith.constant 0 : i32
      %dma_start3A_1479 = tpu.memref_slice %arg4[%add3A_1382, %dma_start3A_1473, %select_n3A_1363, %dma_start3A_1477, %dma_start3A_1478] : memref<200x8x32x8x128xf32, #tpu.memory_space<hbm>> -> memref<1x1x1x8x128xf32, #tpu.memory_space<hbm>>
      %dma_start3A_1480 = tpu.memref_squeeze %dma_start3A_1479 : memref<1x1x1x8x128xf32, #tpu.memory_space<hbm>> -> memref<8x128xf32, #tpu.memory_space<hbm>>
      %dma_start3A_1481 = arith.constant 0 : i32
      %dma_start3A_1482 = arith.constant 0 : i32
      %dma_start3A_1483 = tpu.memref_slice %arg4[%add3A_1382, %dma_start3A_1473, %select_n3A_1363, %dma_start3A_1481, %dma_start3A_1482] : memref<200x8x32x8x128xf32, #tpu.memory_space<hbm>> -> memref<1x1x1x8x128xf32, #tpu.memory_space<hbm>>
      %dma_start3A_1484 = tpu.memref_squeeze %dma_start3A_1483 : memref<1x1x1x8x128xf32, #tpu.memory_space<hbm>> -> memref<8x128xf32, #tpu.memory_space<hbm>>
      %dma_start3A_1485 = arith.constant 48 : i32
      %dma_start3A_1486 = arith.constant 0 : i32
      %dma_start3A_1487 = tpu.memref_slice %arg13[%dma_start3A_1485, %dma_start3A_1486] : memref<64x128xf32, #tpu.memory_space<vmem>> -> memref<8x128xf32, #tpu.memory_space<vmem>>
      tpu.enqueue_dma source(%dma_start3A_1487 : memref<8x128xf32, #tpu.memory_space<vmem>>) target(%dma_start3A_1484 : memref<8x128xf32, #tpu.memory_space<hbm>>) target_semaphore(%arg21 : memref<!tpu.dma_semaphore, #tpu.memory_space<semaphore_mem>>)
      %dma_start3A_1488 = arith.constant 7 : i32
      %dma_start3A_1489 = arith.constant 56 : i32
      %dma_start3A_1490 = arith.constant 0 : i32
      %dma_start3A_1491 = tpu.memref_slice %arg13[%dma_start3A_1489, %dma_start3A_1490] : memref<64x128xf32, #tpu.memory_space<vmem>> -> memref<8x128xf32, #tpu.memory_space<vmem>>
      %dma_start3A_1492 = arith.constant 0 : i32
      %dma_start3A_1493 = arith.constant 0 : i32
      %dma_start3A_1494 = tpu.memref_slice %arg4[%add3A_1382, %dma_start3A_1488, %select_n3A_1363, %dma_start3A_1492, %dma_start3A_1493] : memref<200x8x32x8x128xf32, #tpu.memory_space<hbm>> -> memref<1x1x1x8x128xf32, #tpu.memory_space<hbm>>
      %dma_start3A_1495 = tpu.memref_squeeze %dma_start3A_1494 : memref<1x1x1x8x128xf32, #tpu.memory_space<hbm>> -> memref<8x128xf32, #tpu.memory_space<hbm>>
      %dma_start3A_1496 = arith.constant 0 : i32
      %dma_start3A_1497 = arith.constant 0 : i32
      %dma_start3A_1498 = tpu.memref_slice %arg4[%add3A_1382, %dma_start3A_1488, %select_n3A_1363, %dma_start3A_1496, %dma_start3A_1497] : memref<200x8x32x8x128xf32, #tpu.memory_space<hbm>> -> memref<1x1x1x8x128xf32, #tpu.memory_space<hbm>>
      %dma_start3A_1499 = tpu.memref_squeeze %dma_start3A_1498 : memref<1x1x1x8x128xf32, #tpu.memory_space<hbm>> -> memref<8x128xf32, #tpu.memory_space<hbm>>
      %dma_start3A_1500 = arith.constant 56 : i32
      %dma_start3A_1501 = arith.constant 0 : i32
      %dma_start3A_1502 = tpu.memref_slice %arg13[%dma_start3A_1500, %dma_start3A_1501] : memref<64x128xf32, #tpu.memory_space<vmem>> -> memref<8x128xf32, #tpu.memory_space<vmem>>
      tpu.enqueue_dma source(%dma_start3A_1502 : memref<8x128xf32, #tpu.memory_space<vmem>>) target(%dma_start3A_1499 : memref<8x128xf32, #tpu.memory_space<hbm>>) target_semaphore(%arg21 : memref<!tpu.dma_semaphore, #tpu.memory_space<semaphore_mem>>)
      %lt3A_1503 = arith.constant 196 : i32
      %lt3A_1504 = arith.cmpi slt, %add3A_1283, %lt3A_1503 : i32
      %convert_element_type3A_1505 = arith.extui %lt3A_1504 : i1 to i32
      %cond3A_1506 = arith.constant 0 : i32
      %cond3A_1507 = arith.cmpi ne, %convert_element_type3A_1505, %cond3A_1506 : i32
      scf.if %cond3A_1507 {
        %add3A_1508 = arith.constant 4 : i32
        %add3A_1509 = arith.addi %add3A_1283, %add3A_1508 : i32
        %dma_start3A_1510 = arith.constant 0 : i32
        %dma_start3A_1511 = tpu.memref_slice %arg5[%add3A_1509, %dma_start3A_1510] : memref<200x128xi32, #tpu.memory_space<vmem>> -> memref<1x128xi32, #tpu.memory_space<vmem>>
        %dma_start3A_1512 = tpu.memref_squeeze %dma_start3A_1511 : memref<1x128xi32, #tpu.memory_space<vmem>> -> memref<128xi32, #tpu.memory_space<vmem>>
        %dma_start3A_1513 = arith.constant 0 : i32
        %dma_start3A_1514 = arith.constant 0 : i32
        %dma_start3A_1515 = tpu.memref_slice %arg2[%dma_start3A_1513, %dma_start3A_1514] : memref<100000x64xf32, #tpu.memory_space<hbm>> -> memref<100000x64xf32, #tpu.memory_space<hbm>>
        tpu.enqueue_indirect_dma source(%dma_start3A_1515 : memref<100000x64xf32, #tpu.memory_space<hbm>>) target(%arg9 : memref<128x64xf32, #tpu.memory_space<vmem>>) offsets(%dma_start3A_1512 : memref<128xi32, #tpu.memory_space<vmem>>) semaphore(%arg17 : memref<!tpu.dma_semaphore, #tpu.memory_space<semaphore_mem>>)
      } else {
      }
    }
    %scan3A_65 = arith.constant 50 : i32
    %dma_wait3A = arith.constant 0 : i32
    %dma_wait3A_66 = arith.constant 0 : i32
    %dma_wait3A_67 = arith.constant 0 : i32
    %dma_wait3A_68 = arith.constant 0 : i32
    %dma_wait3A_69 = arith.constant 0 : i32
    %dma_wait3A_70 = tpu.memref_slice %arg10[%dma_wait3A_68, %dma_wait3A_69] : memref<64x128xf32, #tpu.memory_space<vmem>> -> memref<8x128xf32, #tpu.memory_space<vmem>>
    %dma_wait3A_71 = arith.constant 0 : i32
    %dma_wait3A_72 = arith.constant 0 : i32
    %dma_wait3A_73 = tpu.memref_slice %arg4[%dma_wait3A, %dma_wait3A_66, %dma_wait3A_67, %dma_wait3A_71, %dma_wait3A_72] : memref<200x8x32x8x128xf32, #tpu.memory_space<hbm>> -> memref<1x1x1x8x128xf32, #tpu.memory_space<hbm>>
    %dma_wait3A_74 = tpu.memref_squeeze %dma_wait3A_73 : memref<1x1x1x8x128xf32, #tpu.memory_space<hbm>> -> memref<8x128xf32, #tpu.memory_space<hbm>>
    %dma_wait3A_75 = arith.constant 0 : i32
    %dma_wait3A_76 = arith.constant 0 : i32
    %dma_wait3A_77 = tpu.memref_slice %arg4[%dma_wait3A, %dma_wait3A_66, %dma_wait3A_67, %dma_wait3A_75, %dma_wait3A_76] : memref<200x8x32x8x128xf32, #tpu.memory_space<hbm>> -> memref<1x1x1x8x128xf32, #tpu.memory_space<hbm>>
    %dma_wait3A_78 = tpu.memref_squeeze %dma_wait3A_77 : memref<1x1x1x8x128xf32, #tpu.memory_space<hbm>> -> memref<8x128xf32, #tpu.memory_space<hbm>>
    %dma_wait3A_79 = arith.constant 0 : i32
    %dma_wait3A_80 = arith.constant 0 : i32
    %dma_wait3A_81 = tpu.memref_slice %arg10[%dma_wait3A_79, %dma_wait3A_80] : memref<64x128xf32, #tpu.memory_space<vmem>> -> memref<8x128xf32, #tpu.memory_space<vmem>>
    tpu.wait_dma2 semaphore(%arg18 : memref<!tpu.dma_semaphore, #tpu.memory_space<semaphore_mem>>) src(%dma_wait3A_81 : memref<8x128xf32, #tpu.memory_space<vmem>>) dst(%dma_wait3A_78 : memref<8x128xf32, #tpu.memory_space<hbm>>)
    %dma_wait3A_82 = arith.constant 0 : i32
    %dma_wait3A_83 = arith.constant 0 : i32
    %dma_wait3A_84 = arith.constant 0 : i32
    %dma_wait3A_85 = arith.constant 0 : i32
    %dma_wait3A_86 = arith.constant 0 : i32
    %dma_wait3A_87 = tpu.memref_slice %arg10[%dma_wait3A_85, %dma_wait3A_86] : memref<64x128xf32, #tpu.memory_space<vmem>> -> memref<8x128xf32, #tpu.memory_space<vmem>>
    %dma_wait3A_88 = arith.constant 0 : i32
    %dma_wait3A_89 = arith.constant 0 : i32
    %dma_wait3A_90 = tpu.memref_slice %arg4[%dma_wait3A_82, %dma_wait3A_83, %dma_wait3A_84, %dma_wait3A_88, %dma_wait3A_89] : memref<200x8x32x8x128xf32, #tpu.memory_space<hbm>> -> memref<1x1x1x8x128xf32, #tpu.memory_space<hbm>>
    %dma_wait3A_91 = tpu.memref_squeeze %dma_wait3A_90 : memref<1x1x1x8x128xf32, #tpu.memory_space<hbm>> -> memref<8x128xf32, #tpu.memory_space<hbm>>
    %dma_wait3A_92 = arith.constant 0 : i32
    %dma_wait3A_93 = arith.constant 0 : i32
    %dma_wait3A_94 = tpu.memref_slice %arg4[%dma_wait3A_82, %dma_wait3A_83, %dma_wait3A_84, %dma_wait3A_92, %dma_wait3A_93] : memref<200x8x32x8x128xf32, #tpu.memory_space<hbm>> -> memref<1x1x1x8x128xf32, #tpu.memory_space<hbm>>
    %dma_wait3A_95 = tpu.memref_squeeze %dma_wait3A_94 : memref<1x1x1x8x128xf32, #tpu.memory_space<hbm>> -> memref<8x128xf32, #tpu.memory_space<hbm>>
    %dma_wait3A_96 = arith.constant 0 : i32
    %dma_wait3A_97 = arith.constant 0 : i32
    %dma_wait3A_98 = tpu.memref_slice %arg10[%dma_wait3A_96, %dma_wait3A_97] : memref<64x128xf32, #tpu.memory_space<vmem>> -> memref<8x128xf32, #tpu.memory_space<vmem>>
    tpu.wait_dma2 semaphore(%arg18 : memref<!tpu.dma_semaphore, #tpu.memory_space<semaphore_mem>>) src(%dma_wait3A_98 : memref<8x128xf32, #tpu.memory_space<vmem>>) dst(%dma_wait3A_95 : memref<8x128xf32, #tpu.memory_space<hbm>>)
    %dma_wait3A_99 = arith.constant 0 : i32
    %dma_wait3A_100 = arith.constant 0 : i32
    %dma_wait3A_101 = arith.constant 0 : i32
    %dma_wait3A_102 = arith.constant 0 : i32
    %dma_wait3A_103 = arith.constant 0 : i32
    %dma_wait3A_104 = tpu.memref_slice %arg10[%dma_wait3A_102, %dma_wait3A_103] : memref<64x128xf32, #tpu.memory_space<vmem>> -> memref<8x128xf32, #tpu.memory_space<vmem>>
    %dma_wait3A_105 = arith.constant 0 : i32
    %dma_wait3A_106 = arith.constant 0 : i32
    %dma_wait3A_107 = tpu.memref_slice %arg4[%dma_wait3A_99, %dma_wait3A_100, %dma_wait3A_101, %dma_wait3A_105, %dma_wait3A_106] : memref<200x8x32x8x128xf32, #tpu.memory_space<hbm>> -> memref<1x1x1x8x128xf32, #tpu.memory_space<hbm>>
    %dma_wait3A_108 = tpu.memref_squeeze %dma_wait3A_107 : memref<1x1x1x8x128xf32, #tpu.memory_space<hbm>> -> memref<8x128xf32, #tpu.memory_space<hbm>>
    %dma_wait3A_109 = arith.constant 0 : i32
    %dma_wait3A_110 = arith.constant 0 : i32
    %dma_wait3A_111 = tpu.memref_slice %arg4[%dma_wait3A_99, %dma_wait3A_100, %dma_wait3A_101, %dma_wait3A_109, %dma_wait3A_110] : memref<200x8x32x8x128xf32, #tpu.memory_space<hbm>> -> memref<1x1x1x8x128xf32, #tpu.memory_space<hbm>>
    %dma_wait3A_112 = tpu.memref_squeeze %dma_wait3A_111 : memref<1x1x1x8x128xf32, #tpu.memory_space<hbm>> -> memref<8x128xf32, #tpu.memory_space<hbm>>
    %dma_wait3A_113 = arith.constant 0 : i32
    %dma_wait3A_114 = arith.constant 0 : i32
    %dma_wait3A_115 = tpu.memref_slice %arg10[%dma_wait3A_113, %dma_wait3A_114] : memref<64x128xf32, #tpu.memory_space<vmem>> -> memref<8x128xf32, #tpu.memory_space<vmem>>
    tpu.wait_dma2 semaphore(%arg18 : memref<!tpu.dma_semaphore, #tpu.memory_space<semaphore_mem>>) src(%dma_wait3A_115 : memref<8x128xf32, #tpu.memory_space<vmem>>) dst(%dma_wait3A_112 : memref<8x128xf32, #tpu.memory_space<hbm>>)
    %dma_wait3A_116 = arith.constant 0 : i32
    %dma_wait3A_117 = arith.constant 0 : i32
    %dma_wait3A_118 = arith.constant 0 : i32
    %dma_wait3A_119 = arith.constant 0 : i32
    %dma_wait3A_120 = arith.constant 0 : i32
    %dma_wait3A_121 = tpu.memref_slice %arg10[%dma_wait3A_119, %dma_wait3A_120] : memref<64x128xf32, #tpu.memory_space<vmem>> -> memref<8x128xf32, #tpu.memory_space<vmem>>
    %dma_wait3A_122 = arith.constant 0 : i32
    %dma_wait3A_123 = arith.constant 0 : i32
    %dma_wait3A_124 = tpu.memref_slice %arg4[%dma_wait3A_116, %dma_wait3A_117, %dma_wait3A_118, %dma_wait3A_122, %dma_wait3A_123] : memref<200x8x32x8x128xf32, #tpu.memory_space<hbm>> -> memref<1x1x1x8x128xf32, #tpu.memory_space<hbm>>
    %dma_wait3A_125 = tpu.memref_squeeze %dma_wait3A_124 : memref<1x1x1x8x128xf32, #tpu.memory_space<hbm>> -> memref<8x128xf32, #tpu.memory_space<hbm>>
    %dma_wait3A_126 = arith.constant 0 : i32
    %dma_wait3A_127 = arith.constant 0 : i32
    %dma_wait3A_128 = tpu.memref_slice %arg4[%dma_wait3A_116, %dma_wait3A_117, %dma_wait3A_118, %dma_wait3A_126, %dma_wait3A_127] : memref<200x8x32x8x128xf32, #tpu.memory_space<hbm>> -> memref<1x1x1x8x128xf32, #tpu.memory_space<hbm>>
    %dma_wait3A_129 = tpu.memref_squeeze %dma_wait3A_128 : memref<1x1x1x8x128xf32, #tpu.memory_space<hbm>> -> memref<8x128xf32, #tpu.memory_space<hbm>>
    %dma_wait3A_130 = arith.constant 0 : i32
    %dma_wait3A_131 = arith.constant 0 : i32
    %dma_wait3A_132 = tpu.memref_slice %arg10[%dma_wait3A_130, %dma_wait3A_131] : memref<64x128xf32, #tpu.memory_space<vmem>> -> memref<8x128xf32, #tpu.memory_space<vmem>>
    tpu.wait_dma2 semaphore(%arg18 : memref<!tpu.dma_semaphore, #tpu.memory_space<semaphore_mem>>) src(%dma_wait3A_132 : memref<8x128xf32, #tpu.memory_space<vmem>>) dst(%dma_wait3A_129 : memref<8x128xf32, #tpu.memory_space<hbm>>)
    %dma_wait3A_133 = arith.constant 0 : i32
    %dma_wait3A_134 = arith.constant 0 : i32
    %dma_wait3A_135 = arith.constant 0 : i32
    %dma_wait3A_136 = arith.constant 0 : i32
    %dma_wait3A_137 = arith.constant 0 : i32
    %dma_wait3A_138 = tpu.memref_slice %arg10[%dma_wait3A_136, %dma_wait3A_137] : memref<64x128xf32, #tpu.memory_space<vmem>> -> memref<8x128xf32, #tpu.memory_space<vmem>>
    %dma_wait3A_139 = arith.constant 0 : i32
    %dma_wait3A_140 = arith.constant 0 : i32
    %dma_wait3A_141 = tpu.memref_slice %arg4[%dma_wait3A_133, %dma_wait3A_134, %dma_wait3A_135, %dma_wait3A_139, %dma_wait3A_140] : memref<200x8x32x8x128xf32, #tpu.memory_space<hbm>> -> memref<1x1x1x8x128xf32, #tpu.memory_space<hbm>>
    %dma_wait3A_142 = tpu.memref_squeeze %dma_wait3A_141 : memref<1x1x1x8x128xf32, #tpu.memory_space<hbm>> -> memref<8x128xf32, #tpu.memory_space<hbm>>
    %dma_wait3A_143 = arith.constant 0 : i32
    %dma_wait3A_144 = arith.constant 0 : i32
    %dma_wait3A_145 = tpu.memref_slice %arg4[%dma_wait3A_133, %dma_wait3A_134, %dma_wait3A_135, %dma_wait3A_143, %dma_wait3A_144] : memref<200x8x32x8x128xf32, #tpu.memory_space<hbm>> -> memref<1x1x1x8x128xf32, #tpu.memory_space<hbm>>
    %dma_wait3A_146 = tpu.memref_squeeze %dma_wait3A_145 : memref<1x1x1x8x128xf32, #tpu.memory_space<hbm>> -> memref<8x128xf32, #tpu.memory_space<hbm>>
    %dma_wait3A_147 = arith.constant 0 : i32
    %dma_wait3A_148 = arith.constant 0 : i32
    %dma_wait3A_149 = tpu.memref_slice %arg10[%dma_wait3A_147, %dma_wait3A_148] : memref<64x128xf32, #tpu.memory_space<vmem>> -> memref<8x128xf32, #tpu.memory_space<vmem>>
    tpu.wait_dma2 semaphore(%arg18 : memref<!tpu.dma_semaphore, #tpu.memory_space<semaphore_mem>>) src(%dma_wait3A_149 : memref<8x128xf32, #tpu.memory_space<vmem>>) dst(%dma_wait3A_146 : memref<8x128xf32, #tpu.memory_space<hbm>>)
    %dma_wait3A_150 = arith.constant 0 : i32
    %dma_wait3A_151 = arith.constant 0 : i32
    %dma_wait3A_152 = arith.constant 0 : i32
    %dma_wait3A_153 = arith.constant 0 : i32
    %dma_wait3A_154 = arith.constant 0 : i32
    %dma_wait3A_155 = tpu.memref_slice %arg10[%dma_wait3A_153, %dma_wait3A_154] : memref<64x128xf32, #tpu.memory_space<vmem>> -> memref<8x128xf32, #tpu.memory_space<vmem>>
    %dma_wait3A_156 = arith.constant 0 : i32
    %dma_wait3A_157 = arith.constant 0 : i32
    %dma_wait3A_158 = tpu.memref_slice %arg4[%dma_wait3A_150, %dma_wait3A_151, %dma_wait3A_152, %dma_wait3A_156, %dma_wait3A_157] : memref<200x8x32x8x128xf32, #tpu.memory_space<hbm>> -> memref<1x1x1x8x128xf32, #tpu.memory_space<hbm>>
    %dma_wait3A_159 = tpu.memref_squeeze %dma_wait3A_158 : memref<1x1x1x8x128xf32, #tpu.memory_space<hbm>> -> memref<8x128xf32, #tpu.memory_space<hbm>>
    %dma_wait3A_160 = arith.constant 0 : i32
    %dma_wait3A_161 = arith.constant 0 : i32
    %dma_wait3A_162 = tpu.memref_slice %arg4[%dma_wait3A_150, %dma_wait3A_151, %dma_wait3A_152, %dma_wait3A_160, %dma_wait3A_161] : memref<200x8x32x8x128xf32, #tpu.memory_space<hbm>> -> memref<1x1x1x8x128xf32, #tpu.memory_space<hbm>>
    %dma_wait3A_163 = tpu.memref_squeeze %dma_wait3A_162 : memref<1x1x1x8x128xf32, #tpu.memory_space<hbm>> -> memref<8x128xf32, #tpu.memory_space<hbm>>
    %dma_wait3A_164 = arith.constant 0 : i32
    %dma_wait3A_165 = arith.constant 0 : i32
    %dma_wait3A_166 = tpu.memref_slice %arg10[%dma_wait3A_164, %dma_wait3A_165] : memref<64x128xf32, #tpu.memory_space<vmem>> -> memref<8x128xf32, #tpu.memory_space<vmem>>
    tpu.wait_dma2 semaphore(%arg18 : memref<!tpu.dma_semaphore, #tpu.memory_space<semaphore_mem>>) src(%dma_wait3A_166 : memref<8x128xf32, #tpu.memory_space<vmem>>) dst(%dma_wait3A_163 : memref<8x128xf32, #tpu.memory_space<hbm>>)
    %dma_wait3A_167 = arith.constant 0 : i32
    %dma_wait3A_168 = arith.constant 0 : i32
    %dma_wait3A_169 = arith.constant 0 : i32
    %dma_wait3A_170 = arith.constant 0 : i32
    %dma_wait3A_171 = arith.constant 0 : i32
    %dma_wait3A_172 = tpu.memref_slice %arg10[%dma_wait3A_170, %dma_wait3A_171] : memref<64x128xf32, #tpu.memory_space<vmem>> -> memref<8x128xf32, #tpu.memory_space<vmem>>
    %dma_wait3A_173 = arith.constant 0 : i32
    %dma_wait3A_174 = arith.constant 0 : i32
    %dma_wait3A_175 = tpu.memref_slice %arg4[%dma_wait3A_167, %dma_wait3A_168, %dma_wait3A_169, %dma_wait3A_173, %dma_wait3A_174] : memref<200x8x32x8x128xf32, #tpu.memory_space<hbm>> -> memref<1x1x1x8x128xf32, #tpu.memory_space<hbm>>
    %dma_wait3A_176 = tpu.memref_squeeze %dma_wait3A_175 : memref<1x1x1x8x128xf32, #tpu.memory_space<hbm>> -> memref<8x128xf32, #tpu.memory_space<hbm>>
    %dma_wait3A_177 = arith.constant 0 : i32
    %dma_wait3A_178 = arith.constant 0 : i32
    %dma_wait3A_179 = tpu.memref_slice %arg4[%dma_wait3A_167, %dma_wait3A_168, %dma_wait3A_169, %dma_wait3A_177, %dma_wait3A_178] : memref<200x8x32x8x128xf32, #tpu.memory_space<hbm>> -> memref<1x1x1x8x128xf32, #tpu.memory_space<hbm>>
    %dma_wait3A_180 = tpu.memref_squeeze %dma_wait3A_179 : memref<1x1x1x8x128xf32, #tpu.memory_space<hbm>> -> memref<8x128xf32, #tpu.memory_space<hbm>>
    %dma_wait3A_181 = arith.constant 0 : i32
    %dma_wait3A_182 = arith.constant 0 : i32
    %dma_wait3A_183 = tpu.memref_slice %arg10[%dma_wait3A_181, %dma_wait3A_182] : memref<64x128xf32, #tpu.memory_space<vmem>> -> memref<8x128xf32, #tpu.memory_space<vmem>>
    tpu.wait_dma2 semaphore(%arg18 : memref<!tpu.dma_semaphore, #tpu.memory_space<semaphore_mem>>) src(%dma_wait3A_183 : memref<8x128xf32, #tpu.memory_space<vmem>>) dst(%dma_wait3A_180 : memref<8x128xf32, #tpu.memory_space<hbm>>)
    %dma_wait3A_184 = arith.constant 0 : i32
    %dma_wait3A_185 = arith.constant 0 : i32
    %dma_wait3A_186 = arith.constant 0 : i32
    %dma_wait3A_187 = arith.constant 0 : i32
    %dma_wait3A_188 = arith.constant 0 : i32
    %dma_wait3A_189 = tpu.memref_slice %arg10[%dma_wait3A_187, %dma_wait3A_188] : memref<64x128xf32, #tpu.memory_space<vmem>> -> memref<8x128xf32, #tpu.memory_space<vmem>>
    %dma_wait3A_190 = arith.constant 0 : i32
    %dma_wait3A_191 = arith.constant 0 : i32
    %dma_wait3A_192 = tpu.memref_slice %arg4[%dma_wait3A_184, %dma_wait3A_185, %dma_wait3A_186, %dma_wait3A_190, %dma_wait3A_191] : memref<200x8x32x8x128xf32, #tpu.memory_space<hbm>> -> memref<1x1x1x8x128xf32, #tpu.memory_space<hbm>>
    %dma_wait3A_193 = tpu.memref_squeeze %dma_wait3A_192 : memref<1x1x1x8x128xf32, #tpu.memory_space<hbm>> -> memref<8x128xf32, #tpu.memory_space<hbm>>
    %dma_wait3A_194 = arith.constant 0 : i32
    %dma_wait3A_195 = arith.constant 0 : i32
    %dma_wait3A_196 = tpu.memref_slice %arg4[%dma_wait3A_184, %dma_wait3A_185, %dma_wait3A_186, %dma_wait3A_194, %dma_wait3A_195] : memref<200x8x32x8x128xf32, #tpu.memory_space<hbm>> -> memref<1x1x1x8x128xf32, #tpu.memory_space<hbm>>
    %dma_wait3A_197 = tpu.memref_squeeze %dma_wait3A_196 : memref<1x1x1x8x128xf32, #tpu.memory_space<hbm>> -> memref<8x128xf32, #tpu.memory_space<hbm>>
    %dma_wait3A_198 = arith.constant 0 : i32
    %dma_wait3A_199 = arith.constant 0 : i32
    %dma_wait3A_200 = tpu.memref_slice %arg10[%dma_wait3A_198, %dma_wait3A_199] : memref<64x128xf32, #tpu.memory_space<vmem>> -> memref<8x128xf32, #tpu.memory_space<vmem>>
    tpu.wait_dma2 semaphore(%arg18 : memref<!tpu.dma_semaphore, #tpu.memory_space<semaphore_mem>>) src(%dma_wait3A_200 : memref<8x128xf32, #tpu.memory_space<vmem>>) dst(%dma_wait3A_197 : memref<8x128xf32, #tpu.memory_space<hbm>>)
    %dma_wait3A_201 = arith.constant 0 : i32
    %dma_wait3A_202 = arith.constant 0 : i32
    %dma_wait3A_203 = arith.constant 0 : i32
    %dma_wait3A_204 = arith.constant 0 : i32
    %dma_wait3A_205 = arith.constant 0 : i32
    %dma_wait3A_206 = tpu.memref_slice %arg11[%dma_wait3A_204, %dma_wait3A_205] : memref<64x128xf32, #tpu.memory_space<vmem>> -> memref<8x128xf32, #tpu.memory_space<vmem>>
    %dma_wait3A_207 = arith.constant 0 : i32
    %dma_wait3A_208 = arith.constant 0 : i32
    %dma_wait3A_209 = tpu.memref_slice %arg4[%dma_wait3A_201, %dma_wait3A_202, %dma_wait3A_203, %dma_wait3A_207, %dma_wait3A_208] : memref<200x8x32x8x128xf32, #tpu.memory_space<hbm>> -> memref<1x1x1x8x128xf32, #tpu.memory_space<hbm>>
    %dma_wait3A_210 = tpu.memref_squeeze %dma_wait3A_209 : memref<1x1x1x8x128xf32, #tpu.memory_space<hbm>> -> memref<8x128xf32, #tpu.memory_space<hbm>>
    %dma_wait3A_211 = arith.constant 0 : i32
    %dma_wait3A_212 = arith.constant 0 : i32
    %dma_wait3A_213 = tpu.memref_slice %arg4[%dma_wait3A_201, %dma_wait3A_202, %dma_wait3A_203, %dma_wait3A_211, %dma_wait3A_212] : memref<200x8x32x8x128xf32, #tpu.memory_space<hbm>> -> memref<1x1x1x8x128xf32, #tpu.memory_space<hbm>>
    %dma_wait3A_214 = tpu.memref_squeeze %dma_wait3A_213 : memref<1x1x1x8x128xf32, #tpu.memory_space<hbm>> -> memref<8x128xf32, #tpu.memory_space<hbm>>
    %dma_wait3A_215 = arith.constant 0 : i32
    %dma_wait3A_216 = arith.constant 0 : i32
    %dma_wait3A_217 = tpu.memref_slice %arg11[%dma_wait3A_215, %dma_wait3A_216] : memref<64x128xf32, #tpu.memory_space<vmem>> -> memref<8x128xf32, #tpu.memory_space<vmem>>
    tpu.wait_dma2 semaphore(%arg19 : memref<!tpu.dma_semaphore, #tpu.memory_space<semaphore_mem>>) src(%dma_wait3A_217 : memref<8x128xf32, #tpu.memory_space<vmem>>) dst(%dma_wait3A_214 : memref<8x128xf32, #tpu.memory_space<hbm>>)
    %dma_wait3A_218 = arith.constant 0 : i32
    %dma_wait3A_219 = arith.constant 0 : i32
    %dma_wait3A_220 = arith.constant 0 : i32
    %dma_wait3A_221 = arith.constant 0 : i32
    %dma_wait3A_222 = arith.constant 0 : i32
    %dma_wait3A_223 = tpu.memref_slice %arg11[%dma_wait3A_221, %dma_wait3A_222] : memref<64x128xf32, #tpu.memory_space<vmem>> -> memref<8x128xf32, #tpu.memory_space<vmem>>
    %dma_wait3A_224 = arith.constant 0 : i32
    %dma_wait3A_225 = arith.constant 0 : i32
    %dma_wait3A_226 = tpu.memref_slice %arg4[%dma_wait3A_218, %dma_wait3A_219, %dma_wait3A_220, %dma_wait3A_224, %dma_wait3A_225] : memref<200x8x32x8x128xf32, #tpu.memory_space<hbm>> -> memref<1x1x1x8x128xf32, #tpu.memory_space<hbm>>
    %dma_wait3A_227 = tpu.memref_squeeze %dma_wait3A_226 : memref<1x1x1x8x128xf32, #tpu.memory_space<hbm>> -> memref<8x128xf32, #tpu.memory_space<hbm>>
    %dma_wait3A_228 = arith.constant 0 : i32
    %dma_wait3A_229 = arith.constant 0 : i32
    %dma_wait3A_230 = tpu.memref_slice %arg4[%dma_wait3A_218, %dma_wait3A_219, %dma_wait3A_220, %dma_wait3A_228, %dma_wait3A_229] : memref<200x8x32x8x128xf32, #tpu.memory_space<hbm>> -> memref<1x1x1x8x128xf32, #tpu.memory_space<hbm>>
    %dma_wait3A_231 = tpu.memref_squeeze %dma_wait3A_230 : memref<1x1x1x8x128xf32, #tpu.memory_space<hbm>> -> memref<8x128xf32, #tpu.memory_space<hbm>>
    %dma_wait3A_232 = arith.constant 0 : i32
    %dma_wait3A_233 = arith.constant 0 : i32
    %dma_wait3A_234 = tpu.memref_slice %arg11[%dma_wait3A_232, %dma_wait3A_233] : memref<64x128xf32, #tpu.memory_space<vmem>> -> memref<8x128xf32, #tpu.memory_space<vmem>>
    tpu.wait_dma2 semaphore(%arg19 : memref<!tpu.dma_semaphore, #tpu.memory_space<semaphore_mem>>) src(%dma_wait3A_234 : memref<8x128xf32, #tpu.memory_space<vmem>>) dst(%dma_wait3A_231 : memref<8x128xf32, #tpu.memory_space<hbm>>)
    %dma_wait3A_235 = arith.constant 0 : i32
    %dma_wait3A_236 = arith.constant 0 : i32
    %dma_wait3A_237 = arith.constant 0 : i32
    %dma_wait3A_238 = arith.constant 0 : i32
    %dma_wait3A_239 = arith.constant 0 : i32
    %dma_wait3A_240 = tpu.memref_slice %arg11[%dma_wait3A_238, %dma_wait3A_239] : memref<64x128xf32, #tpu.memory_space<vmem>> -> memref<8x128xf32, #tpu.memory_space<vmem>>
    %dma_wait3A_241 = arith.constant 0 : i32
    %dma_wait3A_242 = arith.constant 0 : i32
    %dma_wait3A_243 = tpu.memref_slice %arg4[%dma_wait3A_235, %dma_wait3A_236, %dma_wait3A_237, %dma_wait3A_241, %dma_wait3A_242] : memref<200x8x32x8x128xf32, #tpu.memory_space<hbm>> -> memref<1x1x1x8x128xf32, #tpu.memory_space<hbm>>
    %dma_wait3A_244 = tpu.memref_squeeze %dma_wait3A_243 : memref<1x1x1x8x128xf32, #tpu.memory_space<hbm>> -> memref<8x128xf32, #tpu.memory_space<hbm>>
    %dma_wait3A_245 = arith.constant 0 : i32
    %dma_wait3A_246 = arith.constant 0 : i32
    %dma_wait3A_247 = tpu.memref_slice %arg4[%dma_wait3A_235, %dma_wait3A_236, %dma_wait3A_237, %dma_wait3A_245, %dma_wait3A_246] : memref<200x8x32x8x128xf32, #tpu.memory_space<hbm>> -> memref<1x1x1x8x128xf32, #tpu.memory_space<hbm>>
    %dma_wait3A_248 = tpu.memref_squeeze %dma_wait3A_247 : memref<1x1x1x8x128xf32, #tpu.memory_space<hbm>> -> memref<8x128xf32, #tpu.memory_space<hbm>>
    %dma_wait3A_249 = arith.constant 0 : i32
    %dma_wait3A_250 = arith.constant 0 : i32
    %dma_wait3A_251 = tpu.memref_slice %arg11[%dma_wait3A_249, %dma_wait3A_250] : memref<64x128xf32, #tpu.memory_space<vmem>> -> memref<8x128xf32, #tpu.memory_space<vmem>>
    tpu.wait_dma2 semaphore(%arg19 : memref<!tpu.dma_semaphore, #tpu.memory_space<semaphore_mem>>) src(%dma_wait3A_251 : memref<8x128xf32, #tpu.memory_space<vmem>>) dst(%dma_wait3A_248 : memref<8x128xf32, #tpu.memory_space<hbm>>)
    %dma_wait3A_252 = arith.constant 0 : i32
    %dma_wait3A_253 = arith.constant 0 : i32
    %dma_wait3A_254 = arith.constant 0 : i32
    %dma_wait3A_255 = arith.constant 0 : i32
    %dma_wait3A_256 = arith.constant 0 : i32
    %dma_wait3A_257 = tpu.memref_slice %arg11[%dma_wait3A_255, %dma_wait3A_256] : memref<64x128xf32, #tpu.memory_space<vmem>> -> memref<8x128xf32, #tpu.memory_space<vmem>>
    %dma_wait3A_258 = arith.constant 0 : i32
    %dma_wait3A_259 = arith.constant 0 : i32
    %dma_wait3A_260 = tpu.memref_slice %arg4[%dma_wait3A_252, %dma_wait3A_253, %dma_wait3A_254, %dma_wait3A_258, %dma_wait3A_259] : memref<200x8x32x8x128xf32, #tpu.memory_space<hbm>> -> memref<1x1x1x8x128xf32, #tpu.memory_space<hbm>>
    %dma_wait3A_261 = tpu.memref_squeeze %dma_wait3A_260 : memref<1x1x1x8x128xf32, #tpu.memory_space<hbm>> -> memref<8x128xf32, #tpu.memory_space<hbm>>
    %dma_wait3A_262 = arith.constant 0 : i32
    %dma_wait3A_263 = arith.constant 0 : i32
    %dma_wait3A_264 = tpu.memref_slice %arg4[%dma_wait3A_252, %dma_wait3A_253, %dma_wait3A_254, %dma_wait3A_262, %dma_wait3A_263] : memref<200x8x32x8x128xf32, #tpu.memory_space<hbm>> -> memref<1x1x1x8x128xf32, #tpu.memory_space<hbm>>
    %dma_wait3A_265 = tpu.memref_squeeze %dma_wait3A_264 : memref<1x1x1x8x128xf32, #tpu.memory_space<hbm>> -> memref<8x128xf32, #tpu.memory_space<hbm>>
    %dma_wait3A_266 = arith.constant 0 : i32
    %dma_wait3A_267 = arith.constant 0 : i32
    %dma_wait3A_268 = tpu.memref_slice %arg11[%dma_wait3A_266, %dma_wait3A_267] : memref<64x128xf32, #tpu.memory_space<vmem>> -> memref<8x128xf32, #tpu.memory_space<vmem>>
    tpu.wait_dma2 semaphore(%arg19 : memref<!tpu.dma_semaphore, #tpu.memory_space<semaphore_mem>>) src(%dma_wait3A_268 : memref<8x128xf32, #tpu.memory_space<vmem>>) dst(%dma_wait3A_265 : memref<8x128xf32, #tpu.memory_space<hbm>>)
    %dma_wait3A_269 = arith.constant 0 : i32
    %dma_wait3A_270 = arith.constant 0 : i32
    %dma_wait3A_271 = arith.constant 0 : i32
    %dma_wait3A_272 = arith.constant 0 : i32
    %dma_wait3A_273 = arith.constant 0 : i32
    %dma_wait3A_274 = tpu.memref_slice %arg11[%dma_wait3A_272, %dma_wait3A_273] : memref<64x128xf32, #tpu.memory_space<vmem>> -> memref<8x128xf32, #tpu.memory_space<vmem>>
    %dma_wait3A_275 = arith.constant 0 : i32
    %dma_wait3A_276 = arith.constant 0 : i32
    %dma_wait3A_277 = tpu.memref_slice %arg4[%dma_wait3A_269, %dma_wait3A_270, %dma_wait3A_271, %dma_wait3A_275, %dma_wait3A_276] : memref<200x8x32x8x128xf32, #tpu.memory_space<hbm>> -> memref<1x1x1x8x128xf32, #tpu.memory_space<hbm>>
    %dma_wait3A_278 = tpu.memref_squeeze %dma_wait3A_277 : memref<1x1x1x8x128xf32, #tpu.memory_space<hbm>> -> memref<8x128xf32, #tpu.memory_space<hbm>>
    %dma_wait3A_279 = arith.constant 0 : i32
    %dma_wait3A_280 = arith.constant 0 : i32
    %dma_wait3A_281 = tpu.memref_slice %arg4[%dma_wait3A_269, %dma_wait3A_270, %dma_wait3A_271, %dma_wait3A_279, %dma_wait3A_280] : memref<200x8x32x8x128xf32, #tpu.memory_space<hbm>> -> memref<1x1x1x8x128xf32, #tpu.memory_space<hbm>>
    %dma_wait3A_282 = tpu.memref_squeeze %dma_wait3A_281 : memref<1x1x1x8x128xf32, #tpu.memory_space<hbm>> -> memref<8x128xf32, #tpu.memory_space<hbm>>
    %dma_wait3A_283 = arith.constant 0 : i32
    %dma_wait3A_284 = arith.constant 0 : i32
    %dma_wait3A_285 = tpu.memref_slice %arg11[%dma_wait3A_283, %dma_wait3A_284] : memref<64x128xf32, #tpu.memory_space<vmem>> -> memref<8x128xf32, #tpu.memory_space<vmem>>
    tpu.wait_dma2 semaphore(%arg19 : memref<!tpu.dma_semaphore, #tpu.memory_space<semaphore_mem>>) src(%dma_wait3A_285 : memref<8x128xf32, #tpu.memory_space<vmem>>) dst(%dma_wait3A_282 : memref<8x128xf32, #tpu.memory_space<hbm>>)
    %dma_wait3A_286 = arith.constant 0 : i32
    %dma_wait3A_287 = arith.constant 0 : i32
    %dma_wait3A_288 = arith.constant 0 : i32
    %dma_wait3A_289 = arith.constant 0 : i32
    %dma_wait3A_290 = arith.constant 0 : i32
    %dma_wait3A_291 = tpu.memref_slice %arg11[%dma_wait3A_289, %dma_wait3A_290] : memref<64x128xf32, #tpu.memory_space<vmem>> -> memref<8x128xf32, #tpu.memory_space<vmem>>
    %dma_wait3A_292 = arith.constant 0 : i32
    %dma_wait3A_293 = arith.constant 0 : i32
    %dma_wait3A_294 = tpu.memref_slice %arg4[%dma_wait3A_286, %dma_wait3A_287, %dma_wait3A_288, %dma_wait3A_292, %dma_wait3A_293] : memref<200x8x32x8x128xf32, #tpu.memory_space<hbm>> -> memref<1x1x1x8x128xf32, #tpu.memory_space<hbm>>
    %dma_wait3A_295 = tpu.memref_squeeze %dma_wait3A_294 : memref<1x1x1x8x128xf32, #tpu.memory_space<hbm>> -> memref<8x128xf32, #tpu.memory_space<hbm>>
    %dma_wait3A_296 = arith.constant 0 : i32
    %dma_wait3A_297 = arith.constant 0 : i32
    %dma_wait3A_298 = tpu.memref_slice %arg4[%dma_wait3A_286, %dma_wait3A_287, %dma_wait3A_288, %dma_wait3A_296, %dma_wait3A_297] : memref<200x8x32x8x128xf32, #tpu.memory_space<hbm>> -> memref<1x1x1x8x128xf32, #tpu.memory_space<hbm>>
    %dma_wait3A_299 = tpu.memref_squeeze %dma_wait3A_298 : memref<1x1x1x8x128xf32, #tpu.memory_space<hbm>> -> memref<8x128xf32, #tpu.memory_space<hbm>>
    %dma_wait3A_300 = arith.constant 0 : i32
    %dma_wait3A_301 = arith.constant 0 : i32
    %dma_wait3A_302 = tpu.memref_slice %arg11[%dma_wait3A_300, %dma_wait3A_301] : memref<64x128xf32, #tpu.memory_space<vmem>> -> memref<8x128xf32, #tpu.memory_space<vmem>>
    tpu.wait_dma2 semaphore(%arg19 : memref<!tpu.dma_semaphore, #tpu.memory_space<semaphore_mem>>) src(%dma_wait3A_302 : memref<8x128xf32, #tpu.memory_space<vmem>>) dst(%dma_wait3A_299 : memref<8x128xf32, #tpu.memory_space<hbm>>)
    %dma_wait3A_303 = arith.constant 0 : i32
    %dma_wait3A_304 = arith.constant 0 : i32
    %dma_wait3A_305 = arith.constant 0 : i32
    %dma_wait3A_306 = arith.constant 0 : i32
    %dma_wait3A_307 = arith.constant 0 : i32
    %dma_wait3A_308 = tpu.memref_slice %arg11[%dma_wait3A_306, %dma_wait3A_307] : memref<64x128xf32, #tpu.memory_space<vmem>> -> memref<8x128xf32, #tpu.memory_space<vmem>>
    %dma_wait3A_309 = arith.constant 0 : i32
    %dma_wait3A_310 = arith.constant 0 : i32
    %dma_wait3A_311 = tpu.memref_slice %arg4[%dma_wait3A_303, %dma_wait3A_304, %dma_wait3A_305, %dma_wait3A_309, %dma_wait3A_310] : memref<200x8x32x8x128xf32, #tpu.memory_space<hbm>> -> memref<1x1x1x8x128xf32, #tpu.memory_space<hbm>>
    %dma_wait3A_312 = tpu.memref_squeeze %dma_wait3A_311 : memref<1x1x1x8x128xf32, #tpu.memory_space<hbm>> -> memref<8x128xf32, #tpu.memory_space<hbm>>
    %dma_wait3A_313 = arith.constant 0 : i32
    %dma_wait3A_314 = arith.constant 0 : i32
    %dma_wait3A_315 = tpu.memref_slice %arg4[%dma_wait3A_303, %dma_wait3A_304, %dma_wait3A_305, %dma_wait3A_313, %dma_wait3A_314] : memref<200x8x32x8x128xf32, #tpu.memory_space<hbm>> -> memref<1x1x1x8x128xf32, #tpu.memory_space<hbm>>
    %dma_wait3A_316 = tpu.memref_squeeze %dma_wait3A_315 : memref<1x1x1x8x128xf32, #tpu.memory_space<hbm>> -> memref<8x128xf32, #tpu.memory_space<hbm>>
    %dma_wait3A_317 = arith.constant 0 : i32
    %dma_wait3A_318 = arith.constant 0 : i32
    %dma_wait3A_319 = tpu.memref_slice %arg11[%dma_wait3A_317, %dma_wait3A_318] : memref<64x128xf32, #tpu.memory_space<vmem>> -> memref<8x128xf32, #tpu.memory_space<vmem>>
    tpu.wait_dma2 semaphore(%arg19 : memref<!tpu.dma_semaphore, #tpu.memory_space<semaphore_mem>>) src(%dma_wait3A_319 : memref<8x128xf32, #tpu.memory_space<vmem>>) dst(%dma_wait3A_316 : memref<8x128xf32, #tpu.memory_space<hbm>>)
    %dma_wait3A_320 = arith.constant 0 : i32
    %dma_wait3A_321 = arith.constant 0 : i32
    %dma_wait3A_322 = arith.constant 0 : i32
    %dma_wait3A_323 = arith.constant 0 : i32
    %dma_wait3A_324 = arith.constant 0 : i32
    %dma_wait3A_325 = tpu.memref_slice %arg11[%dma_wait3A_323, %dma_wait3A_324] : memref<64x128xf32, #tpu.memory_space<vmem>> -> memref<8x128xf32, #tpu.memory_space<vmem>>
    %dma_wait3A_326 = arith.constant 0 : i32
    %dma_wait3A_327 = arith.constant 0 : i32
    %dma_wait3A_328 = tpu.memref_slice %arg4[%dma_wait3A_320, %dma_wait3A_321, %dma_wait3A_322, %dma_wait3A_326, %dma_wait3A_327] : memref<200x8x32x8x128xf32, #tpu.memory_space<hbm>> -> memref<1x1x1x8x128xf32, #tpu.memory_space<hbm>>
    %dma_wait3A_329 = tpu.memref_squeeze %dma_wait3A_328 : memref<1x1x1x8x128xf32, #tpu.memory_space<hbm>> -> memref<8x128xf32, #tpu.memory_space<hbm>>
    %dma_wait3A_330 = arith.constant 0 : i32
    %dma_wait3A_331 = arith.constant 0 : i32
    %dma_wait3A_332 = tpu.memref_slice %arg4[%dma_wait3A_320, %dma_wait3A_321, %dma_wait3A_322, %dma_wait3A_330, %dma_wait3A_331] : memref<200x8x32x8x128xf32, #tpu.memory_space<hbm>> -> memref<1x1x1x8x128xf32, #tpu.memory_space<hbm>>
    %dma_wait3A_333 = tpu.memref_squeeze %dma_wait3A_332 : memref<1x1x1x8x128xf32, #tpu.memory_space<hbm>> -> memref<8x128xf32, #tpu.memory_space<hbm>>
    %dma_wait3A_334 = arith.constant 0 : i32
    %dma_wait3A_335 = arith.constant 0 : i32
    %dma_wait3A_336 = tpu.memref_slice %arg11[%dma_wait3A_334, %dma_wait3A_335] : memref<64x128xf32, #tpu.memory_space<vmem>> -> memref<8x128xf32, #tpu.memory_space<vmem>>
    tpu.wait_dma2 semaphore(%arg19 : memref<!tpu.dma_semaphore, #tpu.memory_space<semaphore_mem>>) src(%dma_wait3A_336 : memref<8x128xf32, #tpu.memory_space<vmem>>) dst(%dma_wait3A_333 : memref<8x128xf32, #tpu.memory_space<hbm>>)
    %dma_wait3A_337 = arith.constant 0 : i32
    %dma_wait3A_338 = arith.constant 0 : i32
    %dma_wait3A_339 = arith.constant 0 : i32
    %dma_wait3A_340 = arith.constant 0 : i32
    %dma_wait3A_341 = arith.constant 0 : i32
    %dma_wait3A_342 = tpu.memref_slice %arg12[%dma_wait3A_340, %dma_wait3A_341] : memref<64x128xf32, #tpu.memory_space<vmem>> -> memref<8x128xf32, #tpu.memory_space<vmem>>
    %dma_wait3A_343 = arith.constant 0 : i32
    %dma_wait3A_344 = arith.constant 0 : i32
    %dma_wait3A_345 = tpu.memref_slice %arg4[%dma_wait3A_337, %dma_wait3A_338, %dma_wait3A_339, %dma_wait3A_343, %dma_wait3A_344] : memref<200x8x32x8x128xf32, #tpu.memory_space<hbm>> -> memref<1x1x1x8x128xf32, #tpu.memory_space<hbm>>
    %dma_wait3A_346 = tpu.memref_squeeze %dma_wait3A_345 : memref<1x1x1x8x128xf32, #tpu.memory_space<hbm>> -> memref<8x128xf32, #tpu.memory_space<hbm>>
    %dma_wait3A_347 = arith.constant 0 : i32
    %dma_wait3A_348 = arith.constant 0 : i32
    %dma_wait3A_349 = tpu.memref_slice %arg4[%dma_wait3A_337, %dma_wait3A_338, %dma_wait3A_339, %dma_wait3A_347, %dma_wait3A_348] : memref<200x8x32x8x128xf32, #tpu.memory_space<hbm>> -> memref<1x1x1x8x128xf32, #tpu.memory_space<hbm>>
    %dma_wait3A_350 = tpu.memref_squeeze %dma_wait3A_349 : memref<1x1x1x8x128xf32, #tpu.memory_space<hbm>> -> memref<8x128xf32, #tpu.memory_space<hbm>>
    %dma_wait3A_351 = arith.constant 0 : i32
    %dma_wait3A_352 = arith.constant 0 : i32
    %dma_wait3A_353 = tpu.memref_slice %arg12[%dma_wait3A_351, %dma_wait3A_352] : memref<64x128xf32, #tpu.memory_space<vmem>> -> memref<8x128xf32, #tpu.memory_space<vmem>>
    tpu.wait_dma2 semaphore(%arg20 : memref<!tpu.dma_semaphore, #tpu.memory_space<semaphore_mem>>) src(%dma_wait3A_353 : memref<8x128xf32, #tpu.memory_space<vmem>>) dst(%dma_wait3A_350 : memref<8x128xf32, #tpu.memory_space<hbm>>)
    %dma_wait3A_354 = arith.constant 0 : i32
    %dma_wait3A_355 = arith.constant 0 : i32
    %dma_wait3A_356 = arith.constant 0 : i32
    %dma_wait3A_357 = arith.constant 0 : i32
    %dma_wait3A_358 = arith.constant 0 : i32
    %dma_wait3A_359 = tpu.memref_slice %arg12[%dma_wait3A_357, %dma_wait3A_358] : memref<64x128xf32, #tpu.memory_space<vmem>> -> memref<8x128xf32, #tpu.memory_space<vmem>>
    %dma_wait3A_360 = arith.constant 0 : i32
    %dma_wait3A_361 = arith.constant 0 : i32
    %dma_wait3A_362 = tpu.memref_slice %arg4[%dma_wait3A_354, %dma_wait3A_355, %dma_wait3A_356, %dma_wait3A_360, %dma_wait3A_361] : memref<200x8x32x8x128xf32, #tpu.memory_space<hbm>> -> memref<1x1x1x8x128xf32, #tpu.memory_space<hbm>>
    %dma_wait3A_363 = tpu.memref_squeeze %dma_wait3A_362 : memref<1x1x1x8x128xf32, #tpu.memory_space<hbm>> -> memref<8x128xf32, #tpu.memory_space<hbm>>
    %dma_wait3A_364 = arith.constant 0 : i32
    %dma_wait3A_365 = arith.constant 0 : i32
    %dma_wait3A_366 = tpu.memref_slice %arg4[%dma_wait3A_354, %dma_wait3A_355, %dma_wait3A_356, %dma_wait3A_364, %dma_wait3A_365] : memref<200x8x32x8x128xf32, #tpu.memory_space<hbm>> -> memref<1x1x1x8x128xf32, #tpu.memory_space<hbm>>
    %dma_wait3A_367 = tpu.memref_squeeze %dma_wait3A_366 : memref<1x1x1x8x128xf32, #tpu.memory_space<hbm>> -> memref<8x128xf32, #tpu.memory_space<hbm>>
    %dma_wait3A_368 = arith.constant 0 : i32
    %dma_wait3A_369 = arith.constant 0 : i32
    %dma_wait3A_370 = tpu.memref_slice %arg12[%dma_wait3A_368, %dma_wait3A_369] : memref<64x128xf32, #tpu.memory_space<vmem>> -> memref<8x128xf32, #tpu.memory_space<vmem>>
    tpu.wait_dma2 semaphore(%arg20 : memref<!tpu.dma_semaphore, #tpu.memory_space<semaphore_mem>>) src(%dma_wait3A_370 : memref<8x128xf32, #tpu.memory_space<vmem>>) dst(%dma_wait3A_367 : memref<8x128xf32, #tpu.memory_space<hbm>>)
    %dma_wait3A_371 = arith.constant 0 : i32
    %dma_wait3A_372 = arith.constant 0 : i32
    %dma_wait3A_373 = arith.constant 0 : i32
    %dma_wait3A_374 = arith.constant 0 : i32
    %dma_wait3A_375 = arith.constant 0 : i32
    %dma_wait3A_376 = tpu.memref_slice %arg12[%dma_wait3A_374, %dma_wait3A_375] : memref<64x128xf32, #tpu.memory_space<vmem>> -> memref<8x128xf32, #tpu.memory_space<vmem>>
    %dma_wait3A_377 = arith.constant 0 : i32
    %dma_wait3A_378 = arith.constant 0 : i32
    %dma_wait3A_379 = tpu.memref_slice %arg4[%dma_wait3A_371, %dma_wait3A_372, %dma_wait3A_373, %dma_wait3A_377, %dma_wait3A_378] : memref<200x8x32x8x128xf32, #tpu.memory_space<hbm>> -> memref<1x1x1x8x128xf32, #tpu.memory_space<hbm>>
    %dma_wait3A_380 = tpu.memref_squeeze %dma_wait3A_379 : memref<1x1x1x8x128xf32, #tpu.memory_space<hbm>> -> memref<8x128xf32, #tpu.memory_space<hbm>>
    %dma_wait3A_381 = arith.constant 0 : i32
    %dma_wait3A_382 = arith.constant 0 : i32
    %dma_wait3A_383 = tpu.memref_slice %arg4[%dma_wait3A_371, %dma_wait3A_372, %dma_wait3A_373, %dma_wait3A_381, %dma_wait3A_382] : memref<200x8x32x8x128xf32, #tpu.memory_space<hbm>> -> memref<1x1x1x8x128xf32, #tpu.memory_space<hbm>>
    %dma_wait3A_384 = tpu.memref_squeeze %dma_wait3A_383 : memref<1x1x1x8x128xf32, #tpu.memory_space<hbm>> -> memref<8x128xf32, #tpu.memory_space<hbm>>
    %dma_wait3A_385 = arith.constant 0 : i32
    %dma_wait3A_386 = arith.constant 0 : i32
    %dma_wait3A_387 = tpu.memref_slice %arg12[%dma_wait3A_385, %dma_wait3A_386] : memref<64x128xf32, #tpu.memory_space<vmem>> -> memref<8x128xf32, #tpu.memory_space<vmem>>
    tpu.wait_dma2 semaphore(%arg20 : memref<!tpu.dma_semaphore, #tpu.memory_space<semaphore_mem>>) src(%dma_wait3A_387 : memref<8x128xf32, #tpu.memory_space<vmem>>) dst(%dma_wait3A_384 : memref<8x128xf32, #tpu.memory_space<hbm>>)
    %dma_wait3A_388 = arith.constant 0 : i32
    %dma_wait3A_389 = arith.constant 0 : i32
    %dma_wait3A_390 = arith.constant 0 : i32
    %dma_wait3A_391 = arith.constant 0 : i32
    %dma_wait3A_392 = arith.constant 0 : i32
    %dma_wait3A_393 = tpu.memref_slice %arg12[%dma_wait3A_391, %dma_wait3A_392] : memref<64x128xf32, #tpu.memory_space<vmem>> -> memref<8x128xf32, #tpu.memory_space<vmem>>
    %dma_wait3A_394 = arith.constant 0 : i32
    %dma_wait3A_395 = arith.constant 0 : i32
    %dma_wait3A_396 = tpu.memref_slice %arg4[%dma_wait3A_388, %dma_wait3A_389, %dma_wait3A_390, %dma_wait3A_394, %dma_wait3A_395] : memref<200x8x32x8x128xf32, #tpu.memory_space<hbm>> -> memref<1x1x1x8x128xf32, #tpu.memory_space<hbm>>
    %dma_wait3A_397 = tpu.memref_squeeze %dma_wait3A_396 : memref<1x1x1x8x128xf32, #tpu.memory_space<hbm>> -> memref<8x128xf32, #tpu.memory_space<hbm>>
    %dma_wait3A_398 = arith.constant 0 : i32
    %dma_wait3A_399 = arith.constant 0 : i32
    %dma_wait3A_400 = tpu.memref_slice %arg4[%dma_wait3A_388, %dma_wait3A_389, %dma_wait3A_390, %dma_wait3A_398, %dma_wait3A_399] : memref<200x8x32x8x128xf32, #tpu.memory_space<hbm>> -> memref<1x1x1x8x128xf32, #tpu.memory_space<hbm>>
    %dma_wait3A_401 = tpu.memref_squeeze %dma_wait3A_400 : memref<1x1x1x8x128xf32, #tpu.memory_space<hbm>> -> memref<8x128xf32, #tpu.memory_space<hbm>>
    %dma_wait3A_402 = arith.constant 0 : i32
    %dma_wait3A_403 = arith.constant 0 : i32
    %dma_wait3A_404 = tpu.memref_slice %arg12[%dma_wait3A_402, %dma_wait3A_403] : memref<64x128xf32, #tpu.memory_space<vmem>> -> memref<8x128xf32, #tpu.memory_space<vmem>>
    tpu.wait_dma2 semaphore(%arg20 : memref<!tpu.dma_semaphore, #tpu.memory_space<semaphore_mem>>) src(%dma_wait3A_404 : memref<8x128xf32, #tpu.memory_space<vmem>>) dst(%dma_wait3A_401 : memref<8x128xf32, #tpu.memory_space<hbm>>)
    %dma_wait3A_405 = arith.constant 0 : i32
    %dma_wait3A_406 = arith.constant 0 : i32
    %dma_wait3A_407 = arith.constant 0 : i32
    %dma_wait3A_408 = arith.constant 0 : i32
    %dma_wait3A_409 = arith.constant 0 : i32
    %dma_wait3A_410 = tpu.memref_slice %arg12[%dma_wait3A_408, %dma_wait3A_409] : memref<64x128xf32, #tpu.memory_space<vmem>> -> memref<8x128xf32, #tpu.memory_space<vmem>>
    %dma_wait3A_411 = arith.constant 0 : i32
    %dma_wait3A_412 = arith.constant 0 : i32
    %dma_wait3A_413 = tpu.memref_slice %arg4[%dma_wait3A_405, %dma_wait3A_406, %dma_wait3A_407, %dma_wait3A_411, %dma_wait3A_412] : memref<200x8x32x8x128xf32, #tpu.memory_space<hbm>> -> memref<1x1x1x8x128xf32, #tpu.memory_space<hbm>>
    %dma_wait3A_414 = tpu.memref_squeeze %dma_wait3A_413 : memref<1x1x1x8x128xf32, #tpu.memory_space<hbm>> -> memref<8x128xf32, #tpu.memory_space<hbm>>
    %dma_wait3A_415 = arith.constant 0 : i32
    %dma_wait3A_416 = arith.constant 0 : i32
    %dma_wait3A_417 = tpu.memref_slice %arg4[%dma_wait3A_405, %dma_wait3A_406, %dma_wait3A_407, %dma_wait3A_415, %dma_wait3A_416] : memref<200x8x32x8x128xf32, #tpu.memory_space<hbm>> -> memref<1x1x1x8x128xf32, #tpu.memory_space<hbm>>
    %dma_wait3A_418 = tpu.memref_squeeze %dma_wait3A_417 : memref<1x1x1x8x128xf32, #tpu.memory_space<hbm>> -> memref<8x128xf32, #tpu.memory_space<hbm>>
    %dma_wait3A_419 = arith.constant 0 : i32
    %dma_wait3A_420 = arith.constant 0 : i32
    %dma_wait3A_421 = tpu.memref_slice %arg12[%dma_wait3A_419, %dma_wait3A_420] : memref<64x128xf32, #tpu.memory_space<vmem>> -> memref<8x128xf32, #tpu.memory_space<vmem>>
    tpu.wait_dma2 semaphore(%arg20 : memref<!tpu.dma_semaphore, #tpu.memory_space<semaphore_mem>>) src(%dma_wait3A_421 : memref<8x128xf32, #tpu.memory_space<vmem>>) dst(%dma_wait3A_418 : memref<8x128xf32, #tpu.memory_space<hbm>>)
    %dma_wait3A_422 = arith.constant 0 : i32
    %dma_wait3A_423 = arith.constant 0 : i32
    %dma_wait3A_424 = arith.constant 0 : i32
    %dma_wait3A_425 = arith.constant 0 : i32
    %dma_wait3A_426 = arith.constant 0 : i32
    %dma_wait3A_427 = tpu.memref_slice %arg12[%dma_wait3A_425, %dma_wait3A_426] : memref<64x128xf32, #tpu.memory_space<vmem>> -> memref<8x128xf32, #tpu.memory_space<vmem>>
    %dma_wait3A_428 = arith.constant 0 : i32
    %dma_wait3A_429 = arith.constant 0 : i32
    %dma_wait3A_430 = tpu.memref_slice %arg4[%dma_wait3A_422, %dma_wait3A_423, %dma_wait3A_424, %dma_wait3A_428, %dma_wait3A_429] : memref<200x8x32x8x128xf32, #tpu.memory_space<hbm>> -> memref<1x1x1x8x128xf32, #tpu.memory_space<hbm>>
    %dma_wait3A_431 = tpu.memref_squeeze %dma_wait3A_430 : memref<1x1x1x8x128xf32, #tpu.memory_space<hbm>> -> memref<8x128xf32, #tpu.memory_space<hbm>>
    %dma_wait3A_432 = arith.constant 0 : i32
    %dma_wait3A_433 = arith.constant 0 : i32
    %dma_wait3A_434 = tpu.memref_slice %arg4[%dma_wait3A_422, %dma_wait3A_423, %dma_wait3A_424, %dma_wait3A_432, %dma_wait3A_433] : memref<200x8x32x8x128xf32, #tpu.memory_space<hbm>> -> memref<1x1x1x8x128xf32, #tpu.memory_space<hbm>>
    %dma_wait3A_435 = tpu.memref_squeeze %dma_wait3A_434 : memref<1x1x1x8x128xf32, #tpu.memory_space<hbm>> -> memref<8x128xf32, #tpu.memory_space<hbm>>
    %dma_wait3A_436 = arith.constant 0 : i32
    %dma_wait3A_437 = arith.constant 0 : i32
    %dma_wait3A_438 = tpu.memref_slice %arg12[%dma_wait3A_436, %dma_wait3A_437] : memref<64x128xf32, #tpu.memory_space<vmem>> -> memref<8x128xf32, #tpu.memory_space<vmem>>
    tpu.wait_dma2 semaphore(%arg20 : memref<!tpu.dma_semaphore, #tpu.memory_space<semaphore_mem>>) src(%dma_wait3A_438 : memref<8x128xf32, #tpu.memory_space<vmem>>) dst(%dma_wait3A_435 : memref<8x128xf32, #tpu.memory_space<hbm>>)
    %dma_wait3A_439 = arith.constant 0 : i32
    %dma_wait3A_440 = arith.constant 0 : i32
    %dma_wait3A_441 = arith.constant 0 : i32
    %dma_wait3A_442 = arith.constant 0 : i32
    %dma_wait3A_443 = arith.constant 0 : i32
    %dma_wait3A_444 = tpu.memref_slice %arg12[%dma_wait3A_442, %dma_wait3A_443] : memref<64x128xf32, #tpu.memory_space<vmem>> -> memref<8x128xf32, #tpu.memory_space<vmem>>
    %dma_wait3A_445 = arith.constant 0 : i32
    %dma_wait3A_446 = arith.constant 0 : i32
    %dma_wait3A_447 = tpu.memref_slice %arg4[%dma_wait3A_439, %dma_wait3A_440, %dma_wait3A_441, %dma_wait3A_445, %dma_wait3A_446] : memref<200x8x32x8x128xf32, #tpu.memory_space<hbm>> -> memref<1x1x1x8x128xf32, #tpu.memory_space<hbm>>
    %dma_wait3A_448 = tpu.memref_squeeze %dma_wait3A_447 : memref<1x1x1x8x128xf32, #tpu.memory_space<hbm>> -> memref<8x128xf32, #tpu.memory_space<hbm>>
    %dma_wait3A_449 = arith.constant 0 : i32
    %dma_wait3A_450 = arith.constant 0 : i32
    %dma_wait3A_451 = tpu.memref_slice %arg4[%dma_wait3A_439, %dma_wait3A_440, %dma_wait3A_441, %dma_wait3A_449, %dma_wait3A_450] : memref<200x8x32x8x128xf32, #tpu.memory_space<hbm>> -> memref<1x1x1x8x128xf32, #tpu.memory_space<hbm>>
    %dma_wait3A_452 = tpu.memref_squeeze %dma_wait3A_451 : memref<1x1x1x8x128xf32, #tpu.memory_space<hbm>> -> memref<8x128xf32, #tpu.memory_space<hbm>>
    %dma_wait3A_453 = arith.constant 0 : i32
    %dma_wait3A_454 = arith.constant 0 : i32
    %dma_wait3A_455 = tpu.memref_slice %arg12[%dma_wait3A_453, %dma_wait3A_454] : memref<64x128xf32, #tpu.memory_space<vmem>> -> memref<8x128xf32, #tpu.memory_space<vmem>>
    tpu.wait_dma2 semaphore(%arg20 : memref<!tpu.dma_semaphore, #tpu.memory_space<semaphore_mem>>) src(%dma_wait3A_455 : memref<8x128xf32, #tpu.memory_space<vmem>>) dst(%dma_wait3A_452 : memref<8x128xf32, #tpu.memory_space<hbm>>)
    %dma_wait3A_456 = arith.constant 0 : i32
    %dma_wait3A_457 = arith.constant 0 : i32
    %dma_wait3A_458 = arith.constant 0 : i32
    %dma_wait3A_459 = arith.constant 0 : i32
    %dma_wait3A_460 = arith.constant 0 : i32
    %dma_wait3A_461 = tpu.memref_slice %arg12[%dma_wait3A_459, %dma_wait3A_460] : memref<64x128xf32, #tpu.memory_space<vmem>> -> memref<8x128xf32, #tpu.memory_space<vmem>>
    %dma_wait3A_462 = arith.constant 0 : i32
    %dma_wait3A_463 = arith.constant 0 : i32
    %dma_wait3A_464 = tpu.memref_slice %arg4[%dma_wait3A_456, %dma_wait3A_457, %dma_wait3A_458, %dma_wait3A_462, %dma_wait3A_463] : memref<200x8x32x8x128xf32, #tpu.memory_space<hbm>> -> memref<1x1x1x8x128xf32, #tpu.memory_space<hbm>>
    %dma_wait3A_465 = tpu.memref_squeeze %dma_wait3A_464 : memref<1x1x1x8x128xf32, #tpu.memory_space<hbm>> -> memref<8x128xf32, #tpu.memory_space<hbm>>
    %dma_wait3A_466 = arith.constant 0 : i32
    %dma_wait3A_467 = arith.constant 0 : i32
    %dma_wait3A_468 = tpu.memref_slice %arg4[%dma_wait3A_456, %dma_wait3A_457, %dma_wait3A_458, %dma_wait3A_466, %dma_wait3A_467] : memref<200x8x32x8x128xf32, #tpu.memory_space<hbm>> -> memref<1x1x1x8x128xf32, #tpu.memory_space<hbm>>
    %dma_wait3A_469 = tpu.memref_squeeze %dma_wait3A_468 : memref<1x1x1x8x128xf32, #tpu.memory_space<hbm>> -> memref<8x128xf32, #tpu.memory_space<hbm>>
    %dma_wait3A_470 = arith.constant 0 : i32
    %dma_wait3A_471 = arith.constant 0 : i32
    %dma_wait3A_472 = tpu.memref_slice %arg12[%dma_wait3A_470, %dma_wait3A_471] : memref<64x128xf32, #tpu.memory_space<vmem>> -> memref<8x128xf32, #tpu.memory_space<vmem>>
    tpu.wait_dma2 semaphore(%arg20 : memref<!tpu.dma_semaphore, #tpu.memory_space<semaphore_mem>>) src(%dma_wait3A_472 : memref<8x128xf32, #tpu.memory_space<vmem>>) dst(%dma_wait3A_469 : memref<8x128xf32, #tpu.memory_space<hbm>>)
    %dma_wait3A_473 = arith.constant 0 : i32
    %dma_wait3A_474 = arith.constant 0 : i32
    %dma_wait3A_475 = arith.constant 0 : i32
    %dma_wait3A_476 = arith.constant 0 : i32
    %dma_wait3A_477 = arith.constant 0 : i32
    %dma_wait3A_478 = tpu.memref_slice %arg13[%dma_wait3A_476, %dma_wait3A_477] : memref<64x128xf32, #tpu.memory_space<vmem>> -> memref<8x128xf32, #tpu.memory_space<vmem>>
    %dma_wait3A_479 = arith.constant 0 : i32
    %dma_wait3A_480 = arith.constant 0 : i32
    %dma_wait3A_481 = tpu.memref_slice %arg4[%dma_wait3A_473, %dma_wait3A_474, %dma_wait3A_475, %dma_wait3A_479, %dma_wait3A_480] : memref<200x8x32x8x128xf32, #tpu.memory_space<hbm>> -> memref<1x1x1x8x128xf32, #tpu.memory_space<hbm>>
    %dma_wait3A_482 = tpu.memref_squeeze %dma_wait3A_481 : memref<1x1x1x8x128xf32, #tpu.memory_space<hbm>> -> memref<8x128xf32, #tpu.memory_space<hbm>>
    %dma_wait3A_483 = arith.constant 0 : i32
    %dma_wait3A_484 = arith.constant 0 : i32
    %dma_wait3A_485 = tpu.memref_slice %arg4[%dma_wait3A_473, %dma_wait3A_474, %dma_wait3A_475, %dma_wait3A_483, %dma_wait3A_484] : memref<200x8x32x8x128xf32, #tpu.memory_space<hbm>> -> memref<1x1x1x8x128xf32, #tpu.memory_space<hbm>>
    %dma_wait3A_486 = tpu.memref_squeeze %dma_wait3A_485 : memref<1x1x1x8x128xf32, #tpu.memory_space<hbm>> -> memref<8x128xf32, #tpu.memory_space<hbm>>
    %dma_wait3A_487 = arith.constant 0 : i32
    %dma_wait3A_488 = arith.constant 0 : i32
    %dma_wait3A_489 = tpu.memref_slice %arg13[%dma_wait3A_487, %dma_wait3A_488] : memref<64x128xf32, #tpu.memory_space<vmem>> -> memref<8x128xf32, #tpu.memory_space<vmem>>
    tpu.wait_dma2 semaphore(%arg21 : memref<!tpu.dma_semaphore, #tpu.memory_space<semaphore_mem>>) src(%dma_wait3A_489 : memref<8x128xf32, #tpu.memory_space<vmem>>) dst(%dma_wait3A_486 : memref<8x128xf32, #tpu.memory_space<hbm>>)
    %dma_wait3A_490 = arith.constant 0 : i32
    %dma_wait3A_491 = arith.constant 0 : i32
    %dma_wait3A_492 = arith.constant 0 : i32
    %dma_wait3A_493 = arith.constant 0 : i32
    %dma_wait3A_494 = arith.constant 0 : i32
    %dma_wait3A_495 = tpu.memref_slice %arg13[%dma_wait3A_493, %dma_wait3A_494] : memref<64x128xf32, #tpu.memory_space<vmem>> -> memref<8x128xf32, #tpu.memory_space<vmem>>
    %dma_wait3A_496 = arith.constant 0 : i32
    %dma_wait3A_497 = arith.constant 0 : i32
    %dma_wait3A_498 = tpu.memref_slice %arg4[%dma_wait3A_490, %dma_wait3A_491, %dma_wait3A_492, %dma_wait3A_496, %dma_wait3A_497] : memref<200x8x32x8x128xf32, #tpu.memory_space<hbm>> -> memref<1x1x1x8x128xf32, #tpu.memory_space<hbm>>
    %dma_wait3A_499 = tpu.memref_squeeze %dma_wait3A_498 : memref<1x1x1x8x128xf32, #tpu.memory_space<hbm>> -> memref<8x128xf32, #tpu.memory_space<hbm>>
    %dma_wait3A_500 = arith.constant 0 : i32
    %dma_wait3A_501 = arith.constant 0 : i32
    %dma_wait3A_502 = tpu.memref_slice %arg4[%dma_wait3A_490, %dma_wait3A_491, %dma_wait3A_492, %dma_wait3A_500, %dma_wait3A_501] : memref<200x8x32x8x128xf32, #tpu.memory_space<hbm>> -> memref<1x1x1x8x128xf32, #tpu.memory_space<hbm>>
    %dma_wait3A_503 = tpu.memref_squeeze %dma_wait3A_502 : memref<1x1x1x8x128xf32, #tpu.memory_space<hbm>> -> memref<8x128xf32, #tpu.memory_space<hbm>>
    %dma_wait3A_504 = arith.constant 0 : i32
    %dma_wait3A_505 = arith.constant 0 : i32
    %dma_wait3A_506 = tpu.memref_slice %arg13[%dma_wait3A_504, %dma_wait3A_505] : memref<64x128xf32, #tpu.memory_space<vmem>> -> memref<8x128xf32, #tpu.memory_space<vmem>>
    tpu.wait_dma2 semaphore(%arg21 : memref<!tpu.dma_semaphore, #tpu.memory_space<semaphore_mem>>) src(%dma_wait3A_506 : memref<8x128xf32, #tpu.memory_space<vmem>>) dst(%dma_wait3A_503 : memref<8x128xf32, #tpu.memory_space<hbm>>)
    %dma_wait3A_507 = arith.constant 0 : i32
    %dma_wait3A_508 = arith.constant 0 : i32
    %dma_wait3A_509 = arith.constant 0 : i32
    %dma_wait3A_510 = arith.constant 0 : i32
    %dma_wait3A_511 = arith.constant 0 : i32
    %dma_wait3A_512 = tpu.memref_slice %arg13[%dma_wait3A_510, %dma_wait3A_511] : memref<64x128xf32, #tpu.memory_space<vmem>> -> memref<8x128xf32, #tpu.memory_space<vmem>>
    %dma_wait3A_513 = arith.constant 0 : i32
    %dma_wait3A_514 = arith.constant 0 : i32
    %dma_wait3A_515 = tpu.memref_slice %arg4[%dma_wait3A_507, %dma_wait3A_508, %dma_wait3A_509, %dma_wait3A_513, %dma_wait3A_514] : memref<200x8x32x8x128xf32, #tpu.memory_space<hbm>> -> memref<1x1x1x8x128xf32, #tpu.memory_space<hbm>>
    %dma_wait3A_516 = tpu.memref_squeeze %dma_wait3A_515 : memref<1x1x1x8x128xf32, #tpu.memory_space<hbm>> -> memref<8x128xf32, #tpu.memory_space<hbm>>
    %dma_wait3A_517 = arith.constant 0 : i32
    %dma_wait3A_518 = arith.constant 0 : i32
    %dma_wait3A_519 = tpu.memref_slice %arg4[%dma_wait3A_507, %dma_wait3A_508, %dma_wait3A_509, %dma_wait3A_517, %dma_wait3A_518] : memref<200x8x32x8x128xf32, #tpu.memory_space<hbm>> -> memref<1x1x1x8x128xf32, #tpu.memory_space<hbm>>
    %dma_wait3A_520 = tpu.memref_squeeze %dma_wait3A_519 : memref<1x1x1x8x128xf32, #tpu.memory_space<hbm>> -> memref<8x128xf32, #tpu.memory_space<hbm>>
    %dma_wait3A_521 = arith.constant 0 : i32
    %dma_wait3A_522 = arith.constant 0 : i32
    %dma_wait3A_523 = tpu.memref_slice %arg13[%dma_wait3A_521, %dma_wait3A_522] : memref<64x128xf32, #tpu.memory_space<vmem>> -> memref<8x128xf32, #tpu.memory_space<vmem>>
    tpu.wait_dma2 semaphore(%arg21 : memref<!tpu.dma_semaphore, #tpu.memory_space<semaphore_mem>>) src(%dma_wait3A_523 : memref<8x128xf32, #tpu.memory_space<vmem>>) dst(%dma_wait3A_520 : memref<8x128xf32, #tpu.memory_space<hbm>>)
    %dma_wait3A_524 = arith.constant 0 : i32
    %dma_wait3A_525 = arith.constant 0 : i32
    %dma_wait3A_526 = arith.constant 0 : i32
    %dma_wait3A_527 = arith.constant 0 : i32
    %dma_wait3A_528 = arith.constant 0 : i32
    %dma_wait3A_529 = tpu.memref_slice %arg13[%dma_wait3A_527, %dma_wait3A_528] : memref<64x128xf32, #tpu.memory_space<vmem>> -> memref<8x128xf32, #tpu.memory_space<vmem>>
    %dma_wait3A_530 = arith.constant 0 : i32
    %dma_wait3A_531 = arith.constant 0 : i32
    %dma_wait3A_532 = tpu.memref_slice %arg4[%dma_wait3A_524, %dma_wait3A_525, %dma_wait3A_526, %dma_wait3A_530, %dma_wait3A_531] : memref<200x8x32x8x128xf32, #tpu.memory_space<hbm>> -> memref<1x1x1x8x128xf32, #tpu.memory_space<hbm>>
    %dma_wait3A_533 = tpu.memref_squeeze %dma_wait3A_532 : memref<1x1x1x8x128xf32, #tpu.memory_space<hbm>> -> memref<8x128xf32, #tpu.memory_space<hbm>>
    %dma_wait3A_534 = arith.constant 0 : i32
    %dma_wait3A_535 = arith.constant 0 : i32
    %dma_wait3A_536 = tpu.memref_slice %arg4[%dma_wait3A_524, %dma_wait3A_525, %dma_wait3A_526, %dma_wait3A_534, %dma_wait3A_535] : memref<200x8x32x8x128xf32, #tpu.memory_space<hbm>> -> memref<1x1x1x8x128xf32, #tpu.memory_space<hbm>>
    %dma_wait3A_537 = tpu.memref_squeeze %dma_wait3A_536 : memref<1x1x1x8x128xf32, #tpu.memory_space<hbm>> -> memref<8x128xf32, #tpu.memory_space<hbm>>
    %dma_wait3A_538 = arith.constant 0 : i32
    %dma_wait3A_539 = arith.constant 0 : i32
    %dma_wait3A_540 = tpu.memref_slice %arg13[%dma_wait3A_538, %dma_wait3A_539] : memref<64x128xf32, #tpu.memory_space<vmem>> -> memref<8x128xf32, #tpu.memory_space<vmem>>
    tpu.wait_dma2 semaphore(%arg21 : memref<!tpu.dma_semaphore, #tpu.memory_space<semaphore_mem>>) src(%dma_wait3A_540 : memref<8x128xf32, #tpu.memory_space<vmem>>) dst(%dma_wait3A_537 : memref<8x128xf32, #tpu.memory_space<hbm>>)
    %dma_wait3A_541 = arith.constant 0 : i32
    %dma_wait3A_542 = arith.constant 0 : i32
    %dma_wait3A_543 = arith.constant 0 : i32
    %dma_wait3A_544 = arith.constant 0 : i32
    %dma_wait3A_545 = arith.constant 0 : i32
    %dma_wait3A_546 = tpu.memref_slice %arg13[%dma_wait3A_544, %dma_wait3A_545] : memref<64x128xf32, #tpu.memory_space<vmem>> -> memref<8x128xf32, #tpu.memory_space<vmem>>
    %dma_wait3A_547 = arith.constant 0 : i32
    %dma_wait3A_548 = arith.constant 0 : i32
    %dma_wait3A_549 = tpu.memref_slice %arg4[%dma_wait3A_541, %dma_wait3A_542, %dma_wait3A_543, %dma_wait3A_547, %dma_wait3A_548] : memref<200x8x32x8x128xf32, #tpu.memory_space<hbm>> -> memref<1x1x1x8x128xf32, #tpu.memory_space<hbm>>
    %dma_wait3A_550 = tpu.memref_squeeze %dma_wait3A_549 : memref<1x1x1x8x128xf32, #tpu.memory_space<hbm>> -> memref<8x128xf32, #tpu.memory_space<hbm>>
    %dma_wait3A_551 = arith.constant 0 : i32
    %dma_wait3A_552 = arith.constant 0 : i32
    %dma_wait3A_553 = tpu.memref_slice %arg4[%dma_wait3A_541, %dma_wait3A_542, %dma_wait3A_543, %dma_wait3A_551, %dma_wait3A_552] : memref<200x8x32x8x128xf32, #tpu.memory_space<hbm>> -> memref<1x1x1x8x128xf32, #tpu.memory_space<hbm>>
    %dma_wait3A_554 = tpu.memref_squeeze %dma_wait3A_553 : memref<1x1x1x8x128xf32, #tpu.memory_space<hbm>> -> memref<8x128xf32, #tpu.memory_space<hbm>>
    %dma_wait3A_555 = arith.constant 0 : i32
    %dma_wait3A_556 = arith.constant 0 : i32
    %dma_wait3A_557 = tpu.memref_slice %arg13[%dma_wait3A_555, %dma_wait3A_556] : memref<64x128xf32, #tpu.memory_space<vmem>> -> memref<8x128xf32, #tpu.memory_space<vmem>>
    tpu.wait_dma2 semaphore(%arg21 : memref<!tpu.dma_semaphore, #tpu.memory_space<semaphore_mem>>) src(%dma_wait3A_557 : memref<8x128xf32, #tpu.memory_space<vmem>>) dst(%dma_wait3A_554 : memref<8x128xf32, #tpu.memory_space<hbm>>)
    %dma_wait3A_558 = arith.constant 0 : i32
    %dma_wait3A_559 = arith.constant 0 : i32
    %dma_wait3A_560 = arith.constant 0 : i32
    %dma_wait3A_561 = arith.constant 0 : i32
    %dma_wait3A_562 = arith.constant 0 : i32
    %dma_wait3A_563 = tpu.memref_slice %arg13[%dma_wait3A_561, %dma_wait3A_562] : memref<64x128xf32, #tpu.memory_space<vmem>> -> memref<8x128xf32, #tpu.memory_space<vmem>>
    %dma_wait3A_564 = arith.constant 0 : i32
    %dma_wait3A_565 = arith.constant 0 : i32
    %dma_wait3A_566 = tpu.memref_slice %arg4[%dma_wait3A_558, %dma_wait3A_559, %dma_wait3A_560, %dma_wait3A_564, %dma_wait3A_565] : memref<200x8x32x8x128xf32, #tpu.memory_space<hbm>> -> memref<1x1x1x8x128xf32, #tpu.memory_space<hbm>>
    %dma_wait3A_567 = tpu.memref_squeeze %dma_wait3A_566 : memref<1x1x1x8x128xf32, #tpu.memory_space<hbm>> -> memref<8x128xf32, #tpu.memory_space<hbm>>
    %dma_wait3A_568 = arith.constant 0 : i32
    %dma_wait3A_569 = arith.constant 0 : i32
    %dma_wait3A_570 = tpu.memref_slice %arg4[%dma_wait3A_558, %dma_wait3A_559, %dma_wait3A_560, %dma_wait3A_568, %dma_wait3A_569] : memref<200x8x32x8x128xf32, #tpu.memory_space<hbm>> -> memref<1x1x1x8x128xf32, #tpu.memory_space<hbm>>
    %dma_wait3A_571 = tpu.memref_squeeze %dma_wait3A_570 : memref<1x1x1x8x128xf32, #tpu.memory_space<hbm>> -> memref<8x128xf32, #tpu.memory_space<hbm>>
    %dma_wait3A_572 = arith.constant 0 : i32
    %dma_wait3A_573 = arith.constant 0 : i32
    %dma_wait3A_574 = tpu.memref_slice %arg13[%dma_wait3A_572, %dma_wait3A_573] : memref<64x128xf32, #tpu.memory_space<vmem>> -> memref<8x128xf32, #tpu.memory_space<vmem>>
    tpu.wait_dma2 semaphore(%arg21 : memref<!tpu.dma_semaphore, #tpu.memory_space<semaphore_mem>>) src(%dma_wait3A_574 : memref<8x128xf32, #tpu.memory_space<vmem>>) dst(%dma_wait3A_571 : memref<8x128xf32, #tpu.memory_space<hbm>>)
    %dma_wait3A_575 = arith.constant 0 : i32
    %dma_wait3A_576 = arith.constant 0 : i32
    %dma_wait3A_577 = arith.constant 0 : i32
    %dma_wait3A_578 = arith.constant 0 : i32
    %dma_wait3A_579 = arith.constant 0 : i32
    %dma_wait3A_580 = tpu.memref_slice %arg13[%dma_wait3A_578, %dma_wait3A_579] : memref<64x128xf32, #tpu.memory_space<vmem>> -> memref<8x128xf32, #tpu.memory_space<vmem>>
    %dma_wait3A_581 = arith.constant 0 : i32
    %dma_wait3A_582 = arith.constant 0 : i32
    %dma_wait3A_583 = tpu.memref_slice %arg4[%dma_wait3A_575, %dma_wait3A_576, %dma_wait3A_577, %dma_wait3A_581, %dma_wait3A_582] : memref<200x8x32x8x128xf32, #tpu.memory_space<hbm>> -> memref<1x1x1x8x128xf32, #tpu.memory_space<hbm>>
    %dma_wait3A_584 = tpu.memref_squeeze %dma_wait3A_583 : memref<1x1x1x8x128xf32, #tpu.memory_space<hbm>> -> memref<8x128xf32, #tpu.memory_space<hbm>>
    %dma_wait3A_585 = arith.constant 0 : i32
    %dma_wait3A_586 = arith.constant 0 : i32
    %dma_wait3A_587 = tpu.memref_slice %arg4[%dma_wait3A_575, %dma_wait3A_576, %dma_wait3A_577, %dma_wait3A_585, %dma_wait3A_586] : memref<200x8x32x8x128xf32, #tpu.memory_space<hbm>> -> memref<1x1x1x8x128xf32, #tpu.memory_space<hbm>>
    %dma_wait3A_588 = tpu.memref_squeeze %dma_wait3A_587 : memref<1x1x1x8x128xf32, #tpu.memory_space<hbm>> -> memref<8x128xf32, #tpu.memory_space<hbm>>
    %dma_wait3A_589 = arith.constant 0 : i32
    %dma_wait3A_590 = arith.constant 0 : i32
    %dma_wait3A_591 = tpu.memref_slice %arg13[%dma_wait3A_589, %dma_wait3A_590] : memref<64x128xf32, #tpu.memory_space<vmem>> -> memref<8x128xf32, #tpu.memory_space<vmem>>
    tpu.wait_dma2 semaphore(%arg21 : memref<!tpu.dma_semaphore, #tpu.memory_space<semaphore_mem>>) src(%dma_wait3A_591 : memref<8x128xf32, #tpu.memory_space<vmem>>) dst(%dma_wait3A_588 : memref<8x128xf32, #tpu.memory_space<hbm>>)
    %dma_wait3A_592 = arith.constant 0 : i32
    %dma_wait3A_593 = arith.constant 0 : i32
    %dma_wait3A_594 = arith.constant 0 : i32
    %dma_wait3A_595 = arith.constant 0 : i32
    %dma_wait3A_596 = arith.constant 0 : i32
    %dma_wait3A_597 = tpu.memref_slice %arg13[%dma_wait3A_595, %dma_wait3A_596] : memref<64x128xf32, #tpu.memory_space<vmem>> -> memref<8x128xf32, #tpu.memory_space<vmem>>
    %dma_wait3A_598 = arith.constant 0 : i32
    %dma_wait3A_599 = arith.constant 0 : i32
    %dma_wait3A_600 = tpu.memref_slice %arg4[%dma_wait3A_592, %dma_wait3A_593, %dma_wait3A_594, %dma_wait3A_598, %dma_wait3A_599] : memref<200x8x32x8x128xf32, #tpu.memory_space<hbm>> -> memref<1x1x1x8x128xf32, #tpu.memory_space<hbm>>
    %dma_wait3A_601 = tpu.memref_squeeze %dma_wait3A_600 : memref<1x1x1x8x128xf32, #tpu.memory_space<hbm>> -> memref<8x128xf32, #tpu.memory_space<hbm>>
    %dma_wait3A_602 = arith.constant 0 : i32
    %dma_wait3A_603 = arith.constant 0 : i32
    %dma_wait3A_604 = tpu.memref_slice %arg4[%dma_wait3A_592, %dma_wait3A_593, %dma_wait3A_594, %dma_wait3A_602, %dma_wait3A_603] : memref<200x8x32x8x128xf32, #tpu.memory_space<hbm>> -> memref<1x1x1x8x128xf32, #tpu.memory_space<hbm>>
    %dma_wait3A_605 = tpu.memref_squeeze %dma_wait3A_604 : memref<1x1x1x8x128xf32, #tpu.memory_space<hbm>> -> memref<8x128xf32, #tpu.memory_space<hbm>>
    %dma_wait3A_606 = arith.constant 0 : i32
    %dma_wait3A_607 = arith.constant 0 : i32
    %dma_wait3A_608 = tpu.memref_slice %arg13[%dma_wait3A_606, %dma_wait3A_607] : memref<64x128xf32, #tpu.memory_space<vmem>> -> memref<8x128xf32, #tpu.memory_space<vmem>>
    tpu.wait_dma2 semaphore(%arg21 : memref<!tpu.dma_semaphore, #tpu.memory_space<semaphore_mem>>) src(%dma_wait3A_608 : memref<8x128xf32, #tpu.memory_space<vmem>>) dst(%dma_wait3A_605 : memref<8x128xf32, #tpu.memory_space<hbm>>)
    return
  }
}

</mosaic_0001>

<sc_bundles>
// kernel: kernel.3.cloned.1.call-start
scs
__scs_entry_jumppad:
0x0: {  	(pc) =	sbr.rel $0x88, $3  }
0x1: {  	(tag) =	ssettag $0x0;
	lr =	simm.s32 $0x1  }
0x2: {  	[smem:$0x3F9F] =	sst lr;
	_ =	strace $0xD0000000  }
0x3: {  	_ = 	snop  }
0x4: {  	_ = 	snop  }
0x5: {  	_ = 	snop  }
0x6: {  	_ = 	snop  }
0x7: {  	_ = 	snop  }
__scs_overlays_trampoline_lowered:
0x8: {  	[smem:$0x3FAE] =	sst s0  }
0x9: {  	[smem:$0x3FAF] =	sst s1  }
0xa: {  	[smem:$0x3FB0] =	sst s2  }
0xb: {  	[smem:$0x3FB1] =	sst s3  }
0xc: {  	[smem:$0x3FB2] =	sst s4  }
0xd: {  	[smem:$0x3FB3] =	sst s5  }
0xe: {  	[smem:$0x3FB4] =	sst s6  }
0xf: {  	[smem:$0x3FB5] =	sst s7  }
0x10: {  	[smem:$0x3FB6] =	sst s8  }
0x11: {  	[smem:$0x3FB7] =	sst s9;
	s0 =	simm.s32 @!p0 $0x0  }
0x12: {  	s1 =	sld [smem:$0x3F9D];
	s0 =	simm.s32 @p0 $0x1  }
0x13: {  	[smem:$0x3FB8] =	sst s0;
	s0 =	simm.s32 @!p1 $0x0  }
0x14: {  	s2 =	sld [smem:$0x3F9C];
	s0 =	simm.s32 @p1 $0x1  }
0x15: {  	[smem:$0x3FB9] =	sst s0;
	s0 =	simm.s32 @!p2 $0x0  }
0x16: {  	s3 =	sld [smem:$0x3FDB];
	s0 =	simm.s32 @p2 $0x1  }
0x17: {  	s4 =	simm.s32 $0x1BF5;
	[smem:$0x3FBB] =	sst s0  }
0x18: {  	s0 =	sld [smem:$0x3F9E];
	_ =	swait.ge [sflag:s4], $0x0  }
0x19: {  	s7 =	sld [smem:$0x3F9F]  }
0x1a: {  	s8 =	sadd.s32 $0xFFFFE003, lr  }
0x1b: {  	s9 =	sadd.s32 $0xFFFFFEF7, lr;
	s5 =	simm.s32 $0xFFFFFFFF;
	p2 =	slt.u32 s8, $0xFFFFF086  }
0x1c: {  	p1 =	slt.u32 s9, $0xF7A;
	s5 =	simm.s32 @!p2 $0x0  }
0x1d: {  	s5 =	simm.s32 @p1 $0x1;
	p0 =	seq.s32 s7, s2  }
0x1e: {  	s7 =	smul.u32 @!p0 $0xF7A, s2;
	p2 =	seq.s32 @!p0 s5, $0x0  }
0x1f: {  	s9 =	smul.u32 $0xF7A, s1;
	s8 =	simm.s32 @!p0 $0x1BF5;
	p2 =	por !p2, p0  }
0x20: {  	[sflag:s8] =	ssyncset.s32 @!p0 $0xFFFFF086;
	s6 =	sadd.s32 @!p0 s3, s7;
	s7 =	simm.s32 @!p0 $0x108  }
0x21: {  	s3 =	sadd.s32 s3, s9;
	s6 =	sadd.s32 @!p0 $0x88, s6;
	s7 =	simm.s32 @p2 $0x1082  }
0x22: {  	[simem:s7], [sflag:s8] =	dma.local @!p0 [hbm:s6], $0xF7A  }
0x23: {  	s9 =	sor.u32 $0xD0000000, s2;
	s6 =	simm.s32 $0x108;
	_ =	swait.ge @!p0 [sflag:s8], $0x0  }
0x24: {  	s3 =	sadd.s32 $0x88, s3;
	s6 =	simm.s32 @!p1 $0x1082;
	[sflag:s4] =	ssyncset.s32 $0xFFFFF086  }
0x25: {  	[simem:s6], [sflag:s4] =	dma.local [hbm:s3], $0xF7A  }
0x26: {  	[smem:$0x3F9F] =	sst s1;
	(tag) =	ssettag s2;
	_ =	strace s9  }
0x27: {  	s1 =	sld [smem:$0x3FAF]  }
0x28: {  	s2 =	sld [smem:$0x3FB0]  }
0x29: {  	s4 =	sld [smem:$0x3FB2]  }
0x2a: {  	p0 =	seq.s32 s5, $0x0;
	s5 =	sld [smem:$0x3FB3]  }
0x2b: {  	s6 =	sld [smem:$0x3FB4]  }
0x2c: {  	s7 =	sld [smem:$0x3FB5]  }
0x2d: {  	s3 =	simm.s32 $0x108;
	s8 =	sld [smem:$0x3FB6]  }
0x2e: {  	s3 =	simm.s32 @!p0 $0x1082;
	s9 =	sld [smem:$0x3FB7]  }
0x2f: {  	lr =	sadd.s32 s0, s3;
	s0 =	sld [smem:$0x3FAE]  }
0x30: {  	s3 =	sld [smem:$0x3FB1]  }
0x31: {  	[smem:$0x3FBA] =	sst s10  }
0x32: {  	s10 =	sld [smem:$0x3FB8];
	_ =	sdelay $0x3  }
0x33: {  	p0 =	seq.s32 s10, $0x1;
	s10 =	sld [smem:$0x3FBA];
	_ =	sdelay $0x3  }
0x34: {  	[smem:$0x3FBA] =	sst s10  }
0x35: {  	s10 =	sld [smem:$0x3FB9];
	_ =	sdelay $0x3  }
0x36: {  	p1 =	seq.s32 s10, $0x1;
	s10 =	sld [smem:$0x3FBA];
	_ =	sdelay $0x3  }
0x37: {  	[smem:$0x3FBA] =	sst s10  }
0x38: {  	s10 =	sld [smem:$0x3FBB]  }
0x39: {  	_ = 	snop;
	(pc) =	sbr.ind lr, $3  }
0x3a: {  	_ = 	snop  }
0x3b: {  	_ = 	snop  }
0x3c: {  	p2 =	seq.s32 s10, $0x1;
	s10 =	sld [smem:$0x3FBA]  }
0x3d: {  	_ =	shalt  }
0x3e: {  	_ =	shalt  }
0x3f: {  	_ =	shalt  }
0x40: {  	_ =	shalt  }
0x41: {  	_ =	shalt  }
0x42: {  	_ =	shalt  }
0x43: {  	_ =	shalt  }
0x44: {  	_ =	shalt  }
0x45: {  	_ =	shalt  }
0x46: {  	_ =	shalt  }
0x47: {  	_ =	shalt  }
0x48: {  	_ =	shalt  }
0x49: {  	_ =	shalt  }
0x4a: {  	_ =	shalt  }
0x4b: {  	_ =	shalt  }
0x4c: {  	_ =	shalt  }
0x4d: {  	_ =	shalt  }
0x4e: {  	_ =	shalt  }
0x4f: {  	_ =	shalt  }
0x50: {  	_ =	shalt  }
0x51: {  	_ =	shalt  }
0x52: {  	_ =	shalt  }
0x53: {  	_ =	shalt  }
0x54: {  	_ =	shalt  }
0x55: {  	_ =	shalt  }
0x56: {  	_ =	shalt  }
0x57: {  	_ =	shalt  }
0x58: {  	_ =	shalt  }
0x59: {  	_ =	shalt  }
0x5a: {  	_ =	shalt  }
0x5b: {  	_ =	shalt  }
0x5c: {  	_ =	shalt  }
0x5d: {  	_ =	shalt  }
0x5e: {  	_ =	shalt  }
0x5f: {  	_ =	shalt  }
0x60: {  	_ =	shalt  }
0x61: {  	_ =	shalt  }
0x62: {  	_ =	shalt  }
0x63: {  	_ =	shalt  }
0x64: {  	_ =	shalt  }
0x65: {  	_ =	shalt  }
0x66: {  	_ =	shalt  }
0x67: {  	_ =	shalt  }
0x68: {  	_ =	shalt  }
0x69: {  	_ =	shalt  }
0x6a: {  	_ =	shalt  }
0x6b: {  	_ =	shalt  }
0x6c: {  	_ =	shalt  }
0x6d: {  	_ =	shalt  }
0x6e: {  	_ =	shalt  }
0x6f: {  	_ =	shalt  }
0x70: {  	_ =	shalt  }
0x71: {  	_ =	shalt  }
0x72: {  	_ =	shalt  }
0x73: {  	_ =	shalt  }
0x74: {  	_ =	shalt  }
0x75: {  	_ =	shalt  }
0x76: {  	_ =	shalt  }
0x77: {  	_ =	shalt  }
0x78: {  	_ =	shalt  }
0x79: {  	_ =	shalt  }
0x7a: {  	_ =	shalt  }
0x7b: {  	_ =	shalt  }
0x7c: {  	_ =	shalt  }
0x7d: {  	_ =	shalt  }
0x7e: {  	_ =	shalt  }
0x7f: {  	_ =	shalt  }
0x80: {  	_ =	shalt  }
0x81: {  	_ =	shalt  }
0x82: {  	_ =	shalt  }
0x83: {  	_ =	shalt  }
0x84: {  	_ =	shalt  }
0x85: {  	_ =	shalt  }
0x86: {  	_ =	shalt  }
0x87: {  	_ =	shalt  }
.Lfunc_end0:
.L_simem_size_0:
called_computation_lowered:
.L_overlay_start_0:
0x88: {  	s2 =	sld [smem:$0x3FD9]  }
0x89: {  	s3 =	sld [smem:$0x3FFE];
	_ =	sdelay $0x1  }
0x8a: {  	s1 =	srdreg.scid  }
0x8b: {  	s0 =	sand.u32 $0x1, s1  }
0x8c: {  	s17 =	sshll.u32 s0, $0xA;
	s2 =	sadd.s32 s3, s2  }
0x8d: {  	s2 =	sadd.s32 s2, s17  }
0x8e: {  	[smem:$0x3FC6] =	sst s2  }
0x8f: {  	_ = 	snop  }
0x90: {  	s2 =	sld [smem:$0x3FC8]  }
0x91: {  	s18 =	sld [smem:$0x3FD0];
	(tm) =	ssettm $0x1  }
0x92: {  	s4 =	sld [smem:$0x3FFB];
	_ =	sdelay $0x3  }
0x93: {  	_ =	strace s4  }
0x94: {  	s4 =	sld [smem:$0x3FFC];
	_ =	sdelay $0x3  }
0x95: {  	_ =	strace s4  }
0x96: {  	s4 =	sld [smem:$0x3FFD];
	_ =	sdelay $0x3  }
0x97: {  	_ =	strace s4  }
0x98: {  	_ =	strace $0x8FFFFFFF  }
0x99: {  	s19 =	sld [smem:$0x3FDB];
	_ =	sdelay $0x1  }
0x9a: {  	s5 =	simm.s32 $_scs_section_size  }
0x9b: {  	s6 =	simm.s32 $_size__tile_overlayer_lowered;
	s7 =	simm.s32 $_tile_overlayer_lowered  }
0x9c: {  	s22 =	simm.s32 $0x1BFF;
	s21 =	sshll.u32 s7, $0x1;
	s4 =	sadd.s32 s5, s19  }
0x9d: {  	s8 =	simm.s32 $0x0;
	s20 =	sshll.u32 s6, $0x1;
	s6 =	sadd.s32 s21, s4  }
0x9e: {  	[timem:s8], [sflag:s22] =	dma.local [hbm:s6], s20  }
0x9f: {  	_ =	swait.ge [sflag:s22], s20  }
0xa0: {  	s5 =	ssub.s32 $0x0, s20;
	[sflag:s22] =	ssyncset.done $0x0  }
0xa1: {  	[sflag:s22] =	ssyncadd.s32 s5;
	_ =	sdelay $0x1  }
0xa2: {  	s23 =	simm.s32 $0x1B8B  }
0xa3: {  	_ =	swait.ge [sflag:s23], $0x1  }
0xa4: {  	[sflag:s23] =	ssyncset.done $0x0  }
0xa5: {  	s25 =	simm.s32 $0x1B8E;
	s24 =	sld [smem:$0x3FFE];
	[sflag:s23] =	ssyncadd.s32 $0xFFFFFFFF  }
0xa6: {  	s26 =	simm.s32 $execute0_lowered;
	[smem:$0x3FD2] =	sst s25  }
0xa7: {  	s6 =	sshll.u32 s26, $0x1;
	_ =	strace $0x80000046;
	[dreg:$0x1] =	wrdreg $0xFFFFFFFF  }
0xa8: {  	s28 =	simm.s32 $_size_execute0_lowered;
	s4 =	sadd.s32 s4, s6;
	[dreg:$0x0] =	wrdreg $0x0  }
0xa9: {  	s6 =	sshll.u32 s28, $0x1;
	[dreg:$0x2] =	wrdreg s4  }
0xaa: {  	[dreg:$0x3] =	wrdreg s6  }
0xab: {  	[dreg:$0x4] =	wrdreg $0xC0  }
0xac: {  	_ =	task [dreg:s8], $0x5FFFF  }
0xad: {  	[dreg:$0x1] =	wrdreg $0xFFFFFFFF  }
0xae: {  	[dreg:$0x0] =	wrdreg $0x60  }
0xaf: {  	[dreg:$0x2] =	wrdreg s24  }
0xb0: {  	[dreg:$0x3] =	wrdreg s2  }
0xb1: {  	[dreg:$0x4] =	wrdreg s18  }
0xb2: {  	[dreg:$0x5] =	wrdreg $0x9  }
0xb3: {  	_ =	task.clear_ibuf [dreg:s8], $0x6FFFF;
	_ =	strace $0x90000046  }
0xb4: {  	s29 =	simm.s32 $0x9;
	_ =	strace $0x80000048  }
0xb5: {  	_ =	swait.ge [sflag:s29], $0x1  }
0xb6: {  	[sflag:s29] =	ssyncadd.s32 $0xFFFFFFFF  }
0xb7: {  	_ =	strace $0x90000048  }
0xb8: {  	_ =	sfence  }
0xb9: {  	s30 =	sld [smem:$0x0];
	_ =	sdelay $0x2  }
0xba: {  	s31 =	sshll.u32 s1, $0xD;
	s1 =	sshrl.u32 s1, $0x2  }
0xbb: {  	s3 =	sand.u32 $0x4000, s31;
	s1 =	sadd.s32 s1, s30  }
0xbc: {  	s0 =	sor.u32 s3, s0;
	s1 =	sshll.u32 s1, $0x11  }
0xbd: {  	s0 =	sor.u32 s1, s0  }
0xbe: {  	s0 =	sadd.s32 $0x8F2B, s0  }
0xbf: {  	[sflag:s0] =	ssyncadd.remote.s32 $0x1  }
0xc0: {  	_ =	sfence.sel $0xFFFF  }
0xc1: {  	[dreg:$0x0] =	wrdreg $0xFFFFFFFF;
	(pc) =	sbr.abs _section_cstart, $3  }
0xc2: {  	[dreg:$0x1] =	wrdreg $0xFFFFFFFF  }
0xc3: {  	_ =	task.clear_ibuf [dreg:s8], $0x2FFFF;
	_ =	strace $0x9FFFFFFF  }
0xc4: {  	(tm) =	ssettm $0x7FFFFFFF  }
0xc5: {  	_ =	shalt  }
tec
execute0_lowered:
.L_overlay_start_1:
0x0: {  	(tag) =	ssettag $0x1  }
0x1: {  	v0 =	vimm.s32 $0xC3824100;
	v2 =	vimm.s32 $0x7C7  }
0x2: {  	vm14 =	vcmask $0x300;
	vm0 =	vcmask $0xF00;
	v1 =	vunpack.c.0.s8.s32 v0  }
0x3: {  	vm13 =	vcmask $0x704;
	vm12 =	vcmask $0xB08;
	v2 =	vsel vm14, $0x400, v2  }
0x4: {  	vm10 =	vcmask $0x1310;
	v2 =	vsel vm13, $0x441, v2;
	v1 =	vand.u32 $0xFF, v1  }
0x5: {  	vm11 =	vcmask $0xF0C;
	v2 =	vsel vm12, $0x482, v2;
	v1 =	vnsel vm0, $0x3C7, v1  }
0x6: {  	vm9 =	vcmask $0x1714;
	v2 =	vsel vm11, $0x4C3, v2;
	v1 =	vsel vm10, $0x104, v1  }
0x7: {  	vm8 =	vcmask $0x1B18;
	v2 =	vsel vm10, $0x504, v2;
	v1 =	vsel vm9, $0x145, v1  }
0x8: {  	vm7 =	vcmask $0x1F1C;
	v2 =	vsel vm9, $0x545, v2;
	v1 =	vsel vm8, $0x186, v1  }
0x9: {  	vm6 =	vcmask $0x2320;
	v2 =	vsel vm8, $0x586, v2;
	v1 =	vsel vm7, $0x1C7, v1  }
0xa: {  	vm5 =	vcmask $0x2724;
	v2 =	vsel vm7, $0x5C7, v2;
	v1 =	vsel vm6, $0x200, v1  }
0xb: {  	vm4 =	vcmask $0x2B28;
	v2 =	vsel vm6, $0x600, v2;
	v1 =	vsel vm5, $0x241, v1  }
0xc: {  	vm3 =	vcmask $0x2F2C;
	v2 =	vsel vm5, $0x641, v2;
	v1 =	vsel vm4, $0x282, v1  }
0xd: {  	vm2 =	vcmask $0x3330;
	v2 =	vsel vm4, $0x682, v2;
	v1 =	vsel vm3, $0x2C3, v1  }
0xe: {  	vm1 =	vcmask $0x3734;
	v2 =	vsel vm3, $0x6C3, v2;
	v1 =	vsel vm2, $0x304, v1  }
0xf: {  	vm15 =	vcmask $0x3B38;
	v2 =	vsel vm2, $0x704, v2;
	v1 =	vsel vm1, $0x345, v1  }
0x10: {  	v3 =	vimm.s32 $0xBC7;
	v33 =	vsel vm15, $0x386, v1;
	v1 =	vsel vm1, $0x745, v2  }
0x11: {  	v31 =	vsel vm15, $0x786, v1;
	v1 =	vsel vm14, $0x800, v3  }
0x12: {  	v3 =	vimm.s32 $0xFC7;
	v1 =	vsel vm13, $0x841, v1  }
0x13: {  	v5 =	vimm.s32 $0x13C7;
	v3 =	vsel vm14, $0xC00, v3;
	v1 =	vsel vm12, $0x882, v1  }
0x14: {  	v5 =	vsel vm14, $0x1000, v5;
	v3 =	vsel vm13, $0xC41, v3;
	v1 =	vsel vm11, $0x8C3, v1  }
0x15: {  	v5 =	vsel vm13, $0x1041, v5;
	v3 =	vsel vm12, $0xC82, v3;
	v1 =	vsel vm10, $0x904, v1  }
0x16: {  	v5 =	vsel vm12, $0x1082, v5;
	v3 =	vsel vm11, $0xCC3, v3;
	v1 =	vsel vm9, $0x945, v1  }
0x17: {  	v5 =	vsel vm11, $0x10C3, v5;
	v3 =	vsel vm10, $0xD04, v3;
	v1 =	vsel vm8, $0x986, v1  }
0x18: {  	v5 =	vsel vm10, $0x1104, v5;
	v3 =	vsel vm9, $0xD45, v3;
	v1 =	vsel vm7, $0x9C7, v1  }
0x19: {  	v5 =	vsel vm9, $0x1145, v5;
	v3 =	vsel vm8, $0xD86, v3;
	v1 =	vsel vm6, $0xA00, v1  }
0x1a: {  	v5 =	vsel vm8, $0x1186, v5;
	v3 =	vsel vm7, $0xDC7, v3;
	v1 =	vsel vm5, $0xA41, v1  }
0x1b: {  	v5 =	vsel vm7, $0x11C7, v5;
	v3 =	vsel vm6, $0xE00, v3;
	v1 =	vsel vm4, $0xA82, v1  }
0x1c: {  	v5 =	vsel vm6, $0x1200, v5;
	v3 =	vsel vm5, $0xE41, v3;
	v1 =	vsel vm3, $0xAC3, v1  }
0x1d: {  	v5 =	vsel vm5, $0x1241, v5;
	v3 =	vsel vm4, $0xE82, v3;
	v1 =	vsel vm2, $0xB04, v1  }
0x1e: {  	v5 =	vsel vm4, $0x1282, v5;
	v3 =	vsel vm3, $0xEC3, v3;
	v1 =	vsel vm1, $0xB45, v1  }
0x1f: {  	v32 =	vsel vm15, $0xB86, v1;
	v1 =	vsel vm2, $0xF04, v3;
	v3 =	vsel vm3, $0x12C3, v5  }
0x20: {  	v1 =	vsel vm1, $0xF45, v1;
	v3 =	vsel vm2, $0x1304, v3  }
0x21: {  	v23 =	vsel vm15, $0xF86, v1;
	v1 =	vsel vm1, $0x1345, v3;
	v3 =	vimm.s32 $0x17C7  }
0x22: {  	v20 =	vsel vm15, $0x1386, v1;
	v1 =	vsel vm14, $0x1400, v3  }
0x23: {  	v1 =	vsel vm13, $0x1441, v1  }
0x24: {  	v0 =	vlaneseq.u32;
	v3 =	vimm.s32 $0x1BC7;
	v1 =	vsel vm12, $0x1482, v1  }
0x25: {  	v5 =	vimm.s32 $0x1FC7;
	v3 =	vsel vm14, $0x1800, v3;
	v1 =	vsel vm11, $0x14C3, v1  }
0x26: {  	v5 =	vsel vm14, $0x1C00, v5;
	v3 =	vsel vm13, $0x1841, v3;
	v1 =	vsel vm10, $0x1504, v1  }
0x27: {  	v5 =	vsel vm13, $0x1C41, v5;
	v3 =	vsel vm12, $0x1882, v3;
	v1 =	vsel vm9, $0x1545, v1  }
0x28: {  	v5 =	vsel vm12, $0x1C82, v5;
	v3 =	vsel vm11, $0x18C3, v3;
	v1 =	vsel vm8, $0x1586, v1  }
0x29: {  	v5 =	vsel vm11, $0x1CC3, v5;
	v3 =	vsel vm10, $0x1904, v3;
	v1 =	vsel vm7, $0x15C7, v1  }
0x2a: {  	s0 =	rddreg [dreg:$0x0];
	s3 =	srdreg.scid;
	v5 =	vsel vm10, $0x1D04, v5;
	v3 =	vsel vm9, $0x1945, v3;
	v1 =	vsel vm6, $0x1600, v1  }
0x2b: {  	s1 =	rddreg [dreg:$0x1];
	s4 =	sand.u32 $0x1, s3;
	s3 =	simm.s32 $0x0;
	v5 =	vsel vm9, $0x1D45, v5;
	v3 =	vsel vm8, $0x1986, v3;
	v1 =	vsel vm5, $0x1641, v1  }
0x2c: {  	[smem:$0x7FF] =	sst s3;
	v5 =	vsel vm8, $0x1D86, v5;
	v3 =	vsel vm7, $0x19C7, v3;
	v1 =	vsel vm4, $0x1682, v1  }
0x2d: {  	s2 =	rddreg [dreg:$0x2];
	_ =	strace $0x80000047;
	[tilespmem:$0x1FFF0] =	vst v33;
	v5 =	vsel vm7, $0x1DC7, v5;
	v3 =	vsel vm6, $0x1A00, v3;
	v1 =	vsel vm3, $0x16C3, v1  }
0x2e: {  	[tilespmem:$0x1FF10] =	vst v31;
	v5 =	vsel vm6, $0x1E00, v5;
	v3 =	vsel vm5, $0x1A41, v3;
	v1 =	vsel vm2, $0x1704, v1  }
0x2f: {  	[tilespmem:$0x1FF20] =	vst v32;
	v5 =	vsel vm5, $0x1E41, v5;
	v3 =	vsel vm4, $0x1A82, v3;
	v1 =	vsel vm1, $0x1745, v1  }
0x30: {  	[tilespmem:$0x1FF30] =	vst v23;
	v5 =	vsel vm4, $0x1E82, v5;
	v3 =	vsel vm3, $0x1AC3, v3;
	v21 =	vsel vm15, $0x1786, v1  }
0x31: {  	s5 =	stileid.u32;
	[tilespmem:$0x1FF40] =	vst v20;
	v1 =	vsel vm2, $0x1B04, v3;
	v3 =	vsel vm3, $0x1EC3, v5;
	v5 =	vmul.u32 $0x40, v0  }
0x32: {  	s17 =	simm.s32 $0x6400;
	s18 =	simm.s32 $0x8400;
	s20 =	simm.s32 $0xA400;
	v1 =	vsel vm1, $0x1B45, v1;
	[tilespmem:$0x1FF50] =	vst v21  }
0x33: {  	s22 =	simm.s32 $0xC400;
	s23 =	simm.s32 $0x1;
	s24 =	simm.s32 $0xE400;
	v22 =	vsel vm15, $0x1B86, v1;
	[tilespmem:$0x1FF00] =	vst v5  }
0x34: {  	s19 =	simm.s32 $0x10400;
	s29 =	simm.s32 $0x3;
	s30 =	simm.s32 $0x12400;
	v43 =	vor.u32 $0x1C00, v5;
	[tilespmem:$0x1FF60] =	vst v22  }
0x35: {  	s26 =	simm.s32 $0x4;
	s28 =	simm.s32 $0x14400;
	s5 =	sshll.u32 s5, $0x1;
	v47 =	vor.u32 $0x1000, v5;
	[tilespmem:$0x1FF80] =	vst v43  }
0x36: {  	s8 =	sadd.s32 $0x2000, s2;
	s9 =	sadd.s32 $0x3000, s2;
	v4 =	vor.u32 $0x20, v0;
	s5 =	sor.u32 s4, s5;
	v48 =	vor.u32 $0x1800, v5;
	[tilespmem:$0x1FF90] =	vst v47  }
0x37: {  	s14 =	simm.s32 $0x0;
	s10 =	sadd.s32 $0x4000, s2;
	v6 =	vor.u32 $0x30, v0;
	v8 =	vor.u32 $0x40, v0;
	s7 =	smul.u32 $0xC80, s5;
	v49 =	vor.u32 $0x1400, v5;
	[tilespmem:$0x1FFA0] =	vst v48  }
.Ltmp0:
0x38: {  	s11 =	sadd.s32 $0x5000, s2;
	s6 =	ssub.s32 $0x2, s4;
	v10 =	vor.u32 $0x50, v0;
	v13 =	vor.u32 $0x60, v0;
	v52 =	vor.u32 $0xC00, v5;
	[tilespmem:$0x1FFB0] =	vst v49;
	(pc) =	sbr.rel .LBB2_1-.Ltmp0, $4  }
0x39: {  	s12 =	sadd.s32 $0x6000, s2;
	s13 =	sadd.s32 $0x7000, s2;
	v15 =	vor.u32 $0x70, v0;
	s31 =	sshrl.u32 s6, $0x1;
	v3 =	vsel vm2, $0x1F04, v3;
	v40 =	vor.u32 $0x800, v5;
	[tilespmem:$0x1FFC0] =	vst v52  }
0x3a: {  	s4 =	sadd.s32 $0x400, s0;
	s0 =	ssub.s32 s6, s31;
	s1 =	sadd.s32 s1, s7;
	v2 =	vor.u32 $0x10, v0;
	v1 =	vsel vm1, $0x1F45, v3;
	v0 =	vor.u32 $0x400, v5;
	[tilespmem:$0x1FFD0] =	vst v40  }
0x3b: {  	s5 =	smul.u32 $0xC8, s5;
	s0 =	smax.u32 s0, $0x1;
	[dreg:$0x4] =	wrdreg s1;
	v30 =	vsel vm15, $0x1F86, v1;
	[tilespmem:$0x1FFE0] =	vst v0  }
0x3c: {  	s7 =	sadd.s32 $0x1000, s2;
	[dreg:$0x5] =	wrdreg s0;
	s0 =	simm.s32 $0x2;
	[tilespmem:$0x1FF70] =	vst v30  }
.LBB2_12:
0x3d: {  	s1 =	simm.s32 $0x5  }
0x3e: {  	_ =	swait.ge [sflag:s1], $0x400  }
0x3f: {  	[sflag:s1] =	ssyncset.done $0x0  }
0x40: {  	[sflag:s1] =	ssyncadd.s32 $0xFFFFFC00  }
0x41: {  	_ =	swait.ge [sflag:s1], $0x400  }
0x42: {  	[sflag:s1] =	ssyncset.done $0x0  }
0x43: {  	[sflag:s1] =	ssyncadd.s32 $0xFFFFFC00  }
0x44: {  	_ =	swait.ge [sflag:s1], $0x400  }
0x45: {  	[sflag:s1] =	ssyncset.done $0x0  }
0x46: {  	[sflag:s1] =	ssyncadd.s32 $0xFFFFFC00  }
0x47: {  	_ =	swait.ge [sflag:s1], $0x400  }
0x48: {  	[sflag:s1] =	ssyncset.done $0x0  }
0x49: {  	[sflag:s1] =	ssyncadd.s32 $0xFFFFFC00  }
0x4a: {  	_ =	swait.ge [sflag:s1], $0x400  }
0x4b: {  	[sflag:s1] =	ssyncset.done $0x0  }
0x4c: {  	[sflag:s1] =	ssyncadd.s32 $0xFFFFFC00  }
0x4d: {  	_ =	swait.ge [sflag:s1], $0x400  }
0x4e: {  	[sflag:s1] =	ssyncset.done $0x0  }
0x4f: {  	[sflag:s1] =	ssyncadd.s32 $0xFFFFFC00  }
0x50: {  	_ =	swait.ge [sflag:s1], $0x400  }
0x51: {  	[sflag:s1] =	ssyncset.done $0x0  }
0x52: {  	[sflag:s1] =	ssyncadd.s32 $0xFFFFFC00  }
0x53: {  	_ =	swait.ge [sflag:s1], $0x400  }
0x54: {  	[sflag:s1] =	ssyncset.done $0x0  }
0x55: {  	s21 =	simm.s32 $0x6;
	[sflag:s1] =	ssyncadd.s32 $0xFFFFFC00  }
0x56: {  	_ =	swait.ge [sflag:s21], $0x400  }
0x57: {  	[sflag:s21] =	ssyncset.done $0x0  }
0x58: {  	[sflag:s21] =	ssyncadd.s32 $0xFFFFFC00  }
0x59: {  	_ =	swait.ge [sflag:s21], $0x400  }
0x5a: {  	[sflag:s21] =	ssyncset.done $0x0  }
0x5b: {  	[sflag:s21] =	ssyncadd.s32 $0xFFFFFC00  }
0x5c: {  	_ =	swait.ge [sflag:s21], $0x400  }
0x5d: {  	[sflag:s21] =	ssyncset.done $0x0  }
0x5e: {  	[sflag:s21] =	ssyncadd.s32 $0xFFFFFC00  }
0x5f: {  	_ =	swait.ge [sflag:s21], $0x400  }
0x60: {  	[sflag:s21] =	ssyncset.done $0x0  }
0x61: {  	[sflag:s21] =	ssyncadd.s32 $0xFFFFFC00  }
0x62: {  	_ =	swait.ge [sflag:s21], $0x400  }
0x63: {  	[sflag:s21] =	ssyncset.done $0x0  }
0x64: {  	[sflag:s21] =	ssyncadd.s32 $0xFFFFFC00  }
0x65: {  	_ =	swait.ge [sflag:s21], $0x400  }
0x66: {  	[sflag:s21] =	ssyncset.done $0x0  }
0x67: {  	[sflag:s21] =	ssyncadd.s32 $0xFFFFFC00  }
0x68: {  	_ =	swait.ge [sflag:s21], $0x400  }
0x69: {  	[sflag:s21] =	ssyncset.done $0x0  }
0x6a: {  	[sflag:s21] =	ssyncadd.s32 $0xFFFFFC00  }
0x6b: {  	_ =	swait.ge [sflag:s21], $0x400  }
0x6c: {  	[sflag:s21] =	ssyncset.done $0x0  }
0x6d: {  	s25 =	simm.s32 $0x7;
	[sflag:s21] =	ssyncadd.s32 $0xFFFFFC00  }
0x6e: {  	_ =	swait.ge [sflag:s25], $0x400  }
0x6f: {  	[sflag:s25] =	ssyncset.done $0x0  }
0x70: {  	[sflag:s25] =	ssyncadd.s32 $0xFFFFFC00  }
0x71: {  	_ =	swait.ge [sflag:s25], $0x400  }
0x72: {  	[sflag:s25] =	ssyncset.done $0x0  }
0x73: {  	[sflag:s25] =	ssyncadd.s32 $0xFFFFFC00  }
0x74: {  	_ =	swait.ge [sflag:s25], $0x400  }
0x75: {  	[sflag:s25] =	ssyncset.done $0x0  }
0x76: {  	[sflag:s25] =	ssyncadd.s32 $0xFFFFFC00  }
0x77: {  	_ =	swait.ge [sflag:s25], $0x400  }
0x78: {  	[sflag:s25] =	ssyncset.done $0x0  }
0x79: {  	[sflag:s25] =	ssyncadd.s32 $0xFFFFFC00  }
0x7a: {  	_ =	swait.ge [sflag:s25], $0x400  }
0x7b: {  	[sflag:s25] =	ssyncset.done $0x0  }
0x7c: {  	[sflag:s25] =	ssyncadd.s32 $0xFFFFFC00  }
0x7d: {  	_ =	swait.ge [sflag:s25], $0x400  }
0x7e: {  	[sflag:s25] =	ssyncset.done $0x0  }
0x7f: {  	[sflag:s25] =	ssyncadd.s32 $0xFFFFFC00  }
0x80: {  	_ =	swait.ge [sflag:s25], $0x400  }
0x81: {  	[sflag:s25] =	ssyncset.done $0x0  }
0x82: {  	[sflag:s25] =	ssyncadd.s32 $0xFFFFFC00  }
0x83: {  	_ =	swait.ge [sflag:s25], $0x400  }
0x84: {  	[sflag:s25] =	ssyncset.done $0x0  }
0x85: {  	s6 =	simm.s32 $0x8;
	[sflag:s25] =	ssyncadd.s32 $0xFFFFFC00  }
0x86: {  	_ =	swait.ge [sflag:s6], $0x400  }
0x87: {  	[sflag:s6] =	ssyncset.done $0x0  }
0x88: {  	[sflag:s6] =	ssyncadd.s32 $0xFFFFFC00  }
0x89: {  	_ =	swait.ge [sflag:s6], $0x400  }
0x8a: {  	[sflag:s6] =	ssyncset.done $0x0  }
0x8b: {  	[sflag:s6] =	ssyncadd.s32 $0xFFFFFC00  }
0x8c: {  	_ =	swait.ge [sflag:s6], $0x400  }
0x8d: {  	[sflag:s6] =	ssyncset.done $0x0  }
0x8e: {  	[sflag:s6] =	ssyncadd.s32 $0xFFFFFC00  }
0x8f: {  	_ =	swait.ge [sflag:s6], $0x400  }
0x90: {  	[sflag:s6] =	ssyncset.done $0x0  }
0x91: {  	[sflag:s6] =	ssyncadd.s32 $0xFFFFFC00  }
0x92: {  	_ =	swait.ge [sflag:s6], $0x400  }
0x93: {  	[sflag:s6] =	ssyncset.done $0x0  }
0x94: {  	[sflag:s6] =	ssyncadd.s32 $0xFFFFFC00  }
0x95: {  	_ =	swait.ge [sflag:s6], $0x400  }
0x96: {  	[sflag:s6] =	ssyncset.done $0x0  }
0x97: {  	[sflag:s6] =	ssyncadd.s32 $0xFFFFFC00  }
0x98: {  	_ =	swait.ge [sflag:s6], $0x400  }
0x99: {  	[sflag:s6] =	ssyncset.done $0x0  }
0x9a: {  	[sflag:s6] =	ssyncadd.s32 $0xFFFFFC00  }
0x9b: {  	_ =	swait.ge [sflag:s6], $0x400  }
0x9c: {  	s14 =	rddreg [dreg:$0x6]  }
0x9d: {  	s31 =	rddreg [dreg:$0x5];
	v31 =	vld [tilespmem:$0x1FF10];
	s14 =	sadd.s32 $0x1, s14  }
0x9e: {  	v32 =	vld [tilespmem:$0x1FF20];
	p0 =	sne.s32 s14, s31  }
.Ltmp1:
0x9f: {  	v23 =	vld [tilespmem:$0x1FF30];
	(pc) =	sbr.rel @!p0 .LBB2_13-.Ltmp1, $4  }
0xa0: {  	v20 =	vld [tilespmem:$0x1FF40]  }
0xa1: {  	v21 =	vld [tilespmem:$0x1FF50]  }
0xa2: {  	[sflag:s6] =	ssyncset.done $0x0;
	v22 =	vld [tilespmem:$0x1FF60]  }
0xa3: {  	v0 =	vmov v55;
	v40 =	vmov v28;
	v30 =	vld [tilespmem:$0x1FF70];
	[sflag:s6] =	ssyncadd.s32 $0xFFFFFC00  }
.LBB2_1:
0xa4: {  	[dreg:$0x6] =	wrdreg s14  }
0xa5: {  	s1 =	rddreg [dreg:$0x4];
	s16 =	simm.s32 $0x9  }
0xa6: {  	[tilespmem:s3], [sflag:$0x9] =	stream.linear.gather [hbm4b:s1+s3], $0x6400, $0x38;
	[tilespmem:$0x16400] =	vst v63  }
0xa7: {  	_ =	swait.ge [sflag:s16], $0x6400  }
0xa8: {  	[sflag:s16] =	ssyncset.done $0x0  }
0xa9: {  	s21 =	simm.s32 $0x80;
	[sflag:s16] =	ssyncadd.s32 $0xFFFF9C00  }
0xaa: {  	[tilespmem:s17], [sflag:$0x1] =	stream.indirect.gather [hbm4b:s4+s21], $0x40, s3, s21, $0xb8;
	[tilespmem:$0x16400] =	vst v63  }
0xab: {  	_ = 	snop  }
0xac: {  	[tilespmem:s18], [sflag:$0x2] =	stream.indirect.gather [hbm4b:s4+s21], $0x40, s21, s21, $0xb8;
	[tilespmem:$0x16400] =	vst v63  }
0xad: {  	s6 =	simm.s32 $0x100  }
0xae: {  	[tilespmem:s20], [sflag:$0x3] =	stream.indirect.gather [hbm4b:s4+s21], $0x40, s6, s21, $0xb8;
	[tilespmem:$0x16400] =	vst v63  }
0xaf: {  	s25 =	simm.s32 $0x180;
	s31 =	simm.s32 $0x0  }
0xb0: {  	[tilespmem:s22], [sflag:$0x4] =	stream.indirect.gather [hbm4b:s4+s21], $0x40, s25, s21, $0xb8;
	[tilespmem:$0x16400] =	vst v63  }
.LBB2_2:
0xb1: {  	_ =	swait.ge [sflag:s23], $0x2000  }
0xb2: {  	p0 =	seq.s32 s31, $0x0;
	[sflag:s23] =	ssyncset.done $0x0  }
0xb3: {  	s1 =	simm.s32 @!p0 $0x5;
	[sflag:s23] =	ssyncadd.s32 $0xFFFFE000  }
0xb4: {  	_ =	swait.ge @!p0 [sflag:s1], $0x400  }
0xb5: {  	s6 =	simm.s32 $0x0;
	v45 =	vlaneseq.u32;
	[sflag:s1] =	ssyncset.done @!p0 $0x0  }
0xb6: {  	v1 =	vadd.s32 s6, v15;
	v3 =	vadd.s32 s6, v10;
	v5 =	vadd.s32 s6, v13;
	[sflag:s1] =	ssyncadd.s32 @!p0 $0xFFFFFC00  }
0xb7: {  	v7 =	vadd.s32 s6, v4;
	v16 =	vshll.u32 v1, $0x7;
	v1 =	vand.u32 $0x38, v1;
	_ =	swait.ge @!p0 [sflag:s1], $0x400  }
0xb8: {  	s15 =	simm.s32 $0x7;
	v9 =	vadd.s32 s6, v6;
	v11 =	vadd.s32 s6, v8;
	v1 =	vor.u32 v30, v1;
	[sflag:s1] =	ssyncset.done @!p0 $0x0  }
0xb9: {  	v12 =	vadd.s32 s6, v45;
	v14 =	vadd.s32 s6, v2;
	v59 =	vadd.s32 s15, v2;
	[tilespmem:$0x1FDF0] =	vst v1;
	[sflag:s1] =	ssyncadd.s32 @!p0 $0xFFFFFC00  }
0xba: {  	v17 =	vand.u32 $0x38, v5;
	v5 =	vshll.u32 v5, $0x7;
	v18 =	vshll.u32 v11, $0x7;
	_ =	swait.ge @!p0 [sflag:s1], $0x400  }
0xbb: {  	v19 =	vand.u32 $0x38, v3;
	v24 =	vshll.u32 v3, $0x7;
	v25 =	vand.u32 $0x38, v9;
	[sflag:s1] =	ssyncset.done @!p0 $0x0  }
0xbc: {  	v9 =	vshll.u32 v9, $0x7;
	v11 =	vand.u32 $0x38, v11;
	v5 =	vand.u32 $0x1F80, v5;
	[sflag:s1] =	ssyncadd.s32 @!p0 $0xFFFFFC00  }
0xbd: {  	v26 =	vshll.u32 v14, $0x7;
	v16 =	vand.u32 $0x1F80, v16;
	v5 =	vor.u32 v13, v5;
	_ =	swait.ge @!p0 [sflag:s1], $0x400  }
0xbe: {  	v27 =	vand.u32 $0x38, v7;
	v7 =	vshll.u32 v7, $0x7;
	[sflag:s1] =	ssyncset.done @!p0 $0x0;
	[tilespmem:$0x1FEF0] =	vst v5;
	v5 =	vor.u32 v15, v16  }
0xbf: {  	v28 =	vand.u32 $0x38, v12;
	v12 =	vshll.u32 v12, $0x7;
	v29 =	vand.u32 $0x38, v14;
	[tilespmem:$0x1FE00] =	vst v5;
	[sflag:s1] =	ssyncadd.s32 @!p0 $0xFFFFFC00  }
0xc0: {  	v3 =	vor.u32 v21, v19;
	v19 =	vand.u32 $0x1F80, v24;
	v9 =	vand.u32 $0x1F80, v9;
	_ =	swait.ge @!p0 [sflag:s1], $0x400  }
0xc1: {  	v14 =	vor.u32 v20, v11;
	v11 =	vand.u32 $0x1F80, v18;
	v7 =	vand.u32 $0x1F80, v7;
	[sflag:s1] =	ssyncset.done @!p0 $0x0  }
0xc2: {  	v24 =	vor.u32 v23, v25;
	v12 =	vand.u32 $0x1F80, v12;
	v25 =	vand.u32 $0x1F80, v26;
	[sflag:s1] =	ssyncadd.s32 @!p0 $0xFFFFFC00  }
0xc3: {  	v26 =	vor.u32 v33, v28;
	v1 =	vor.u32 v22, v17;
	v17 =	vor.u32 v32, v27;
	_ =	swait.ge @!p0 [sflag:s1], $0x400  }
0xc4: {  	v27 =	vadd.s32 s15, v15;
	v16 =	vor.u32 v6, v9;
	v9 =	vor.u32 v8, v11;
	[sflag:s1] =	ssyncset.done @!p0 $0x0  }
0xc5: {  	v11 =	vor.u32 v10, v19;
	v19 =	vor.u32 v4, v7;
	v7 =	vadd.s32 s15, v45;
	[sflag:s1] =	ssyncadd.s32 @!p0 $0xFFFFFC00  }
0xc6: {  	v34 =	vand.u32 $0x3F, v27;
	v28 =	vand.u32 $0x3F, v7;
	v7 =	vshll.u32 v7, $0x7;
	v44 =	vld [tilespmem:$0x1FF00];
	_ =	swait.ge @!p0 [sflag:s1], $0x400  }
0xc7: {  	v5 =	vor.u32 v45, v12;
	v12 =	vor.u32 v2, v25;
	v7 =	vand.u32 $0x1F80, v7;
	[sflag:s1] =	ssyncset.done @!p0 $0x0  }
0xc8: {  	v25 =	vadd.s32 s15, v13;
	v41 =	vor.u32 v45, v7;
	v7 =	vand.u32 $0x3F, v59;
	[sflag:s1] =	ssyncadd.s32 @!p0 $0xFFFFFC00  }
0xc9: {  	v36 =	vand.u32 $0x3F, v25;
	v42 =	vor.u32 v0, v7;
	v7 =	vor.u32 v43, v34;
	_ =	swait.ge @!p0 [sflag:s1], $0x400  }
0xca: {  	[sflag:s1] =	ssyncset.done @!p0 $0x0;
	[tilespmem:$0x1FE10] =	vst v7;
	v7 =	vor.u32 v48, v36  }
0xcb: {  	s16 =	simm.s32 $0x6;
	v58 =	vadd.s32 s15, v6;
	[sflag:s1] =	ssyncadd.s32 @!p0 $0xFFFFFC00;
	[tilespmem:$0x1FEE0] =	vst v7  }
0xcc: {  	v62 =	vadd.s32 s16, v15;
	v63 =	vadd.s32 s16, v4;
	v28 =	vor.u32 v44, v28;
	v26 =	vld.idx.msk [tilespmem:v26+s17+$0x0], $0xffff  }
0xcd: {  	v54 =	vadd.s32 s16, v8;
	v18 =	vor.u32 v31, v29;
	v27 =	vshll.u32 v27, $0x7  }
0xce: {  	v56 =	vadd.s32 s16, v2;
	v38 =	vand.u32 $0x3F, v58;
	v60 =	vand.u32 $0x1F80, v27  }
0xcf: {  	v46 =	vand.u32 $0x3F, v62;
	v29 =	vadd.s32 s15, v8;
	v61 =	vor.u32 v15, v60  }
0xd0: {  	v30 =	vadd.s32 s15, v10;
	v31 =	vadd.s32 s15, v4;
	v33 =	vshll.u32 v59, $0x7;
	[tilespmem:$0x1FE20] =	vst v61  }
0xd1: {  	v35 =	vshll.u32 v30, $0x7;
	v37 =	vand.u32 $0x3F, v29;
	v29 =	vshll.u32 v29, $0x7;
	v28 =	vld.idx.msk [tilespmem:v28+s17+$0x0], $0xffff;
	[tilespmem:v5+s24+$0x0] =	vst.idx.msk $0xffff, v26  }
0xd2: {  	v30 =	vand.u32 $0x3F, v30;
	v39 =	vand.u32 $0x3F, v31;
	v31 =	vshll.u32 v31, $0x7;
	v18 =	vld.idx.msk [tilespmem:v18+s17+$0x0], $0xffff  }
0xd3: {  	v33 =	vand.u32 $0x1F80, v33;
	v35 =	vand.u32 $0x1F80, v35;
	v25 =	vshll.u32 v25, $0x7  }
0xd4: {  	v20 =	vmovc v43;
	v32 =	vshll.u32 v58, $0x7;
	v58 =	vor.u32 v10, v35;
	v25 =	vand.u32 $0x1F80, v25  }
0xd5: {  	v27 =	vor.u32 v49, v30;
	v34 =	vor.u32 v13, v25;
	v25 =	vor.u32 v2, v33;
	[tilespmem:$0x1FE30] =	vst v62  }
0xd6: {  	v29 =	vand.u32 $0x1F80, v29;
	v36 =	vor.u32 v47, v37;
	v7 =	vor.u32 v40, v39;
	[tilespmem:v41+s24+$0x0] =	vst.idx.msk $0xffff, v28  }
0xd7: {  	v32 =	vand.u32 $0x1F80, v32;
	v39 =	vor.u32 v8, v29;
	v29 =	vadd.s32 s16, v13;
	v42 =	vld.idx.msk [tilespmem:v42+s17+$0x0], $0xffff;
	[tilespmem:v12+s24+$0x0] =	vst.idx.msk $0xffff, v18  }
0xd8: {  	v22 =	vmovc v48;
	v59 =	vand.u32 $0x3F, v29;
	v5 =	vadd.s32 s16, v10;
	v62 =	vor.u32 v20, v46;
	v17 =	vld.idx.msk [tilespmem:v17+s17+$0x0], $0xffff  }
0xd9: {  	v21 =	vmovc v47;
	v43 =	vmovc v49;
	v47 =	vor.u32 v22, v59;
	v57 =	vshll.u32 v5, $0x7;
	v5 =	vand.u32 $0x3F, v5;
	[tilespmem:$0x1FE40] =	vst v62  }
0xda: {  	v30 =	vand.u32 $0x1F80, v31;
	v31 =	vor.u32 v52, v38;
	v5 =	vor.u32 v43, v5;
	[tilespmem:$0x1FE50] =	vst v47  }
0xdb: {  	v35 =	vor.u32 v6, v32;
	v38 =	vshll.u32 v54, $0x7;
	v29 =	vshll.u32 v29, $0x7;
	[tilespmem:$0x1FE60] =	vst v5  }
0xdc: {  	v48 =	vand.u32 $0x1F80, v29;
	v12 =	vand.u32 $0x3F, v56;
	v18 =	vshll.u32 v56, $0x7;
	[tilespmem:v25+s24+$0x0] =	vst.idx.msk $0xffff, v42  }
0xdd: {  	v59 =	vor.u32 v0, v12;
	v12 =	vand.u32 $0x1F80, v18;
	v18 =	vor.u32 v13, v48;
	[tilespmem:v19+s24+$0x0] =	vst.idx.msk $0xffff, v17  }
0xde: {  	v32 =	vand.u32 $0x3F, v63;
	v30 =	vor.u32 v4, v30;
	v49 =	vand.u32 $0x1F80, v38;
	[tilespmem:$0x1FE70] =	vst v18  }
0xdf: {  	v28 =	vshll.u32 v63, $0x7;
	v63 =	vand.u32 $0x1F80, v57;
	v18 =	vld.idx.msk [tilespmem:v7+s17+$0x0], $0xffff;
	v7 =	vor.u32 v8, v49  }
0xe0: {  	[tilespmem:$0x1FE80] =	vst v7;
	v7 =	vor.u32 v10, v63  }
0xe1: {  	s21 =	simm.s32 $0x5;
	v53 =	vadd.s32 s16, v6;
	v55 =	vadd.s32 s16, v45;
	[tilespmem:$0x1FE90] =	vst v7  }
0xe2: {  	v60 =	vand.u32 $0x3F, v54;
	v54 =	vadd.s32 s21, v15;
	v57 =	vor.u32 v2, v12;
	v12 =	vld.idx.msk [tilespmem:v24+s17+$0x0], $0xffff  }
0xe3: {  	v50 =	vand.u32 $0x3F, v53;
	v51 =	vshll.u32 v53, $0x7;
	v61 =	vand.u32 $0x3F, v55;
	[tilespmem:$0x1FEA0] =	vst v54  }
0xe4: {  	v26 =	vmovc v44;
	v44 =	vshll.u32 v55, $0x7;
	v55 =	vor.u32 v40, v32;
	v32 =	vlaneseq.u32;
	[tilespmem:v30+s24+$0x0] =	vst.idx.msk $0xffff, v18  }
0xe5: {  	v37 =	vor.u32 v21, v60;
	v5 =	vor.u32 v26, v61;
	v7 =	vadd.s32 s21, v32;
	v61 =	vld.idx.msk [tilespmem:v31+s17+$0x0], $0xffff  }
0xe6: {  	v60 =	vand.u32 $0x3F, v54;
	v19 =	vadd.s32 s21, v13;
	v41 =	vand.u32 $0x3F, v7  }
0xe7: {  	v53 =	vshll.u32 v7, $0x7;
	v7 =	vor.u32 v20, v60;
	v30 =	vand.u32 $0x3F, v19;
	[tilespmem:v16+s24+$0x0] =	vst.idx.msk $0xffff, v12  }
0xe8: {  	v17 =	vand.u32 $0x1F80, v44;
	v14 =	vld.idx.msk [tilespmem:v14+s17+$0x0], $0xffff;
	[tilespmem:$0x1FEB0] =	vst v7;
	v7 =	vor.u32 v22, v30  }
0xe9: {  	v62 =	vor.u32 v32, v17;
	v17 =	vadd.s32 s21, v10;
	[tilespmem:$0x1FEC0] =	vst v7  }
0xea: {  	v18 =	vshll.u32 v17, $0x7;
	v17 =	vand.u32 $0x3F, v17;
	[tilespmem:v35+s24+$0x0] =	vst.idx.msk $0xffff, v61  }
0xeb: {  	v44 =	vor.u32 v43, v17;
	v17 =	vld.idx.msk [tilespmem:v36+s17+$0x0], $0xffff  }
0xec: {  	v56 =	vadd.s32 s21, v2;
	v19 =	vshll.u32 v19, $0x7  }
0xed: {  	v23 =	vand.u32 $0x3F, v56;
	v19 =	vand.u32 $0x1F80, v19  }
0xee: {  	[tilespmem:v9+s24+$0x0] =	vst.idx.msk $0xffff, v14;
	v14 =	vor.u32 v0, v23;
	v0 =	vor.u32 v13, v19  }
0xef: {  	v30 =	vld.idx.msk [tilespmem:v3+s17+$0x0], $0xffff;
	[tilespmem:$0x1FED0] =	vst v0  }
0xf0: {  	[tilespmem:v39+s24+$0x0] =	vst.idx.msk $0xffff, v17  }
0xf1: {  	v17 =	vld.idx.msk [tilespmem:v27+s17+$0x0], $0xffff;
	_ =	sdelay $0x3  }
0xf2: {  	v51 =	vand.u32 $0x1F80, v51;
	[tilespmem:v11+s24+$0x0] =	vst.idx.msk $0xffff, v30  }
0xf3: {  	s25 =	simm.s32 $0x4;
	v38 =	vor.u32 v6, v51;
	v29 =	vor.u32 v52, v50;
	v28 =	vand.u32 $0x1F80, v28;
	[tilespmem:v58+s24+$0x0] =	vst.idx.msk $0xffff, v17  }
0xf4: {  	v51 =	vor.u32 v4, v28;
	v28 =	vadd.s32 s21, v8;
	v47 =	vadd.s32 s25, v13;
	v0 =	vld [tilespmem:$0x1FEE0]  }
0xf5: {  	v25 =	vadd.s32 s21, v6;
	v42 =	vshll.u32 v56, $0x7;
	v49 =	vand.u32 $0x3F, v47  }
0xf6: {  	v63 =	vand.u32 $0x3F, v28;
	v28 =	vshll.u32 v28, $0x7;
	v46 =	vor.u32 v22, v49  }
0xf7: {  	v50 =	vor.u32 v21, v63;
	v28 =	vand.u32 $0x1F80, v28;
	v24 =	vadd.s32 s21, v4  }
0xf8: {  	v60 =	vadd.s32 s25, v8;
	v18 =	vand.u32 $0x1F80, v18;
	v12 =	vshll.u32 v24, $0x7  }
0xf9: {  	v33 =	vmovc v52;
	v16 =	vand.u32 $0x3F, v25;
	v25 =	vshll.u32 v25, $0x7;
	v24 =	vand.u32 $0x3F, v24  }
0xfa: {  	v12 =	vand.u32 $0x1F80, v12;
	v56 =	vor.u32 v33, v16;
	v16 =	vand.u32 $0x1F80, v25  }
0xfb: {  	v63 =	vor.u32 v40, v24;
	v25 =	vor.u32 v26, v41;
	v11 =	vadd.s32 s25, v32  }
0xfc: {  	v35 =	vor.u32 v8, v28;
	v31 =	vand.u32 $0x3F, v11;
	v28 =	vshll.u32 v11, $0x7;
	v11 =	vld.idx.msk [tilespmem:v0+s17+$0x0], $0xffff  }
0xfd: {  	v54 =	vor.u32 v6, v16;
	v16 =	vadd.s32 s25, v4;
	v61 =	vor.u32 v4, v12;
	v0 =	vld [tilespmem:$0x1FEF0]  }
0xfe: {  	v12 =	vadd.s32 s25, v2;
	v36 =	vadd.s32 s25, v15;
	v9 =	vand.u32 $0x1F80, v42  }
0xff: {  	v42 =	vor.u32 v10, v18;
	v18 =	vand.u32 $0x3F, v36;
	v3 =	vand.u32 $0x1F80, v53  }
0x100: {  	v19 =	vand.u32 $0x3F, v60;
	v24 =	vor.u32 v32, v3;
	v3 =	vadd.s32 s25, v6;
	v48 =	vld.idx.msk [tilespmem:v1+s17+$0x0], $0xffff  }
0x101: {  	v9 =	vor.u32 v2, v9;
	v53 =	vadd.s32 s25, v10;
	v7 =	vand.u32 $0x3F, v3  }
0x102: {  	v39 =	vor.u32 v20, v18;
	v27 =	vshll.u32 v12, $0x7;
	v1 =	vand.u32 $0x3F, v53  }
0x103: {  	s15 =	simm.s32 $0x2;
	s21 =	simm.s32 $0x3;
	v12 =	vand.u32 $0x3F, v12;
	v30 =	vand.u32 $0x3F, v16;
	v52 =	vor.u32 v43, v1  }
0x104: {  	v1 =	vor.u32 v33, v7;
	v7 =	vadd.s32 s15, v32;
	v17 =	vadd.s32 s21, v32  }
0x105: {  	s14 =	simm.s32 $0x1;
	s6 =	simm.s32 $0x8;
	s1 =	sshll.u32 s31, $0x2;
	v18 =	vor.u32 v26, v31;
	v58 =	vor.u32 v21, v19;
	v19 =	vand.u32 $0x3F, v17;
	[tilespmem:v0+s24+$0x0] =	vst.idx.msk $0xffff, v48  }
.LBB2_3:
0x106: {  	v0 =	vld [tilespmem:$0x1FDF0];
	_ =	sdelay $0x6  }
0x107: {  	v49 =	vld [tilespmem:$0x1FFE0]  }
0x108: {  	v33 =	vld.idx.msk [tilespmem:v0+s17+$0x0], $0xffff  }
0x109: {  	v0 =	vld [tilespmem:$0x1FE10]  }
0x10a: {  	v20 =	vadd.s32 s14, v32;
	v19 =	vor.u32 v26, v19;
	v5 =	vld.idx.msk [tilespmem:v5+s17+$0x0], $0xffff  }
0x10b: {  	v21 =	vand.u32 $0x3F, v7;
	v43 =	vadd.s32 s21, v2;
	v17 =	vshll.u32 v17, $0x7;
	v25 =	vld.idx.msk [tilespmem:v25+s17+$0x0], $0xffff  }
0x10c: {  	v28 =	vand.u32 $0x1F80, v28;
	v7 =	vshll.u32 v7, $0x7;
	v23 =	vadd.s32 s15, v2  }
0x10d: {  	v48 =	vld [tilespmem:$0x1FFD0];
	v27 =	vand.u32 $0x1F80, v27;
	v21 =	vor.u32 v26, v21;
	v22 =	vand.u32 $0x3F, v43  }
0x10e: {  	v18 =	vld.idx.msk [tilespmem:v18+s17+$0x0], $0xffff;
	v17 =	vand.u32 $0x1F80, v17;
	v28 =	vor.u32 v32, v28;
	[tilespmem:v34+s24+$0x0] =	vst.idx.msk $0xffff, v11;
	v11 =	vand.u32 $0x3F, v20  }
0x10f: {  	v7 =	vand.u32 $0x1F80, v7;
	v31 =	vand.u32 $0x3F, v23;
	v11 =	vor.u32 v26, v11;
	v19 =	vld.idx.msk [tilespmem:v19+s17+$0x0], $0xffff;
	[tilespmem:v62+s24+$0x0] =	vst.idx.msk $0xffff, v5  }
0x110: {  	v17 =	vor.u32 v32, v17;
	v12 =	vor.u32 v49, v12;
	[tilespmem:v24+s24+$0x0] =	vst.idx.msk $0xffff, v25;
	v24 =	vld.idx.msk [tilespmem:v59+s17+$0x0], $0xffff  }
0x111: {  	v32 =	vadd.s32 s14, v2;
	v20 =	vshll.u32 v20, $0x7;
	v34 =	vld.idx.msk [tilespmem:v0+s17+$0x0], $0xffff;
	v0 =	vlaneseq.u32  }
0x112: {  	v26 =	vand.u32 $0x3F, v32;
	v22 =	vor.u32 v49, v22;
	v21 =	vld.idx.msk [tilespmem:v21+s17+$0x0], $0xffff;
	v7 =	vor.u32 v0, v7  }
0x113: {  	v20 =	vand.u32 $0x1F80, v20;
	v31 =	vor.u32 v49, v31;
	v5 =	vor.u32 v49, v26;
	v14 =	vld.idx.msk [tilespmem:v14+s17+$0x0], $0xffff  }
0x114: {  	v16 =	vshll.u32 v16, $0x7;
	v26 =	vadd.s32 s21, v4;
	[tilespmem:v28+s24+$0x0] =	vst.idx.msk $0xffff, v18;
	v11 =	vld.idx.msk [tilespmem:v11+s17+$0x0], $0xffff;
	v20 =	vor.u32 v0, v20  }
0x115: {  	v25 =	vshll.u32 v43, $0x7;
	v45 =	vand.u32 $0x3F, v26;
	v18 =	vor.u32 v2, v27;
	[tilespmem:v17+s24+$0x0] =	vst.idx.msk $0xffff, v19;
	v12 =	vld.idx.msk [tilespmem:v12+s17+$0x0], $0xffff  }
0x116: {  	v30 =	vor.u32 v48, v30;
	v17 =	vand.u32 $0x1F80, v25;
	v19 =	vor.u32 v48, v45;
	v45 =	vld [tilespmem:$0x1FFC0];
	[tilespmem:v57+s24+$0x0] =	vst.idx.msk $0xffff, v24  }
0x117: {  	v3 =	vshll.u32 v3, $0x7;
	v22 =	vld.idx.msk [tilespmem:v22+s17+$0x0], $0xffff;
	v17 =	vor.u32 v2, v17;
	[tilespmem:v7+s24+$0x0] =	vst.idx.msk $0xffff, v21;
	v7 =	vshll.u32 v23, $0x7  }
0x118: {  	v16 =	vand.u32 $0x1F80, v16;
	v3 =	vand.u32 $0x1F80, v3;
	[tilespmem:v9+s24+$0x0] =	vst.idx.msk $0xffff, v14;
	v9 =	vld.idx.msk [tilespmem:v55+s17+$0x0], $0xffff;
	v7 =	vand.u32 $0x1F80, v7  }
0x119: {  	v59 =	vadd.s32 s15, v4;
	[tilespmem:v20+s24+$0x0] =	vst.idx.msk $0xffff, v11;
	v11 =	vshll.u32 v32, $0x7;
	v20 =	vld.idx.msk [tilespmem:v31+s17+$0x0], $0xffff;
	v7 =	vor.u32 v2, v7  }
0x11a: {  	v62 =	vand.u32 $0x3F, v59;
	[tilespmem:v18+s24+$0x0] =	vst.idx.msk $0xffff, v12;
	v12 =	vor.u32 v4, v16;
	v16 =	vld.idx.msk [tilespmem:v63+s17+$0x0], $0xffff;
	v11 =	vand.u32 $0x1F80, v11  }
0x11b: {  	v25 =	vadd.s32 s14, v4;
	v23 =	vor.u32 v48, v62;
	v5 =	vld.idx.msk [tilespmem:v5+s17+$0x0], $0xffff;
	v11 =	vor.u32 v2, v11  }
0x11c: {  	v3 =	vor.u32 v6, v3;
	v27 =	vand.u32 $0x3F, v25;
	v14 =	vshll.u32 v26, $0x7;
	[tilespmem:v17+s24+$0x0] =	vst.idx.msk $0xffff, v22;
	v18 =	vld.idx.msk [tilespmem:v30+s17+$0x0], $0xffff  }
0x11d: {  	v41 =	vld [tilespmem:$0x1FF90];
	v24 =	vor.u32 v48, v27;
	v27 =	vadd.s32 s21, v6;
	v14 =	vand.u32 $0x1F80, v14;
	[tilespmem:v51+s24+$0x0] =	vst.idx.msk $0xffff, v9  }
0x11e: {  	v26 =	vand.u32 $0x3F, v27;
	v14 =	vor.u32 v4, v14;
	v19 =	vld.idx.msk [tilespmem:v19+s17+$0x0], $0xffff;
	[tilespmem:v7+s24+$0x0] =	vst.idx.msk $0xffff, v20;
	v7 =	vshll.u32 v59, $0x7  }
0x11f: {  	v17 =	vor.u32 v45, v26;
	[tilespmem:v61+s24+$0x0] =	vst.idx.msk $0xffff, v16;
	v16 =	vld.idx.msk [tilespmem:v29+s17+$0x0], $0xffff;
	v7 =	vand.u32 $0x1F80, v7  }
0x120: {  	v20 =	vadd.s32 s15, v6;
	[tilespmem:v11+s24+$0x0] =	vst.idx.msk $0xffff, v5;
	v5 =	vshll.u32 v25, $0x7;
	v11 =	vld.idx.msk [tilespmem:v23+s17+$0x0], $0xffff;
	v7 =	vor.u32 v4, v7  }
0x121: {  	v55 =	vadd.s32 s14, v6;
	[tilespmem:v12+s24+$0x0] =	vst.idx.msk $0xffff, v18;
	v12 =	vld.idx.msk [tilespmem:v56+s17+$0x0], $0xffff;
	v63 =	vand.u32 $0x3F, v20;
	v5 =	vand.u32 $0x1F80, v5  }
0x122: {  	v61 =	vadd.s32 s21, v10;
	v32 =	vld.idx.msk [tilespmem:v24+s17+$0x0], $0xffff;
	v5 =	vor.u32 v4, v5;
	v21 =	vor.u32 v45, v63  }
0x123: {  	[tilespmem:v14+s24+$0x0] =	vst.idx.msk $0xffff, v19;
	v1 =	vld.idx.msk [tilespmem:v1+s17+$0x0], $0xffff;
	v19 =	vshll.u32 v60, $0x7;
	v25 =	vshll.u32 v27, $0x7;
	v24 =	vand.u32 $0x3F, v55  }
0x124: {  	v40 =	vld [tilespmem:$0x1FFB0];
	[tilespmem:v38+s24+$0x0] =	vst.idx.msk $0xffff, v16;
	v14 =	vand.u32 $0x1F80, v25;
	v9 =	vor.u32 v45, v24;
	v24 =	vadd.s32 s21, v8  }
0x125: {  	v17 =	vld.idx.msk [tilespmem:v17+s17+$0x0], $0xffff;
	v14 =	vor.u32 v6, v14;
	v26 =	vand.u32 $0x3F, v24;
	[tilespmem:v7+s24+$0x0] =	vst.idx.msk $0xffff, v11;
	v7 =	vshll.u32 v20, $0x7  }
0x126: {  	v43 =	vld [tilespmem:$0x1FFA0];
	v19 =	vand.u32 $0x1F80, v19;
	[tilespmem:v54+s24+$0x0] =	vst.idx.msk $0xffff, v12;
	v18 =	vor.u32 v41, v26;
	v7 =	vand.u32 $0x1F80, v7  }
0x127: {  	v11 =	vadd.s32 s15, v8;
	[tilespmem:v5+s24+$0x0] =	vst.idx.msk $0xffff, v32;
	v5 =	vshll.u32 v55, $0x7;
	v20 =	vld.idx.msk [tilespmem:v21+s17+$0x0], $0xffff;
	v7 =	vor.u32 v6, v7  }
0x128: {  	[tilespmem:v3+s24+$0x0] =	vst.idx.msk $0xffff, v1;
	v3 =	vld.idx.msk [tilespmem:v50+s17+$0x0], $0xffff;
	v59 =	vadd.s32 s14, v8;
	v57 =	vand.u32 $0x3F, v11;
	v5 =	vand.u32 $0x1F80, v5  }
0x129: {  	v25 =	vand.u32 $0x3F, v61;
	v9 =	vld.idx.msk [tilespmem:v9+s17+$0x0], $0xffff;
	v5 =	vor.u32 v6, v5;
	v21 =	vor.u32 v41, v57  }
0x12a: {  	v60 =	vand.u32 $0x3F, v59;
	v24 =	vshll.u32 v24, $0x7;
	[tilespmem:v14+s24+$0x0] =	vst.idx.msk $0xffff, v17;
	v17 =	vor.u32 v40, v25;
	v25 =	vld [tilespmem:$0x1FE80]  }
0x12b: {  	v1 =	vor.u32 v8, v19;
	v19 =	vld.idx.msk [tilespmem:v58+s17+$0x0], $0xffff;
	v16 =	vor.u32 v41, v60;
	v14 =	vand.u32 $0x1F80, v24  }
0x12c: {  	v14 =	vor.u32 v8, v14;
	v18 =	vld.idx.msk [tilespmem:v18+s17+$0x0], $0xffff;
	[tilespmem:v7+s24+$0x0] =	vst.idx.msk $0xffff, v20;
	v7 =	vshll.u32 v11, $0x7  }
0x12d: {  	v12 =	vld.idx.msk [tilespmem:v37+s17+$0x0], $0xffff;
	v7 =	vand.u32 $0x1F80, v7  }
0x12e: {  	v11 =	vadd.s32 s15, v10;
	[tilespmem:v5+s24+$0x0] =	vst.idx.msk $0xffff, v9;
	v5 =	vshll.u32 v59, $0x7;
	v9 =	vld.idx.msk [tilespmem:v21+s17+$0x0], $0xffff;
	v7 =	vor.u32 v8, v7  }
0x12f: {  	[tilespmem:v35+s24+$0x0] =	vst.idx.msk $0xffff, v3;
	v3 =	vld [tilespmem:$0x1FE60];
	v20 =	vand.u32 $0x3F, v11;
	v5 =	vand.u32 $0x1F80, v5  }
0x130: {  	[tilespmem:v1+s24+$0x0] =	vst.idx.msk $0xffff, v19;
	v16 =	vld.idx.msk [tilespmem:v16+s17+$0x0], $0xffff;
	v5 =	vor.u32 v8, v5;
	v20 =	vor.u32 v40, v20  }
0x131: {  	v32 =	vadd.s32 s21, v13;
	[tilespmem:v14+s24+$0x0] =	vst.idx.msk $0xffff, v18  }
0x132: {  	v23 =	vshll.u32 v61, $0x7;
	v19 =	vld.idx.msk [tilespmem:v44+s17+$0x0], $0xffff;
	[tilespmem:v25+s24+$0x0] =	vst.idx.msk $0xffff, v12;
	v25 =	vand.u32 $0x3F, v32  }
0x133: {  	v14 =	vand.u32 $0x1F80, v23;
	v18 =	vor.u32 v43, v25;
	v25 =	vld [tilespmem:$0x1FE90];
	[tilespmem:v7+s24+$0x0] =	vst.idx.msk $0xffff, v9;
	v7 =	vshll.u32 v11, $0x7  }
0x134: {  	v14 =	vor.u32 v10, v14;
	v11 =	vld.idx.msk [tilespmem:v17+s17+$0x0], $0xffff;
	v7 =	vand.u32 $0x1F80, v7  }
0x135: {  	v62 =	vadd.s32 s14, v10;
	[tilespmem:v5+s24+$0x0] =	vst.idx.msk $0xffff, v16;
	v16 =	vld.idx.msk [tilespmem:v20+s17+$0x0], $0xffff;
	v7 =	vor.u32 v10, v7  }
0x136: {  	v58 =	vld [tilespmem:$0x1FF80];
	v63 =	vand.u32 $0x3F, v62  }
0x137: {  	v12 =	vor.u32 v40, v63;
	v3 =	vld.idx.msk [tilespmem:v3+s17+$0x0], $0xffff  }
0x138: {  	[tilespmem:v42+s24+$0x0] =	vst.idx.msk $0xffff, v19;
	v19 =	vld [tilespmem:$0x1FE50]  }
0x139: {  	[tilespmem:v14+s24+$0x0] =	vst.idx.msk $0xffff, v11  }
0x13a: {  	v5 =	vshll.u32 v62, $0x7;
	[tilespmem:v7+s24+$0x0] =	vst.idx.msk $0xffff, v16;
	v16 =	vld.idx.msk [tilespmem:v18+s17+$0x0], $0xffff  }
0x13b: {  	v38 =	vadd.s32 s21, v15;
	v24 =	vshll.u32 v53, $0x7;
	v5 =	vand.u32 $0x1F80, v5;
	v18 =	vld [tilespmem:$0x1FE00]  }
0x13c: {  	v12 =	vld.idx.msk [tilespmem:v12+s17+$0x0], $0xffff;
	v20 =	vadd.s32 s14, v13;
	v5 =	vor.u32 v10, v5;
	[tilespmem:v25+s24+$0x0] =	vst.idx.msk $0xffff, v3;
	v25 =	vand.u32 $0x3F, v38  }
0x13d: {  	v9 =	vadd.s32 s15, v13;
	v37 =	vand.u32 $0x3F, v20;
	v14 =	vor.u32 v58, v25;
	v25 =	vld [tilespmem:$0x1FE70]  }
0x13e: {  	v44 =	vld [tilespmem:$0x1FEC0];
	v24 =	vand.u32 $0x1F80, v24;
	v17 =	vand.u32 $0x3F, v9;
	v3 =	vor.u32 v43, v37  }
0x13f: {  	v35 =	vld.idx.msk [tilespmem:v52+s17+$0x0], $0xffff;
	v1 =	vor.u32 v10, v24;
	v17 =	vor.u32 v43, v17  }
0x140: {  	v22 =	vshll.u32 v32, $0x7;
	v19 =	vld.idx.msk [tilespmem:v19+s17+$0x0], $0xffff  }
0x141: {  	v24 =	vshll.u32 v47, $0x7;
	v11 =	vand.u32 $0x1F80, v22;
	[tilespmem:v5+s24+$0x0] =	vst.idx.msk $0xffff, v12;
	v5 =	vshll.u32 v20, $0x7  }
0x142: {  	v50 =	vld [tilespmem:$0x1FE40];
	v11 =	vor.u32 v13, v11;
	v7 =	vshll.u32 v9, $0x7;
	v5 =	vand.u32 $0x1F80, v5  }
0x143: {  	v7 =	vand.u32 $0x1F80, v7;
	v3 =	vld.idx.msk [tilespmem:v3+s17+$0x0], $0xffff;
	v5 =	vor.u32 v13, v5;
	[tilespmem:v18+s24+$0x0] =	vst.idx.msk $0xffff, v33;
	v18 =	vadd.s32 s14, v15  }
0x144: {  	v24 =	vand.u32 $0x1F80, v24;
	[tilespmem:v1+s24+$0x0] =	vst.idx.msk $0xffff, v35;
	v12 =	vld.idx.msk [tilespmem:v17+s17+$0x0], $0xffff;
	v7 =	vor.u32 v13, v7;
	v20 =	vand.u32 $0x3F, v18  }
0x145: {  	v1 =	vor.u32 v13, v24;
	v24 =	vld [tilespmem:$0x1FE30];
	v9 =	vadd.s32 s15, v15;
	[tilespmem:v25+s24+$0x0] =	vst.idx.msk $0xffff, v19;
	v19 =	vor.u32 v58, v20  }
0x146: {  	v17 =	vand.u32 $0x3F, v9;
	v20 =	vld [tilespmem:$0x1FED0]  }
0x147: {  	v47 =	vld.idx.msk [tilespmem:v46+s17+$0x0], $0xffff;
	v17 =	vor.u32 v58, v17;
	[tilespmem:v11+s24+$0x0] =	vst.idx.msk $0xffff, v16  }
0x148: {  	v23 =	vld.idx.msk [tilespmem:v44+s17+$0x0], $0xffff;
	[tilespmem:v5+s24+$0x0] =	vst.idx.msk $0xffff, v3;
	v3 =	vshll.u32 v18, $0x7  }
0x149: {  	[tilespmem:v7+s24+$0x0] =	vst.idx.msk $0xffff, v12;
	v7 =	vshll.u32 v9, $0x7;
	v9 =	vld.idx.msk [tilespmem:v14+s17+$0x0], $0xffff;
	v3 =	vand.u32 $0x1F80, v3  }
0x14a: {  	v3 =	vor.u32 v15, v3;
	v14 =	vld.idx.msk [tilespmem:v19+s17+$0x0], $0xffff  }
0x14b: {  	v24 =	vshll.u32 v24, $0x7  }
0x14c: {  	v54 =	vadd.s32 s6, v2;
	v24 =	vand.u32 $0x1F80, v24;
	[tilespmem:v1+s24+$0x0] =	vst.idx.msk $0xffff, v47;
	v1 =	vshll.u32 v36, $0x7;
	v5 =	vld.idx.msk [tilespmem:v17+s17+$0x0], $0xffff  }
0x14d: {  	v52 =	vadd.s32 s6, v6;
	v24 =	vor.u32 v15, v24;
	v1 =	vand.u32 $0x1F80, v1;
	v17 =	vld [tilespmem:$0x1FE20]  }
0x14e: {  	v53 =	vadd.s32 s6, v8;
	v1 =	vor.u32 v15, v1;
	s15 =	sadd.s32 $0x7, s6;
	v11 =	vshll.u32 v38, $0x7;
	[tilespmem:v20+s24+$0x0] =	vst.idx.msk $0xffff, v23;
	v23 =	vld.idx.msk [tilespmem:v50+s17+$0x0], $0xffff  }
0x14f: {  	v60 =	vadd.s32 s15, v13;
	v26 =	vadd.s32 s15, v8;
	v11 =	vand.u32 $0x1F80, v11;
	[tilespmem:v3+s24+$0x0] =	vst.idx.msk $0xffff, v14;
	v14 =	vld [tilespmem:$0x1FF70]  }
0x150: {  	v27 =	vadd.s32 s15, v10;
	v11 =	vor.u32 v15, v11;
	v7 =	vand.u32 $0x1F80, v7  }
0x151: {  	v29 =	vadd.s32 s15, v6;
	v30 =	vadd.s32 s15, v2;
	v7 =	vor.u32 v15, v7  }
0x152: {  	v51 =	vld [tilespmem:$0x1FEB0];
	v61 =	vshll.u32 v27, $0x7;
	v62 =	vand.u32 $0x3F, v60;
	v12 =	vadd.s32 s6, v15  }
0x153: {  	v63 =	vand.u32 $0x3F, v26;
	v16 =	vld.idx.msk [tilespmem:v39+s17+$0x0], $0xffff;
	[tilespmem:v24+s24+$0x0] =	vst.idx.msk $0xffff, v23;
	v24 =	vshll.u32 v12, $0x7;
	v12 =	vand.u32 $0x38, v12  }
0x154: {  	v26 =	vshll.u32 v26, $0x7;
	v27 =	vand.u32 $0x3F, v27;
	v12 =	vor.u32 v14, v12;
	v14 =	vld [tilespmem:$0x1FF50]  }
0x155: {  	v42 =	vand.u32 $0x3F, v29;
	v29 =	vshll.u32 v29, $0x7;
	v46 =	vand.u32 $0x3F, v30;
	[tilespmem:v11+s24+$0x0] =	vst.idx.msk $0xffff, v9;
	v20 =	vld [tilespmem:$0x1FEA0]  }
0x156: {  	v30 =	vshll.u32 v30, $0x7;
	v47 =	vor.u32 v49, v46;
	v32 =	vand.u32 $0x1F80, v61;
	[tilespmem:v7+s24+$0x0] =	vst.idx.msk $0xffff, v5  }
0x157: {  	v46 =	vor.u32 v10, v32;
	v7 =	vshll.u32 v52, $0x7;
	[tilespmem:v17+s24+$0x0] =	vst.idx.msk $0xffff, v34;
	v17 =	vadd.s32 s6, v10  }
0x158: {  	v9 =	vand.u32 $0x38, v17;
	[tilespmem:$0x1FDF0] =	vst v12;
	v12 =	vand.u32 $0x1F80, v24;
	v24 =	vand.u32 $0x1F80, v7;
	v7 =	vld [tilespmem:$0x1FF40]  }
0x159: {  	v39 =	vor.u32 v43, v62;
	v18 =	vadd.s32 s6, v13;
	v9 =	vor.u32 v14, v9;
	v14 =	vld [tilespmem:$0x1FF60]  }
0x15a: {  	[tilespmem:v1+s24+$0x0] =	vst.idx.msk $0xffff, v16;
	v1 =	vand.u32 $0x38, v18;
	v16 =	vshll.u32 v18, $0x7;
	v20 =	vshll.u32 v20, $0x7  }
0x15b: {  	v18 =	vand.u32 $0x38, v53;
	v16 =	vand.u32 $0x1F80, v16;
	v20 =	vand.u32 $0x1F80, v20  }
0x15c: {  	s16 =	sadd.s32 $0x6, s6;
	v11 =	vshll.u32 v53, $0x7;
	v22 =	vld.idx.msk [tilespmem:v51+s17+$0x0], $0xffff;
	v3 =	vshll.u32 v54, $0x7;
	v20 =	vor.u32 v15, v20  }
0x15d: {  	v53 =	vadd.s32 s16, v6;
	v11 =	vand.u32 $0x1F80, v11;
	v59 =	vand.u32 $0x1F80, v3;
	v3 =	vld [tilespmem:$0x1FFF0]  }
0x15e: {  	v32 =	vshll.u32 v53, $0x7;
	v1 =	vor.u32 v14, v1;
	v14 =	vor.u32 v7, v18;
	v7 =	vld [tilespmem:$0x1FF20]  }
0x15f: {  	v5 =	vand.u32 $0x38, v52;
	v52 =	vadd.s32 s16, v15;
	v19 =	vadd.s32 s6, v4  }
0x160: {  	v11 =	vor.u32 v8, v11;
	v35 =	vand.u32 $0x3F, v52;
	v55 =	vand.u32 $0x38, v19  }
0x161: {  	v28 =	vld [tilespmem:$0x1FF00];
	v19 =	vshll.u32 v19, $0x7;
	v35 =	vor.u32 v58, v35;
	[tilespmem:v20+s24+$0x0] =	vst.idx.msk $0xffff, v22;
	v20 =	vadd.s32 s6, v0  }
0x162: {  	v17 =	vshll.u32 v17, $0x7;
	v56 =	vand.u32 $0x38, v20;
	v20 =	vshll.u32 v20, $0x7  }
0x163: {  	v20 =	vand.u32 $0x1F80, v20;
	v23 =	vor.u32 v3, v56;
	v18 =	vor.u32 v7, v55;
	v7 =	vld [tilespmem:$0x1FF30]  }
0x164: {  	v3 =	vor.u32 v15, v12;
	v12 =	vor.u32 v0, v20;
	v20 =	vadd.s32 s15, v0  }
0x165: {  	v19 =	vand.u32 $0x1F80, v19;
	v17 =	vand.u32 $0x1F80, v17;
	v25 =	vand.u32 $0x3F, v20  }
0x166: {  	v22 =	vand.u32 $0x38, v54;
	v54 =	vadd.s32 s16, v8;
	v25 =	vor.u32 v28, v25  }
0x167: {  	v19 =	vor.u32 v4, v19;
	v50 =	vand.u32 $0x1F80, v26;
	v33 =	vshll.u32 v54, $0x7  }
0x168: {  	[tilespmem:$0x1FE00] =	vst v3;
	v3 =	vor.u32 v10, v17;
	v17 =	vor.u32 v2, v59;
	v5 =	vor.u32 v7, v5;
	v7 =	vld [tilespmem:$0x1FF10]  }
0x169: {  	v59 =	vand.u32 $0x3F, v54;
	v20 =	vshll.u32 v20, $0x7;
	v28 =	vadd.s32 s15, v4  }
0x16a: {  	v20 =	vand.u32 $0x1F80, v20;
	v44 =	vand.u32 $0x3F, v28;
	v28 =	vshll.u32 v28, $0x7;
	v23 =	vld.idx.msk [tilespmem:v23+s17+$0x0], $0xffff  }
0x16b: {  	v20 =	vor.u32 v0, v20;
	v26 =	vand.u32 $0x1F80, v28;
	v28 =	vand.u32 $0x1F80, v29;
	v25 =	vld.idx.msk [tilespmem:v25+s17+$0x0], $0xffff  }
0x16c: {  	v51 =	vor.u32 v4, v26;
	v26 =	vor.u32 v6, v28;
	v28 =	vadd.s32 s16, v10  }
0x16d: {  	v37 =	vor.u32 v41, v59;
	v56 =	vshll.u32 v28, $0x7;
	v57 =	vor.u32 v7, v22  }
0x16e: {  	v7 =	vor.u32 v13, v16;
	v16 =	vor.u32 v6, v24;
	v24 =	vadd.s32 s15, v15  }
0x16f: {  	v28 =	vand.u32 $0x3F, v28;
	v55 =	vadd.s32 s16, v2;
	[tilespmem:v12+s24+$0x0] =	vst.idx.msk $0xffff, v23;
	v31 =	vand.u32 $0x3F, v24  }
0x170: {  	v62 =	vand.u32 $0x1F80, v56;
	[tilespmem:v20+s24+$0x0] =	vst.idx.msk $0xffff, v25;
	v24 =	vshll.u32 v24, $0x7;
	v31 =	vor.u32 v58, v31  }
0x171: {  	v12 =	vor.u32 v41, v63;
	v23 =	vor.u32 v8, v50;
	[tilespmem:$0x1FE10] =	vst v31;
	v31 =	vand.u32 $0x1F80, v24  }
0x172: {  	v20 =	vand.u32 $0x1F80, v30;
	v25 =	vor.u32 v48, v44;
	v29 =	vor.u32 v15, v31;
	v21 =	vld.idx.msk [tilespmem:v57+s17+$0x0], $0xffff  }
0x173: {  	v20 =	vor.u32 v2, v20;
	v22 =	vshll.u32 v60, $0x7;
	v60 =	vand.u32 $0x3F, v55;
	[tilespmem:$0x1FE20] =	vst v29;
	v29 =	vld.idx.msk [tilespmem:v47+s17+$0x0], $0xffff  }
0x174: {  	s25 =	sadd.s32 $0x4, s6;
	v30 =	vadd.s32 s16, v13;
	v22 =	vand.u32 $0x1F80, v22;
	v59 =	vor.u32 v49, v60  }
0x175: {  	v60 =	vadd.s32 s25, v8;
	v34 =	vor.u32 v13, v22;
	v24 =	vor.u32 v40, v27  }
0x176: {  	s21 =	sadd.s32 $0x5, s6;
	v27 =	vor.u32 v45, v42;
	v57 =	vand.u32 $0x3F, v30;
	v30 =	vshll.u32 v30, $0x7  }
0x177: {  	v31 =	vadd.s32 s16, v4;
	v47 =	vadd.s32 s21, v6;
	v30 =	vand.u32 $0x1F80, v30;
	[tilespmem:v17+s24+$0x0] =	vst.idx.msk $0xffff, v21  }
0x178: {  	v63 =	vor.u32 v43, v57;
	v42 =	vor.u32 v13, v30;
	[tilespmem:v20+s24+$0x0] =	vst.idx.msk $0xffff, v29;
	v18 =	vld.idx.msk [tilespmem:v18+s17+$0x0], $0xffff  }
0x179: {  	v17 =	vadd.s32 s16, v0;
	v20 =	vshll.u32 v31, $0x7;
	v29 =	vand.u32 $0x3F, v53;
	v25 =	vld.idx.msk [tilespmem:v25+s17+$0x0], $0xffff  }
0x17a: {  	v21 =	vshll.u32 v55, $0x7;
	v31 =	vand.u32 $0x3F, v31;
	v61 =	vand.u32 $0x3F, v17  }
0x17b: {  	v17 =	vshll.u32 v17, $0x7;
	v20 =	vand.u32 $0x1F80, v20;
	v29 =	vor.u32 v45, v29  }
0x17c: {  	v21 =	vand.u32 $0x1F80, v21;
	v55 =	vor.u32 v48, v31;
	v31 =	vand.u32 $0x3F, v47  }
0x17d: {  	v17 =	vand.u32 $0x1F80, v17;
	v57 =	vor.u32 v2, v21;
	v21 =	vshll.u32 v47, $0x7;
	[tilespmem:v19+s24+$0x0] =	vst.idx.msk $0xffff, v18  }
0x17e: {  	v56 =	vor.u32 v45, v31;
	v47 =	vadd.s32 s25, v13;
	v19 =	vor.u32 v40, v28;
	[tilespmem:v51+s24+$0x0] =	vst.idx.msk $0xffff, v25  }
0x17f: {  	v18 =	vand.u32 $0x1F80, v33;
	v28 =	vand.u32 $0x1F80, v32;
	v51 =	vor.u32 v4, v20;
	[tilespmem:$0x1FE60] =	vst v19;
	v19 =	vld.idx.msk [tilespmem:v5+s17+$0x0], $0xffff  }
0x180: {  	v20 =	vadd.s32 s21, v4;
	v25 =	vadd.s32 s21, v8;
	v32 =	vlaneseq.u32;
	v5 =	vld [tilespmem:$0x1FF00]  }
0x181: {  	v44 =	vld.idx.msk [tilespmem:v27+s17+$0x0], $0xffff;
	v38 =	vor.u32 v6, v28;
	v18 =	vor.u32 v8, v18;
	v27 =	vadd.s32 s21, v15  }
0x182: {  	v50 =	vand.u32 $0x3F, v25;
	v25 =	vshll.u32 v25, $0x7;
	[tilespmem:$0x1FE80] =	vst v18;
	v18 =	vor.u32 v10, v62  }
0x183: {  	v62 =	vor.u32 v0, v17;
	v17 =	vadd.s32 s21, v10;
	[tilespmem:$0x1FEA0] =	vst v27;
	v27 =	vand.u32 $0x3F, v27  }
0x184: {  	v50 =	vor.u32 v41, v50;
	[tilespmem:$0x1FE90] =	vst v18;
	v18 =	vadd.s32 s21, v13;
	v28 =	vshll.u32 v17, $0x7  }
0x185: {  	v17 =	vand.u32 $0x3F, v17;
	v30 =	vand.u32 $0x3F, v18;
	v18 =	vshll.u32 v18, $0x7;
	[tilespmem:v16+s24+$0x0] =	vst.idx.msk $0xffff, v19  }
0x186: {  	[tilespmem:$0x1FE30] =	vst v52;
	v18 =	vand.u32 $0x1F80, v18;
	v5 =	vor.u32 v5, v61;
	v16 =	vadd.s32 s21, v0;
	v14 =	vld.idx.msk [tilespmem:v14+s17+$0x0], $0xffff  }
0x187: {  	v19 =	vadd.s32 s21, v2;
	[tilespmem:v26+s24+$0x0] =	vst.idx.msk $0xffff, v44;
	v26 =	vshll.u32 v20, $0x7;
	v20 =	vand.u32 $0x3F, v20  }
0x188: {  	[tilespmem:$0x1FE50] =	vst v63;
	v0 =	vor.u32 v58, v27;
	v27 =	vand.u32 $0x1F80, v28;
	v44 =	vor.u32 v40, v17;
	v12 =	vld.idx.msk [tilespmem:v12+s17+$0x0], $0xffff  }
0x189: {  	[tilespmem:$0x1FE70] =	vst v42;
	v52 =	vand.u32 $0x3F, v19;
	v19 =	vshll.u32 v19, $0x7;
	v36 =	vand.u32 $0x1F80, v26;
	v26 =	vld [tilespmem:$0x1FF00]  }
0x18a: {  	v53 =	vand.u32 $0x3F, v16;
	v16 =	vshll.u32 v16, $0x7;
	[tilespmem:$0x1FEB0] =	vst v0;
	v0 =	vor.u32 v43, v30  }
0x18b: {  	v63 =	vor.u32 v48, v20;
	v42 =	vor.u32 v10, v27;
	v16 =	vand.u32 $0x1F80, v16;
	[tilespmem:v11+s24+$0x0] =	vst.idx.msk $0xffff, v14  }
0x18c: {  	[tilespmem:$0x1FEC0] =	vst v0;
	v0 =	vor.u32 v13, v18;
	v61 =	vor.u32 v4, v36;
	v36 =	vadd.s32 s25, v15;
	v17 =	vld.idx.msk [tilespmem:v9+s17+$0x0], $0xffff  }
0x18d: {  	v11 =	vand.u32 $0x1F80, v25;
	[tilespmem:v23+s24+$0x0] =	vst.idx.msk $0xffff, v12;
	v14 =	vor.u32 v49, v52;
	v12 =	vand.u32 $0x1F80, v19  }
0x18e: {  	v25 =	vor.u32 v26, v53;
	v53 =	vadd.s32 s25, v10;
	v9 =	vand.u32 $0x1F80, v21;
	v19 =	vld.idx.msk [tilespmem:v24+s17+$0x0], $0xffff  }
0x18f: {  	[tilespmem:$0x1FE40] =	vst v35;
	v35 =	vor.u32 v8, v11;
	v24 =	vor.u32 v32, v16;
	v16 =	vadd.s32 s25, v4  }
0x190: {  	v20 =	vand.u32 $0x3F, v53;
	v54 =	vor.u32 v6, v9;
	v9 =	vor.u32 v2, v12  }
0x191: {  	v12 =	vadd.s32 s25, v2;
	v30 =	vand.u32 $0x3F, v16;
	v52 =	vor.u32 v40, v20;
	[tilespmem:v3+s24+$0x0] =	vst.idx.msk $0xffff, v17  }
0x192: {  	p1 =	slt.u32 s6, $0x38;
	v27 =	vshll.u32 v12, $0x7;
	v12 =	vand.u32 $0x3F, v12;
	v3 =	vadd.s32 s25, v6;
	v18 =	vld.idx.msk [tilespmem:v1+s17+$0x0], $0xffff  }
.Ltmp2:
0x193: {  	v17 =	vand.u32 $0x3F, v36;
	[tilespmem:v46+s24+$0x0] =	vst.idx.msk $0xffff, v19;
	v19 =	vand.u32 $0x3F, v60;
	v46 =	vand.u32 $0x3F, v47;
	(pc) =	sbr.rel @p1 .LBB2_3-.Ltmp2, $4  }
0x194: {  	s21 =	sadd.s32 $0x3, s6;
	v1 =	vadd.s32 s25, v32;
	v48 =	vand.u32 $0x3F, v3;
	v46 =	vor.u32 v43, v46  }
0x195: {  	v11 =	vld.idx.msk [tilespmem:v39+s17+$0x0], $0xffff;
	v39 =	vor.u32 v58, v17;
	v17 =	vadd.s32 s21, v32;
	v58 =	vor.u32 v41, v19  }
0x196: {  	s15 =	sadd.s32 $0x2, s6;
	[tilespmem:$0x1FED0] =	vst v0;
	v49 =	vand.u32 $0x3F, v1;
	v28 =	vshll.u32 v1, $0x7;
	v1 =	vor.u32 v45, v48  }
0x197: {  	s14 =	sadd.s32 $0x1, s6;
	s6 =	sadd.s32 $0x8, s6;
	v19 =	vand.u32 $0x3F, v17;
	[tilespmem:v7+s24+$0x0] =	vst.idx.msk $0xffff, v18;
	v7 =	vadd.s32 s15, v32;
	v18 =	vor.u32 v26, v49  }
0x198: {  	_ = 	snop  }
0x199: {  	v20 =	vadd.s32 s14, v32  }
0x19a: {  	v21 =	vand.u32 $0x3F, v7;
	v19 =	vor.u32 v26, v19;
	v48 =	vld [tilespmem:$0x1FFD0];
	v17 =	vshll.u32 v17, $0x7  }
0x19b: {  	v49 =	vld [tilespmem:$0x1FFE0];
	v28 =	vand.u32 $0x1F80, v28;
	v22 =	vand.u32 $0x3F, v20;
	v21 =	vor.u32 v26, v21  }
0x19c: {  	v5 =	vld.idx.msk [tilespmem:v5+s17+$0x0], $0xffff;
	v7 =	vshll.u32 v7, $0x7;
	v31 =	vadd.s32 s15, v2;
	v22 =	vor.u32 v26, v22  }
0x19d: {  	v25 =	vld.idx.msk [tilespmem:v25+s17+$0x0], $0xffff;
	v0 =	vlaneseq.u32;
	v17 =	vand.u32 $0x1F80, v17;
	v28 =	vor.u32 v32, v28  }
0x19e: {  	v18 =	vld.idx.msk [tilespmem:v18+s17+$0x0], $0xffff;
	v20 =	vshll.u32 v20, $0x7;
	v7 =	vand.u32 $0x1F80, v7;
	v26 =	vadd.s32 s21, v2  }
0x19f: {  	v17 =	vor.u32 v32, v17;
	v20 =	vand.u32 $0x1F80, v20;
	v7 =	vor.u32 v0, v7;
	v19 =	vld.idx.msk [tilespmem:v19+s17+$0x0], $0xffff  }
0x1a0: {  	v23 =	vor.u32 v48, v30;
	v12 =	vor.u32 v49, v12;
	v30 =	vand.u32 $0x3F, v26;
	v21 =	vld.idx.msk [tilespmem:v21+s17+$0x0], $0xffff  }
0x1a1: {  	v20 =	vor.u32 v0, v20;
	[tilespmem:v62+s24+$0x0] =	vst.idx.msk $0xffff, v5;
	v30 =	vor.u32 v49, v30;
	v22 =	vld.idx.msk [tilespmem:v22+s17+$0x0], $0xffff  }
0x1a2: {  	v41 =	vadd.s32 s14, v2;
	v40 =	vand.u32 $0x3F, v31;
	[tilespmem:v24+s24+$0x0] =	vst.idx.msk $0xffff, v25;
	v59 =	vld.idx.msk [tilespmem:v59+s17+$0x0], $0xffff  }
0x1a3: {  	v5 =	vand.u32 $0x3F, v41;
	v32 =	vor.u32 v49, v40;
	[tilespmem:v28+s24+$0x0] =	vst.idx.msk $0xffff, v18;
	v14 =	vld.idx.msk [tilespmem:v14+s17+$0x0], $0xffff  }
0x1a4: {  	v27 =	vand.u32 $0x1F80, v27;
	v24 =	vor.u32 v49, v5;
	v18 =	vshll.u32 v26, $0x7;
	v5 =	vld [tilespmem:$0x1FDF0];
	[tilespmem:v17+s24+$0x0] =	vst.idx.msk $0xffff, v19  }
0x1a5: {  	v27 =	vor.u32 v2, v27;
	v17 =	vand.u32 $0x1F80, v18;
	[tilespmem:v7+s24+$0x0] =	vst.idx.msk $0xffff, v21;
	v7 =	vld.idx.msk [tilespmem:v12+s17+$0x0], $0xffff  }
0x1a6: {  	v16 =	vshll.u32 v16, $0x7;
	v25 =	vadd.s32 s21, v4;
	v17 =	vor.u32 v2, v17;
	[tilespmem:v20+s24+$0x0] =	vst.idx.msk $0xffff, v22;
	v20 =	vld.idx.msk [tilespmem:v30+s17+$0x0], $0xffff  }
0x1a7: {  	v43 =	vshll.u32 v41, $0x7;
	v26 =	vand.u32 $0x3F, v25;
	v12 =	vshll.u32 v31, $0x7  }
0x1a8: {  	v18 =	vor.u32 v48, v26;
	v19 =	vadd.s32 s15, v4;
	[tilespmem:v57+s24+$0x0] =	vst.idx.msk $0xffff, v59;
	v12 =	vand.u32 $0x1F80, v12;
	v26 =	vld.idx.msk [tilespmem:v32+s17+$0x0], $0xffff  }
0x1a9: {  	v21 =	vand.u32 $0x1F80, v43;
	[tilespmem:v9+s24+$0x0] =	vst.idx.msk $0xffff, v14;
	v14 =	vand.u32 $0x1F80, v16;
	v16 =	vld.idx.msk [tilespmem:v55+s17+$0x0], $0xffff;
	v12 =	vor.u32 v2, v12  }
0x1aa: {  	v25 =	vshll.u32 v25, $0x7;
	v45 =	vand.u32 $0x3F, v19;
	v21 =	vor.u32 v2, v21;
	v24 =	vld.idx.msk [tilespmem:v24+s17+$0x0], $0xffff;
	[tilespmem:v27+s24+$0x0] =	vst.idx.msk $0xffff, v7  }
0x1ab: {  	v22 =	vor.u32 v48, v45;
	v7 =	vor.u32 v4, v14;
	v14 =	vld.idx.msk [tilespmem:v63+s17+$0x0], $0xffff;
	[tilespmem:v17+s24+$0x0] =	vst.idx.msk $0xffff, v20  }
0x1ac: {  	v28 =	vadd.s32 s14, v4;
	v17 =	vand.u32 $0x1F80, v25;
	v25 =	vld [tilespmem:$0x1FFC0]  }
0x1ad: {  	v30 =	vand.u32 $0x3F, v28;
	v23 =	vld.idx.msk [tilespmem:v23+s17+$0x0], $0xffff  }
0x1ae: {  	v3 =	vshll.u32 v3, $0x7;
	v30 =	vor.u32 v48, v30;
	[tilespmem:v12+s24+$0x0] =	vst.idx.msk $0xffff, v26  }
0x1af: {  	v9 =	vadd.s32 s21, v6;
	v12 =	vshll.u32 v19, $0x7;
	v18 =	vld.idx.msk [tilespmem:v18+s17+$0x0], $0xffff;
	v17 =	vor.u32 v4, v17;
	[tilespmem:v21+s24+$0x0] =	vst.idx.msk $0xffff, v24  }
0x1b0: {  	v3 =	vand.u32 $0x1F80, v3;
	v31 =	vand.u32 $0x3F, v9;
	[tilespmem:v51+s24+$0x0] =	vst.idx.msk $0xffff, v16;
	v22 =	vld.idx.msk [tilespmem:v22+s17+$0x0], $0xffff;
	v12 =	vand.u32 $0x1F80, v12  }
0x1b1: {  	v12 =	vor.u32 v4, v12;
	[tilespmem:v61+s24+$0x0] =	vst.idx.msk $0xffff, v14;
	v14 =	vld.idx.msk [tilespmem:v29+s17+$0x0], $0xffff;
	v20 =	vor.u32 v25, v31  }
0x1b2: {  	v3 =	vor.u32 v6, v3;
	v59 =	vshll.u32 v28, $0x7;
	[tilespmem:v7+s24+$0x0] =	vst.idx.msk $0xffff, v23;
	v7 =	vld.idx.msk [tilespmem:v56+s17+$0x0], $0xffff  }
0x1b3: {  	v9 =	vshll.u32 v9, $0x7;
	v19 =	vadd.s32 s15, v6;
	v21 =	vand.u32 $0x1F80, v59;
	v31 =	vmovc v25;
	v25 =	vld.idx.msk [tilespmem:v30+s17+$0x0], $0xffff  }
0x1b4: {  	v26 =	vadd.s32 s14, v6;
	v24 =	vand.u32 $0x3F, v19;
	v21 =	vor.u32 v4, v21;
	[tilespmem:v17+s24+$0x0] =	vst.idx.msk $0xffff, v18;
	v1 =	vld.idx.msk [tilespmem:v1+s17+$0x0], $0xffff  }
0x1b5: {  	v9 =	vand.u32 $0x1F80, v9;
	v27 =	vand.u32 $0x3F, v26;
	v24 =	vor.u32 v31, v24;
	v45 =	vld [tilespmem:$0x1FF90]  }
0x1b6: {  	v9 =	vor.u32 v6, v9;
	v16 =	vor.u32 v31, v27;
	[tilespmem:v12+s24+$0x0] =	vst.idx.msk $0xffff, v22;
	v20 =	vld.idx.msk [tilespmem:v20+s17+$0x0], $0xffff  }
0x1b7: {  	[tilespmem:v38+s24+$0x0] =	vst.idx.msk $0xffff, v14  }
0x1b8: {  	v12 =	vshll.u32 v19, $0x7;
	[tilespmem:v54+s24+$0x0] =	vst.idx.msk $0xffff, v7  }
0x1b9: {  	v18 =	vshll.u32 v60, $0x7;
	v60 =	vshll.u32 v26, $0x7;
	v12 =	vand.u32 $0x1F80, v12;
	[tilespmem:v21+s24+$0x0] =	vst.idx.msk $0xffff, v25  }
0x1ba: {  	v12 =	vor.u32 v6, v12;
	v21 =	vand.u32 $0x1F80, v60;
	[tilespmem:v3+s24+$0x0] =	vst.idx.msk $0xffff, v1;
	v22 =	vld.idx.msk [tilespmem:v24+s17+$0x0], $0xffff  }
0x1bb: {  	v16 =	vld.idx.msk [tilespmem:v16+s17+$0x0], $0xffff;
	v21 =	vor.u32 v6, v21;
	[tilespmem:v9+s24+$0x0] =	vst.idx.msk $0xffff, v20  }
0x1bc: {  	v40 =	vld [tilespmem:$0x1FFB0]  }
0x1bd: {  	v27 =	vadd.s32 s21, v8;
	v24 =	vadd.s32 s14, v8  }
0x1be: {  	v18 =	vand.u32 $0x1F80, v18;
	v28 =	vand.u32 $0x3F, v27;
	v25 =	vand.u32 $0x3F, v24  }
0x1bf: {  	v19 =	vadd.s32 s15, v8;
	v14 =	vor.u32 v45, v25;
	v25 =	vadd.s32 s21, v10;
	[tilespmem:v12+s24+$0x0] =	vst.idx.msk $0xffff, v22  }
0x1c0: {  	v26 =	vshll.u32 v27, $0x7;
	v61 =	vand.u32 $0x3F, v19;
	v27 =	vand.u32 $0x3F, v25;
	[tilespmem:v21+s24+$0x0] =	vst.idx.msk $0xffff, v16  }
0x1c1: {  	v1 =	vor.u32 v8, v18;
	v17 =	vor.u32 v45, v28;
	v18 =	vor.u32 v40, v27;
	v27 =	vld [tilespmem:$0x1FE80]  }
0x1c2: {  	v23 =	vor.u32 v45, v61  }
0x1c3: {  	v3 =	vld.idx.msk [tilespmem:v50+s17+$0x0], $0xffff  }
0x1c4: {  	v7 =	vld.idx.msk [tilespmem:v37+s17+$0x0], $0xffff  }
0x1c5: {  	v9 =	vand.u32 $0x1F80, v26;
	v20 =	vld.idx.msk [tilespmem:v58+s17+$0x0], $0xffff;
	v12 =	vshll.u32 v19, $0x7  }
0x1c6: {  	v17 =	vld.idx.msk [tilespmem:v17+s17+$0x0], $0xffff;
	v9 =	vor.u32 v8, v9;
	v16 =	vshll.u32 v24, $0x7;
	v12 =	vand.u32 $0x1F80, v12  }
0x1c7: {  	v62 =	vld.idx.msk [tilespmem:v23+s17+$0x0], $0xffff;
	v16 =	vand.u32 $0x1F80, v16;
	v12 =	vor.u32 v8, v12  }
0x1c8: {  	v14 =	vld.idx.msk [tilespmem:v14+s17+$0x0], $0xffff;
	v16 =	vor.u32 v8, v16;
	[tilespmem:v35+s24+$0x0] =	vst.idx.msk $0xffff, v3  }
0x1c9: {  	[tilespmem:v27+s24+$0x0] =	vst.idx.msk $0xffff, v7  }
0x1ca: {  	v3 =	vld [tilespmem:$0x1FE60];
	[tilespmem:v1+s24+$0x0] =	vst.idx.msk $0xffff, v20  }
0x1cb: {  	[tilespmem:v9+s24+$0x0] =	vst.idx.msk $0xffff, v17  }
0x1cc: {  	v43 =	vld [tilespmem:$0x1FFA0];
	[tilespmem:v12+s24+$0x0] =	vst.idx.msk $0xffff, v62  }
0x1cd: {  	[tilespmem:v16+s24+$0x0] =	vst.idx.msk $0xffff, v14  }
0x1ce: {  	[tilespmem:v34+s24+$0x0] =	vst.idx.msk $0xffff, v11  }
0x1cf: {  	v19 =	vadd.s32 s15, v10;
	v35 =	vld [tilespmem:$0x1FE90]  }
0x1d0: {  	v32 =	vadd.s32 s14, v10;
	v63 =	vand.u32 $0x3F, v19  }
0x1d1: {  	v26 =	vshll.u32 v53, $0x7;
	v24 =	vand.u32 $0x3F, v32;
	v22 =	vor.u32 v40, v63;
	v20 =	vld.idx.msk [tilespmem:v44+s17+$0x0], $0xffff  }
0x1d2: {  	v25 =	vshll.u32 v25, $0x7;
	v26 =	vand.u32 $0x1F80, v26;
	v7 =	vor.u32 v40, v24;
	v3 =	vld.idx.msk [tilespmem:v3+s17+$0x0], $0xffff  }
0x1d3: {  	v1 =	vor.u32 v10, v26;
	v9 =	vand.u32 $0x1F80, v25;
	v25 =	vld.idx.msk [tilespmem:v52+s17+$0x0], $0xffff  }
0x1d4: {  	v12 =	vshll.u32 v19, $0x7;
	v18 =	vld.idx.msk [tilespmem:v18+s17+$0x0], $0xffff;
	v9 =	vor.u32 v10, v9  }
0x1d5: {  	v14 =	vshll.u32 v32, $0x7;
	v12 =	vand.u32 $0x1F80, v12  }
0x1d6: {  	v16 =	vld.idx.msk [tilespmem:v22+s17+$0x0], $0xffff;
	v11 =	vand.u32 $0x1F80, v14;
	v12 =	vor.u32 v10, v12;
	[tilespmem:v42+s24+$0x0] =	vst.idx.msk $0xffff, v20  }
0x1d7: {  	v11 =	vor.u32 v10, v11;
	v7 =	vld.idx.msk [tilespmem:v7+s17+$0x0], $0xffff;
	[tilespmem:v35+s24+$0x0] =	vst.idx.msk $0xffff, v3  }
0x1d8: {  	v20 =	vld [tilespmem:$0x1FE50];
	[tilespmem:v1+s24+$0x0] =	vst.idx.msk $0xffff, v25  }
0x1d9: {  	v44 =	vld [tilespmem:$0x1FEC0];
	[tilespmem:v9+s24+$0x0] =	vst.idx.msk $0xffff, v18  }
0x1da: {  	v58 =	vld [tilespmem:$0x1FF80]  }
0x1db: {  	v25 =	vld [tilespmem:$0x1FE30];
	[tilespmem:v12+s24+$0x0] =	vst.idx.msk $0xffff, v16  }
0x1dc: {  	v19 =	vadd.s32 s15, v13;
	[tilespmem:v11+s24+$0x0] =	vst.idx.msk $0xffff, v7  }
0x1dd: {  	v33 =	vand.u32 $0x3F, v19;
	v12 =	vshll.u32 v19, $0x7;
	v19 =	vld [tilespmem:$0x1FE00];
	_ =	sdelay $0x2  }
0x1de: {  	v5 =	vld.idx.msk [tilespmem:v5+s17+$0x0], $0xffff;
	_ =	sdelay $0x4  }
0x1df: {  	[tilespmem:v19+s24+$0x0] =	vst.idx.msk $0xffff, v5  }
0x1e0: {  	v26 =	vshll.u32 v47, $0x7;
	v47 =	vld [tilespmem:$0x1FE70];
	_ =	sdelay $0x2  }
0x1e1: {  	v21 =	vor.u32 v43, v33;
	v20 =	vld.idx.msk [tilespmem:v20+s17+$0x0], $0xffff;
	_ =	sdelay $0x4  }
0x1e2: {  	v24 =	vadd.s32 s21, v13;
	v11 =	vld.idx.msk [tilespmem:v21+s17+$0x0], $0xffff;
	[tilespmem:v47+s24+$0x0] =	vst.idx.msk $0xffff, v20  }
0x1e3: {  	v27 =	vand.u32 $0x3F, v24;
	v14 =	vadd.s32 s14, v13;
	v21 =	vld [tilespmem:$0x1FED0]  }
0x1e4: {  	v34 =	vand.u32 $0x3F, v14;
	v17 =	vor.u32 v43, v27  }
0x1e5: {  	v3 =	vor.u32 v43, v34  }
0x1e6: {  	v23 =	vld.idx.msk [tilespmem:v44+s17+$0x0], $0xffff  }
0x1e7: {  	v24 =	vshll.u32 v24, $0x7;
	v38 =	vand.u32 $0x1F80, v26  }
0x1e8: {  	v1 =	vor.u32 v13, v38;
	v9 =	vand.u32 $0x1F80, v24;
	v24 =	vld.idx.msk [tilespmem:v46+s17+$0x0], $0xffff  }
0x1e9: {  	v17 =	vld.idx.msk [tilespmem:v17+s17+$0x0], $0xffff;
	v9 =	vor.u32 v13, v9;
	v7 =	vshll.u32 v14, $0x7;
	v12 =	vand.u32 $0x1F80, v12  }
0x1ea: {  	v3 =	vld.idx.msk [tilespmem:v3+s17+$0x0], $0xffff;
	v12 =	vor.u32 v13, v12;
	v5 =	vand.u32 $0x1F80, v7  }
0x1eb: {  	v5 =	vor.u32 v13, v5;
	v20 =	vld [tilespmem:$0x1FE10];
	[tilespmem:v21+s24+$0x0] =	vst.idx.msk $0xffff, v23  }
0x1ec: {  	v25 =	vshll.u32 v25, $0x7;
	v21 =	vld [tilespmem:$0x1FEA0]  }
0x1ed: {  	v50 =	vand.u32 $0x1F80, v25;
	v25 =	vld [tilespmem:$0x1FE40];
	[tilespmem:v1+s24+$0x0] =	vst.idx.msk $0xffff, v24  }
0x1ee: {  	v37 =	vadd.s32 s21, v15;
	v24 =	vld [tilespmem:$0x1FEB0];
	[tilespmem:v9+s24+$0x0] =	vst.idx.msk $0xffff, v17  }
0x1ef: {  	v26 =	vand.u32 $0x3F, v37;
	v16 =	vadd.s32 s15, v15;
	[tilespmem:v12+s24+$0x0] =	vst.idx.msk $0xffff, v11  }
0x1f0: {  	v14 =	vand.u32 $0x3F, v16;
	v18 =	vor.u32 v58, v26;
	v11 =	vshll.u32 v16, $0x7;
	[tilespmem:v5+s24+$0x0] =	vst.idx.msk $0xffff, v3  }
0x1f1: {  	v14 =	vor.u32 v58, v14;
	v1 =	vshll.u32 v36, $0x7;
	v5 =	vand.u32 $0x1F80, v11;
	v11 =	vld [tilespmem:$0x1FE20]  }
0x1f2: {  	v7 =	vadd.s32 s14, v15;
	v1 =	vand.u32 $0x1F80, v1  }
0x1f3: {  	v19 =	vand.u32 $0x3F, v7;
	v9 =	vshll.u32 v37, $0x7;
	v51 =	vld.idx.msk [tilespmem:v39+s17+$0x0], $0xffff;
	v1 =	vor.u32 v15, v1  }
0x1f4: {  	v19 =	vor.u32 v58, v19;
	v20 =	vld.idx.msk [tilespmem:v20+s17+$0x0], $0xffff;
	v9 =	vand.u32 $0x1F80, v9  }
0x1f5: {  	v3 =	vshll.u32 v7, $0x7;
	v12 =	vld.idx.msk [tilespmem:v18+s17+$0x0], $0xffff;
	v7 =	vor.u32 v15, v9  }
0x1f6: {  	v9 =	vld.idx.msk [tilespmem:v14+s17+$0x0], $0xffff;
	v5 =	vor.u32 v15, v5;
	v21 =	vshll.u32 v21, $0x7  }
0x1f7: {  	v23 =	vor.u32 v15, v50;
	v21 =	vand.u32 $0x1F80, v21;
	v25 =	vld.idx.msk [tilespmem:v25+s17+$0x0], $0xffff  }
0x1f8: {  	v3 =	vand.u32 $0x1F80, v3;
	v17 =	vor.u32 v15, v21;
	[tilespmem:v1+s24+$0x0] =	vst.idx.msk $0xffff, v51;
	v24 =	vld.idx.msk [tilespmem:v24+s17+$0x0], $0xffff  }
0x1f9: {  	s6 =	sadd.s32 s5, s1;
	v3 =	vor.u32 v15, v3;
	[tilespmem:v11+s24+$0x0] =	vst.idx.msk $0xffff, v20;
	v11 =	vld.idx.msk [tilespmem:v19+s17+$0x0], $0xffff  }
0x1fa: {  	s25 =	sshll.u32 s6, $0xF;
	s21 =	sshll.u32 s6, $0xA;
	[tilespmem:v7+s24+$0x0] =	vst.idx.msk $0xffff, v12  }
0x1fb: {  	s6 =	sshll.u32 s6, $0x4;
	s15 =	sand.u32 $0x20000, s25;
	s14 =	sand.u32 $0xFFC0000, s21;
	[tilespmem:v5+s24+$0x0] =	vst.idx.msk $0xffff, v9  }
0x1fc: {  	s6 =	sand.u32 $0xF80, s6;
	s14 =	sor.u32 s14, s15;
	[tilespmem:v23+s24+$0x0] =	vst.idx.msk $0xffff, v25  }
0x1fd: {  	s6 =	sor.u32 s6, s14;
	[tilespmem:v17+s24+$0x0] =	vst.idx.msk $0xffff, v24  }
0x1fe: {  	s14 =	sadd.s32 s2, s6;
	[tilespmem:v3+s24+$0x0] =	vst.idx.msk $0xffff, v11  }
0x1ff: {  	[hbm4b:s14+s3] =	stream.linear.scatter [tilespmem:s24], [sflag:$0x5], $0x400, $0x38;
	[tilespmem:$0x16400] =	vst v63  }
0x200: {  	s16 =	simm.s32 $0xE800;
	s15 =	sadd.s32 s6, s7  }
0x201: {  	[hbm4b:s15+s3] =	stream.linear.scatter [tilespmem:s16], [sflag:$0x5], $0x400, $0x38;
	[tilespmem:$0x16400] =	vst v63  }
0x202: {  	s25 =	simm.s32 $0xEC00;
	s21 =	sadd.s32 s6, s8  }
0x203: {  	[hbm4b:s21+s3] =	stream.linear.scatter [tilespmem:s25], [sflag:$0x5], $0x400, $0x38;
	[tilespmem:$0x16400] =	vst v63  }
0x204: {  	s15 =	sadd.s32 s6, s9;
	s16 =	simm.s32 $0xF000  }
0x205: {  	[hbm4b:s15+s3] =	stream.linear.scatter [tilespmem:s16], [sflag:$0x5], $0x400, $0x38;
	[tilespmem:$0x16400] =	vst v63  }
0x206: {  	s21 =	sadd.s32 s6, s10;
	s25 =	simm.s32 $0xF400  }
0x207: {  	[hbm4b:s21+s3] =	stream.linear.scatter [tilespmem:s25], [sflag:$0x5], $0x400, $0x38;
	[tilespmem:$0x16400] =	vst v63  }
0x208: {  	s15 =	sadd.s32 s6, s11;
	s16 =	simm.s32 $0xF800  }
0x209: {  	[hbm4b:s15+s3] =	stream.linear.scatter [tilespmem:s16], [sflag:$0x5], $0x400, $0x38;
	[tilespmem:$0x16400] =	vst v63  }
0x20a: {  	s21 =	sadd.s32 s6, s12;
	s25 =	simm.s32 $0xFC00  }
0x20b: {  	[hbm4b:s21+s3] =	stream.linear.scatter [tilespmem:s25], [sflag:$0x5], $0x400, $0x38;
	[tilespmem:$0x16400] =	vst v63  }
0x20c: {  	p1 =	seq.s32 s31, $0x31;
	s6 =	sadd.s32 s6, s13;
	s15 =	simm.s32 $0x10000  }
0x20d: {  	[hbm4b:s6+s3] =	stream.linear.scatter [tilespmem:s15], [sflag:$0x5], $0x400, $0x38;
	[tilespmem:$0x16400] =	vst v63  }
0x20e: {  	s6 =	sshll.u32 @!p1 s31, $0x9  }
0x20f: {  	s21 =	sand.u32 @!p1 $0x3FFFFE00, s6  }
0x210: {  	s14 =	simm.s32 @!p1 $0x80;
	s15 =	simm.s32 @!p1 $0x6400;
	s6 =	sadd.s32 @!p1 $0x200, s21  }
0x211: {  	[tilespmem:s15], [sflag:$0x1] =	stream.indirect.gather @!p1 [hbm4b:s4+s14], $0x40, s6, s14, $0xb8;
	[tilespmem:$0x16400] =	vst v63  }
0x212: {  	_ =	swait.ge [sflag:s0], $0x2000  }
0x213: {  	[sflag:s0] =	ssyncset.done $0x0  }
0x214: {  	s6 =	simm.s32 @!p0 $0x6;
	[sflag:s0] =	ssyncadd.s32 $0xFFFFE000  }
0x215: {  	_ =	swait.ge @!p0 [sflag:s6], $0x400  }
0x216: {  	[sflag:s6] =	ssyncset.done @!p0 $0x0  }
0x217: {  	s16 =	simm.s32 $0x0;
	[sflag:s6] =	ssyncadd.s32 @!p0 $0xFFFFFC00  }
0x218: {  	v3 =	vadd.s32 s16, v10;
	_ =	swait.ge @!p0 [sflag:s6], $0x400  }
0x219: {  	v19 =	vand.u32 $0x38, v3;
	v20 =	vshll.u32 v3, $0x7;
	v3 =	vld [tilespmem:$0x1FF70];
	_ =	sdelay $0x2  }
0x21a: {  	v1 =	vadd.s32 s16, v15  }
0x21b: {  	v16 =	vshll.u32 v1, $0x7;
	v1 =	vand.u32 $0x38, v1  }
0x21c: {  	[sflag:s6] =	ssyncset.done @!p0 $0x0;
	v1 =	vor.u32 v3, v1  }
0x21d: {  	[sflag:s6] =	ssyncadd.s32 @!p0 $0xFFFFFC00;
	[tilespmem:$0x1FCE0] =	vst v1  }
0x21e: {  	_ =	swait.ge @!p0 [sflag:s6], $0x400  }
0x21f: {  	v1 =	vld [tilespmem:$0x1FF50]  }
0x220: {  	v14 =	vadd.s32 s16, v2  }
0x221: {  	v53 =	vshll.u32 v14, $0x7;
	v26 =	vand.u32 $0x38, v14;
	v14 =	vld [tilespmem:$0x1FF40];
	_ =	sdelay $0x2  }
0x222: {  	v11 =	vadd.s32 s16, v8;
	v3 =	vor.u32 v1, v19;
	v1 =	vld [tilespmem:$0x1FF60]  }
0x223: {  	v18 =	vshll.u32 v11, $0x7;
	v11 =	vand.u32 $0x38, v11  }
0x224: {  	v5 =	vadd.s32 s16, v13;
	v14 =	vor.u32 v14, v11;
	v11 =	vand.u32 $0x1F80, v18;
	v18 =	vld [tilespmem:$0x1FF30]  }
0x225: {  	v17 =	vand.u32 $0x38, v5;
	v5 =	vshll.u32 v5, $0x7;
	[sflag:s6] =	ssyncset.done @!p0 $0x0  }
0x226: {  	v7 =	vadd.s32 s16, v4;
	v9 =	vadd.s32 s16, v6;
	v5 =	vand.u32 $0x1F80, v5;
	[sflag:s6] =	ssyncadd.s32 @!p0 $0xFFFFFC00  }
0x227: {  	v16 =	vand.u32 $0x1F80, v16;
	v5 =	vor.u32 v13, v5;
	v1 =	vor.u32 v1, v17;
	v17 =	vld [tilespmem:$0x1FF20];
	_ =	swait.ge @!p0 [sflag:s6], $0x400  }
0x228: {  	v12 =	vadd.s32 s16, v0;
	v52 =	vand.u32 $0x38, v9;
	[sflag:s6] =	ssyncset.done @!p0 $0x0;
	[tilespmem:$0x1FDE0] =	vst v5;
	v5 =	vor.u32 v15, v16  }
0x229: {  	v9 =	vshll.u32 v9, $0x7;
	v54 =	vand.u32 $0x38, v7;
	v24 =	vor.u32 v18, v52;
	v18 =	vld [tilespmem:$0x1FF10];
	[tilespmem:$0x1FCF0] =	vst v5;
	[sflag:s6] =	ssyncadd.s32 @!p0 $0xFFFFFC00  }
0x22a: {  	v7 =	vshll.u32 v7, $0x7;
	v25 =	vand.u32 $0x38, v12;
	v12 =	vshll.u32 v12, $0x7;
	s25 =	simm.s32 $0x7;
	v55 =	vld [tilespmem:$0x1FFF0];
	_ =	swait.ge @!p0 [sflag:s6], $0x400  }
0x22b: {  	v9 =	vand.u32 $0x1F80, v9;
	v7 =	vand.u32 $0x1F80, v7;
	v56 =	vadd.s32 s25, v15;
	[sflag:s6] =	ssyncset.done @!p0 $0x0  }
0x22c: {  	v12 =	vand.u32 $0x1F80, v12;
	v29 =	vadd.s32 s25, v2;
	v30 =	vand.u32 $0x3F, v56;
	[sflag:s6] =	ssyncadd.s32 @!p0 $0xFFFFFC00  }
0x22d: {  	v22 =	vshll.u32 v56, $0x7;
	v19 =	vand.u32 $0x1F80, v20;
	v20 =	vand.u32 $0x1F80, v53;
	_ =	swait.ge @!p0 [sflag:s6], $0x400  }
0x22e: {  	v16 =	vor.u32 v6, v9;
	v9 =	vor.u32 v8, v11;
	v11 =	vor.u32 v10, v19;
	[sflag:s6] =	ssyncset.done @!p0 $0x0  }
0x22f: {  	v19 =	vor.u32 v4, v7;
	v7 =	vadd.s32 s25, v0;
	v5 =	vor.u32 v0, v12;
	[sflag:s6] =	ssyncadd.s32 @!p0 $0xFFFFFC00  }
0x230: {  	v12 =	vor.u32 v2, v20;
	v57 =	vand.u32 $0x3F, v7;
	v7 =	vshll.u32 v7, $0x7;
	v27 =	vld [tilespmem:$0x1FF00];
	_ =	swait.ge @!p0 [sflag:s6], $0x400  }
0x231: {  	v20 =	vadd.s32 s25, v13;
	v7 =	vand.u32 $0x1F80, v7;
	v21 =	vor.u32 v55, v25;
	[sflag:s6] =	ssyncset.done @!p0 $0x0  }
0x232: {  	v59 =	vand.u32 $0x3F, v20;
	v63 =	vor.u32 v0, v7;
	v7 =	vand.u32 $0x3F, v29;
	[sflag:s6] =	ssyncadd.s32 @!p0 $0xFFFFFC00  }
0x233: {  	v50 =	vor.u32 v49, v7;
	v7 =	vor.u32 v58, v30;
	v18 =	vor.u32 v18, v26;
	_ =	swait.ge @!p0 [sflag:s6], $0x400  }
0x234: {  	v25 =	vadd.s32 s25, v8;
	v26 =	vadd.s32 s25, v10;
	[sflag:s6] =	ssyncset.done @!p0 $0x0;
	[tilespmem:$0x1FD00] =	vst v7;
	v7 =	vor.u32 v43, v59  }
0x235: {  	v41 =	vmovc v31;
	v22 =	vand.u32 $0x1F80, v22;
	v31 =	vshll.u32 v26, $0x7;
	v33 =	vand.u32 $0x3F, v25;
	[sflag:s6] =	ssyncadd.s32 @!p0 $0xFFFFFC00;
	[tilespmem:$0x1FDD0] =	vst v7  }
0x236: {  	v25 =	vshll.u32 v25, $0x7;
	v26 =	vand.u32 $0x3F, v26;
	v23 =	vor.u32 v27, v57;
	v21 =	vld.idx.msk [tilespmem:v21+s18+$0x0], $0xffff  }
0x237: {  	v30 =	vand.u32 $0x1F80, v31;
	v25 =	vand.u32 $0x1F80, v25;
	v27 =	vadd.s32 s25, v4  }
0x238: {  	v61 =	vand.u32 $0x3F, v27;
	v62 =	vshll.u32 v27, $0x7;
	v7 =	vor.u32 v15, v22  }
0x239: {  	v27 =	vor.u32 v40, v26;
	v26 =	vand.u32 $0x1F80, v62;
	[tilespmem:$0x1FD10] =	vst v7;
	v7 =	vor.u32 v10, v30  }
0x23a: {  	v22 =	vor.u32 v8, v25;
	v25 =	vor.u32 v4, v26;
	v26 =	vld [tilespmem:$0x1FF00];
	[tilespmem:$0x1FDC0] =	vst v7  }
0x23b: {  	v28 =	vadd.s32 s25, v6;
	s15 =	simm.s32 $0x6;
	v23 =	vld.idx.msk [tilespmem:v23+s18+$0x0], $0xffff;
	[tilespmem:v5+s19+$0x0] =	vst.idx.msk $0xffff, v21  }
0x23c: {  	v60 =	vand.u32 $0x3F, v28;
	v56 =	vadd.s32 s15, v0;
	v18 =	vld.idx.msk [tilespmem:v18+s18+$0x0], $0xffff  }
0x23d: {  	v20 =	vshll.u32 v20, $0x7;
	v29 =	vshll.u32 v29, $0x7;
	v17 =	vor.u32 v17, v54  }
0x23e: {  	v20 =	vand.u32 $0x1F80, v20;
	v29 =	vand.u32 $0x1F80, v29;
	v54 =	vadd.s32 s15, v15  }
0x23f: {  	v34 =	vor.u32 v13, v20;
	v20 =	vor.u32 v2, v29;
	v29 =	vadd.s32 s15, v4;
	[tilespmem:$0x1FD20] =	vst v54  }
0x240: {  	v53 =	vadd.s32 s15, v13;
	v37 =	vand.u32 $0x3F, v54;
	v0 =	vand.u32 $0x3F, v29;
	[tilespmem:v63+s19+$0x0] =	vst.idx.msk $0xffff, v23  }
0x241: {  	v31 =	vor.u32 v41, v60;
	v62 =	vshll.u32 v29, $0x7;
	v5 =	vadd.s32 s15, v10;
	v39 =	vld.idx.msk [tilespmem:v50+s18+$0x0], $0xffff;
	[tilespmem:v12+s19+$0x0] =	vst.idx.msk $0xffff, v18  }
0x242: {  	v29 =	vor.u32 v58, v37;
	v59 =	vshll.u32 v5, $0x7;
	v5 =	vand.u32 $0x3F, v5;
	v17 =	vld.idx.msk [tilespmem:v17+s18+$0x0], $0xffff  }
0x243: {  	v60 =	vand.u32 $0x3F, v53;
	v32 =	vor.u32 v48, v61;
	v5 =	vor.u32 v40, v5;
	[tilespmem:$0x1FD30] =	vst v29  }
0x244: {  	v55 =	vadd.s32 s15, v8;
	v42 =	vor.u32 v45, v33;
	v29 =	vor.u32 v43, v60;
	[tilespmem:$0x1FD50] =	vst v5  }
0x245: {  	v51 =	vmovc v45;
	v52 =	vmovc v41;
	v33 =	vshll.u32 v55, $0x7;
	v57 =	vadd.s32 s15, v2;
	v61 =	vand.u32 $0x3F, v55;
	[tilespmem:$0x1FD40] =	vst v29  }
0x246: {  	v37 =	vor.u32 v51, v61;
	v7 =	vmovc v51;
	v51 =	vand.u32 $0x1F80, v33;
	v41 =	vand.u32 $0x1F80, v59;
	[tilespmem:v20+s19+$0x0] =	vst.idx.msk $0xffff, v39  }
0x247: {  	v12 =	vand.u32 $0x3F, v57;
	v18 =	vshll.u32 v57, $0x7;
	[tilespmem:v19+s19+$0x0] =	vst.idx.msk $0xffff, v17;
	v19 =	vor.u32 v8, v51  }
0x248: {  	v59 =	vor.u32 v49, v12;
	v12 =	vand.u32 $0x1F80, v18;
	v18 =	vld.idx.msk [tilespmem:v32+s18+$0x0], $0xffff;
	[tilespmem:$0x1FD60] =	vst v19;
	v19 =	vor.u32 v10, v41  }
0x249: {  	[tilespmem:$0x1FD70] =	vst v19  }
0x24a: {  	v57 =	vor.u32 v2, v12;
	v12 =	vld.idx.msk [tilespmem:v24+s18+$0x0], $0xffff  }
0x24b: {  	v30 =	vadd.s32 s15, v6  }
0x24c: {  	s16 =	simm.s32 $0x5;
	v28 =	vshll.u32 v28, $0x7;
	v63 =	vand.u32 $0x3F, v30  }
0x24d: {  	v28 =	vand.u32 $0x1F80, v28;
	v45 =	vmovc v52;
	v29 =	vor.u32 v52, v63;
	v52 =	vadd.s32 s16, v15  }
0x24e: {  	v28 =	vor.u32 v6, v28;
	v35 =	vshll.u32 v56, $0x7;
	v30 =	vshll.u32 v30, $0x7;
	[tilespmem:$0x1FD80] =	vst v52  }
0x24f: {  	v55 =	vor.u32 v48, v0;
	v0 =	vlaneseq.u32;
	v30 =	vand.u32 $0x1F80, v30;
	[tilespmem:v16+s19+$0x0] =	vst.idx.msk $0xffff, v12  }
0x250: {  	v23 =	vand.u32 $0x1F80, v62;
	v50 =	vand.u32 $0x3F, v56;
	v38 =	vor.u32 v6, v30;
	[tilespmem:v25+s19+$0x0] =	vst.idx.msk $0xffff, v18;
	v14 =	vld.idx.msk [tilespmem:v14+s18+$0x0], $0xffff  }
0x251: {  	v30 =	vadd.s32 s16, v2;
	v56 =	vand.u32 $0x3F, v52;
	v19 =	vadd.s32 s16, v13;
	v60 =	vld.idx.msk [tilespmem:v31+s18+$0x0], $0xffff  }
0x252: {  	v17 =	vand.u32 $0x1F80, v35;
	v25 =	vand.u32 $0x3F, v19;
	v31 =	vor.u32 v58, v56  }
0x253: {  	v62 =	vor.u32 v0, v17;
	v17 =	vadd.s32 s16, v10;
	v25 =	vor.u32 v43, v25;
	[tilespmem:$0x1FD90] =	vst v31  }
0x254: {  	v63 =	vand.u32 $0x3F, v30;
	v20 =	vadd.s32 s16, v4;
	v18 =	vshll.u32 v17, $0x7;
	[tilespmem:$0x1FDA0] =	vst v25  }
0x255: {  	v17 =	vand.u32 $0x3F, v17;
	v12 =	vshll.u32 v20, $0x7;
	v20 =	vand.u32 $0x3F, v20;
	[tilespmem:v9+s19+$0x0] =	vst.idx.msk $0xffff, v14  }
0x256: {  	[tilespmem:v28+s19+$0x0] =	vst.idx.msk $0xffff, v60;
	v14 =	vor.u32 v49, v63;
	v63 =	vor.u32 v48, v20;
	v20 =	vld.idx.msk [tilespmem:v3+s18+$0x0], $0xffff  }
0x257: {  	v19 =	vshll.u32 v19, $0x7;
	v44 =	vor.u32 v40, v17;
	v17 =	vld.idx.msk [tilespmem:v42+s18+$0x0], $0xffff  }
0x258: {  	v21 =	vshll.u32 v53, $0x7;
	v19 =	vand.u32 $0x1F80, v19  }
0x259: {  	v21 =	vand.u32 $0x1F80, v21;
	v19 =	vor.u32 v13, v19  }
0x25a: {  	s25 =	simm.s32 $0x4;
	v53 =	vadd.s32 s16, v6;
	v33 =	vor.u32 v13, v21;
	[tilespmem:$0x1FDB0] =	vst v19  }
0x25b: {  	v21 =	vshll.u32 v53, $0x7;
	v16 =	vand.u32 $0x3F, v53;
	v53 =	vadd.s32 s25, v10;
	[tilespmem:v11+s19+$0x0] =	vst.idx.msk $0xffff, v20  }
0x25c: {  	[tilespmem:v22+s19+$0x0] =	vst.idx.msk $0xffff, v17;
	v19 =	vld.idx.msk [tilespmem:v1+s18+$0x0], $0xffff;
	v1 =	vand.u32 $0x3F, v53  }
0x25d: {  	v52 =	vor.u32 v40, v1;
	v1 =	vld [tilespmem:$0x1FDC0];
	_ =	sdelay $0x2  }
0x25e: {  	v17 =	vld.idx.msk [tilespmem:v27+s18+$0x0], $0xffff;
	_ =	sdelay $0x1  }
0x25f: {  	v54 =	vadd.s32 s16, v8  }
0x260: {  	v36 =	vadd.s32 s25, v15;
	v61 =	vand.u32 $0x3F, v54  }
0x261: {  	v5 =	vor.u32 v26, v50;
	v18 =	vand.u32 $0x1F80, v18;
	v60 =	vadd.s32 s25, v8  }
0x262: {  	v42 =	vor.u32 v10, v18;
	v18 =	vand.u32 $0x3F, v36;
	v20 =	vand.u32 $0x3F, v60;
	[tilespmem:v1+s19+$0x0] =	vst.idx.msk $0xffff, v17  }
0x263: {  	v50 =	vor.u32 v7, v61;
	v39 =	vor.u32 v58, v18;
	v58 =	vor.u32 v7, v20;
	v7 =	vld [tilespmem:$0x1FDD0];
	_ =	sdelay $0x3  }
0x264: {  	v47 =	vadd.s32 s25, v13  }
0x265: {  	v46 =	vand.u32 $0x3F, v47  }
0x266: {  	v46 =	vor.u32 v43, v46  }
0x267: {  	v51 =	vor.u32 v4, v23;
	v23 =	vshll.u32 v54, $0x7;
	v11 =	vadd.s32 s25, v0  }
0x268: {  	v23 =	vand.u32 $0x1F80, v23;
	v49 =	vand.u32 $0x3F, v11;
	v28 =	vshll.u32 v11, $0x7;
	v11 =	vld.idx.msk [tilespmem:v7+s18+$0x0], $0xffff  }
0x269: {  	v30 =	vshll.u32 v30, $0x7;
	v35 =	vor.u32 v8, v23;
	v24 =	vadd.s32 s16, v0;
	v7 =	vld [tilespmem:$0x1FDE0]  }
0x26a: {  	v41 =	vand.u32 $0x3F, v24;
	v24 =	vshll.u32 v24, $0x7;
	v12 =	vand.u32 $0x1F80, v12  }
0x26b: {  	v56 =	vor.u32 v45, v16;
	v16 =	vand.u32 $0x1F80, v21;
	v25 =	vor.u32 v26, v41  }
0x26c: {  	v54 =	vor.u32 v6, v16;
	v61 =	vor.u32 v4, v12;
	v16 =	vadd.s32 s25, v4  }
0x26d: {  	v12 =	vadd.s32 s25, v2;
	v9 =	vand.u32 $0x1F80, v30;
	v3 =	vand.u32 $0x1F80, v24  }
0x26e: {  	v30 =	vand.u32 $0x3F, v16;
	v24 =	vor.u32 v0, v3;
	v3 =	vadd.s32 s25, v6  }
0x26f: {  	s16 =	simm.s32 $0x3;
	v9 =	vor.u32 v2, v9;
	v27 =	vshll.u32 v12, $0x7;
	v48 =	vand.u32 $0x3F, v3  }
0x270: {  	v12 =	vand.u32 $0x3F, v12;
	s25 =	simm.s32 $0x2;
	v18 =	vor.u32 v26, v49;
	v17 =	vadd.s32 s16, v0  }
0x271: {  	s14 =	simm.s32 $0x8;
	s6 =	sor.u32 $0x1, s1;
	s15 =	simm.s32 $0x1;
	v1 =	vor.u32 v45, v48;
	[tilespmem:v7+s19+$0x0] =	vst.idx.msk $0xffff, v19;
	v7 =	vadd.s32 s25, v0;
	v19 =	vand.u32 $0x3F, v17  }
.LBB2_5:
0x272: {  	v20 =	vld [tilespmem:$0x1FCE0];
	_ =	sdelay $0x2  }
0x273: {  	v48 =	vld [tilespmem:$0x1FFD0]  }
0x274: {  	v23 =	vld [tilespmem:$0x1FD00]  }
0x275: {  	v21 =	vand.u32 $0x3F, v7;
	v19 =	vor.u32 v26, v19;
	v45 =	vadd.s32 s16, v2;
	v49 =	vld [tilespmem:$0x1FFE0]  }
0x276: {  	v5 =	vld.idx.msk [tilespmem:v5+s18+$0x0], $0xffff;
	v17 =	vshll.u32 v17, $0x7;
	v28 =	vand.u32 $0x1F80, v28;
	v21 =	vor.u32 v26, v21  }
0x277: {  	v25 =	vld.idx.msk [tilespmem:v25+s18+$0x0], $0xffff;
	v7 =	vshll.u32 v7, $0x7;
	v43 =	vadd.s32 s25, v2;
	v32 =	vadd.s32 s15, v2  }
0x278: {  	[tilespmem:$0x1FCD0] =	vst v33;
	v27 =	vand.u32 $0x1F80, v27;
	v16 =	vshll.u32 v16, $0x7;
	v33 =	vld.idx.msk [tilespmem:v20+s18+$0x0], $0xffff;
	v20 =	vadd.s32 s15, v0  }
0x279: {  	v18 =	vld.idx.msk [tilespmem:v18+s18+$0x0], $0xffff;
	v3 =	vshll.u32 v3, $0x7;
	v17 =	vand.u32 $0x1F80, v17;
	[tilespmem:v34+s19+$0x0] =	vst.idx.msk $0xffff, v11;
	v11 =	vand.u32 $0x3F, v20  }
0x27a: {  	v28 =	vor.u32 v0, v28;
	v7 =	vand.u32 $0x1F80, v7;
	v19 =	vld.idx.msk [tilespmem:v19+s18+$0x0], $0xffff;
	v11 =	vor.u32 v26, v11  }
0x27b: {  	v17 =	vor.u32 v0, v17;
	v12 =	vor.u32 v49, v12;
	[tilespmem:v62+s19+$0x0] =	vst.idx.msk $0xffff, v5;
	v21 =	vld.idx.msk [tilespmem:v21+s18+$0x0], $0xffff  }
0x27c: {  	v22 =	vor.u32 v48, v30;
	v30 =	vand.u32 $0x3F, v45;
	[tilespmem:v24+s19+$0x0] =	vst.idx.msk $0xffff, v25;
	v24 =	vld.idx.msk [tilespmem:v59+s18+$0x0], $0xffff;
	v0 =	vlaneseq.u32  }
0x27d: {  	v30 =	vor.u32 v49, v30;
	v14 =	vld.idx.msk [tilespmem:v14+s18+$0x0], $0xffff;
	v20 =	vshll.u32 v20, $0x7;
	v7 =	vor.u32 v0, v7  }
0x27e: {  	v31 =	vand.u32 $0x3F, v43;
	v16 =	vand.u32 $0x1F80, v16;
	v34 =	vld.idx.msk [tilespmem:v23+s18+$0x0], $0xffff;
	v20 =	vand.u32 $0x1F80, v20  }
0x27f: {  	v31 =	vor.u32 v49, v31;
	[tilespmem:v28+s19+$0x0] =	vst.idx.msk $0xffff, v18;
	v20 =	vor.u32 v0, v20;
	v11 =	vld.idx.msk [tilespmem:v11+s18+$0x0], $0xffff  }
0x280: {  	v18 =	vor.u32 v2, v27;
	v23 =	vshll.u32 v45, $0x7;
	v26 =	vand.u32 $0x3F, v32;
	[tilespmem:v17+s19+$0x0] =	vst.idx.msk $0xffff, v19;
	v12 =	vld.idx.msk [tilespmem:v12+s18+$0x0], $0xffff  }
0x281: {  	v45 =	vld [tilespmem:$0x1FFC0];
	v17 =	vand.u32 $0x1F80, v23;
	v5 =	vor.u32 v49, v26;
	v26 =	vadd.s32 s16, v4;
	[tilespmem:v57+s19+$0x0] =	vst.idx.msk $0xffff, v24  }
0x282: {  	v62 =	vld.idx.msk [tilespmem:v30+s18+$0x0], $0xffff;
	v17 =	vor.u32 v2, v17;
	v25 =	vand.u32 $0x3F, v26;
	[tilespmem:v7+s19+$0x0] =	vst.idx.msk $0xffff, v21;
	v7 =	vshll.u32 v43, $0x7  }
0x283: {  	v3 =	vand.u32 $0x1F80, v3;
	[tilespmem:v9+s19+$0x0] =	vst.idx.msk $0xffff, v14;
	v9 =	vld.idx.msk [tilespmem:v55+s18+$0x0], $0xffff;
	v19 =	vor.u32 v48, v25;
	v7 =	vand.u32 $0x1F80, v7  }
0x284: {  	v59 =	vadd.s32 s25, v4;
	v7 =	vor.u32 v2, v7;
	[tilespmem:v20+s19+$0x0] =	vst.idx.msk $0xffff, v11;
	v11 =	vshll.u32 v32, $0x7;
	v20 =	vld.idx.msk [tilespmem:v31+s18+$0x0], $0xffff  }
0x285: {  	v25 =	vand.u32 $0x3F, v59;
	[tilespmem:v18+s19+$0x0] =	vst.idx.msk $0xffff, v12;
	v12 =	vor.u32 v4, v16;
	v16 =	vld.idx.msk [tilespmem:v63+s18+$0x0], $0xffff;
	v11 =	vand.u32 $0x1F80, v11  }
0x286: {  	v27 =	vadd.s32 s15, v4;
	v25 =	vor.u32 v48, v25;
	v5 =	vld.idx.msk [tilespmem:v5+s18+$0x0], $0xffff;
	v11 =	vor.u32 v2, v11  }
0x287: {  	v3 =	vor.u32 v6, v3;
	v28 =	vand.u32 $0x3F, v27;
	v14 =	vshll.u32 v26, $0x7;
	[tilespmem:v17+s19+$0x0] =	vst.idx.msk $0xffff, v62;
	v18 =	vld.idx.msk [tilespmem:v22+s18+$0x0], $0xffff  }
0x288: {  	v41 =	vld [tilespmem:$0x1FF90];
	v24 =	vor.u32 v48, v28;
	v28 =	vadd.s32 s16, v6;
	v14 =	vand.u32 $0x1F80, v14;
	[tilespmem:v51+s19+$0x0] =	vst.idx.msk $0xffff, v9  }
0x289: {  	v26 =	vand.u32 $0x3F, v28;
	v14 =	vor.u32 v4, v14;
	v19 =	vld.idx.msk [tilespmem:v19+s18+$0x0], $0xffff;
	[tilespmem:v7+s19+$0x0] =	vst.idx.msk $0xffff, v20;
	v7 =	vshll.u32 v59, $0x7  }
0x28a: {  	v17 =	vor.u32 v45, v26;
	[tilespmem:v61+s19+$0x0] =	vst.idx.msk $0xffff, v16;
	v16 =	vld.idx.msk [tilespmem:v29+s18+$0x0], $0xffff;
	v7 =	vand.u32 $0x1F80, v7  }
0x28b: {  	v20 =	vadd.s32 s25, v6;
	[tilespmem:v11+s19+$0x0] =	vst.idx.msk $0xffff, v5;
	v5 =	vshll.u32 v27, $0x7;
	v11 =	vld.idx.msk [tilespmem:v25+s18+$0x0], $0xffff;
	v7 =	vor.u32 v4, v7  }
0x28c: {  	v55 =	vadd.s32 s15, v6;
	[tilespmem:v12+s19+$0x0] =	vst.idx.msk $0xffff, v18;
	v12 =	vld.idx.msk [tilespmem:v56+s18+$0x0], $0xffff;
	v63 =	vand.u32 $0x3F, v20;
	v5 =	vand.u32 $0x1F80, v5  }
0x28d: {  	v61 =	vadd.s32 s16, v10;
	v21 =	vor.u32 v45, v63;
	v32 =	vld.idx.msk [tilespmem:v24+s18+$0x0], $0xffff;
	v5 =	vor.u32 v4, v5  }
0x28e: {  	v1 =	vld.idx.msk [tilespmem:v1+s18+$0x0], $0xffff;
	[tilespmem:v14+s19+$0x0] =	vst.idx.msk $0xffff, v19;
	v19 =	vshll.u32 v60, $0x7;
	v25 =	vshll.u32 v28, $0x7;
	v24 =	vand.u32 $0x3F, v55  }
0x28f: {  	v40 =	vld [tilespmem:$0x1FFB0];
	[tilespmem:v38+s19+$0x0] =	vst.idx.msk $0xffff, v16;
	v14 =	vand.u32 $0x1F80, v25;
	v9 =	vor.u32 v45, v24;
	v24 =	vadd.s32 s16, v8  }
0x290: {  	v17 =	vld.idx.msk [tilespmem:v17+s18+$0x0], $0xffff;
	v14 =	vor.u32 v6, v14;
	v26 =	vand.u32 $0x3F, v24;
	[tilespmem:v7+s19+$0x0] =	vst.idx.msk $0xffff, v11;
	v7 =	vshll.u32 v20, $0x7  }
0x291: {  	v43 =	vld [tilespmem:$0x1FFA0];
	v19 =	vand.u32 $0x1F80, v19;
	[tilespmem:v54+s19+$0x0] =	vst.idx.msk $0xffff, v12;
	v18 =	vor.u32 v41, v26;
	v7 =	vand.u32 $0x1F80, v7  }
0x292: {  	v11 =	vadd.s32 s25, v8;
	v20 =	vld.idx.msk [tilespmem:v21+s18+$0x0], $0xffff;
	[tilespmem:v5+s19+$0x0] =	vst.idx.msk $0xffff, v32;
	v5 =	vshll.u32 v55, $0x7;
	v7 =	vor.u32 v6, v7  }
0x293: {  	v59 =	vadd.s32 s15, v8;
	[tilespmem:v3+s19+$0x0] =	vst.idx.msk $0xffff, v1;
	v3 =	vld.idx.msk [tilespmem:v50+s18+$0x0], $0xffff;
	v57 =	vand.u32 $0x3F, v11;
	v5 =	vand.u32 $0x1F80, v5  }
0x294: {  	v25 =	vand.u32 $0x3F, v61;
	v21 =	vor.u32 v41, v57;
	v9 =	vld.idx.msk [tilespmem:v9+s18+$0x0], $0xffff;
	v5 =	vor.u32 v6, v5  }
0x295: {  	v60 =	vand.u32 $0x3F, v59;
	v24 =	vshll.u32 v24, $0x7;
	[tilespmem:v14+s19+$0x0] =	vst.idx.msk $0xffff, v17;
	v17 =	vor.u32 v40, v25;
	v25 =	vld [tilespmem:$0x1FD60]  }
0x296: {  	v16 =	vor.u32 v41, v60;
	v1 =	vor.u32 v8, v19;
	v19 =	vld.idx.msk [tilespmem:v58+s18+$0x0], $0xffff;
	v14 =	vand.u32 $0x1F80, v24  }
0x297: {  	v14 =	vor.u32 v8, v14;
	v18 =	vld.idx.msk [tilespmem:v18+s18+$0x0], $0xffff;
	[tilespmem:v7+s19+$0x0] =	vst.idx.msk $0xffff, v20;
	v7 =	vshll.u32 v11, $0x7  }
0x298: {  	v12 =	vld.idx.msk [tilespmem:v37+s18+$0x0], $0xffff;
	v7 =	vand.u32 $0x1F80, v7  }
0x299: {  	v11 =	vadd.s32 s25, v10;
	[tilespmem:v5+s19+$0x0] =	vst.idx.msk $0xffff, v9;
	v5 =	vshll.u32 v59, $0x7;
	v9 =	vld.idx.msk [tilespmem:v21+s18+$0x0], $0xffff;
	v7 =	vor.u32 v8, v7  }
0x29a: {  	[tilespmem:v35+s19+$0x0] =	vst.idx.msk $0xffff, v3;
	v3 =	vld [tilespmem:$0x1FD50];
	v20 =	vand.u32 $0x3F, v11;
	v5 =	vand.u32 $0x1F80, v5  }
0x29b: {  	[tilespmem:v1+s19+$0x0] =	vst.idx.msk $0xffff, v19;
	v20 =	vor.u32 v40, v20;
	v16 =	vld.idx.msk [tilespmem:v16+s18+$0x0], $0xffff;
	v5 =	vor.u32 v8, v5  }
0x29c: {  	v32 =	vadd.s32 s16, v13;
	[tilespmem:v14+s19+$0x0] =	vst.idx.msk $0xffff, v18  }
0x29d: {  	v23 =	vshll.u32 v61, $0x7;
	v19 =	vld.idx.msk [tilespmem:v44+s18+$0x0], $0xffff;
	[tilespmem:v25+s19+$0x0] =	vst.idx.msk $0xffff, v12;
	v25 =	vand.u32 $0x3F, v32  }
0x29e: {  	v14 =	vand.u32 $0x1F80, v23;
	v18 =	vor.u32 v43, v25;
	v25 =	vld [tilespmem:$0x1FD70];
	[tilespmem:v7+s19+$0x0] =	vst.idx.msk $0xffff, v9;
	v7 =	vshll.u32 v11, $0x7  }
0x29f: {  	v14 =	vor.u32 v10, v14;
	v11 =	vld.idx.msk [tilespmem:v17+s18+$0x0], $0xffff;
	v7 =	vand.u32 $0x1F80, v7  }
0x2a0: {  	v62 =	vadd.s32 s15, v10;
	[tilespmem:v5+s19+$0x0] =	vst.idx.msk $0xffff, v16;
	v16 =	vld.idx.msk [tilespmem:v20+s18+$0x0], $0xffff;
	v7 =	vor.u32 v10, v7  }
0x2a1: {  	v63 =	vand.u32 $0x3F, v62;
	v58 =	vld [tilespmem:$0x1FF80]  }
0x2a2: {  	v12 =	vor.u32 v40, v63;
	v3 =	vld.idx.msk [tilespmem:v3+s18+$0x0], $0xffff  }
0x2a3: {  	[tilespmem:v42+s19+$0x0] =	vst.idx.msk $0xffff, v19;
	v19 =	vld [tilespmem:$0x1FD40]  }
0x2a4: {  	[tilespmem:v14+s19+$0x0] =	vst.idx.msk $0xffff, v11  }
0x2a5: {  	v5 =	vshll.u32 v62, $0x7;
	[tilespmem:v7+s19+$0x0] =	vst.idx.msk $0xffff, v16;
	v16 =	vld.idx.msk [tilespmem:v18+s18+$0x0], $0xffff  }
0x2a6: {  	v38 =	vadd.s32 s16, v15;
	v5 =	vand.u32 $0x1F80, v5;
	v18 =	vld [tilespmem:$0x1FCF0]  }
0x2a7: {  	v20 =	vadd.s32 s15, v13;
	v12 =	vld.idx.msk [tilespmem:v12+s18+$0x0], $0xffff;
	v5 =	vor.u32 v10, v5;
	[tilespmem:v25+s19+$0x0] =	vst.idx.msk $0xffff, v3;
	v25 =	vand.u32 $0x3F, v38  }
0x2a8: {  	v9 =	vadd.s32 s25, v13;
	v37 =	vand.u32 $0x3F, v20;
	v14 =	vor.u32 v58, v25;
	v25 =	vld [tilespmem:$0x1FCD0]  }
0x2a9: {  	v17 =	vand.u32 $0x3F, v9;
	v3 =	vor.u32 v43, v37  }
0x2aa: {  	v44 =	vld [tilespmem:$0x1FDA0];
	v24 =	vshll.u32 v53, $0x7;
	v17 =	vor.u32 v43, v17  }
0x2ab: {  	v24 =	vand.u32 $0x1F80, v24;
	v22 =	vshll.u32 v32, $0x7;
	v19 =	vld.idx.msk [tilespmem:v19+s18+$0x0], $0xffff  }
0x2ac: {  	v35 =	vld.idx.msk [tilespmem:v52+s18+$0x0], $0xffff;
	v1 =	vor.u32 v10, v24;
	v11 =	vand.u32 $0x1F80, v22;
	[tilespmem:v5+s19+$0x0] =	vst.idx.msk $0xffff, v12;
	v5 =	vshll.u32 v20, $0x7  }
0x2ad: {  	v11 =	vor.u32 v13, v11;
	v7 =	vshll.u32 v9, $0x7;
	v5 =	vand.u32 $0x1F80, v5  }
0x2ae: {  	v7 =	vand.u32 $0x1F80, v7;
	v3 =	vld.idx.msk [tilespmem:v3+s18+$0x0], $0xffff;
	v5 =	vor.u32 v13, v5;
	[tilespmem:v18+s19+$0x0] =	vst.idx.msk $0xffff, v33;
	v18 =	vadd.s32 s15, v15  }
0x2af: {  	v12 =	vld.idx.msk [tilespmem:v17+s18+$0x0], $0xffff;
	v7 =	vor.u32 v13, v7;
	v20 =	vand.u32 $0x3F, v18  }
0x2b0: {  	v50 =	vld [tilespmem:$0x1FD30];
	v24 =	vshll.u32 v47, $0x7;
	v9 =	vadd.s32 s25, v15;
	[tilespmem:v25+s19+$0x0] =	vst.idx.msk $0xffff, v19;
	v19 =	vor.u32 v58, v20  }
0x2b1: {  	v24 =	vand.u32 $0x1F80, v24;
	[tilespmem:v1+s19+$0x0] =	vst.idx.msk $0xffff, v35;
	v17 =	vand.u32 $0x3F, v9;
	v20 =	vld [tilespmem:$0x1FDB0]  }
0x2b2: {  	v1 =	vor.u32 v13, v24;
	v24 =	vld [tilespmem:$0x1FD20];
	v17 =	vor.u32 v58, v17;
	[tilespmem:v11+s19+$0x0] =	vst.idx.msk $0xffff, v16  }
0x2b3: {  	v23 =	vld.idx.msk [tilespmem:v44+s18+$0x0], $0xffff;
	[tilespmem:v5+s19+$0x0] =	vst.idx.msk $0xffff, v3;
	v3 =	vshll.u32 v18, $0x7  }
0x2b4: {  	[tilespmem:v7+s19+$0x0] =	vst.idx.msk $0xffff, v12;
	v7 =	vshll.u32 v9, $0x7;
	v9 =	vld.idx.msk [tilespmem:v14+s18+$0x0], $0xffff;
	v3 =	vand.u32 $0x1F80, v3  }
0x2b5: {  	v3 =	vor.u32 v15, v3;
	v14 =	vld.idx.msk [tilespmem:v19+s18+$0x0], $0xffff  }
0x2b6: {  	v47 =	vld.idx.msk [tilespmem:v46+s18+$0x0], $0xffff  }
0x2b7: {  	v54 =	vadd.s32 s14, v2;
	v52 =	vadd.s32 s14, v6;
	s16 =	sadd.s32 $0x7, s14;
	v24 =	vshll.u32 v24, $0x7;
	v5 =	vld.idx.msk [tilespmem:v17+s18+$0x0], $0xffff  }
0x2b8: {  	v53 =	vadd.s32 s14, v8;
	v60 =	vadd.s32 s16, v13;
	v24 =	vand.u32 $0x1F80, v24;
	v17 =	vld [tilespmem:$0x1FD10]  }
0x2b9: {  	v26 =	vadd.s32 s16, v8;
	v24 =	vor.u32 v15, v24;
	v11 =	vshll.u32 v38, $0x7;
	[tilespmem:v20+s19+$0x0] =	vst.idx.msk $0xffff, v23;
	v23 =	vld.idx.msk [tilespmem:v50+s18+$0x0], $0xffff  }
0x2ba: {  	v27 =	vadd.s32 s16, v10;
	v29 =	vadd.s32 s16, v6;
	v11 =	vand.u32 $0x1F80, v11;
	[tilespmem:v3+s19+$0x0] =	vst.idx.msk $0xffff, v14;
	v14 =	vld [tilespmem:$0x1FF70]  }
0x2bb: {  	v30 =	vadd.s32 s16, v2;
	v11 =	vor.u32 v15, v11;
	v7 =	vand.u32 $0x1F80, v7  }
0x2bc: {  	v61 =	vshll.u32 v27, $0x7;
	v27 =	vand.u32 $0x3F, v27;
	v7 =	vor.u32 v15, v7  }
0x2bd: {  	v42 =	vand.u32 $0x3F, v29;
	v29 =	vshll.u32 v29, $0x7;
	[tilespmem:v1+s19+$0x0] =	vst.idx.msk $0xffff, v47;
	v12 =	vadd.s32 s14, v15  }
0x2be: {  	v51 =	vld [tilespmem:$0x1FD90];
	v1 =	vshll.u32 v36, $0x7;
	[tilespmem:v24+s19+$0x0] =	vst.idx.msk $0xffff, v23;
	v24 =	vshll.u32 v12, $0x7;
	v12 =	vand.u32 $0x38, v12  }
0x2bf: {  	v63 =	vand.u32 $0x3F, v26;
	v1 =	vand.u32 $0x1F80, v1;
	v12 =	vor.u32 v14, v12;
	v14 =	vld [tilespmem:$0x1FF50]  }
0x2c0: {  	v26 =	vshll.u32 v26, $0x7;
	v46 =	vand.u32 $0x3F, v30;
	v1 =	vor.u32 v15, v1;
	v16 =	vld.idx.msk [tilespmem:v39+s18+$0x0], $0xffff;
	[tilespmem:v11+s19+$0x0] =	vst.idx.msk $0xffff, v9  }
0x2c1: {  	v30 =	vshll.u32 v30, $0x7;
	v32 =	vand.u32 $0x1F80, v61;
	v47 =	vor.u32 v49, v46;
	[tilespmem:v7+s19+$0x0] =	vst.idx.msk $0xffff, v5  }
0x2c2: {  	v46 =	vor.u32 v10, v32;
	v7 =	vshll.u32 v52, $0x7;
	[tilespmem:v17+s19+$0x0] =	vst.idx.msk $0xffff, v34;
	v17 =	vadd.s32 s14, v10;
	v20 =	vld [tilespmem:$0x1FD80]  }
0x2c3: {  	v9 =	vand.u32 $0x38, v17;
	[tilespmem:$0x1FCE0] =	vst v12;
	v12 =	vand.u32 $0x1F80, v24;
	v24 =	vand.u32 $0x1F80, v7;
	v7 =	vld [tilespmem:$0x1FF40]  }
0x2c4: {  	v62 =	vand.u32 $0x3F, v60;
	v18 =	vadd.s32 s14, v13;
	v9 =	vor.u32 v14, v9;
	v14 =	vld [tilespmem:$0x1FF60]  }
0x2c5: {  	v39 =	vor.u32 v43, v62;
	[tilespmem:v1+s19+$0x0] =	vst.idx.msk $0xffff, v16;
	v1 =	vand.u32 $0x38, v18;
	v16 =	vshll.u32 v18, $0x7  }
0x2c6: {  	s25 =	sadd.s32 $0x6, s14;
	v18 =	vand.u32 $0x38, v53;
	v16 =	vand.u32 $0x1F80, v16;
	v11 =	vshll.u32 v53, $0x7  }
0x2c7: {  	v53 =	vadd.s32 s25, v6;
	v11 =	vand.u32 $0x1F80, v11;
	v20 =	vshll.u32 v20, $0x7  }
0x2c8: {  	v32 =	vshll.u32 v53, $0x7;
	v5 =	vand.u32 $0x38, v52;
	v22 =	vld.idx.msk [tilespmem:v51+s18+$0x0], $0xffff;
	v20 =	vand.u32 $0x1F80, v20  }
0x2c9: {  	v20 =	vor.u32 v15, v20;
	v1 =	vor.u32 v14, v1;
	v14 =	vor.u32 v7, v18;
	v7 =	vld [tilespmem:$0x1FF20]  }
0x2ca: {  	v52 =	vadd.s32 s25, v15;
	v19 =	vadd.s32 s14, v4;
	v3 =	vshll.u32 v54, $0x7  }
0x2cb: {  	v55 =	vand.u32 $0x38, v19;
	v19 =	vshll.u32 v19, $0x7;
	v59 =	vand.u32 $0x1F80, v3;
	v3 =	vld [tilespmem:$0x1FFF0]  }
0x2cc: {  	v11 =	vor.u32 v8, v11;
	v35 =	vand.u32 $0x3F, v52;
	v19 =	vand.u32 $0x1F80, v19  }
0x2cd: {  	v28 =	vld [tilespmem:$0x1FF00];
	v35 =	vor.u32 v58, v35;
	v17 =	vshll.u32 v17, $0x7;
	v19 =	vor.u32 v4, v19  }
0x2ce: {  	v50 =	vand.u32 $0x1F80, v26;
	[tilespmem:v20+s19+$0x0] =	vst.idx.msk $0xffff, v22;
	v20 =	vadd.s32 s14, v0;
	v18 =	vor.u32 v7, v55;
	v7 =	vld [tilespmem:$0x1FF30]  }
0x2cf: {  	v22 =	vand.u32 $0x38, v54;
	v56 =	vand.u32 $0x38, v20;
	v20 =	vshll.u32 v20, $0x7  }
0x2d0: {  	v54 =	vadd.s32 s25, v8;
	v20 =	vand.u32 $0x1F80, v20;
	v23 =	vor.u32 v3, v56  }
0x2d1: {  	v3 =	vor.u32 v15, v12;
	v12 =	vor.u32 v0, v20;
	v20 =	vadd.s32 s16, v0  }
0x2d2: {  	v17 =	vand.u32 $0x1F80, v17;
	v33 =	vshll.u32 v54, $0x7;
	v25 =	vand.u32 $0x3F, v20  }
0x2d3: {  	[tilespmem:$0x1FCF0] =	vst v3;
	v3 =	vor.u32 v10, v17;
	v25 =	vor.u32 v28, v25;
	v5 =	vor.u32 v7, v5;
	v7 =	vld [tilespmem:$0x1FF10]  }
0x2d4: {  	v17 =	vor.u32 v2, v59;
	v59 =	vand.u32 $0x3F, v54;
	v28 =	vadd.s32 s16, v4  }
0x2d5: {  	v20 =	vshll.u32 v20, $0x7;
	v44 =	vand.u32 $0x3F, v28;
	v28 =	vshll.u32 v28, $0x7  }
0x2d6: {  	v37 =	vor.u32 v41, v59;
	v20 =	vand.u32 $0x1F80, v20;
	v23 =	vld.idx.msk [tilespmem:v23+s18+$0x0], $0xffff;
	v26 =	vand.u32 $0x1F80, v28  }
0x2d7: {  	v20 =	vor.u32 v0, v20;
	v28 =	vand.u32 $0x1F80, v29;
	v51 =	vor.u32 v4, v26  }
0x2d8: {  	v26 =	vor.u32 v6, v28;
	v28 =	vadd.s32 s25, v10;
	v25 =	vld.idx.msk [tilespmem:v25+s18+$0x0], $0xffff;
	v57 =	vor.u32 v7, v22  }
0x2d9: {  	v7 =	vor.u32 v13, v16;
	v16 =	vor.u32 v6, v24;
	v24 =	vadd.s32 s16, v15  }
0x2da: {  	v56 =	vshll.u32 v28, $0x7;
	v28 =	vand.u32 $0x3F, v28;
	v31 =	vand.u32 $0x3F, v24  }
0x2db: {  	v55 =	vadd.s32 s25, v2;
	[tilespmem:v12+s19+$0x0] =	vst.idx.msk $0xffff, v23;
	v24 =	vshll.u32 v24, $0x7;
	v31 =	vor.u32 v58, v31  }
0x2dc: {  	v12 =	vor.u32 v41, v63;
	v23 =	vor.u32 v8, v50;
	[tilespmem:$0x1FD00] =	vst v31;
	v31 =	vand.u32 $0x1F80, v24  }
0x2dd: {  	v62 =	vand.u32 $0x1F80, v56;
	[tilespmem:v20+s19+$0x0] =	vst.idx.msk $0xffff, v25;
	v20 =	vand.u32 $0x1F80, v30;
	v29 =	vor.u32 v15, v31;
	v21 =	vld.idx.msk [tilespmem:v57+s18+$0x0], $0xffff  }
0x2de: {  	v25 =	vor.u32 v48, v44;
	v20 =	vor.u32 v2, v20;
	v22 =	vshll.u32 v60, $0x7;
	[tilespmem:$0x1FD10] =	vst v29;
	v29 =	vld.idx.msk [tilespmem:v47+s18+$0x0], $0xffff  }
0x2df: {  	v30 =	vadd.s32 s25, v13;
	v60 =	vand.u32 $0x3F, v55;
	v22 =	vand.u32 $0x1F80, v22  }
0x2e0: {  	v59 =	vor.u32 v49, v60;
	v34 =	vor.u32 v13, v22;
	v24 =	vor.u32 v40, v27  }
0x2e1: {  	s16 =	sadd.s32 $0x5, s14;
	v27 =	vor.u32 v45, v42;
	v31 =	vadd.s32 s25, v4;
	v57 =	vand.u32 $0x3F, v30  }
0x2e2: {  	v30 =	vshll.u32 v30, $0x7;
	v47 =	vadd.s32 s16, v6;
	v63 =	vor.u32 v43, v57;
	[tilespmem:v17+s19+$0x0] =	vst.idx.msk $0xffff, v21  }
0x2e3: {  	v30 =	vand.u32 $0x1F80, v30;
	v17 =	vadd.s32 s25, v0;
	[tilespmem:v20+s19+$0x0] =	vst.idx.msk $0xffff, v29;
	v20 =	vshll.u32 v31, $0x7;
	v18 =	vld.idx.msk [tilespmem:v18+s18+$0x0], $0xffff  }
0x2e4: {  	v29 =	vand.u32 $0x3F, v53;
	v21 =	vshll.u32 v55, $0x7;
	v31 =	vand.u32 $0x3F, v31;
	v25 =	vld.idx.msk [tilespmem:v25+s18+$0x0], $0xffff  }
0x2e5: {  	v61 =	vand.u32 $0x3F, v17;
	v17 =	vshll.u32 v17, $0x7;
	v20 =	vand.u32 $0x1F80, v20  }
0x2e6: {  	s25 =	sadd.s32 $0x4, s14;
	v29 =	vor.u32 v45, v29;
	v21 =	vand.u32 $0x1F80, v21;
	v55 =	vor.u32 v48, v31  }
0x2e7: {  	v31 =	vand.u32 $0x3F, v47;
	v60 =	vadd.s32 s25, v8;
	v17 =	vand.u32 $0x1F80, v17  }
0x2e8: {  	v57 =	vor.u32 v2, v21;
	v21 =	vshll.u32 v47, $0x7;
	v56 =	vor.u32 v45, v31;
	[tilespmem:v19+s19+$0x0] =	vst.idx.msk $0xffff, v18  }
0x2e9: {  	v47 =	vadd.s32 s25, v13;
	v18 =	vand.u32 $0x1F80, v33;
	v19 =	vor.u32 v40, v28;
	[tilespmem:v51+s19+$0x0] =	vst.idx.msk $0xffff, v25  }
0x2ea: {  	v28 =	vand.u32 $0x1F80, v32;
	v33 =	vor.u32 v13, v30;
	v51 =	vor.u32 v4, v20;
	[tilespmem:$0x1FD50] =	vst v19;
	v19 =	vld.idx.msk [tilespmem:v5+s18+$0x0], $0xffff  }
0x2eb: {  	v20 =	vadd.s32 s16, v4;
	v25 =	vadd.s32 s16, v8;
	v5 =	vld [tilespmem:$0x1FF00];
	v38 =	vor.u32 v6, v28  }
0x2ec: {  	v22 =	vld.idx.msk [tilespmem:v27+s18+$0x0], $0xffff;
	v18 =	vor.u32 v8, v18;
	v27 =	vadd.s32 s16, v15;
	v50 =	vand.u32 $0x3F, v25  }
0x2ed: {  	v25 =	vshll.u32 v25, $0x7;
	[tilespmem:$0x1FD60] =	vst v18;
	v18 =	vor.u32 v10, v62;
	v62 =	vor.u32 v0, v17  }
0x2ee: {  	v17 =	vadd.s32 s16, v10;
	[tilespmem:$0x1FD80] =	vst v27;
	v27 =	vand.u32 $0x3F, v27;
	v50 =	vor.u32 v41, v50  }
0x2ef: {  	[tilespmem:$0x1FD70] =	vst v18;
	v18 =	vadd.s32 s16, v13;
	v28 =	vshll.u32 v17, $0x7;
	v17 =	vand.u32 $0x3F, v17  }
0x2f0: {  	v30 =	vand.u32 $0x3F, v18;
	v18 =	vshll.u32 v18, $0x7;
	v44 =	vor.u32 v40, v17;
	[tilespmem:v16+s19+$0x0] =	vst.idx.msk $0xffff, v19  }
0x2f1: {  	[tilespmem:$0x1FD20] =	vst v52;
	v18 =	vand.u32 $0x1F80, v18;
	v5 =	vor.u32 v5, v61;
	v16 =	vadd.s32 s16, v0;
	v14 =	vld.idx.msk [tilespmem:v14+s18+$0x0], $0xffff  }
0x2f2: {  	v19 =	vadd.s32 s16, v2;
	[tilespmem:v26+s19+$0x0] =	vst.idx.msk $0xffff, v22;
	v26 =	vshll.u32 v20, $0x7;
	v20 =	vand.u32 $0x3F, v20  }
0x2f3: {  	[tilespmem:$0x1FD40] =	vst v63;
	v0 =	vor.u32 v58, v27;
	v27 =	vand.u32 $0x1F80, v28;
	v18 =	vor.u32 v13, v18;
	v12 =	vld.idx.msk [tilespmem:v12+s18+$0x0], $0xffff  }
0x2f4: {  	v52 =	vand.u32 $0x3F, v19;
	[tilespmem:$0x1FD90] =	vst v0;
	v0 =	vor.u32 v43, v30;
	v36 =	vand.u32 $0x1F80, v26;
	v26 =	vld [tilespmem:$0x1FF00]  }
0x2f5: {  	v19 =	vshll.u32 v19, $0x7;
	v53 =	vand.u32 $0x3F, v16;
	v16 =	vshll.u32 v16, $0x7;
	[tilespmem:$0x1FDA0] =	vst v0  }
0x2f6: {  	v63 =	vor.u32 v48, v20;
	v42 =	vor.u32 v10, v27;
	v0 =	vlaneseq.u32;
	[tilespmem:v11+s19+$0x0] =	vst.idx.msk $0xffff, v14  }
0x2f7: {  	v16 =	vand.u32 $0x1F80, v16;
	v61 =	vor.u32 v4, v36;
	v36 =	vadd.s32 s25, v15;
	v17 =	vld.idx.msk [tilespmem:v9+s18+$0x0], $0xffff  }
0x2f8: {  	v11 =	vand.u32 $0x1F80, v25;
	[tilespmem:v23+s19+$0x0] =	vst.idx.msk $0xffff, v12;
	v14 =	vor.u32 v49, v52;
	v12 =	vand.u32 $0x1F80, v19  }
0x2f9: {  	v25 =	vor.u32 v26, v53;
	v53 =	vadd.s32 s25, v10;
	v9 =	vand.u32 $0x1F80, v21;
	v19 =	vld.idx.msk [tilespmem:v24+s18+$0x0], $0xffff  }
0x2fa: {  	[tilespmem:$0x1FD30] =	vst v35;
	v35 =	vor.u32 v8, v11;
	v24 =	vor.u32 v0, v16;
	v16 =	vadd.s32 s25, v4  }
0x2fb: {  	v20 =	vand.u32 $0x3F, v53;
	v54 =	vor.u32 v6, v9;
	v9 =	vor.u32 v2, v12  }
0x2fc: {  	v12 =	vadd.s32 s25, v2;
	v30 =	vand.u32 $0x3F, v16;
	v52 =	vor.u32 v40, v20;
	[tilespmem:v3+s19+$0x0] =	vst.idx.msk $0xffff, v17  }
0x2fd: {  	p2 =	slt.u32 s14, $0x38;
	[tilespmem:$0x1FDB0] =	vst v18;
	v27 =	vshll.u32 v12, $0x7;
	v12 =	vand.u32 $0x3F, v12;
	v3 =	vadd.s32 s25, v6;
	v18 =	vld.idx.msk [tilespmem:v1+s18+$0x0], $0xffff  }
.Ltmp3:
0x2fe: {  	v17 =	vand.u32 $0x3F, v36;
	[tilespmem:v46+s19+$0x0] =	vst.idx.msk $0xffff, v19;
	v19 =	vand.u32 $0x3F, v60;
	v46 =	vand.u32 $0x3F, v47;
	(pc) =	sbr.rel @p2 .LBB2_5-.Ltmp3, $4  }
0x2ff: {  	s16 =	sadd.s32 $0x3, s14;
	v1 =	vadd.s32 s25, v0;
	v48 =	vand.u32 $0x3F, v3;
	v46 =	vor.u32 v43, v46  }
0x300: {  	v11 =	vld.idx.msk [tilespmem:v39+s18+$0x0], $0xffff;
	v39 =	vor.u32 v58, v17;
	v17 =	vadd.s32 s16, v0;
	v58 =	vor.u32 v41, v19  }
0x301: {  	s25 =	sadd.s32 $0x2, s14;
	v49 =	vand.u32 $0x3F, v1;
	v28 =	vshll.u32 v1, $0x7;
	v1 =	vor.u32 v45, v48  }
0x302: {  	s15 =	sadd.s32 $0x1, s14;
	s14 =	sadd.s32 $0x8, s14;
	v19 =	vand.u32 $0x3F, v17;
	[tilespmem:v7+s19+$0x0] =	vst.idx.msk $0xffff, v18;
	v7 =	vadd.s32 s25, v0;
	v18 =	vor.u32 v26, v49  }
0x303: {  	_ = 	snop  }
0x304: {  	v20 =	vadd.s32 s15, v0  }
0x305: {  	v21 =	vand.u32 $0x3F, v7;
	v19 =	vor.u32 v26, v19;
	v48 =	vld [tilespmem:$0x1FFD0];
	v17 =	vshll.u32 v17, $0x7  }
0x306: {  	v49 =	vld [tilespmem:$0x1FFE0];
	v28 =	vand.u32 $0x1F80, v28;
	v22 =	vand.u32 $0x3F, v20;
	v21 =	vor.u32 v26, v21  }
0x307: {  	v5 =	vld.idx.msk [tilespmem:v5+s18+$0x0], $0xffff;
	v7 =	vshll.u32 v7, $0x7;
	v31 =	vadd.s32 s25, v2;
	v22 =	vor.u32 v26, v22  }
0x308: {  	v25 =	vld.idx.msk [tilespmem:v25+s18+$0x0], $0xffff;
	v17 =	vand.u32 $0x1F80, v17;
	v28 =	vor.u32 v0, v28;
	v20 =	vshll.u32 v20, $0x7  }
0x309: {  	v18 =	vld.idx.msk [tilespmem:v18+s18+$0x0], $0xffff;
	v7 =	vand.u32 $0x1F80, v7;
	v17 =	vor.u32 v0, v17;
	v0 =	vlaneseq.u32  }
0x30a: {  	v26 =	vadd.s32 s16, v2;
	v20 =	vand.u32 $0x1F80, v20;
	v7 =	vor.u32 v0, v7;
	v19 =	vld.idx.msk [tilespmem:v19+s18+$0x0], $0xffff  }
0x30b: {  	v23 =	vor.u32 v48, v30;
	v12 =	vor.u32 v49, v12;
	v30 =	vand.u32 $0x3F, v26;
	v21 =	vld.idx.msk [tilespmem:v21+s18+$0x0], $0xffff  }
0x30c: {  	v20 =	vor.u32 v0, v20;
	[tilespmem:v62+s19+$0x0] =	vst.idx.msk $0xffff, v5;
	v30 =	vor.u32 v49, v30;
	v22 =	vld.idx.msk [tilespmem:v22+s18+$0x0], $0xffff  }
0x30d: {  	v41 =	vadd.s32 s15, v2;
	v32 =	vand.u32 $0x3F, v31;
	[tilespmem:v24+s19+$0x0] =	vst.idx.msk $0xffff, v25;
	v59 =	vld.idx.msk [tilespmem:v59+s18+$0x0], $0xffff  }
0x30e: {  	v5 =	vand.u32 $0x3F, v41;
	v32 =	vor.u32 v49, v32;
	[tilespmem:v28+s19+$0x0] =	vst.idx.msk $0xffff, v18;
	v14 =	vld.idx.msk [tilespmem:v14+s18+$0x0], $0xffff  }
0x30f: {  	v27 =	vand.u32 $0x1F80, v27;
	v24 =	vor.u32 v49, v5;
	v18 =	vshll.u32 v26, $0x7;
	v5 =	vld [tilespmem:$0x1FCE0];
	[tilespmem:v17+s19+$0x0] =	vst.idx.msk $0xffff, v19  }
0x310: {  	v27 =	vor.u32 v2, v27;
	v17 =	vand.u32 $0x1F80, v18;
	[tilespmem:v7+s19+$0x0] =	vst.idx.msk $0xffff, v21;
	v7 =	vld.idx.msk [tilespmem:v12+s18+$0x0], $0xffff  }
0x311: {  	v16 =	vshll.u32 v16, $0x7;
	v25 =	vadd.s32 s16, v4;
	v17 =	vor.u32 v2, v17;
	[tilespmem:v20+s19+$0x0] =	vst.idx.msk $0xffff, v22;
	v20 =	vld.idx.msk [tilespmem:v30+s18+$0x0], $0xffff  }
0x312: {  	v43 =	vshll.u32 v41, $0x7;
	v26 =	vand.u32 $0x3F, v25;
	v12 =	vshll.u32 v31, $0x7  }
0x313: {  	v18 =	vor.u32 v48, v26;
	v19 =	vadd.s32 s25, v4;
	[tilespmem:v57+s19+$0x0] =	vst.idx.msk $0xffff, v59;
	v12 =	vand.u32 $0x1F80, v12;
	v26 =	vld.idx.msk [tilespmem:v32+s18+$0x0], $0xffff  }
0x314: {  	v21 =	vand.u32 $0x1F80, v43;
	[tilespmem:v9+s19+$0x0] =	vst.idx.msk $0xffff, v14;
	v14 =	vand.u32 $0x1F80, v16;
	v16 =	vld.idx.msk [tilespmem:v55+s18+$0x0], $0xffff;
	v12 =	vor.u32 v2, v12  }
0x315: {  	v25 =	vshll.u32 v25, $0x7;
	v45 =	vand.u32 $0x3F, v19;
	v21 =	vor.u32 v2, v21;
	v24 =	vld.idx.msk [tilespmem:v24+s18+$0x0], $0xffff;
	[tilespmem:v27+s19+$0x0] =	vst.idx.msk $0xffff, v7  }
0x316: {  	v22 =	vor.u32 v48, v45;
	v7 =	vor.u32 v4, v14;
	v14 =	vld.idx.msk [tilespmem:v63+s18+$0x0], $0xffff;
	[tilespmem:v17+s19+$0x0] =	vst.idx.msk $0xffff, v20  }
0x317: {  	v28 =	vadd.s32 s15, v4;
	v17 =	vand.u32 $0x1F80, v25;
	v25 =	vld [tilespmem:$0x1FFC0]  }
0x318: {  	v30 =	vand.u32 $0x3F, v28;
	v23 =	vld.idx.msk [tilespmem:v23+s18+$0x0], $0xffff  }
0x319: {  	v3 =	vshll.u32 v3, $0x7;
	v30 =	vor.u32 v48, v30;
	[tilespmem:v12+s19+$0x0] =	vst.idx.msk $0xffff, v26  }
0x31a: {  	v9 =	vadd.s32 s16, v6;
	v12 =	vshll.u32 v19, $0x7;
	v18 =	vld.idx.msk [tilespmem:v18+s18+$0x0], $0xffff;
	v17 =	vor.u32 v4, v17;
	[tilespmem:v21+s19+$0x0] =	vst.idx.msk $0xffff, v24  }
0x31b: {  	v3 =	vand.u32 $0x1F80, v3;
	v31 =	vand.u32 $0x3F, v9;
	[tilespmem:v51+s19+$0x0] =	vst.idx.msk $0xffff, v16;
	v22 =	vld.idx.msk [tilespmem:v22+s18+$0x0], $0xffff;
	v12 =	vand.u32 $0x1F80, v12  }
0x31c: {  	v12 =	vor.u32 v4, v12;
	[tilespmem:v61+s19+$0x0] =	vst.idx.msk $0xffff, v14;
	v14 =	vld.idx.msk [tilespmem:v29+s18+$0x0], $0xffff;
	v20 =	vor.u32 v25, v31  }
0x31d: {  	v3 =	vor.u32 v6, v3;
	v57 =	vshll.u32 v28, $0x7;
	[tilespmem:v7+s19+$0x0] =	vst.idx.msk $0xffff, v23;
	v7 =	vld.idx.msk [tilespmem:v56+s18+$0x0], $0xffff  }
0x31e: {  	v9 =	vshll.u32 v9, $0x7;
	v19 =	vadd.s32 s25, v6;
	v21 =	vand.u32 $0x1F80, v57;
	v31 =	vmovc v25;
	v25 =	vld.idx.msk [tilespmem:v30+s18+$0x0], $0xffff  }
0x31f: {  	v26 =	vadd.s32 s15, v6;
	v24 =	vand.u32 $0x3F, v19;
	v21 =	vor.u32 v4, v21;
	[tilespmem:v17+s19+$0x0] =	vst.idx.msk $0xffff, v18;
	v1 =	vld.idx.msk [tilespmem:v1+s18+$0x0], $0xffff  }
0x320: {  	v9 =	vand.u32 $0x1F80, v9;
	v27 =	vand.u32 $0x3F, v26;
	v24 =	vor.u32 v31, v24;
	v45 =	vld [tilespmem:$0x1FF90]  }
0x321: {  	v9 =	vor.u32 v6, v9;
	v16 =	vor.u32 v31, v27;
	[tilespmem:v12+s19+$0x0] =	vst.idx.msk $0xffff, v22;
	v20 =	vld.idx.msk [tilespmem:v20+s18+$0x0], $0xffff  }
0x322: {  	[tilespmem:v38+s19+$0x0] =	vst.idx.msk $0xffff, v14  }
0x323: {  	v12 =	vshll.u32 v19, $0x7;
	[tilespmem:v54+s19+$0x0] =	vst.idx.msk $0xffff, v7  }
0x324: {  	v59 =	vshll.u32 v26, $0x7;
	v12 =	vand.u32 $0x1F80, v12;
	[tilespmem:v21+s19+$0x0] =	vst.idx.msk $0xffff, v25  }
0x325: {  	v12 =	vor.u32 v6, v12;
	v21 =	vand.u32 $0x1F80, v59;
	[tilespmem:v3+s19+$0x0] =	vst.idx.msk $0xffff, v1;
	v22 =	vld.idx.msk [tilespmem:v24+s18+$0x0], $0xffff  }
0x326: {  	v16 =	vld.idx.msk [tilespmem:v16+s18+$0x0], $0xffff;
	v21 =	vor.u32 v6, v21;
	[tilespmem:v9+s19+$0x0] =	vst.idx.msk $0xffff, v20  }
0x327: {  	v40 =	vld [tilespmem:$0x1FFB0]  }
0x328: {  	v18 =	vshll.u32 v60, $0x7;
	v27 =	vadd.s32 s16, v8;
	v24 =	vadd.s32 s15, v8  }
0x329: {  	v18 =	vand.u32 $0x1F80, v18;
	v28 =	vand.u32 $0x3F, v27;
	v25 =	vand.u32 $0x3F, v24  }
0x32a: {  	v19 =	vadd.s32 s25, v8;
	v14 =	vor.u32 v45, v25;
	v25 =	vadd.s32 s16, v10;
	[tilespmem:v12+s19+$0x0] =	vst.idx.msk $0xffff, v22  }
0x32b: {  	v26 =	vshll.u32 v27, $0x7;
	v60 =	vand.u32 $0x3F, v19;
	v27 =	vand.u32 $0x3F, v25;
	[tilespmem:v21+s19+$0x0] =	vst.idx.msk $0xffff, v16  }
0x32c: {  	v1 =	vor.u32 v8, v18;
	v17 =	vor.u32 v45, v28;
	v18 =	vor.u32 v40, v27;
	v27 =	vld [tilespmem:$0x1FD60]  }
0x32d: {  	v23 =	vor.u32 v45, v60  }
0x32e: {  	v3 =	vld.idx.msk [tilespmem:v50+s18+$0x0], $0xffff  }
0x32f: {  	v7 =	vld.idx.msk [tilespmem:v37+s18+$0x0], $0xffff  }
0x330: {  	v9 =	vand.u32 $0x1F80, v26;
	v20 =	vld.idx.msk [tilespmem:v58+s18+$0x0], $0xffff;
	v12 =	vshll.u32 v19, $0x7  }
0x331: {  	v17 =	vld.idx.msk [tilespmem:v17+s18+$0x0], $0xffff;
	v9 =	vor.u32 v8, v9;
	v16 =	vshll.u32 v24, $0x7;
	v12 =	vand.u32 $0x1F80, v12  }
0x332: {  	v61 =	vld.idx.msk [tilespmem:v23+s18+$0x0], $0xffff;
	v16 =	vand.u32 $0x1F80, v16;
	v12 =	vor.u32 v8, v12  }
0x333: {  	v14 =	vld.idx.msk [tilespmem:v14+s18+$0x0], $0xffff;
	v16 =	vor.u32 v8, v16;
	[tilespmem:v35+s19+$0x0] =	vst.idx.msk $0xffff, v3  }
0x334: {  	[tilespmem:v27+s19+$0x0] =	vst.idx.msk $0xffff, v7  }
0x335: {  	v3 =	vld [tilespmem:$0x1FD50];
	[tilespmem:v1+s19+$0x0] =	vst.idx.msk $0xffff, v20  }
0x336: {  	[tilespmem:v9+s19+$0x0] =	vst.idx.msk $0xffff, v17  }
0x337: {  	v43 =	vld [tilespmem:$0x1FFA0];
	[tilespmem:v12+s19+$0x0] =	vst.idx.msk $0xffff, v61  }
0x338: {  	[tilespmem:v16+s19+$0x0] =	vst.idx.msk $0xffff, v14  }
0x339: {  	[tilespmem:v34+s19+$0x0] =	vst.idx.msk $0xffff, v11  }
0x33a: {  	v19 =	vadd.s32 s25, v10;
	v35 =	vld [tilespmem:$0x1FD70]  }
0x33b: {  	v63 =	vadd.s32 s15, v10;
	v62 =	vand.u32 $0x3F, v19  }
0x33c: {  	v26 =	vshll.u32 v53, $0x7;
	v24 =	vand.u32 $0x3F, v63;
	v22 =	vor.u32 v40, v62;
	v20 =	vld.idx.msk [tilespmem:v44+s18+$0x0], $0xffff  }
0x33d: {  	v25 =	vshll.u32 v25, $0x7;
	v26 =	vand.u32 $0x1F80, v26;
	v7 =	vor.u32 v40, v24;
	v3 =	vld.idx.msk [tilespmem:v3+s18+$0x0], $0xffff  }
0x33e: {  	v1 =	vor.u32 v10, v26;
	v9 =	vand.u32 $0x1F80, v25;
	v25 =	vld.idx.msk [tilespmem:v52+s18+$0x0], $0xffff  }
0x33f: {  	v12 =	vshll.u32 v19, $0x7;
	v18 =	vld.idx.msk [tilespmem:v18+s18+$0x0], $0xffff;
	v9 =	vor.u32 v10, v9  }
0x340: {  	v14 =	vshll.u32 v63, $0x7;
	v12 =	vand.u32 $0x1F80, v12  }
0x341: {  	v16 =	vld.idx.msk [tilespmem:v22+s18+$0x0], $0xffff;
	v11 =	vand.u32 $0x1F80, v14;
	v12 =	vor.u32 v10, v12;
	[tilespmem:v42+s19+$0x0] =	vst.idx.msk $0xffff, v20  }
0x342: {  	v11 =	vor.u32 v10, v11;
	v7 =	vld.idx.msk [tilespmem:v7+s18+$0x0], $0xffff;
	[tilespmem:v35+s19+$0x0] =	vst.idx.msk $0xffff, v3  }
0x343: {  	v20 =	vld [tilespmem:$0x1FD40];
	[tilespmem:v1+s19+$0x0] =	vst.idx.msk $0xffff, v25  }
0x344: {  	v44 =	vld [tilespmem:$0x1FDA0];
	[tilespmem:v9+s19+$0x0] =	vst.idx.msk $0xffff, v18  }
0x345: {  	v58 =	vld [tilespmem:$0x1FF80]  }
0x346: {  	v25 =	vld [tilespmem:$0x1FD20];
	[tilespmem:v12+s19+$0x0] =	vst.idx.msk $0xffff, v16  }
0x347: {  	v19 =	vadd.s32 s25, v13;
	[tilespmem:v11+s19+$0x0] =	vst.idx.msk $0xffff, v7  }
0x348: {  	v32 =	vand.u32 $0x3F, v19;
	v12 =	vshll.u32 v19, $0x7;
	v19 =	vld [tilespmem:$0x1FCF0];
	_ =	sdelay $0x2  }
0x349: {  	v5 =	vld.idx.msk [tilespmem:v5+s18+$0x0], $0xffff  }
0x34a: {  	v20 =	vld.idx.msk [tilespmem:v20+s18+$0x0], $0xffff;
	_ =	sdelay $0x2  }
0x34b: {  	v24 =	vadd.s32 s16, v13  }
0x34c: {  	v27 =	vand.u32 $0x3F, v24;
	v24 =	vshll.u32 v24, $0x7;
	[tilespmem:v19+s19+$0x0] =	vst.idx.msk $0xffff, v5  }
0x34d: {  	v9 =	vand.u32 $0x1F80, v24;
	v24 =	vld.idx.msk [tilespmem:v46+s18+$0x0], $0xffff;
	[tilespmem:v33+s19+$0x0] =	vst.idx.msk $0xffff, v20  }
0x34e: {  	v14 =	vadd.s32 s15, v13;
	v17 =	vor.u32 v43, v27;
	v46 =	vld [tilespmem:$0x1FDB0]  }
0x34f: {  	v34 =	vand.u32 $0x3F, v14;
	v21 =	vor.u32 v43, v32  }
0x350: {  	v3 =	vor.u32 v43, v34  }
0x351: {  	v26 =	vshll.u32 v47, $0x7;
	v23 =	vld.idx.msk [tilespmem:v44+s18+$0x0], $0xffff  }
0x352: {  	v38 =	vand.u32 $0x1F80, v26  }
0x353: {  	v1 =	vor.u32 v13, v38;
	v17 =	vld.idx.msk [tilespmem:v17+s18+$0x0], $0xffff  }
0x354: {  	v9 =	vor.u32 v13, v9;
	v7 =	vshll.u32 v14, $0x7;
	v11 =	vld.idx.msk [tilespmem:v21+s18+$0x0], $0xffff;
	v12 =	vand.u32 $0x1F80, v12  }
0x355: {  	v3 =	vld.idx.msk [tilespmem:v3+s18+$0x0], $0xffff;
	v12 =	vor.u32 v13, v12;
	v5 =	vand.u32 $0x1F80, v7  }
0x356: {  	v5 =	vor.u32 v13, v5;
	v20 =	vld [tilespmem:$0x1FD00];
	[tilespmem:v46+s19+$0x0] =	vst.idx.msk $0xffff, v23  }
0x357: {  	v25 =	vshll.u32 v25, $0x7;
	v21 =	vld [tilespmem:$0x1FD80]  }
0x358: {  	v47 =	vand.u32 $0x1F80, v25;
	v25 =	vld [tilespmem:$0x1FD30];
	[tilespmem:v1+s19+$0x0] =	vst.idx.msk $0xffff, v24  }
0x359: {  	v37 =	vadd.s32 s16, v15;
	v24 =	vld [tilespmem:$0x1FD90];
	[tilespmem:v9+s19+$0x0] =	vst.idx.msk $0xffff, v17  }
0x35a: {  	v26 =	vand.u32 $0x3F, v37;
	v16 =	vadd.s32 s25, v15;
	[tilespmem:v12+s19+$0x0] =	vst.idx.msk $0xffff, v11  }
0x35b: {  	v14 =	vand.u32 $0x3F, v16;
	v18 =	vor.u32 v58, v26;
	v11 =	vshll.u32 v16, $0x7;
	[tilespmem:v5+s19+$0x0] =	vst.idx.msk $0xffff, v3  }
0x35c: {  	v14 =	vor.u32 v58, v14;
	v1 =	vshll.u32 v36, $0x7;
	v5 =	vand.u32 $0x1F80, v11;
	v11 =	vld [tilespmem:$0x1FD10]  }
0x35d: {  	v7 =	vadd.s32 s15, v15;
	v1 =	vand.u32 $0x1F80, v1  }
0x35e: {  	v19 =	vand.u32 $0x3F, v7;
	v9 =	vshll.u32 v37, $0x7;
	v50 =	vld.idx.msk [tilespmem:v39+s18+$0x0], $0xffff;
	v1 =	vor.u32 v15, v1  }
0x35f: {  	v19 =	vor.u32 v58, v19;
	v20 =	vld.idx.msk [tilespmem:v20+s18+$0x0], $0xffff;
	v9 =	vand.u32 $0x1F80, v9  }
0x360: {  	v3 =	vshll.u32 v7, $0x7;
	v12 =	vld.idx.msk [tilespmem:v18+s18+$0x0], $0xffff;
	v7 =	vor.u32 v15, v9  }
0x361: {  	v9 =	vld.idx.msk [tilespmem:v14+s18+$0x0], $0xffff;
	v5 =	vor.u32 v15, v5;
	v21 =	vshll.u32 v21, $0x7  }
0x362: {  	v23 =	vor.u32 v15, v47;
	v21 =	vand.u32 $0x1F80, v21;
	v25 =	vld.idx.msk [tilespmem:v25+s18+$0x0], $0xffff  }
0x363: {  	v3 =	vand.u32 $0x1F80, v3;
	v17 =	vor.u32 v15, v21;
	[tilespmem:v1+s19+$0x0] =	vst.idx.msk $0xffff, v50;
	v24 =	vld.idx.msk [tilespmem:v24+s18+$0x0], $0xffff  }
0x364: {  	s14 =	sadd.s32 s5, s6;
	v3 =	vor.u32 v15, v3;
	[tilespmem:v11+s19+$0x0] =	vst.idx.msk $0xffff, v20;
	v11 =	vld.idx.msk [tilespmem:v19+s18+$0x0], $0xffff  }
0x365: {  	s16 =	sshll.u32 s14, $0xA;
	s25 =	sshll.u32 s6, $0xF;
	[tilespmem:v7+s19+$0x0] =	vst.idx.msk $0xffff, v12  }
0x366: {  	s14 =	sshll.u32 s14, $0x4;
	s6 =	sand.u32 $0x28000, s25;
	s15 =	sand.u32 $0xFFC0000, s16;
	[tilespmem:v5+s19+$0x0] =	vst.idx.msk $0xffff, v9  }
0x367: {  	s14 =	sand.u32 $0xF80, s14;
	s6 =	sor.u32 s6, s15;
	[tilespmem:v23+s19+$0x0] =	vst.idx.msk $0xffff, v25  }
0x368: {  	s6 =	sor.u32 s14, s6;
	[tilespmem:v17+s19+$0x0] =	vst.idx.msk $0xffff, v24  }
0x369: {  	s14 =	sadd.s32 s2, s6;
	[tilespmem:v3+s19+$0x0] =	vst.idx.msk $0xffff, v11  }
0x36a: {  	[hbm4b:s14+s3] =	stream.linear.scatter [tilespmem:s19], [sflag:$0x6], $0x400, $0x38;
	[tilespmem:$0x16400] =	vst v63  }
0x36b: {  	s25 =	simm.s32 $0x10800;
	s16 =	sadd.s32 s6, s7  }
0x36c: {  	[hbm4b:s16+s3] =	stream.linear.scatter [tilespmem:s25], [sflag:$0x6], $0x400, $0x38;
	[tilespmem:$0x16400] =	vst v63  }
0x36d: {  	s16 =	sadd.s32 s6, s8;
	s25 =	simm.s32 $0x10C00  }
0x36e: {  	[hbm4b:s16+s3] =	stream.linear.scatter [tilespmem:s25], [sflag:$0x6], $0x400, $0x38;
	[tilespmem:$0x16400] =	vst v63  }
0x36f: {  	s16 =	sadd.s32 s6, s9;
	s25 =	simm.s32 $0x11000  }
0x370: {  	[hbm4b:s16+s3] =	stream.linear.scatter [tilespmem:s25], [sflag:$0x6], $0x400, $0x38;
	[tilespmem:$0x16400] =	vst v63  }
0x371: {  	s16 =	sadd.s32 s6, s10;
	s25 =	simm.s32 $0x11400  }
0x372: {  	[hbm4b:s16+s3] =	stream.linear.scatter [tilespmem:s25], [sflag:$0x6], $0x400, $0x38;
	[tilespmem:$0x16400] =	vst v63  }
0x373: {  	s16 =	sadd.s32 s6, s11;
	s25 =	simm.s32 $0x11800  }
0x374: {  	[hbm4b:s16+s3] =	stream.linear.scatter [tilespmem:s25], [sflag:$0x6], $0x400, $0x38;
	[tilespmem:$0x16400] =	vst v63  }
0x375: {  	s16 =	sadd.s32 s6, s12;
	s25 =	simm.s32 $0x11C00  }
0x376: {  	[hbm4b:s16+s3] =	stream.linear.scatter [tilespmem:s25], [sflag:$0x6], $0x400, $0x38;
	[tilespmem:$0x16400] =	vst v63  }
0x377: {  	s15 =	simm.s32 $0x12000;
	s6 =	sadd.s32 s6, s13  }
0x378: {  	[hbm4b:s6+s3] =	stream.linear.scatter [tilespmem:s15], [sflag:$0x6], $0x400, $0x38;
	[tilespmem:$0x16400] =	vst v63  }
0x379: {  	s14 =	simm.s32 @!p1 $0x80;
	s6 =	sadd.s32 @!p1 $0x280, s21;
	s15 =	simm.s32 @!p1 $0x8400  }
0x37a: {  	[tilespmem:s15], [sflag:$0x2] =	stream.indirect.gather @!p1 [hbm4b:s4+s14], $0x40, s6, s14, $0xb8;
	[tilespmem:$0x16400] =	vst v63  }
0x37b: {  	_ =	swait.ge [sflag:s29], $0x2000  }
0x37c: {  	[sflag:s29] =	ssyncset.done $0x0  }
0x37d: {  	s6 =	simm.s32 @!p0 $0x7;
	[sflag:s29] =	ssyncadd.s32 $0xFFFFE000  }
0x37e: {  	_ =	swait.ge @!p0 [sflag:s6], $0x400  }
0x37f: {  	[sflag:s6] =	ssyncset.done @!p0 $0x0  }
0x380: {  	s16 =	simm.s32 $0x0;
	[sflag:s6] =	ssyncadd.s32 @!p0 $0xFFFFFC00  }
0x381: {  	v3 =	vadd.s32 s16, v10;
	_ =	swait.ge @!p0 [sflag:s6], $0x400  }
0x382: {  	v19 =	vand.u32 $0x38, v3;
	v20 =	vshll.u32 v3, $0x7;
	v3 =	vld [tilespmem:$0x1FF70];
	_ =	sdelay $0x2  }
0x383: {  	v1 =	vadd.s32 s16, v15  }
0x384: {  	v16 =	vshll.u32 v1, $0x7;
	v1 =	vand.u32 $0x38, v1  }
0x385: {  	[sflag:s6] =	ssyncset.done @!p0 $0x0;
	v1 =	vor.u32 v3, v1  }
0x386: {  	[sflag:s6] =	ssyncadd.s32 @!p0 $0xFFFFFC00;
	[tilespmem:$0x1FBD0] =	vst v1  }
0x387: {  	_ =	swait.ge @!p0 [sflag:s6], $0x400  }
0x388: {  	v1 =	vld [tilespmem:$0x1FF50]  }
0x389: {  	v14 =	vadd.s32 s16, v2  }
0x38a: {  	v52 =	vshll.u32 v14, $0x7;
	v26 =	vand.u32 $0x38, v14;
	v14 =	vld [tilespmem:$0x1FF40];
	_ =	sdelay $0x2  }
0x38b: {  	v11 =	vadd.s32 s16, v8;
	v3 =	vor.u32 v1, v19;
	v1 =	vld [tilespmem:$0x1FF60]  }
0x38c: {  	v18 =	vshll.u32 v11, $0x7;
	v11 =	vand.u32 $0x38, v11  }
0x38d: {  	v5 =	vadd.s32 s16, v13;
	v14 =	vor.u32 v14, v11;
	v11 =	vand.u32 $0x1F80, v18;
	v18 =	vld [tilespmem:$0x1FF30]  }
0x38e: {  	v17 =	vand.u32 $0x38, v5;
	v5 =	vshll.u32 v5, $0x7;
	[sflag:s6] =	ssyncset.done @!p0 $0x0  }
0x38f: {  	v7 =	vadd.s32 s16, v4;
	v9 =	vadd.s32 s16, v6;
	v5 =	vand.u32 $0x1F80, v5;
	[sflag:s6] =	ssyncadd.s32 @!p0 $0xFFFFFC00  }
0x390: {  	v16 =	vand.u32 $0x1F80, v16;
	v5 =	vor.u32 v13, v5;
	v1 =	vor.u32 v1, v17;
	v17 =	vld [tilespmem:$0x1FF20];
	_ =	swait.ge @!p0 [sflag:s6], $0x400  }
0x391: {  	s25 =	simm.s32 $0x7;
	v12 =	vadd.s32 s16, v0;
	v51 =	vand.u32 $0x38, v9;
	[sflag:s6] =	ssyncset.done @!p0 $0x0;
	[tilespmem:$0x1FCC0] =	vst v5;
	v5 =	vor.u32 v15, v16  }
0x392: {  	v55 =	vadd.s32 s25, v15;
	v29 =	vadd.s32 s25, v2;
	v24 =	vor.u32 v18, v51;
	v18 =	vld [tilespmem:$0x1FF10];
	[tilespmem:$0x1FBE0] =	vst v5;
	[sflag:s6] =	ssyncadd.s32 @!p0 $0xFFFFFC00  }
0x393: {  	v9 =	vshll.u32 v9, $0x7;
	v53 =	vand.u32 $0x38, v7;
	v7 =	vshll.u32 v7, $0x7;
	v54 =	vld [tilespmem:$0x1FFF0];
	_ =	swait.ge @!p0 [sflag:s6], $0x400  }
0x394: {  	v25 =	vand.u32 $0x38, v12;
	v12 =	vshll.u32 v12, $0x7;
	v30 =	vand.u32 $0x3F, v55;
	[sflag:s6] =	ssyncset.done @!p0 $0x0  }
0x395: {  	v22 =	vshll.u32 v55, $0x7;
	v9 =	vand.u32 $0x1F80, v9;
	v7 =	vand.u32 $0x1F80, v7;
	[sflag:s6] =	ssyncadd.s32 @!p0 $0xFFFFFC00  }
0x396: {  	v12 =	vand.u32 $0x1F80, v12;
	v19 =	vand.u32 $0x1F80, v20;
	v20 =	vand.u32 $0x1F80, v52;
	_ =	swait.ge @!p0 [sflag:s6], $0x400  }
0x397: {  	v16 =	vor.u32 v6, v9;
	v9 =	vor.u32 v8, v11;
	v11 =	vor.u32 v10, v19;
	[sflag:s6] =	ssyncset.done @!p0 $0x0  }
0x398: {  	v19 =	vor.u32 v4, v7;
	v7 =	vadd.s32 s25, v0;
	v5 =	vor.u32 v0, v12;
	[sflag:s6] =	ssyncadd.s32 @!p0 $0xFFFFFC00  }
0x399: {  	v12 =	vor.u32 v2, v20;
	v56 =	vand.u32 $0x3F, v7;
	v7 =	vshll.u32 v7, $0x7;
	v27 =	vld [tilespmem:$0x1FF00];
	_ =	swait.ge @!p0 [sflag:s6], $0x400  }
0x39a: {  	v20 =	vadd.s32 s25, v13;
	v7 =	vand.u32 $0x1F80, v7;
	v21 =	vor.u32 v54, v25;
	[sflag:s6] =	ssyncset.done @!p0 $0x0  }
0x39b: {  	v57 =	vand.u32 $0x3F, v20;
	v63 =	vor.u32 v0, v7;
	v7 =	vand.u32 $0x3F, v29;
	[sflag:s6] =	ssyncadd.s32 @!p0 $0xFFFFFC00  }
0x39c: {  	v50 =	vor.u32 v49, v7;
	v7 =	vor.u32 v58, v30;
	v18 =	vor.u32 v18, v26;
	_ =	swait.ge @!p0 [sflag:s6], $0x400  }
0x39d: {  	v25 =	vadd.s32 s25, v8;
	v26 =	vadd.s32 s25, v10;
	[sflag:s6] =	ssyncset.done @!p0 $0x0;
	[tilespmem:$0x1FBF0] =	vst v7;
	v7 =	vor.u32 v43, v57  }
0x39e: {  	v41 =	vmovc v31;
	v22 =	vand.u32 $0x1F80, v22;
	v31 =	vshll.u32 v26, $0x7;
	v59 =	vand.u32 $0x3F, v25;
	[sflag:s6] =	ssyncadd.s32 @!p0 $0xFFFFFC00;
	[tilespmem:$0x1FCB0] =	vst v7  }
0x39f: {  	v25 =	vshll.u32 v25, $0x7;
	v26 =	vand.u32 $0x3F, v26;
	v23 =	vor.u32 v27, v56;
	v21 =	vld.idx.msk [tilespmem:v21+s20+$0x0], $0xffff  }
0x3a0: {  	v30 =	vand.u32 $0x1F80, v31;
	v25 =	vand.u32 $0x1F80, v25;
	v27 =	vadd.s32 s25, v4  }
0x3a1: {  	v61 =	vand.u32 $0x3F, v27;
	v62 =	vshll.u32 v27, $0x7;
	v7 =	vor.u32 v15, v22  }
0x3a2: {  	v27 =	vor.u32 v40, v26;
	v26 =	vand.u32 $0x1F80, v62;
	[tilespmem:$0x1FC00] =	vst v7;
	v7 =	vor.u32 v10, v30  }
0x3a3: {  	v22 =	vor.u32 v8, v25;
	v25 =	vor.u32 v4, v26;
	v26 =	vld [tilespmem:$0x1FF00];
	[tilespmem:$0x1FCA0] =	vst v7  }
0x3a4: {  	v28 =	vadd.s32 s25, v6;
	v23 =	vld.idx.msk [tilespmem:v23+s20+$0x0], $0xffff;
	[tilespmem:v5+s30+$0x0] =	vst.idx.msk $0xffff, v21  }
0x3a5: {  	v60 =	vand.u32 $0x3F, v28;
	v20 =	vshll.u32 v20, $0x7;
	v29 =	vshll.u32 v29, $0x7;
	v18 =	vld.idx.msk [tilespmem:v18+s20+$0x0], $0xffff  }
0x3a6: {  	s15 =	simm.s32 $0x6;
	v20 =	vand.u32 $0x1F80, v20;
	v17 =	vor.u32 v17, v53;
	v29 =	vand.u32 $0x1F80, v29  }
0x3a7: {  	v34 =	vor.u32 v13, v20;
	v53 =	vadd.s32 s15, v13;
	v54 =	vadd.s32 s15, v15  }
0x3a8: {  	v20 =	vor.u32 v2, v29;
	v29 =	vadd.s32 s15, v4;
	v37 =	vand.u32 $0x3F, v54;
	[tilespmem:$0x1FC10] =	vst v54  }
0x3a9: {  	v42 =	vor.u32 v45, v59;
	v31 =	vor.u32 v41, v60;
	v56 =	vadd.s32 s15, v0;
	[tilespmem:v63+s30+$0x0] =	vst.idx.msk $0xffff, v23  }
0x3aa: {  	v0 =	vand.u32 $0x3F, v29;
	v62 =	vshll.u32 v29, $0x7;
	v5 =	vadd.s32 s15, v10;
	v39 =	vld.idx.msk [tilespmem:v50+s20+$0x0], $0xffff;
	[tilespmem:v12+s30+$0x0] =	vst.idx.msk $0xffff, v18  }
0x3ab: {  	v29 =	vor.u32 v58, v37;
	v59 =	vshll.u32 v5, $0x7;
	v5 =	vand.u32 $0x3F, v5;
	v17 =	vld.idx.msk [tilespmem:v17+s20+$0x0], $0xffff  }
0x3ac: {  	v60 =	vand.u32 $0x3F, v53;
	v32 =	vor.u32 v48, v61;
	v5 =	vor.u32 v40, v5;
	[tilespmem:$0x1FC20] =	vst v29  }
0x3ad: {  	v55 =	vadd.s32 s15, v8;
	v29 =	vor.u32 v43, v60;
	[tilespmem:$0x1FC40] =	vst v5  }
0x3ae: {  	v33 =	vshll.u32 v55, $0x7;
	v52 =	vmovc v41;
	v51 =	vmovc v45;
	v57 =	vadd.s32 s15, v2;
	v61 =	vand.u32 $0x3F, v55;
	[tilespmem:$0x1FC30] =	vst v29  }
0x3af: {  	v37 =	vor.u32 v51, v61;
	v7 =	vmovc v51;
	v51 =	vand.u32 $0x1F80, v33;
	v41 =	vand.u32 $0x1F80, v59;
	[tilespmem:v20+s30+$0x0] =	vst.idx.msk $0xffff, v39  }
0x3b0: {  	v12 =	vand.u32 $0x3F, v57;
	v18 =	vshll.u32 v57, $0x7;
	[tilespmem:v19+s30+$0x0] =	vst.idx.msk $0xffff, v17;
	v19 =	vor.u32 v8, v51  }
0x3b1: {  	v59 =	vor.u32 v49, v12;
	v12 =	vand.u32 $0x1F80, v18;
	v18 =	vld.idx.msk [tilespmem:v32+s20+$0x0], $0xffff;
	[tilespmem:$0x1FC50] =	vst v19;
	v19 =	vor.u32 v10, v41  }
0x3b2: {  	[tilespmem:$0x1FC60] =	vst v19  }
0x3b3: {  	v57 =	vor.u32 v2, v12;
	v12 =	vld.idx.msk [tilespmem:v24+s20+$0x0], $0xffff  }
0x3b4: {  	v30 =	vadd.s32 s15, v6  }
0x3b5: {  	s16 =	simm.s32 $0x5;
	v28 =	vshll.u32 v28, $0x7;
	v63 =	vand.u32 $0x3F, v30  }
0x3b6: {  	v28 =	vand.u32 $0x1F80, v28;
	v45 =	vmovc v52;
	v29 =	vor.u32 v52, v63;
	v52 =	vadd.s32 s16, v15  }
0x3b7: {  	v28 =	vor.u32 v6, v28;
	v35 =	vshll.u32 v56, $0x7;
	v30 =	vshll.u32 v30, $0x7;
	[tilespmem:$0x1FC70] =	vst v52  }
0x3b8: {  	v55 =	vor.u32 v48, v0;
	v0 =	vlaneseq.u32;
	v30 =	vand.u32 $0x1F80, v30;
	[tilespmem:v16+s30+$0x0] =	vst.idx.msk $0xffff, v12  }
0x3b9: {  	v23 =	vand.u32 $0x1F80, v62;
	v50 =	vand.u32 $0x3F, v56;
	v38 =	vor.u32 v6, v30;
	[tilespmem:v25+s30+$0x0] =	vst.idx.msk $0xffff, v18;
	v14 =	vld.idx.msk [tilespmem:v14+s20+$0x0], $0xffff  }
0x3ba: {  	v30 =	vadd.s32 s16, v2;
	v56 =	vand.u32 $0x3F, v52;
	v19 =	vadd.s32 s16, v13;
	v60 =	vld.idx.msk [tilespmem:v31+s20+$0x0], $0xffff  }
0x3bb: {  	v17 =	vand.u32 $0x1F80, v35;
	v25 =	vand.u32 $0x3F, v19;
	v31 =	vor.u32 v58, v56  }
0x3bc: {  	v62 =	vor.u32 v0, v17;
	v17 =	vadd.s32 s16, v10;
	v25 =	vor.u32 v43, v25;
	[tilespmem:$0x1FC80] =	vst v31  }
0x3bd: {  	v63 =	vand.u32 $0x3F, v30;
	v20 =	vadd.s32 s16, v4;
	v18 =	vshll.u32 v17, $0x7;
	[tilespmem:$0x1FC90] =	vst v25  }
0x3be: {  	v17 =	vand.u32 $0x3F, v17;
	v12 =	vshll.u32 v20, $0x7;
	v20 =	vand.u32 $0x3F, v20;
	[tilespmem:v9+s30+$0x0] =	vst.idx.msk $0xffff, v14  }
0x3bf: {  	[tilespmem:v28+s30+$0x0] =	vst.idx.msk $0xffff, v60;
	v14 =	vor.u32 v49, v63;
	v63 =	vor.u32 v48, v20;
	v20 =	vld.idx.msk [tilespmem:v3+s20+$0x0], $0xffff  }
0x3c0: {  	v44 =	vor.u32 v40, v17;
	v17 =	vld.idx.msk [tilespmem:v42+s20+$0x0], $0xffff  }
0x3c1: {  	v21 =	vshll.u32 v53, $0x7  }
0x3c2: {  	v53 =	vadd.s32 s16, v6;
	v21 =	vand.u32 $0x1F80, v21  }
0x3c3: {  	s25 =	simm.s32 $0x4;
	v33 =	vor.u32 v13, v21;
	v21 =	vshll.u32 v53, $0x7;
	v19 =	vshll.u32 v19, $0x7  }
0x3c4: {  	v19 =	vand.u32 $0x1F80, v19;
	v16 =	vand.u32 $0x3F, v53;
	v53 =	vadd.s32 s25, v10;
	[tilespmem:v11+s30+$0x0] =	vst.idx.msk $0xffff, v20  }
0x3c5: {  	v49 =	vor.u32 v13, v19;
	[tilespmem:v22+s30+$0x0] =	vst.idx.msk $0xffff, v17;
	v19 =	vld.idx.msk [tilespmem:v1+s20+$0x0], $0xffff;
	v1 =	vand.u32 $0x3F, v53  }
0x3c6: {  	v52 =	vor.u32 v40, v1;
	v1 =	vld [tilespmem:$0x1FCA0];
	_ =	sdelay $0x2  }
0x3c7: {  	v17 =	vld.idx.msk [tilespmem:v27+s20+$0x0], $0xffff;
	_ =	sdelay $0x1  }
0x3c8: {  	v54 =	vadd.s32 s16, v8  }
0x3c9: {  	v36 =	vadd.s32 s25, v15;
	v61 =	vand.u32 $0x3F, v54  }
0x3ca: {  	v5 =	vor.u32 v26, v50;
	v18 =	vand.u32 $0x1F80, v18;
	v60 =	vadd.s32 s25, v8  }
0x3cb: {  	v42 =	vor.u32 v10, v18;
	v18 =	vand.u32 $0x3F, v36;
	v20 =	vand.u32 $0x3F, v60;
	[tilespmem:v1+s30+$0x0] =	vst.idx.msk $0xffff, v17  }
0x3cc: {  	v50 =	vor.u32 v7, v61;
	v39 =	vor.u32 v58, v18;
	v58 =	vor.u32 v7, v20;
	v7 =	vld [tilespmem:$0x1FCB0];
	_ =	sdelay $0x3  }
0x3cd: {  	v47 =	vadd.s32 s25, v13  }
0x3ce: {  	v46 =	vand.u32 $0x3F, v47  }
0x3cf: {  	v46 =	vor.u32 v43, v46  }
0x3d0: {  	v51 =	vor.u32 v4, v23;
	v23 =	vshll.u32 v54, $0x7;
	v11 =	vadd.s32 s25, v0  }
0x3d1: {  	v23 =	vand.u32 $0x1F80, v23;
	v48 =	vand.u32 $0x3F, v11;
	v28 =	vshll.u32 v11, $0x7;
	v11 =	vld.idx.msk [tilespmem:v7+s20+$0x0], $0xffff  }
0x3d2: {  	v30 =	vshll.u32 v30, $0x7;
	v35 =	vor.u32 v8, v23;
	v24 =	vadd.s32 s16, v0;
	v7 =	vld [tilespmem:$0x1FCC0]  }
0x3d3: {  	v41 =	vand.u32 $0x3F, v24;
	v24 =	vshll.u32 v24, $0x7;
	v12 =	vand.u32 $0x1F80, v12  }
0x3d4: {  	v56 =	vor.u32 v45, v16;
	v16 =	vand.u32 $0x1F80, v21;
	v25 =	vor.u32 v26, v41  }
0x3d5: {  	v54 =	vor.u32 v6, v16;
	v61 =	vor.u32 v4, v12;
	v16 =	vadd.s32 s25, v4  }
0x3d6: {  	v12 =	vadd.s32 s25, v2;
	v9 =	vand.u32 $0x1F80, v30;
	v3 =	vand.u32 $0x1F80, v24  }
0x3d7: {  	v30 =	vand.u32 $0x3F, v16;
	v24 =	vor.u32 v0, v3;
	v3 =	vadd.s32 s25, v6  }
0x3d8: {  	s16 =	simm.s32 $0x3;
	v9 =	vor.u32 v2, v9;
	v27 =	vshll.u32 v12, $0x7;
	v32 =	vand.u32 $0x3F, v3  }
0x3d9: {  	v12 =	vand.u32 $0x3F, v12;
	s25 =	simm.s32 $0x2;
	v18 =	vor.u32 v26, v48;
	v17 =	vadd.s32 s16, v0  }
0x3da: {  	s14 =	simm.s32 $0x8;
	s6 =	sor.u32 $0x2, s1;
	s15 =	simm.s32 $0x1;
	v1 =	vor.u32 v45, v32;
	[tilespmem:v7+s30+$0x0] =	vst.idx.msk $0xffff, v19;
	v7 =	vadd.s32 s25, v0;
	v19 =	vand.u32 $0x3F, v17  }
.LBB2_7:
0x3db: {  	v20 =	vld [tilespmem:$0x1FBD0]  }
0x3dc: {  	v48 =	vld [tilespmem:$0x1FFD0]  }
0x3dd: {  	v19 =	vor.u32 v26, v19;
	v23 =	vld [tilespmem:$0x1FBF0]  }
0x3de: {  	v21 =	vand.u32 $0x3F, v7;
	v5 =	vld.idx.msk [tilespmem:v5+s20+$0x0], $0xffff  }
0x3df: {  	v25 =	vld.idx.msk [tilespmem:v25+s20+$0x0], $0xffff;
	v21 =	vor.u32 v26, v21  }
0x3e0: {  	v18 =	vld.idx.msk [tilespmem:v18+s20+$0x0], $0xffff  }
0x3e1: {  	v45 =	vadd.s32 s16, v2;
	v17 =	vshll.u32 v17, $0x7;
	[tilespmem:v34+s30+$0x0] =	vst.idx.msk $0xffff, v11;
	v34 =	vmov v49;
	v49 =	vld [tilespmem:$0x1FFE0]  }
0x3e2: {  	v28 =	vand.u32 $0x1F80, v28;
	v7 =	vshll.u32 v7, $0x7;
	v43 =	vadd.s32 s25, v2;
	v19 =	vld.idx.msk [tilespmem:v19+s20+$0x0], $0xffff  }
0x3e3: {  	[tilespmem:$0x1FBB0] =	vst v33;
	v17 =	vand.u32 $0x1F80, v17;
	v28 =	vor.u32 v0, v28;
	v33 =	vld.idx.msk [tilespmem:v20+s20+$0x0], $0xffff;
	v20 =	vadd.s32 s15, v0  }
0x3e4: {  	v32 =	vadd.s32 s15, v2;
	v17 =	vor.u32 v0, v17;
	[tilespmem:v62+s30+$0x0] =	vst.idx.msk $0xffff, v5;
	v21 =	vld.idx.msk [tilespmem:v21+s20+$0x0], $0xffff;
	v11 =	vand.u32 $0x3F, v20  }
0x3e5: {  	v27 =	vand.u32 $0x1F80, v27;
	v16 =	vshll.u32 v16, $0x7;
	[tilespmem:v24+s30+$0x0] =	vst.idx.msk $0xffff, v25;
	v24 =	vld.idx.msk [tilespmem:v59+s20+$0x0], $0xffff;
	v11 =	vor.u32 v26, v11  }
0x3e6: {  	v3 =	vshll.u32 v3, $0x7;
	v7 =	vand.u32 $0x1F80, v7;
	v14 =	vld.idx.msk [tilespmem:v14+s20+$0x0], $0xffff;
	v12 =	vor.u32 v49, v12  }
0x3e7: {  	v22 =	vor.u32 v48, v30;
	v30 =	vand.u32 $0x3F, v45;
	v23 =	vld.idx.msk [tilespmem:v23+s20+$0x0], $0xffff;
	v0 =	vlaneseq.u32  }
0x3e8: {  	[tilespmem:v28+s30+$0x0] =	vst.idx.msk $0xffff, v18;
	v30 =	vor.u32 v49, v30;
	v20 =	vshll.u32 v20, $0x7;
	v7 =	vor.u32 v0, v7  }
0x3e9: {  	v31 =	vand.u32 $0x3F, v43;
	v16 =	vand.u32 $0x1F80, v16;
	v20 =	vand.u32 $0x1F80, v20;
	[tilespmem:v17+s30+$0x0] =	vst.idx.msk $0xffff, v19  }
0x3ea: {  	v31 =	vor.u32 v49, v31;
	v20 =	vor.u32 v0, v20;
	[tilespmem:v57+s30+$0x0] =	vst.idx.msk $0xffff, v24;
	v11 =	vld.idx.msk [tilespmem:v11+s20+$0x0], $0xffff  }
0x3eb: {  	v3 =	vand.u32 $0x1F80, v3;
	v18 =	vor.u32 v2, v27;
	v26 =	vand.u32 $0x3F, v32;
	[tilespmem:v9+s30+$0x0] =	vst.idx.msk $0xffff, v14;
	v12 =	vld.idx.msk [tilespmem:v12+s20+$0x0], $0xffff  }
0x3ec: {  	v5 =	vor.u32 v49, v26;
	v26 =	vadd.s32 s16, v4;
	v9 =	vld.idx.msk [tilespmem:v55+s20+$0x0], $0xffff;
	[tilespmem:$0x1FBC0] =	vst v23;
	v23 =	vshll.u32 v45, $0x7  }
0x3ed: {  	v25 =	vand.u32 $0x3F, v26;
	v62 =	vld.idx.msk [tilespmem:v30+s20+$0x0], $0xffff;
	v17 =	vand.u32 $0x1F80, v23;
	[tilespmem:v7+s30+$0x0] =	vst.idx.msk $0xffff, v21;
	v7 =	vshll.u32 v43, $0x7  }
0x3ee: {  	v19 =	vor.u32 v48, v25;
	v45 =	vld [tilespmem:$0x1FFC0];
	v17 =	vor.u32 v2, v17;
	v7 =	vand.u32 $0x1F80, v7  }
0x3ef: {  	v59 =	vadd.s32 s25, v4;
	v7 =	vor.u32 v2, v7;
	[tilespmem:v20+s30+$0x0] =	vst.idx.msk $0xffff, v11;
	v11 =	vshll.u32 v32, $0x7;
	v20 =	vld.idx.msk [tilespmem:v31+s20+$0x0], $0xffff  }
0x3f0: {  	v25 =	vand.u32 $0x3F, v59;
	[tilespmem:v18+s30+$0x0] =	vst.idx.msk $0xffff, v12;
	v12 =	vor.u32 v4, v16;
	v16 =	vld.idx.msk [tilespmem:v63+s20+$0x0], $0xffff;
	v11 =	vand.u32 $0x1F80, v11  }
0x3f1: {  	v27 =	vadd.s32 s15, v4;
	v25 =	vor.u32 v48, v25;
	v5 =	vld.idx.msk [tilespmem:v5+s20+$0x0], $0xffff;
	v11 =	vor.u32 v2, v11  }
0x3f2: {  	v3 =	vor.u32 v6, v3;
	v28 =	vand.u32 $0x3F, v27;
	v14 =	vshll.u32 v26, $0x7;
	[tilespmem:v51+s30+$0x0] =	vst.idx.msk $0xffff, v9;
	v18 =	vld.idx.msk [tilespmem:v22+s20+$0x0], $0xffff  }
0x3f3: {  	v41 =	vld [tilespmem:$0x1FF90];
	v24 =	vor.u32 v48, v28;
	v28 =	vadd.s32 s16, v6;
	v14 =	vand.u32 $0x1F80, v14;
	[tilespmem:v17+s30+$0x0] =	vst.idx.msk $0xffff, v62  }
0x3f4: {  	v26 =	vand.u32 $0x3F, v28;
	v14 =	vor.u32 v4, v14;
	v19 =	vld.idx.msk [tilespmem:v19+s20+$0x0], $0xffff;
	[tilespmem:v7+s30+$0x0] =	vst.idx.msk $0xffff, v20;
	v7 =	vshll.u32 v59, $0x7  }
0x3f5: {  	v17 =	vor.u32 v45, v26;
	[tilespmem:v61+s30+$0x0] =	vst.idx.msk $0xffff, v16;
	v16 =	vld.idx.msk [tilespmem:v29+s20+$0x0], $0xffff;
	v7 =	vand.u32 $0x1F80, v7  }
0x3f6: {  	v20 =	vadd.s32 s25, v6;
	[tilespmem:v11+s30+$0x0] =	vst.idx.msk $0xffff, v5;
	v5 =	vshll.u32 v27, $0x7;
	v11 =	vld.idx.msk [tilespmem:v25+s20+$0x0], $0xffff;
	v7 =	vor.u32 v4, v7  }
0x3f7: {  	v55 =	vadd.s32 s15, v6;
	[tilespmem:v12+s30+$0x0] =	vst.idx.msk $0xffff, v18;
	v12 =	vld.idx.msk [tilespmem:v56+s20+$0x0], $0xffff;
	v63 =	vand.u32 $0x3F, v20;
	v5 =	vand.u32 $0x1F80, v5  }
0x3f8: {  	v61 =	vadd.s32 s16, v10;
	v21 =	vor.u32 v45, v63;
	v32 =	vld.idx.msk [tilespmem:v24+s20+$0x0], $0xffff;
	v5 =	vor.u32 v4, v5  }
0x3f9: {  	v1 =	vld.idx.msk [tilespmem:v1+s20+$0x0], $0xffff;
	v59 =	vadd.s32 s15, v8;
	[tilespmem:v14+s30+$0x0] =	vst.idx.msk $0xffff, v19;
	v25 =	vshll.u32 v28, $0x7;
	v24 =	vand.u32 $0x3F, v55  }
0x3fa: {  	v40 =	vld [tilespmem:$0x1FFB0];
	v14 =	vand.u32 $0x1F80, v25;
	[tilespmem:v38+s30+$0x0] =	vst.idx.msk $0xffff, v16;
	v9 =	vor.u32 v45, v24;
	v24 =	vadd.s32 s16, v8  }
0x3fb: {  	v17 =	vld.idx.msk [tilespmem:v17+s20+$0x0], $0xffff;
	v14 =	vor.u32 v6, v14;
	v26 =	vand.u32 $0x3F, v24;
	[tilespmem:v7+s30+$0x0] =	vst.idx.msk $0xffff, v11;
	v7 =	vshll.u32 v20, $0x7  }
0x3fc: {  	v43 =	vld [tilespmem:$0x1FFA0];
	v19 =	vshll.u32 v60, $0x7;
	[tilespmem:v54+s30+$0x0] =	vst.idx.msk $0xffff, v12;
	v18 =	vor.u32 v41, v26;
	v7 =	vand.u32 $0x1F80, v7  }
0x3fd: {  	v11 =	vadd.s32 s25, v8;
	v20 =	vld.idx.msk [tilespmem:v21+s20+$0x0], $0xffff;
	[tilespmem:v5+s30+$0x0] =	vst.idx.msk $0xffff, v32;
	v5 =	vshll.u32 v55, $0x7;
	v7 =	vor.u32 v6, v7  }
0x3fe: {  	v60 =	vand.u32 $0x3F, v59;
	[tilespmem:v3+s30+$0x0] =	vst.idx.msk $0xffff, v1;
	v3 =	vld.idx.msk [tilespmem:v50+s20+$0x0], $0xffff;
	v57 =	vand.u32 $0x3F, v11;
	v5 =	vand.u32 $0x1F80, v5  }
0x3ff: {  	v25 =	vand.u32 $0x3F, v61;
	v21 =	vor.u32 v41, v57;
	v9 =	vld.idx.msk [tilespmem:v9+s20+$0x0], $0xffff;
	v5 =	vor.u32 v6, v5  }
0x400: {  	v19 =	vand.u32 $0x1F80, v19;
	v24 =	vshll.u32 v24, $0x7;
	[tilespmem:v14+s30+$0x0] =	vst.idx.msk $0xffff, v17;
	v17 =	vor.u32 v40, v25;
	v25 =	vld [tilespmem:$0x1FC50]  }
0x401: {  	v16 =	vor.u32 v41, v60;
	v1 =	vor.u32 v8, v19;
	v19 =	vld.idx.msk [tilespmem:v58+s20+$0x0], $0xffff;
	v14 =	vand.u32 $0x1F80, v24  }
0x402: {  	v14 =	vor.u32 v8, v14;
	v18 =	vld.idx.msk [tilespmem:v18+s20+$0x0], $0xffff;
	[tilespmem:v7+s30+$0x0] =	vst.idx.msk $0xffff, v20;
	v7 =	vshll.u32 v11, $0x7  }
0x403: {  	v12 =	vld.idx.msk [tilespmem:v37+s20+$0x0], $0xffff;
	v7 =	vand.u32 $0x1F80, v7  }
0x404: {  	v11 =	vadd.s32 s25, v10;
	[tilespmem:v5+s30+$0x0] =	vst.idx.msk $0xffff, v9;
	v5 =	vshll.u32 v59, $0x7;
	v9 =	vld.idx.msk [tilespmem:v21+s20+$0x0], $0xffff;
	v7 =	vor.u32 v8, v7  }
0x405: {  	[tilespmem:v35+s30+$0x0] =	vst.idx.msk $0xffff, v3;
	v3 =	vld [tilespmem:$0x1FC40];
	v20 =	vand.u32 $0x3F, v11;
	v5 =	vand.u32 $0x1F80, v5  }
0x406: {  	[tilespmem:v1+s30+$0x0] =	vst.idx.msk $0xffff, v19;
	v20 =	vor.u32 v40, v20;
	v16 =	vld.idx.msk [tilespmem:v16+s20+$0x0], $0xffff;
	v5 =	vor.u32 v8, v5  }
0x407: {  	v32 =	vadd.s32 s16, v13;
	[tilespmem:v14+s30+$0x0] =	vst.idx.msk $0xffff, v18  }
0x408: {  	v23 =	vshll.u32 v61, $0x7;
	v19 =	vld.idx.msk [tilespmem:v44+s20+$0x0], $0xffff;
	[tilespmem:v25+s30+$0x0] =	vst.idx.msk $0xffff, v12;
	v25 =	vand.u32 $0x3F, v32  }
0x409: {  	v14 =	vand.u32 $0x1F80, v23;
	v18 =	vor.u32 v43, v25;
	v25 =	vld [tilespmem:$0x1FC60];
	[tilespmem:v7+s30+$0x0] =	vst.idx.msk $0xffff, v9;
	v7 =	vshll.u32 v11, $0x7  }
0x40a: {  	v14 =	vor.u32 v10, v14;
	v11 =	vld.idx.msk [tilespmem:v17+s20+$0x0], $0xffff;
	v7 =	vand.u32 $0x1F80, v7  }
0x40b: {  	v62 =	vadd.s32 s15, v10;
	[tilespmem:v5+s30+$0x0] =	vst.idx.msk $0xffff, v16;
	v16 =	vld.idx.msk [tilespmem:v20+s20+$0x0], $0xffff;
	v7 =	vor.u32 v10, v7  }
0x40c: {  	v63 =	vand.u32 $0x3F, v62;
	v58 =	vld [tilespmem:$0x1FF80]  }
0x40d: {  	v12 =	vor.u32 v40, v63;
	v3 =	vld.idx.msk [tilespmem:v3+s20+$0x0], $0xffff  }
0x40e: {  	[tilespmem:v42+s30+$0x0] =	vst.idx.msk $0xffff, v19;
	v19 =	vld [tilespmem:$0x1FC30]  }
0x40f: {  	[tilespmem:v14+s30+$0x0] =	vst.idx.msk $0xffff, v11  }
0x410: {  	v5 =	vshll.u32 v62, $0x7;
	[tilespmem:v7+s30+$0x0] =	vst.idx.msk $0xffff, v16;
	v16 =	vld.idx.msk [tilespmem:v18+s20+$0x0], $0xffff  }
0x411: {  	v38 =	vadd.s32 s16, v15;
	v5 =	vand.u32 $0x1F80, v5;
	v18 =	vld [tilespmem:$0x1FBE0]  }
0x412: {  	v20 =	vadd.s32 s15, v13;
	v12 =	vld.idx.msk [tilespmem:v12+s20+$0x0], $0xffff;
	v5 =	vor.u32 v10, v5;
	[tilespmem:v25+s30+$0x0] =	vst.idx.msk $0xffff, v3;
	v25 =	vand.u32 $0x3F, v38  }
0x413: {  	v9 =	vadd.s32 s25, v13;
	v37 =	vand.u32 $0x3F, v20;
	v14 =	vor.u32 v58, v25;
	v25 =	vld [tilespmem:$0x1FBB0]  }
0x414: {  	v17 =	vand.u32 $0x3F, v9;
	v3 =	vor.u32 v43, v37  }
0x415: {  	v24 =	vshll.u32 v53, $0x7;
	v44 =	vld [tilespmem:$0x1FC90];
	v17 =	vor.u32 v43, v17  }
0x416: {  	v24 =	vand.u32 $0x1F80, v24;
	v22 =	vshll.u32 v32, $0x7;
	v19 =	vld.idx.msk [tilespmem:v19+s20+$0x0], $0xffff  }
0x417: {  	v1 =	vor.u32 v10, v24;
	v35 =	vld.idx.msk [tilespmem:v52+s20+$0x0], $0xffff;
	v11 =	vand.u32 $0x1F80, v22;
	[tilespmem:v5+s30+$0x0] =	vst.idx.msk $0xffff, v12;
	v5 =	vshll.u32 v20, $0x7  }
0x418: {  	v50 =	vld [tilespmem:$0x1FC20];
	v11 =	vor.u32 v13, v11;
	v7 =	vshll.u32 v9, $0x7;
	v5 =	vand.u32 $0x1F80, v5  }
0x419: {  	v7 =	vand.u32 $0x1F80, v7;
	v3 =	vld.idx.msk [tilespmem:v3+s20+$0x0], $0xffff;
	v5 =	vor.u32 v13, v5;
	[tilespmem:v18+s30+$0x0] =	vst.idx.msk $0xffff, v33;
	v18 =	vadd.s32 s15, v15  }
0x41a: {  	v24 =	vshll.u32 v47, $0x7;
	v12 =	vld.idx.msk [tilespmem:v17+s20+$0x0], $0xffff;
	v7 =	vor.u32 v13, v7;
	v20 =	vand.u32 $0x3F, v18  }
0x41b: {  	v24 =	vand.u32 $0x1F80, v24;
	[tilespmem:v25+s30+$0x0] =	vst.idx.msk $0xffff, v19;
	v19 =	vor.u32 v58, v20  }
0x41c: {  	[tilespmem:v1+s30+$0x0] =	vst.idx.msk $0xffff, v35;
	v1 =	vor.u32 v13, v24;
	v24 =	vld [tilespmem:$0x1FC10];
	v9 =	vadd.s32 s25, v15  }
0x41d: {  	v23 =	vld.idx.msk [tilespmem:v44+s20+$0x0], $0xffff;
	v17 =	vand.u32 $0x3F, v9;
	[tilespmem:v11+s30+$0x0] =	vst.idx.msk $0xffff, v16  }
0x41e: {  	v17 =	vor.u32 v58, v17;
	[tilespmem:v5+s30+$0x0] =	vst.idx.msk $0xffff, v3;
	v3 =	vshll.u32 v18, $0x7  }
0x41f: {  	[tilespmem:v7+s30+$0x0] =	vst.idx.msk $0xffff, v12;
	v7 =	vshll.u32 v9, $0x7;
	v9 =	vld.idx.msk [tilespmem:v14+s20+$0x0], $0xffff;
	v3 =	vand.u32 $0x1F80, v3  }
0x420: {  	v3 =	vor.u32 v15, v3;
	v14 =	vld.idx.msk [tilespmem:v19+s20+$0x0], $0xffff  }
0x421: {  	v47 =	vld.idx.msk [tilespmem:v46+s20+$0x0], $0xffff  }
0x422: {  	v54 =	vadd.s32 s14, v2;
	v53 =	vadd.s32 s14, v8;
	s16 =	sadd.s32 $0x7, s14;
	v24 =	vshll.u32 v24, $0x7;
	[tilespmem:v34+s30+$0x0] =	vst.idx.msk $0xffff, v23;
	v23 =	vld.idx.msk [tilespmem:v50+s20+$0x0], $0xffff  }
0x423: {  	v60 =	vadd.s32 s16, v13;
	v26 =	vadd.s32 s16, v8;
	v24 =	vand.u32 $0x1F80, v24;
	v5 =	vld.idx.msk [tilespmem:v17+s20+$0x0], $0xffff  }
0x424: {  	v27 =	vadd.s32 s16, v10;
	v24 =	vor.u32 v15, v24;
	v11 =	vshll.u32 v38, $0x7;
	v17 =	vld [tilespmem:$0x1FC00]  }
0x425: {  	v29 =	vadd.s32 s16, v6;
	v30 =	vadd.s32 s16, v2;
	v11 =	vand.u32 $0x1F80, v11;
	[tilespmem:v3+s30+$0x0] =	vst.idx.msk $0xffff, v14;
	v14 =	vld [tilespmem:$0x1FF70]  }
0x426: {  	v61 =	vshll.u32 v27, $0x7;
	v11 =	vor.u32 v15, v11;
	v7 =	vand.u32 $0x1F80, v7  }
0x427: {  	v27 =	vand.u32 $0x3F, v27;
	v52 =	vadd.s32 s14, v6;
	v7 =	vor.u32 v15, v7  }
0x428: {  	v42 =	vand.u32 $0x3F, v29;
	v29 =	vshll.u32 v29, $0x7;
	v12 =	vadd.s32 s14, v15;
	v18 =	vld [tilespmem:$0x1FBC0]  }
0x429: {  	v51 =	vld [tilespmem:$0x1FC80];
	v63 =	vand.u32 $0x3F, v26;
	[tilespmem:v24+s30+$0x0] =	vst.idx.msk $0xffff, v23;
	v24 =	vshll.u32 v12, $0x7;
	v12 =	vand.u32 $0x38, v12  }
0x42a: {  	v26 =	vshll.u32 v26, $0x7;
	v32 =	vand.u32 $0x1F80, v61;
	[tilespmem:v1+s30+$0x0] =	vst.idx.msk $0xffff, v47;
	v12 =	vor.u32 v14, v12;
	v14 =	vld [tilespmem:$0x1FF50]  }
0x42b: {  	v46 =	vand.u32 $0x3F, v30;
	v30 =	vshll.u32 v30, $0x7;
	v1 =	vshll.u32 v36, $0x7;
	v20 =	vld [tilespmem:$0x1FC70];
	[tilespmem:v11+s30+$0x0] =	vst.idx.msk $0xffff, v9  }
0x42c: {  	v62 =	vand.u32 $0x3F, v60;
	v47 =	vor.u32 v49, v46;
	v1 =	vand.u32 $0x1F80, v1;
	[tilespmem:v7+s30+$0x0] =	vst.idx.msk $0xffff, v5  }
0x42d: {  	v1 =	vor.u32 v15, v1;
	v16 =	vld.idx.msk [tilespmem:v39+s20+$0x0], $0xffff;
	v7 =	vshll.u32 v52, $0x7;
	[tilespmem:v17+s30+$0x0] =	vst.idx.msk $0xffff, v18;
	v17 =	vadd.s32 s14, v10  }
0x42e: {  	v9 =	vand.u32 $0x38, v17;
	[tilespmem:$0x1FBD0] =	vst v12;
	v12 =	vand.u32 $0x1F80, v24;
	v24 =	vand.u32 $0x1F80, v7;
	v7 =	vld [tilespmem:$0x1FF40]  }
0x42f: {  	v46 =	vor.u32 v10, v32;
	v39 =	vor.u32 v43, v62;
	v9 =	vor.u32 v14, v9;
	v14 =	vld [tilespmem:$0x1FF60]  }
0x430: {  	v50 =	vand.u32 $0x1F80, v26;
	v11 =	vshll.u32 v53, $0x7;
	v20 =	vshll.u32 v20, $0x7  }
0x431: {  	v11 =	vand.u32 $0x1F80, v11;
	v20 =	vand.u32 $0x1F80, v20;
	v18 =	vadd.s32 s14, v13  }
0x432: {  	v22 =	vld.idx.msk [tilespmem:v51+s20+$0x0], $0xffff;
	[tilespmem:v1+s30+$0x0] =	vst.idx.msk $0xffff, v16;
	v20 =	vor.u32 v15, v20;
	v1 =	vand.u32 $0x38, v18;
	v3 =	vshll.u32 v54, $0x7  }
0x433: {  	v16 =	vshll.u32 v18, $0x7;
	v18 =	vand.u32 $0x38, v53;
	v59 =	vand.u32 $0x1F80, v3;
	v3 =	vld [tilespmem:$0x1FFF0]  }
0x434: {  	s25 =	sadd.s32 $0x6, s14;
	v5 =	vand.u32 $0x38, v52;
	v1 =	vor.u32 v14, v1;
	v14 =	vor.u32 v7, v18;
	v7 =	vld [tilespmem:$0x1FF20]  }
0x435: {  	v11 =	vor.u32 v8, v11;
	v52 =	vadd.s32 s25, v15;
	v19 =	vadd.s32 s14, v4  }
0x436: {  	v35 =	vand.u32 $0x3F, v52;
	v55 =	vand.u32 $0x38, v19;
	v19 =	vshll.u32 v19, $0x7  }
0x437: {  	v28 =	vld [tilespmem:$0x1FF00];
	v35 =	vor.u32 v58, v35;
	v19 =	vand.u32 $0x1F80, v19;
	[tilespmem:v20+s30+$0x0] =	vst.idx.msk $0xffff, v22;
	v20 =	vadd.s32 s14, v0  }
0x438: {  	v17 =	vshll.u32 v17, $0x7;
	v56 =	vand.u32 $0x38, v20;
	v20 =	vshll.u32 v20, $0x7  }
0x439: {  	v20 =	vand.u32 $0x1F80, v20;
	v23 =	vor.u32 v3, v56;
	v18 =	vor.u32 v7, v55;
	v7 =	vld [tilespmem:$0x1FF30]  }
0x43a: {  	v3 =	vor.u32 v15, v12;
	v12 =	vor.u32 v0, v20;
	v20 =	vadd.s32 s16, v0  }
0x43b: {  	v19 =	vor.u32 v4, v19;
	v53 =	vadd.s32 s25, v6;
	v25 =	vand.u32 $0x3F, v20  }
0x43c: {  	v16 =	vand.u32 $0x1F80, v16;
	v17 =	vand.u32 $0x1F80, v17;
	v25 =	vor.u32 v28, v25  }
0x43d: {  	v32 =	vshll.u32 v53, $0x7;
	v22 =	vand.u32 $0x38, v54;
	v54 =	vadd.s32 s25, v8  }
0x43e: {  	v33 =	vshll.u32 v54, $0x7;
	[tilespmem:$0x1FBE0] =	vst v3;
	v3 =	vor.u32 v10, v17;
	v5 =	vor.u32 v7, v5;
	v7 =	vld [tilespmem:$0x1FF10]  }
0x43f: {  	v17 =	vor.u32 v2, v59;
	v20 =	vshll.u32 v20, $0x7;
	v28 =	vadd.s32 s16, v4  }
0x440: {  	v20 =	vand.u32 $0x1F80, v20;
	v44 =	vand.u32 $0x3F, v28;
	v28 =	vshll.u32 v28, $0x7;
	v23 =	vld.idx.msk [tilespmem:v23+s20+$0x0], $0xffff  }
0x441: {  	v59 =	vand.u32 $0x3F, v54;
	v20 =	vor.u32 v0, v20;
	v26 =	vand.u32 $0x1F80, v28;
	v25 =	vld.idx.msk [tilespmem:v25+s20+$0x0], $0xffff  }
0x442: {  	v37 =	vor.u32 v41, v59;
	v28 =	vand.u32 $0x1F80, v29;
	v51 =	vor.u32 v4, v26  }
0x443: {  	v26 =	vor.u32 v6, v28;
	v28 =	vadd.s32 s25, v10;
	v57 =	vor.u32 v7, v22  }
0x444: {  	v7 =	vor.u32 v13, v16;
	v16 =	vor.u32 v6, v24;
	v24 =	vadd.s32 s16, v15  }
0x445: {  	v56 =	vshll.u32 v28, $0x7;
	v28 =	vand.u32 $0x3F, v28;
	[tilespmem:v12+s30+$0x0] =	vst.idx.msk $0xffff, v23;
	v31 =	vand.u32 $0x3F, v24  }
0x446: {  	v62 =	vand.u32 $0x1F80, v56;
	[tilespmem:v20+s30+$0x0] =	vst.idx.msk $0xffff, v25;
	v24 =	vshll.u32 v24, $0x7;
	v31 =	vor.u32 v58, v31  }
0x447: {  	v12 =	vor.u32 v41, v63;
	v23 =	vor.u32 v8, v50;
	[tilespmem:$0x1FBF0] =	vst v31;
	v31 =	vand.u32 $0x1F80, v24  }
0x448: {  	v20 =	vand.u32 $0x1F80, v30;
	v25 =	vor.u32 v48, v44;
	v29 =	vor.u32 v15, v31;
	v21 =	vld.idx.msk [tilespmem:v57+s20+$0x0], $0xffff  }
0x449: {  	v20 =	vor.u32 v2, v20;
	v55 =	vadd.s32 s25, v2;
	v22 =	vshll.u32 v60, $0x7;
	[tilespmem:$0x1FC00] =	vst v29;
	v29 =	vld.idx.msk [tilespmem:v47+s20+$0x0], $0xffff  }
0x44a: {  	v30 =	vadd.s32 s25, v13;
	v60 =	vand.u32 $0x3F, v55;
	v22 =	vand.u32 $0x1F80, v22  }
0x44b: {  	v59 =	vor.u32 v49, v60;
	v34 =	vor.u32 v13, v22;
	v24 =	vor.u32 v40, v27  }
0x44c: {  	s16 =	sadd.s32 $0x5, s14;
	v27 =	vor.u32 v45, v42;
	v31 =	vadd.s32 s25, v4;
	v57 =	vand.u32 $0x3F, v30  }
0x44d: {  	v30 =	vshll.u32 v30, $0x7;
	v47 =	vadd.s32 s16, v6;
	v63 =	vor.u32 v43, v57;
	[tilespmem:v17+s30+$0x0] =	vst.idx.msk $0xffff, v21  }
0x44e: {  	v30 =	vand.u32 $0x1F80, v30;
	v17 =	vadd.s32 s25, v0;
	[tilespmem:v20+s30+$0x0] =	vst.idx.msk $0xffff, v29;
	v20 =	vshll.u32 v31, $0x7;
	v18 =	vld.idx.msk [tilespmem:v18+s20+$0x0], $0xffff  }
0x44f: {  	v29 =	vand.u32 $0x3F, v53;
	v21 =	vshll.u32 v55, $0x7;
	v31 =	vand.u32 $0x3F, v31;
	v25 =	vld.idx.msk [tilespmem:v25+s20+$0x0], $0xffff  }
0x450: {  	v61 =	vand.u32 $0x3F, v17;
	v17 =	vshll.u32 v17, $0x7;
	v20 =	vand.u32 $0x1F80, v20  }
0x451: {  	s25 =	sadd.s32 $0x4, s14;
	v29 =	vor.u32 v45, v29;
	v21 =	vand.u32 $0x1F80, v21;
	v55 =	vor.u32 v48, v31  }
0x452: {  	v31 =	vand.u32 $0x3F, v47;
	v60 =	vadd.s32 s25, v8;
	v17 =	vand.u32 $0x1F80, v17  }
0x453: {  	v57 =	vor.u32 v2, v21;
	v21 =	vshll.u32 v47, $0x7;
	v56 =	vor.u32 v45, v31;
	[tilespmem:v19+s30+$0x0] =	vst.idx.msk $0xffff, v18  }
0x454: {  	v47 =	vadd.s32 s25, v13;
	v18 =	vand.u32 $0x1F80, v33;
	v19 =	vor.u32 v40, v28;
	[tilespmem:v51+s30+$0x0] =	vst.idx.msk $0xffff, v25  }
0x455: {  	v28 =	vand.u32 $0x1F80, v32;
	v33 =	vor.u32 v13, v30;
	v51 =	vor.u32 v4, v20;
	[tilespmem:$0x1FC40] =	vst v19;
	v19 =	vld.idx.msk [tilespmem:v5+s20+$0x0], $0xffff  }
0x456: {  	v20 =	vadd.s32 s16, v4;
	v25 =	vadd.s32 s16, v8;
	v5 =	vld [tilespmem:$0x1FF00];
	v38 =	vor.u32 v6, v28  }
0x457: {  	v22 =	vld.idx.msk [tilespmem:v27+s20+$0x0], $0xffff;
	v18 =	vor.u32 v8, v18;
	v27 =	vadd.s32 s16, v15;
	v50 =	vand.u32 $0x3F, v25  }
0x458: {  	v25 =	vshll.u32 v25, $0x7;
	[tilespmem:$0x1FC50] =	vst v18;
	v18 =	vor.u32 v10, v62;
	v62 =	vor.u32 v0, v17  }
0x459: {  	v17 =	vadd.s32 s16, v10;
	[tilespmem:$0x1FC70] =	vst v27;
	v27 =	vand.u32 $0x3F, v27;
	v50 =	vor.u32 v41, v50  }
0x45a: {  	[tilespmem:$0x1FC60] =	vst v18;
	v18 =	vadd.s32 s16, v13;
	v28 =	vshll.u32 v17, $0x7;
	v17 =	vand.u32 $0x3F, v17  }
0x45b: {  	v30 =	vand.u32 $0x3F, v18;
	v18 =	vshll.u32 v18, $0x7;
	v44 =	vor.u32 v40, v17;
	[tilespmem:v16+s30+$0x0] =	vst.idx.msk $0xffff, v19  }
0x45c: {  	v18 =	vand.u32 $0x1F80, v18;
	v5 =	vor.u32 v5, v61;
	v16 =	vadd.s32 s16, v0;
	[tilespmem:v26+s30+$0x0] =	vst.idx.msk $0xffff, v22;
	v14 =	vld.idx.msk [tilespmem:v14+s20+$0x0], $0xffff  }
0x45d: {  	[tilespmem:$0x1FC10] =	vst v52;
	v19 =	vadd.s32 s16, v2;
	v26 =	vshll.u32 v20, $0x7;
	v20 =	vand.u32 $0x3F, v20;
	v12 =	vld.idx.msk [tilespmem:v12+s20+$0x0], $0xffff  }
0x45e: {  	[tilespmem:$0x1FC30] =	vst v63;
	v0 =	vor.u32 v58, v27;
	v27 =	vand.u32 $0x1F80, v28;
	v36 =	vand.u32 $0x1F80, v26;
	v26 =	vld [tilespmem:$0x1FF00]  }
0x45f: {  	v52 =	vand.u32 $0x3F, v19;
	v19 =	vshll.u32 v19, $0x7;
	[tilespmem:$0x1FC80] =	vst v0;
	v0 =	vor.u32 v43, v30  }
0x460: {  	v53 =	vand.u32 $0x3F, v16;
	v16 =	vshll.u32 v16, $0x7;
	v63 =	vor.u32 v48, v20;
	[tilespmem:$0x1FC90] =	vst v0  }
0x461: {  	v42 =	vor.u32 v10, v27;
	v0 =	vlaneseq.u32;
	v16 =	vand.u32 $0x1F80, v16;
	[tilespmem:v11+s30+$0x0] =	vst.idx.msk $0xffff, v14  }
0x462: {  	v61 =	vor.u32 v4, v36;
	v36 =	vadd.s32 s25, v15;
	v11 =	vand.u32 $0x1F80, v25;
	v17 =	vld.idx.msk [tilespmem:v9+s20+$0x0], $0xffff  }
0x463: {  	[tilespmem:v23+s30+$0x0] =	vst.idx.msk $0xffff, v12;
	v14 =	vor.u32 v49, v52;
	v12 =	vand.u32 $0x1F80, v19;
	v25 =	vor.u32 v26, v53  }
0x464: {  	v49 =	vor.u32 v13, v18;
	v53 =	vadd.s32 s25, v10;
	v9 =	vand.u32 $0x1F80, v21;
	v19 =	vld.idx.msk [tilespmem:v24+s20+$0x0], $0xffff  }
0x465: {  	[tilespmem:$0x1FC20] =	vst v35;
	v35 =	vor.u32 v8, v11;
	v24 =	vor.u32 v0, v16;
	v16 =	vadd.s32 s25, v4  }
0x466: {  	v20 =	vand.u32 $0x3F, v53;
	v54 =	vor.u32 v6, v9;
	v9 =	vor.u32 v2, v12  }
0x467: {  	v12 =	vadd.s32 s25, v2;
	v30 =	vand.u32 $0x3F, v16;
	v52 =	vor.u32 v40, v20;
	[tilespmem:v3+s30+$0x0] =	vst.idx.msk $0xffff, v17  }
0x468: {  	p2 =	slt.u32 s14, $0x38;
	v27 =	vshll.u32 v12, $0x7;
	v12 =	vand.u32 $0x3F, v12;
	v3 =	vadd.s32 s25, v6;
	v18 =	vld.idx.msk [tilespmem:v1+s20+$0x0], $0xffff  }
.Ltmp4:
0x469: {  	v17 =	vand.u32 $0x3F, v36;
	[tilespmem:v46+s30+$0x0] =	vst.idx.msk $0xffff, v19;
	v19 =	vand.u32 $0x3F, v60;
	v46 =	vand.u32 $0x3F, v47;
	(pc) =	sbr.rel @p2 .LBB2_7-.Ltmp4, $4  }
0x46a: {  	s16 =	sadd.s32 $0x3, s14;
	v1 =	vadd.s32 s25, v0;
	v32 =	vand.u32 $0x3F, v3;
	v46 =	vor.u32 v43, v46  }
0x46b: {  	v11 =	vld.idx.msk [tilespmem:v39+s20+$0x0], $0xffff;
	v39 =	vor.u32 v58, v17;
	v17 =	vadd.s32 s16, v0;
	v58 =	vor.u32 v41, v19  }
0x46c: {  	s25 =	sadd.s32 $0x2, s14;
	v48 =	vand.u32 $0x3F, v1;
	v28 =	vshll.u32 v1, $0x7;
	v1 =	vor.u32 v45, v32  }
0x46d: {  	s15 =	sadd.s32 $0x1, s14;
	s14 =	sadd.s32 $0x8, s14;
	v19 =	vand.u32 $0x3F, v17;
	[tilespmem:v7+s30+$0x0] =	vst.idx.msk $0xffff, v18;
	v7 =	vadd.s32 s25, v0;
	v18 =	vor.u32 v26, v48  }
0x46e: {  	_ = 	snop  }
0x46f: {  	v20 =	vadd.s32 s15, v0  }
0x470: {  	v21 =	vand.u32 $0x3F, v7;
	v19 =	vor.u32 v26, v19;
	v43 =	vld [tilespmem:$0x1FFD0];
	v17 =	vshll.u32 v17, $0x7  }
0x471: {  	v48 =	vld [tilespmem:$0x1FFE0];
	v28 =	vand.u32 $0x1F80, v28;
	v22 =	vand.u32 $0x3F, v20;
	v21 =	vor.u32 v26, v21  }
0x472: {  	v5 =	vld.idx.msk [tilespmem:v5+s20+$0x0], $0xffff;
	v7 =	vshll.u32 v7, $0x7;
	v31 =	vadd.s32 s25, v2;
	v22 =	vor.u32 v26, v22  }
0x473: {  	v25 =	vld.idx.msk [tilespmem:v25+s20+$0x0], $0xffff;
	v17 =	vand.u32 $0x1F80, v17;
	v28 =	vor.u32 v0, v28;
	v20 =	vshll.u32 v20, $0x7  }
0x474: {  	v18 =	vld.idx.msk [tilespmem:v18+s20+$0x0], $0xffff;
	v7 =	vand.u32 $0x1F80, v7;
	v17 =	vor.u32 v0, v17;
	v0 =	vlaneseq.u32  }
0x475: {  	v26 =	vadd.s32 s16, v2;
	v20 =	vand.u32 $0x1F80, v20;
	v7 =	vor.u32 v0, v7;
	v19 =	vld.idx.msk [tilespmem:v19+s20+$0x0], $0xffff  }
0x476: {  	v23 =	vor.u32 v43, v30;
	v12 =	vor.u32 v48, v12;
	v30 =	vand.u32 $0x3F, v26;
	v21 =	vld.idx.msk [tilespmem:v21+s20+$0x0], $0xffff  }
0x477: {  	v20 =	vor.u32 v0, v20;
	[tilespmem:v62+s30+$0x0] =	vst.idx.msk $0xffff, v5;
	v30 =	vor.u32 v48, v30;
	v22 =	vld.idx.msk [tilespmem:v22+s20+$0x0], $0xffff  }
0x478: {  	v40 =	vadd.s32 s15, v2;
	v32 =	vand.u32 $0x3F, v31;
	[tilespmem:v24+s30+$0x0] =	vst.idx.msk $0xffff, v25;
	v59 =	vld.idx.msk [tilespmem:v59+s20+$0x0], $0xffff  }
0x479: {  	v5 =	vand.u32 $0x3F, v40;
	v32 =	vor.u32 v48, v32;
	[tilespmem:v28+s30+$0x0] =	vst.idx.msk $0xffff, v18;
	v14 =	vld.idx.msk [tilespmem:v14+s20+$0x0], $0xffff  }
0x47a: {  	v27 =	vand.u32 $0x1F80, v27;
	v24 =	vor.u32 v48, v5;
	v18 =	vshll.u32 v26, $0x7;
	v5 =	vld [tilespmem:$0x1FBD0];
	[tilespmem:v17+s30+$0x0] =	vst.idx.msk $0xffff, v19  }
0x47b: {  	v27 =	vor.u32 v2, v27;
	v17 =	vand.u32 $0x1F80, v18;
	[tilespmem:v7+s30+$0x0] =	vst.idx.msk $0xffff, v21;
	v7 =	vld.idx.msk [tilespmem:v12+s20+$0x0], $0xffff  }
0x47c: {  	v16 =	vshll.u32 v16, $0x7;
	v25 =	vadd.s32 s16, v4;
	v17 =	vor.u32 v2, v17;
	[tilespmem:v20+s30+$0x0] =	vst.idx.msk $0xffff, v22;
	v20 =	vld.idx.msk [tilespmem:v30+s20+$0x0], $0xffff  }
0x47d: {  	v41 =	vshll.u32 v40, $0x7;
	v26 =	vand.u32 $0x3F, v25;
	v12 =	vshll.u32 v31, $0x7  }
0x47e: {  	v18 =	vor.u32 v43, v26;
	v19 =	vadd.s32 s25, v4;
	[tilespmem:v57+s30+$0x0] =	vst.idx.msk $0xffff, v59;
	v12 =	vand.u32 $0x1F80, v12;
	v26 =	vld.idx.msk [tilespmem:v32+s20+$0x0], $0xffff  }
0x47f: {  	v21 =	vand.u32 $0x1F80, v41;
	[tilespmem:v9+s30+$0x0] =	vst.idx.msk $0xffff, v14;
	v14 =	vand.u32 $0x1F80, v16;
	v16 =	vld.idx.msk [tilespmem:v55+s20+$0x0], $0xffff;
	v12 =	vor.u32 v2, v12  }
0x480: {  	v25 =	vshll.u32 v25, $0x7;
	v45 =	vand.u32 $0x3F, v19;
	v21 =	vor.u32 v2, v21;
	v24 =	vld.idx.msk [tilespmem:v24+s20+$0x0], $0xffff;
	[tilespmem:v27+s30+$0x0] =	vst.idx.msk $0xffff, v7  }
0x481: {  	v22 =	vor.u32 v43, v45;
	v7 =	vor.u32 v4, v14;
	v14 =	vld.idx.msk [tilespmem:v63+s20+$0x0], $0xffff;
	[tilespmem:v17+s30+$0x0] =	vst.idx.msk $0xffff, v20  }
0x482: {  	v28 =	vadd.s32 s15, v4;
	v17 =	vand.u32 $0x1F80, v25;
	v25 =	vld [tilespmem:$0x1FFC0]  }
0x483: {  	v30 =	vand.u32 $0x3F, v28;
	v23 =	vld.idx.msk [tilespmem:v23+s20+$0x0], $0xffff  }
0x484: {  	v3 =	vshll.u32 v3, $0x7;
	v30 =	vor.u32 v43, v30;
	[tilespmem:v12+s30+$0x0] =	vst.idx.msk $0xffff, v26  }
0x485: {  	v9 =	vadd.s32 s16, v6;
	v12 =	vshll.u32 v19, $0x7;
	v18 =	vld.idx.msk [tilespmem:v18+s20+$0x0], $0xffff;
	v17 =	vor.u32 v4, v17;
	[tilespmem:v21+s30+$0x0] =	vst.idx.msk $0xffff, v24  }
0x486: {  	v3 =	vand.u32 $0x1F80, v3;
	v31 =	vand.u32 $0x3F, v9;
	[tilespmem:v51+s30+$0x0] =	vst.idx.msk $0xffff, v16;
	v22 =	vld.idx.msk [tilespmem:v22+s20+$0x0], $0xffff;
	v12 =	vand.u32 $0x1F80, v12  }
0x487: {  	v12 =	vor.u32 v4, v12;
	[tilespmem:v61+s30+$0x0] =	vst.idx.msk $0xffff, v14;
	v14 =	vld.idx.msk [tilespmem:v29+s20+$0x0], $0xffff;
	v20 =	vor.u32 v25, v31  }
0x488: {  	v3 =	vor.u32 v6, v3;
	v9 =	vshll.u32 v9, $0x7;
	[tilespmem:v7+s30+$0x0] =	vst.idx.msk $0xffff, v23;
	v7 =	vld.idx.msk [tilespmem:v56+s20+$0x0], $0xffff  }
0x489: {  	v59 =	vshll.u32 v28, $0x7;
	v9 =	vand.u32 $0x1F80, v9;
	v19 =	vadd.s32 s25, v6;
	v31 =	vmovc v25;
	v25 =	vld.idx.msk [tilespmem:v30+s20+$0x0], $0xffff  }
0x48a: {  	v21 =	vand.u32 $0x1F80, v59;
	v26 =	vadd.s32 s15, v6;
	v24 =	vand.u32 $0x3F, v19;
	[tilespmem:v17+s30+$0x0] =	vst.idx.msk $0xffff, v18;
	v1 =	vld.idx.msk [tilespmem:v1+s20+$0x0], $0xffff  }
0x48b: {  	v21 =	vor.u32 v4, v21;
	v27 =	vand.u32 $0x3F, v26;
	v24 =	vor.u32 v31, v24;
	v45 =	vld [tilespmem:$0x1FF90]  }
0x48c: {  	v9 =	vor.u32 v6, v9;
	v16 =	vor.u32 v31, v27;
	[tilespmem:v12+s30+$0x0] =	vst.idx.msk $0xffff, v22;
	v20 =	vld.idx.msk [tilespmem:v20+s20+$0x0], $0xffff  }
0x48d: {  	[tilespmem:v38+s30+$0x0] =	vst.idx.msk $0xffff, v14  }
0x48e: {  	v12 =	vshll.u32 v19, $0x7;
	[tilespmem:v54+s30+$0x0] =	vst.idx.msk $0xffff, v7  }
0x48f: {  	v18 =	vshll.u32 v60, $0x7;
	v60 =	vshll.u32 v26, $0x7;
	v12 =	vand.u32 $0x1F80, v12;
	[tilespmem:v3+s30+$0x0] =	vst.idx.msk $0xffff, v1;
	v3 =	vld.idx.msk [tilespmem:v50+s20+$0x0], $0xffff  }
0x490: {  	v12 =	vor.u32 v6, v12;
	[tilespmem:v21+s30+$0x0] =	vst.idx.msk $0xffff, v25;
	v21 =	vand.u32 $0x1F80, v60;
	v22 =	vld.idx.msk [tilespmem:v24+s20+$0x0], $0xffff  }
0x491: {  	v16 =	vld.idx.msk [tilespmem:v16+s20+$0x0], $0xffff;
	v21 =	vor.u32 v6, v21;
	[tilespmem:v9+s30+$0x0] =	vst.idx.msk $0xffff, v20  }
0x492: {  	v50 =	vld [tilespmem:$0x1FFB0]  }
0x493: {  	v27 =	vadd.s32 s16, v8;
	v24 =	vadd.s32 s15, v8  }
0x494: {  	v18 =	vand.u32 $0x1F80, v18;
	v28 =	vand.u32 $0x3F, v27;
	v25 =	vand.u32 $0x3F, v24  }
0x495: {  	v19 =	vadd.s32 s25, v8;
	v14 =	vor.u32 v45, v25;
	v25 =	vadd.s32 s16, v10;
	[tilespmem:v12+s30+$0x0] =	vst.idx.msk $0xffff, v22  }
0x496: {  	v26 =	vshll.u32 v27, $0x7;
	v61 =	vand.u32 $0x3F, v19;
	v27 =	vand.u32 $0x3F, v25;
	[tilespmem:v21+s30+$0x0] =	vst.idx.msk $0xffff, v16  }
0x497: {  	v1 =	vor.u32 v8, v18;
	v17 =	vor.u32 v45, v28;
	v18 =	vor.u32 v50, v27;
	v27 =	vld [tilespmem:$0x1FC50]  }
0x498: {  	v23 =	vor.u32 v45, v61;
	_ =	sdelay $0x1  }
0x499: {  	v7 =	vld.idx.msk [tilespmem:v37+s20+$0x0], $0xffff  }
0x49a: {  	v9 =	vand.u32 $0x1F80, v26;
	v20 =	vld.idx.msk [tilespmem:v58+s20+$0x0], $0xffff;
	v12 =	vshll.u32 v19, $0x7  }
0x49b: {  	v17 =	vld.idx.msk [tilespmem:v17+s20+$0x0], $0xffff;
	v9 =	vor.u32 v8, v9;
	v16 =	vshll.u32 v24, $0x7;
	v12 =	vand.u32 $0x1F80, v12  }
0x49c: {  	v62 =	vld.idx.msk [tilespmem:v23+s20+$0x0], $0xffff;
	v16 =	vand.u32 $0x1F80, v16;
	v12 =	vor.u32 v8, v12  }
0x49d: {  	v14 =	vld.idx.msk [tilespmem:v14+s20+$0x0], $0xffff;
	v16 =	vor.u32 v8, v16;
	[tilespmem:v35+s30+$0x0] =	vst.idx.msk $0xffff, v3  }
0x49e: {  	[tilespmem:v27+s30+$0x0] =	vst.idx.msk $0xffff, v7  }
0x49f: {  	v3 =	vld [tilespmem:$0x1FC40];
	[tilespmem:v1+s30+$0x0] =	vst.idx.msk $0xffff, v20  }
0x4a0: {  	[tilespmem:v9+s30+$0x0] =	vst.idx.msk $0xffff, v17  }
0x4a1: {  	v58 =	vld [tilespmem:$0x1FFA0];
	[tilespmem:v12+s30+$0x0] =	vst.idx.msk $0xffff, v62  }
0x4a2: {  	[tilespmem:v16+s30+$0x0] =	vst.idx.msk $0xffff, v14  }
0x4a3: {  	[tilespmem:v34+s30+$0x0] =	vst.idx.msk $0xffff, v11  }
0x4a4: {  	v19 =	vadd.s32 s25, v10;
	v38 =	vld [tilespmem:$0x1FC60]  }
0x4a5: {  	v32 =	vadd.s32 s15, v10;
	v63 =	vand.u32 $0x3F, v19  }
0x4a6: {  	v26 =	vshll.u32 v53, $0x7;
	v24 =	vand.u32 $0x3F, v32;
	v22 =	vor.u32 v50, v63;
	v20 =	vld.idx.msk [tilespmem:v44+s20+$0x0], $0xffff  }
0x4a7: {  	v25 =	vshll.u32 v25, $0x7;
	v26 =	vand.u32 $0x1F80, v26;
	v7 =	vor.u32 v50, v24;
	v3 =	vld.idx.msk [tilespmem:v3+s20+$0x0], $0xffff  }
0x4a8: {  	v1 =	vor.u32 v10, v26;
	v9 =	vand.u32 $0x1F80, v25;
	v25 =	vld.idx.msk [tilespmem:v52+s20+$0x0], $0xffff  }
0x4a9: {  	v12 =	vshll.u32 v19, $0x7;
	v18 =	vld.idx.msk [tilespmem:v18+s20+$0x0], $0xffff;
	v9 =	vor.u32 v10, v9  }
0x4aa: {  	v14 =	vshll.u32 v32, $0x7;
	v12 =	vand.u32 $0x1F80, v12  }
0x4ab: {  	v16 =	vld.idx.msk [tilespmem:v22+s20+$0x0], $0xffff;
	v11 =	vand.u32 $0x1F80, v14;
	v12 =	vor.u32 v10, v12;
	[tilespmem:v42+s30+$0x0] =	vst.idx.msk $0xffff, v20  }
0x4ac: {  	v11 =	vor.u32 v10, v11;
	v7 =	vld.idx.msk [tilespmem:v7+s20+$0x0], $0xffff;
	[tilespmem:v38+s30+$0x0] =	vst.idx.msk $0xffff, v3  }
0x4ad: {  	v26 =	vshll.u32 v47, $0x7;
	v20 =	vld [tilespmem:$0x1FC30];
	[tilespmem:v1+s30+$0x0] =	vst.idx.msk $0xffff, v25  }
0x4ae: {  	v40 =	vand.u32 $0x1F80, v26;
	v42 =	vld [tilespmem:$0x1FC90];
	[tilespmem:v9+s30+$0x0] =	vst.idx.msk $0xffff, v18  }
0x4af: {  	v1 =	vor.u32 v13, v40;
	v40 =	vld [tilespmem:$0x1FF80]  }
0x4b0: {  	v25 =	vld [tilespmem:$0x1FC10];
	[tilespmem:v12+s30+$0x0] =	vst.idx.msk $0xffff, v16  }
0x4b1: {  	v19 =	vadd.s32 s25, v13;
	[tilespmem:v11+s30+$0x0] =	vst.idx.msk $0xffff, v7  }
0x4b2: {  	v24 =	vadd.s32 s16, v13;
	v35 =	vand.u32 $0x3F, v19;
	v12 =	vshll.u32 v19, $0x7;
	v19 =	vld [tilespmem:$0x1FBE0]  }
0x4b3: {  	v27 =	vand.u32 $0x3F, v24  }
0x4b4: {  	v14 =	vadd.s32 s15, v13;
	v17 =	vor.u32 v58, v27  }
0x4b5: {  	v5 =	vld.idx.msk [tilespmem:v5+s20+$0x0], $0xffff;
	v37 =	vand.u32 $0x3F, v14;
	v21 =	vor.u32 v58, v35  }
0x4b6: {  	v22 =	vor.u32 v58, v37;
	v20 =	vld.idx.msk [tilespmem:v20+s20+$0x0], $0xffff  }
0x4b7: {  	v24 =	vshll.u32 v24, $0x7;
	v23 =	vld.idx.msk [tilespmem:v42+s20+$0x0], $0xffff  }
0x4b8: {  	v9 =	vand.u32 $0x1F80, v24;
	v24 =	vld.idx.msk [tilespmem:v46+s20+$0x0], $0xffff  }
0x4b9: {  	v16 =	vadd.s32 s25, v15;
	v17 =	vld.idx.msk [tilespmem:v17+s20+$0x0], $0xffff  }
0x4ba: {  	v9 =	vor.u32 v13, v9;
	v7 =	vshll.u32 v14, $0x7;
	v11 =	vld.idx.msk [tilespmem:v21+s20+$0x0], $0xffff;
	v12 =	vand.u32 $0x1F80, v12;
	[tilespmem:v19+s30+$0x0] =	vst.idx.msk $0xffff, v5  }
0x4bb: {  	v14 =	vand.u32 $0x3F, v16;
	v7 =	vand.u32 $0x1F80, v7;
	v12 =	vor.u32 v13, v12;
	v5 =	vld.idx.msk [tilespmem:v22+s20+$0x0], $0xffff;
	[tilespmem:v33+s30+$0x0] =	vst.idx.msk $0xffff, v20  }
0x4bc: {  	v7 =	vor.u32 v13, v7;
	v14 =	vor.u32 v40, v14;
	v20 =	vld [tilespmem:$0x1FBF0];
	[tilespmem:v49+s30+$0x0] =	vst.idx.msk $0xffff, v23  }
0x4bd: {  	v25 =	vshll.u32 v25, $0x7;
	v46 =	vld [tilespmem:$0x1FC70]  }
0x4be: {  	v47 =	vand.u32 $0x1F80, v25;
	v25 =	vld [tilespmem:$0x1FC20];
	[tilespmem:v1+s30+$0x0] =	vst.idx.msk $0xffff, v24  }
0x4bf: {  	v3 =	vadd.s32 s16, v15;
	v24 =	vld [tilespmem:$0x1FC80];
	[tilespmem:v9+s30+$0x0] =	vst.idx.msk $0xffff, v17  }
0x4c0: {  	v26 =	vand.u32 $0x3F, v3;
	[tilespmem:v12+s30+$0x0] =	vst.idx.msk $0xffff, v11;
	v11 =	vshll.u32 v16, $0x7  }
0x4c1: {  	v18 =	vor.u32 v40, v26;
	[tilespmem:v7+s30+$0x0] =	vst.idx.msk $0xffff, v5;
	v7 =	vand.u32 $0x1F80, v11;
	v11 =	vld.idx.msk [tilespmem:v14+s20+$0x0], $0xffff  }
0x4c2: {  	v1 =	vshll.u32 v36, $0x7;
	v14 =	vld [tilespmem:$0x1FC00]  }
0x4c3: {  	v19 =	vadd.s32 s15, v15;
	v1 =	vand.u32 $0x1F80, v1  }
0x4c4: {  	v3 =	vshll.u32 v3, $0x7;
	v44 =	vand.u32 $0x3F, v19;
	v17 =	vld.idx.msk [tilespmem:v39+s20+$0x0], $0xffff;
	v1 =	vor.u32 v15, v1  }
0x4c5: {  	v3 =	vand.u32 $0x1F80, v3;
	v21 =	vor.u32 v40, v44;
	v20 =	vld.idx.msk [tilespmem:v20+s20+$0x0], $0xffff  }
0x4c6: {  	v3 =	vor.u32 v15, v3;
	v12 =	vld.idx.msk [tilespmem:v18+s20+$0x0], $0xffff  }
0x4c7: {  	v7 =	vor.u32 v15, v7;
	v22 =	vshll.u32 v46, $0x7  }
0x4c8: {  	v23 =	vor.u32 v15, v47;
	v5 =	vshll.u32 v19, $0x7;
	v22 =	vand.u32 $0x1F80, v22;
	v25 =	vld.idx.msk [tilespmem:v25+s20+$0x0], $0xffff  }
0x4c9: {  	v5 =	vand.u32 $0x1F80, v5;
	v9 =	vor.u32 v15, v22;
	[tilespmem:v1+s30+$0x0] =	vst.idx.msk $0xffff, v17;
	v24 =	vld.idx.msk [tilespmem:v24+s20+$0x0], $0xffff  }
0x4ca: {  	s14 =	sadd.s32 s5, s6;
	v5 =	vor.u32 v15, v5;
	[tilespmem:v14+s30+$0x0] =	vst.idx.msk $0xffff, v20;
	v14 =	vld.idx.msk [tilespmem:v21+s20+$0x0], $0xffff  }
0x4cb: {  	s16 =	sshll.u32 s14, $0xA;
	s25 =	sshll.u32 s6, $0xF;
	[tilespmem:v3+s30+$0x0] =	vst.idx.msk $0xffff, v12  }
0x4cc: {  	s14 =	sshll.u32 s14, $0x4;
	s6 =	sand.u32 $0x30000, s25;
	s15 =	sand.u32 $0xFFC0000, s16;
	[tilespmem:v7+s30+$0x0] =	vst.idx.msk $0xffff, v11  }
0x4cd: {  	s14 =	sand.u32 $0xF80, s14;
	s6 =	sor.u32 s6, s15;
	[tilespmem:v23+s30+$0x0] =	vst.idx.msk $0xffff, v25  }
0x4ce: {  	s6 =	sor.u32 s14, s6;
	[tilespmem:v9+s30+$0x0] =	vst.idx.msk $0xffff, v24  }
0x4cf: {  	s14 =	sadd.s32 s2, s6;
	[tilespmem:v5+s30+$0x0] =	vst.idx.msk $0xffff, v14  }
0x4d0: {  	[hbm4b:s14+s3] =	stream.linear.scatter [tilespmem:s30], [sflag:$0x7], $0x400, $0x38;
	[tilespmem:$0x16400] =	vst v63  }
0x4d1: {  	s25 =	simm.s32 $0x12800;
	s16 =	sadd.s32 s6, s7  }
0x4d2: {  	[hbm4b:s16+s3] =	stream.linear.scatter [tilespmem:s25], [sflag:$0x7], $0x400, $0x38;
	[tilespmem:$0x16400] =	vst v63  }
0x4d3: {  	s16 =	sadd.s32 s6, s8;
	s25 =	simm.s32 $0x12C00  }
0x4d4: {  	[hbm4b:s16+s3] =	stream.linear.scatter [tilespmem:s25], [sflag:$0x7], $0x400, $0x38;
	[tilespmem:$0x16400] =	vst v63  }
0x4d5: {  	s16 =	sadd.s32 s6, s9;
	s25 =	simm.s32 $0x13000  }
0x4d6: {  	[hbm4b:s16+s3] =	stream.linear.scatter [tilespmem:s25], [sflag:$0x7], $0x400, $0x38;
	[tilespmem:$0x16400] =	vst v63  }
0x4d7: {  	s16 =	sadd.s32 s6, s10;
	s25 =	simm.s32 $0x13400  }
0x4d8: {  	[hbm4b:s16+s3] =	stream.linear.scatter [tilespmem:s25], [sflag:$0x7], $0x400, $0x38;
	[tilespmem:$0x16400] =	vst v63  }
0x4d9: {  	s16 =	sadd.s32 s6, s11;
	s25 =	simm.s32 $0x13800  }
0x4da: {  	[hbm4b:s16+s3] =	stream.linear.scatter [tilespmem:s25], [sflag:$0x7], $0x400, $0x38;
	[tilespmem:$0x16400] =	vst v63  }
0x4db: {  	s16 =	sadd.s32 s6, s12;
	s25 =	simm.s32 $0x13C00  }
0x4dc: {  	[hbm4b:s16+s3] =	stream.linear.scatter [tilespmem:s25], [sflag:$0x7], $0x400, $0x38;
	[tilespmem:$0x16400] =	vst v63  }
0x4dd: {  	s6 =	sadd.s32 s6, s13;
	s16 =	simm.s32 $0x14000  }
0x4de: {  	[hbm4b:s6+s3] =	stream.linear.scatter [tilespmem:s16], [sflag:$0x7], $0x400, $0x38;
	[tilespmem:$0x16400] =	vst v63  }
0x4df: {  	s15 =	simm.s32 @!p1 $0xA400;
	s14 =	simm.s32 @!p1 $0x80;
	s6 =	sadd.s32 @!p1 $0x300, s21  }
0x4e0: {  	[tilespmem:s15], [sflag:$0x3] =	stream.indirect.gather @!p1 [hbm4b:s4+s14], $0x40, s6, s14, $0xb8;
	[tilespmem:$0x16400] =	vst v63  }
0x4e1: {  	_ =	swait.ge [sflag:s26], $0x2000  }
0x4e2: {  	[sflag:s26] =	ssyncset.done $0x0  }
0x4e3: {  	s6 =	simm.s32 @!p0 $0x8;
	[sflag:s26] =	ssyncadd.s32 $0xFFFFE000  }
0x4e4: {  	_ =	swait.ge @!p0 [sflag:s6], $0x400  }
0x4e5: {  	[sflag:s6] =	ssyncset.done @!p0 $0x0  }
0x4e6: {  	s25 =	simm.s32 $0x0;
	[sflag:s6] =	ssyncadd.s32 @!p0 $0xFFFFFC00  }
0x4e7: {  	v7 =	vadd.s32 s25, v4;
	_ =	swait.ge @!p0 [sflag:s6], $0x400  }
0x4e8: {  	v51 =	vand.u32 $0x38, v7;
	v52 =	vshll.u32 v7, $0x7;
	v7 =	vld [tilespmem:$0x1FF70];
	_ =	sdelay $0x2  }
0x4e9: {  	v1 =	vadd.s32 s25, v15  }
0x4ea: {  	v16 =	vshll.u32 v1, $0x7;
	v1 =	vand.u32 $0x38, v1  }
0x4eb: {  	[sflag:s6] =	ssyncset.done @!p0 $0x0;
	v1 =	vor.u32 v7, v1  }
0x4ec: {  	[sflag:s6] =	ssyncadd.s32 @!p0 $0xFFFFFC00;
	[tilespmem:$0x1FAA0] =	vst v1  }
0x4ed: {  	_ =	swait.ge @!p0 [sflag:s6], $0x400  }
0x4ee: {  	v1 =	vld [tilespmem:$0x1FF50];
	_ =	sdelay $0x2  }
0x4ef: {  	v3 =	vadd.s32 s25, v10  }
0x4f0: {  	v19 =	vand.u32 $0x38, v3  }
0x4f1: {  	v7 =	vor.u32 v1, v19;
	v1 =	vld [tilespmem:$0x1FF60];
	_ =	sdelay $0x2  }
0x4f2: {  	v5 =	vadd.s32 s25, v13  }
0x4f3: {  	v17 =	vand.u32 $0x38, v5  }
0x4f4: {  	v1 =	vor.u32 v1, v17;
	v17 =	vld [tilespmem:$0x1FF40]  }
0x4f5: {  	v53 =	vld [tilespmem:$0x1FF30];
	_ =	sdelay $0x1  }
0x4f6: {  	v11 =	vadd.s32 s25, v8;
	[sflag:s6] =	ssyncset.done @!p0 $0x0  }
0x4f7: {  	v9 =	vadd.s32 s25, v6;
	v18 =	vshll.u32 v11, $0x7;
	v11 =	vand.u32 $0x38, v11;
	[sflag:s6] =	ssyncadd.s32 @!p0 $0xFFFFFC00  }
0x4f8: {  	v20 =	vand.u32 $0x38, v9;
	v11 =	vor.u32 v17, v11;
	v17 =	vand.u32 $0x1F80, v18;
	v18 =	vld [tilespmem:$0x1FF20];
	_ =	swait.ge @!p0 [sflag:s6], $0x400  }
0x4f9: {  	v5 =	vshll.u32 v5, $0x7;
	v24 =	vor.u32 v53, v20;
	v20 =	vld [tilespmem:$0x1FF10]  }
0x4fa: {  	v5 =	vand.u32 $0x1F80, v5  }
0x4fb: {  	v16 =	vand.u32 $0x1F80, v16;
	v5 =	vor.u32 v13, v5  }
0x4fc: {  	v14 =	vadd.s32 s25, v2;
	[sflag:s6] =	ssyncset.done @!p0 $0x0;
	[tilespmem:$0x1FBA0] =	vst v5;
	v5 =	vor.u32 v15, v16  }
0x4fd: {  	v49 =	vshll.u32 v14, $0x7;
	v14 =	vand.u32 $0x38, v14;
	[tilespmem:$0x1FAB0] =	vst v5;
	[sflag:s6] =	ssyncadd.s32 @!p0 $0xFFFFFC00  }
0x4fe: {  	v12 =	vadd.s32 s25, v0;
	v3 =	vshll.u32 v3, $0x7;
	v20 =	vor.u32 v20, v14;
	v14 =	vld [tilespmem:$0x1FFF0];
	_ =	swait.ge @!p0 [sflag:s6], $0x400  }
0x4ff: {  	v9 =	vshll.u32 v9, $0x7;
	v25 =	vand.u32 $0x38, v12;
	v12 =	vshll.u32 v12, $0x7;
	[sflag:s6] =	ssyncset.done @!p0 $0x0  }
0x500: {  	v3 =	vand.u32 $0x1F80, v3;
	v9 =	vand.u32 $0x1F80, v9;
	v12 =	vand.u32 $0x1F80, v12;
	s15 =	simm.s32 $0x7;
	[sflag:s6] =	ssyncadd.s32 @!p0 $0xFFFFFC00  }
0x501: {  	v21 =	vand.u32 $0x1F80, v49;
	v16 =	vor.u32 v10, v3;
	v3 =	vadd.s32 s15, v0;
	_ =	swait.ge @!p0 [sflag:s6], $0x400  }
0x502: {  	v55 =	vadd.s32 s15, v15;
	v56 =	vand.u32 $0x3F, v3;
	v3 =	vshll.u32 v3, $0x7;
	[sflag:s6] =	ssyncset.done @!p0 $0x0  }
0x503: {  	v26 =	vadd.s32 s15, v10;
	v29 =	vadd.s32 s15, v2;
	v3 =	vand.u32 $0x1F80, v3;
	[sflag:s6] =	ssyncadd.s32 @!p0 $0xFFFFFC00  }
0x504: {  	v30 =	vand.u32 $0x3F, v55;
	v19 =	vand.u32 $0x1F80, v52;
	v62 =	vor.u32 v0, v3;
	v27 =	vld [tilespmem:$0x1FF00];
	_ =	swait.ge @!p0 [sflag:s6], $0x400  }
0x505: {  	v3 =	vand.u32 $0x3F, v29;
	v54 =	vor.u32 v14, v25;
	v14 =	vor.u32 v6, v9;
	[sflag:s6] =	ssyncset.done @!p0 $0x0  }
0x506: {  	v9 =	vor.u32 v8, v17;
	v17 =	vor.u32 v4, v19;
	v19 =	vadd.s32 s15, v13;
	[sflag:s6] =	ssyncadd.s32 @!p0 $0xFFFFFC00  }
0x507: {  	v63 =	vor.u32 v48, v3;
	v3 =	vor.u32 v40, v30;
	v57 =	vand.u32 $0x3F, v19;
	_ =	swait.ge @!p0 [sflag:s6], $0x400  }
0x508: {  	v41 =	vmovc v31;
	v31 =	vshll.u32 v26, $0x7;
	v26 =	vand.u32 $0x3F, v26;
	[sflag:s6] =	ssyncset.done @!p0 $0x0;
	[tilespmem:$0x1FAC0] =	vst v3;
	v3 =	vor.u32 v58, v57  }
0x509: {  	v5 =	vor.u32 v0, v12;
	v12 =	vor.u32 v2, v21;
	v21 =	vshll.u32 v55, $0x7;
	[sflag:s6] =	ssyncadd.s32 @!p0 $0xFFFFFC00;
	[tilespmem:$0x1FB90] =	vst v3  }
0x50a: {  	v21 =	vand.u32 $0x1F80, v21;
	v25 =	vadd.s32 s15, v8;
	v23 =	vor.u32 v27, v56;
	v22 =	vld.idx.msk [tilespmem:v54+s22+$0x0], $0xffff  }
0x50b: {  	v21 =	vor.u32 v15, v21;
	v59 =	vand.u32 $0x3F, v25;
	v27 =	vadd.s32 s15, v4  }
0x50c: {  	v25 =	vshll.u32 v25, $0x7;
	v61 =	vand.u32 $0x3F, v27;
	v27 =	vshll.u32 v27, $0x7  }
0x50d: {  	v25 =	vand.u32 $0x1F80, v25;
	v3 =	vor.u32 v50, v26;
	v26 =	vand.u32 $0x1F80, v27  }
0x50e: {  	[tilespmem:$0x1FAD0] =	vst v21;
	v21 =	vor.u32 v8, v25;
	v25 =	vor.u32 v4, v26;
	v26 =	vld [tilespmem:$0x1FF00]  }
0x50f: {  	s16 =	simm.s32 $0x6;
	v23 =	vld.idx.msk [tilespmem:v23+s22+$0x0], $0xffff;
	[tilespmem:v5+s28+$0x0] =	vst.idx.msk $0xffff, v22  }
0x510: {  	v49 =	vadd.s32 s16, v15;
	v20 =	vld.idx.msk [tilespmem:v20+s22+$0x0], $0xffff  }
0x511: {  	v39 =	vand.u32 $0x3F, v49;
	v29 =	vshll.u32 v29, $0x7;
	v18 =	vor.u32 v18, v51  }
0x512: {  	v30 =	vand.u32 $0x1F80, v31;
	v51 =	vadd.s32 s16, v8;
	v19 =	vshll.u32 v19, $0x7  }
0x513: {  	v31 =	vmovc v45;
	v29 =	vand.u32 $0x1F80, v29;
	v33 =	vshll.u32 v51, $0x7;
	v19 =	vand.u32 $0x1F80, v19;
	[tilespmem:$0x1FAE0] =	vst v49  }
0x514: {  	v52 =	vor.u32 v45, v59;
	v45 =	vadd.s32 s16, v13;
	v55 =	vor.u32 v13, v19;
	[tilespmem:v62+s28+$0x0] =	vst.idx.msk $0xffff, v23  }
0x515: {  	v59 =	vand.u32 $0x3F, v51;
	v19 =	vor.u32 v2, v29;
	v57 =	vand.u32 $0x3F, v45;
	v38 =	vld.idx.msk [tilespmem:v63+s22+$0x0], $0xffff;
	[tilespmem:v12+s28+$0x0] =	vst.idx.msk $0xffff, v20  }
0x516: {  	v5 =	vadd.s32 s16, v10;
	v22 =	vshll.u32 v45, $0x7;
	v45 =	vor.u32 v40, v39;
	v18 =	vld.idx.msk [tilespmem:v18+s22+$0x0], $0xffff  }
0x517: {  	v51 =	vor.u32 v58, v57;
	v56 =	vshll.u32 v5, $0x7;
	v5 =	vand.u32 $0x3F, v5;
	[tilespmem:$0x1FAF0] =	vst v45  }
0x518: {  	v32 =	vor.u32 v43, v61;
	v5 =	vor.u32 v50, v5;
	[tilespmem:$0x1FB00] =	vst v51  }
0x519: {  	v28 =	vadd.s32 s15, v6;
	[tilespmem:$0x1FB10] =	vst v5  }
0x51a: {  	v60 =	vand.u32 $0x3F, v28;
	v28 =	vshll.u32 v28, $0x7;
	v22 =	vand.u32 $0x1F80, v22;
	[tilespmem:v19+s28+$0x0] =	vst.idx.msk $0xffff, v38  }
0x51b: {  	v33 =	vand.u32 $0x1F80, v33;
	v29 =	vadd.s32 s16, v4;
	[tilespmem:v17+s28+$0x0] =	vst.idx.msk $0xffff, v18;
	v18 =	vor.u32 v13, v22  }
0x51c: {  	v34 =	vor.u32 v31, v59;
	v27 =	vor.u32 v41, v60;
	v60 =	vshll.u32 v29, $0x7;
	[tilespmem:$0x1FB20] =	vst v18  }
0x51d: {  	v54 =	vadd.s32 s16, v2;
	v49 =	vand.u32 $0x1F80, v56;
	v19 =	vor.u32 v8, v33;
	v18 =	vld.idx.msk [tilespmem:v32+s22+$0x0], $0xffff  }
0x51e: {  	v12 =	vand.u32 $0x3F, v54;
	v20 =	vshll.u32 v54, $0x7;
	[tilespmem:$0x1FB30] =	vst v19;
	v19 =	vor.u32 v10, v49  }
0x51f: {  	v47 =	vmovc v43;
	s21 =	simm.s32 $0x5;
	v29 =	vand.u32 $0x3F, v29;
	v59 =	vor.u32 v48, v12;
	v12 =	vand.u32 $0x1F80, v20;
	[tilespmem:$0x1FB40] =	vst v19  }
0x520: {  	v54 =	vor.u32 v47, v29;
	v29 =	vadd.s32 s21, v15;
	v57 =	vor.u32 v2, v12;
	v12 =	vld.idx.msk [tilespmem:v24+s22+$0x0], $0xffff  }
0x521: {  	v28 =	vand.u32 $0x1F80, v28;
	v53 =	vadd.s32 s16, v0;
	[tilespmem:$0x1FB50] =	vst v29  }
0x522: {  	v28 =	vor.u32 v6, v28;
	v62 =	vand.u32 $0x3F, v53;
	v63 =	vshll.u32 v53, $0x7;
	[tilespmem:v25+s28+$0x0] =	vst.idx.msk $0xffff, v18  }
0x523: {  	v23 =	vand.u32 $0x1F80, v60;
	v5 =	vor.u32 v26, v62;
	v17 =	vand.u32 $0x1F80, v63;
	v27 =	vld.idx.msk [tilespmem:v27+s22+$0x0], $0xffff  }
0x524: {  	v60 =	vand.u32 $0x3F, v29;
	v62 =	vor.u32 v0, v17;
	v19 =	vadd.s32 s21, v13  }
0x525: {  	v24 =	vadd.s32 s21, v0;
	v0 =	vor.u32 v40, v60;
	v25 =	vand.u32 $0x3F, v19;
	[tilespmem:v14+s28+$0x0] =	vst.idx.msk $0xffff, v12  }
0x526: {  	v35 =	vor.u32 v10, v30;
	v30 =	vadd.s32 s16, v6;
	v25 =	vor.u32 v58, v25;
	v11 =	vld.idx.msk [tilespmem:v11+s22+$0x0], $0xffff;
	[tilespmem:$0x1FB60] =	vst v0  }
0x527: {  	v61 =	vand.u32 $0x3F, v30;
	v17 =	vadd.s32 s21, v10;
	[tilespmem:$0x1FB70] =	vst v25  }
0x528: {  	v30 =	vshll.u32 v30, $0x7;
	v18 =	vshll.u32 v17, $0x7;
	v17 =	vand.u32 $0x3F, v17;
	[tilespmem:v28+s28+$0x0] =	vst.idx.msk $0xffff, v27  }
0x529: {  	v30 =	vand.u32 $0x1F80, v30;
	v43 =	vor.u32 v50, v17;
	v17 =	vld.idx.msk [tilespmem:v52+s22+$0x0], $0xffff  }
0x52a: {  	v38 =	vor.u32 v6, v30;
	v30 =	vadd.s32 s21, v2;
	v19 =	vshll.u32 v19, $0x7  }
0x52b: {  	v20 =	vadd.s32 s21, v4;
	v63 =	vand.u32 $0x3F, v30;
	v19 =	vand.u32 $0x1F80, v19  }
0x52c: {  	v12 =	vshll.u32 v20, $0x7;
	v20 =	vand.u32 $0x3F, v20;
	v19 =	vor.u32 v13, v19;
	[tilespmem:v9+s28+$0x0] =	vst.idx.msk $0xffff, v11  }
0x52d: {  	v11 =	vor.u32 v48, v63;
	v63 =	vor.u32 v47, v20;
	v20 =	vld.idx.msk [tilespmem:v7+s22+$0x0], $0xffff;
	[tilespmem:$0x1FB80] =	vst v19  }
0x52e: {  	[tilespmem:v21+s28+$0x0] =	vst.idx.msk $0xffff, v17  }
0x52f: {  	v17 =	vld.idx.msk [tilespmem:v3+s22+$0x0], $0xffff  }
0x530: {  	v46 =	vmov v41;
	v56 =	vadd.s32 s21, v8  }
0x531: {  	v39 =	vor.u32 v46, v61;
	v61 =	vand.u32 $0x3F, v56  }
0x532: {  	s25 =	simm.s32 $0x4;
	v49 =	vor.u32 v31, v61;
	v0 =	vlaneseq.u32;
	v12 =	vand.u32 $0x1F80, v12  }
0x533: {  	v18 =	vand.u32 $0x1F80, v18;
	v61 =	vor.u32 v4, v12;
	v12 =	vadd.s32 s25, v0;
	[tilespmem:v16+s28+$0x0] =	vst.idx.msk $0xffff, v20  }
0x534: {  	v42 =	vor.u32 v10, v18;
	v18 =	vadd.s32 s25, v2;
	v27 =	vshll.u32 v12, $0x7;
	[tilespmem:v35+s28+$0x0] =	vst.idx.msk $0xffff, v17  }
0x535: {  	v3 =	vand.u32 $0x3F, v12;
	v12 =	vand.u32 $0x3F, v18;
	v16 =	vshll.u32 v18, $0x7;
	v18 =	vld [tilespmem:$0x1FB90];
	_ =	sdelay $0x4  }
0x536: {  	v53 =	vadd.s32 s21, v6;
	v51 =	vor.u32 v4, v23;
	v23 =	vshll.u32 v56, $0x7  }
0x537: {  	v37 =	vadd.s32 s25, v15;
	v23 =	vand.u32 $0x1F80, v23;
	v22 =	vshll.u32 v53, $0x7  }
0x538: {  	v30 =	vshll.u32 v30, $0x7;
	v29 =	vor.u32 v8, v23;
	v60 =	vadd.s32 s25, v8  }
0x539: {  	v33 =	vand.u32 $0x3F, v24;
	v24 =	vshll.u32 v24, $0x7;
	v14 =	vand.u32 $0x3F, v53;
	v28 =	vld.idx.msk [tilespmem:v18+s22+$0x0], $0xffff  }
0x53a: {  	v41 =	vmovc v46;
	v44 =	vand.u32 $0x3F, v60;
	v56 =	vor.u32 v46, v14;
	v46 =	vadd.s32 s25, v13;
	v18 =	vld [tilespmem:$0x1FBA0]  }
0x53b: {  	v14 =	vand.u32 $0x1F80, v22;
	v25 =	vor.u32 v26, v33;
	v45 =	vand.u32 $0x3F, v46  }
0x53c: {  	s15 =	simm.s32 $0x2;
	v53 =	vor.u32 v6, v14;
	v14 =	vadd.s32 s25, v4;
	v36 =	vor.u32 v58, v45  }
0x53d: {  	v58 =	vor.u32 v31, v44;
	v31 =	vadd.s32 s15, v0;
	v52 =	vadd.s32 s25, v10;
	v20 =	vld.idx.msk [tilespmem:v1+s22+$0x0], $0xffff  }
0x53e: {  	v9 =	vand.u32 $0x1F80, v30;
	v30 =	vand.u32 $0x3F, v14;
	v7 =	vand.u32 $0x1F80, v24  }
0x53f: {  	v9 =	vor.u32 v2, v9;
	v19 =	vand.u32 $0x3F, v37;
	v24 =	vor.u32 v0, v7  }
0x540: {  	s21 =	simm.s32 $0x3;
	v7 =	vadd.s32 s25, v6;
	v40 =	vor.u32 v40, v19;
	v1 =	vand.u32 $0x3F, v52  }
0x541: {  	v47 =	vand.u32 $0x3F, v7;
	v50 =	vor.u32 v50, v1;
	v17 =	vadd.s32 s21, v0  }
0x542: {  	s1 =	sor.u32 $0x3, s1;
	s14 =	simm.s32 $0x1;
	s6 =	simm.s32 $0x8;
	v1 =	vor.u32 v41, v47;
	v19 =	vand.u32 $0x3F, v17;
	[tilespmem:v18+s28+$0x0] =	vst.idx.msk $0xffff, v20;
	v18 =	vor.u32 v26, v3  }
.LBB2_9:
0x543: {  	v47 =	vld [tilespmem:$0x1FFD0]  }
0x544: {  	v20 =	vadd.s32 s14, v0;
	v21 =	vand.u32 $0x3F, v31;
	v19 =	vor.u32 v26, v19;
	v48 =	vld [tilespmem:$0x1FFE0]  }
0x545: {  	v5 =	vld.idx.msk [tilespmem:v5+s22+$0x0], $0xffff;
	v22 =	vand.u32 $0x3F, v20;
	v21 =	vor.u32 v26, v21  }
0x546: {  	v25 =	vld.idx.msk [tilespmem:v25+s22+$0x0], $0xffff;
	v22 =	vor.u32 v26, v22  }
0x547: {  	v17 =	vshll.u32 v17, $0x7;
	v27 =	vand.u32 $0x1F80, v27;
	v31 =	vshll.u32 v31, $0x7;
	[tilespmem:v55+s28+$0x0] =	vst.idx.msk $0xffff, v28;
	v28 =	vld [tilespmem:$0x1FAC0]  }
0x548: {  	v18 =	vld.idx.msk [tilespmem:v18+s22+$0x0], $0xffff;
	v17 =	vand.u32 $0x1F80, v17;
	v27 =	vor.u32 v0, v27;
	v20 =	vshll.u32 v20, $0x7  }
0x549: {  	v31 =	vand.u32 $0x1F80, v31;
	v17 =	vor.u32 v0, v17;
	v0 =	vlaneseq.u32;
	v19 =	vld.idx.msk [tilespmem:v19+s22+$0x0], $0xffff  }
0x54a: {  	v45 =	vadd.s32 s15, v2;
	v20 =	vand.u32 $0x1F80, v20;
	v31 =	vor.u32 v0, v31;
	v21 =	vld.idx.msk [tilespmem:v21+s22+$0x0], $0xffff  }
0x54b: {  	v16 =	vand.u32 $0x1F80, v16;
	v32 =	vand.u32 $0x3F, v45;
	v20 =	vor.u32 v0, v20;
	[tilespmem:v62+s28+$0x0] =	vst.idx.msk $0xffff, v5;
	v22 =	vld.idx.msk [tilespmem:v22+s22+$0x0], $0xffff  }
0x54c: {  	v33 =	vadd.s32 s14, v2;
	v16 =	vor.u32 v2, v16;
	v32 =	vor.u32 v48, v32;
	[tilespmem:v24+s28+$0x0] =	vst.idx.msk $0xffff, v25  }
0x54d: {  	v26 =	vand.u32 $0x3F, v33;
	v23 =	vor.u32 v47, v30;
	v12 =	vor.u32 v48, v12;
	[tilespmem:v27+s28+$0x0] =	vst.idx.msk $0xffff, v18  }
0x54e: {  	v5 =	vor.u32 v48, v26;
	v26 =	vadd.s32 s21, v4;
	v62 =	vadd.s32 s15, v4;
	v24 =	vld.idx.msk [tilespmem:v59+s22+$0x0], $0xffff;
	[tilespmem:v17+s28+$0x0] =	vst.idx.msk $0xffff, v19  }
0x54f: {  	v27 =	vand.u32 $0x3F, v62;
	v19 =	vshll.u32 v45, $0x7;
	[tilespmem:v31+s28+$0x0] =	vst.idx.msk $0xffff, v21;
	v30 =	vld.idx.msk [tilespmem:v28+s22+$0x0], $0xffff;
	v28 =	vadd.s32 s21, v2  }
0x550: {  	v11 =	vld.idx.msk [tilespmem:v11+s22+$0x0], $0xffff;
	v27 =	vor.u32 v47, v27;
	v19 =	vand.u32 $0x1F80, v19;
	[tilespmem:v20+s28+$0x0] =	vst.idx.msk $0xffff, v22;
	v35 =	vand.u32 $0x3F, v28  }
0x551: {  	v20 =	vshll.u32 v33, $0x7;
	v41 =	vld.idx.msk [tilespmem:v32+s22+$0x0], $0xffff;
	v19 =	vor.u32 v2, v19;
	v35 =	vor.u32 v48, v35  }
0x552: {  	v12 =	vld.idx.msk [tilespmem:v12+s22+$0x0], $0xffff;
	v25 =	vshll.u32 v28, $0x7;
	v28 =	vand.u32 $0x3F, v26;
	v20 =	vand.u32 $0x1F80, v20  }
0x553: {  	v5 =	vld.idx.msk [tilespmem:v5+s22+$0x0], $0xffff;
	v18 =	vor.u32 v47, v28;
	v28 =	vadd.s32 s14, v4;
	v20 =	vor.u32 v2, v20  }
0x554: {  	v45 =	vld [tilespmem:$0x1FFC0];
	[tilespmem:v57+s28+$0x0] =	vst.idx.msk $0xffff, v24;
	v31 =	vand.u32 $0x3F, v28  }
0x555: {  	v14 =	vshll.u32 v14, $0x7;
	[tilespmem:v9+s28+$0x0] =	vst.idx.msk $0xffff, v11;
	v9 =	vld.idx.msk [tilespmem:v54+s22+$0x0], $0xffff;
	v17 =	vand.u32 $0x1F80, v25;
	v24 =	vor.u32 v47, v31  }
0x556: {  	v14 =	vand.u32 $0x1F80, v14;
	v17 =	vor.u32 v2, v17;
	[tilespmem:v19+s28+$0x0] =	vst.idx.msk $0xffff, v41;
	v19 =	vshll.u32 v62, $0x7;
	v25 =	vld.idx.msk [tilespmem:v35+s22+$0x0], $0xffff  }
0x557: {  	[tilespmem:v16+s28+$0x0] =	vst.idx.msk $0xffff, v12;
	v12 =	vor.u32 v4, v14;
	v14 =	vld.idx.msk [tilespmem:v63+s22+$0x0], $0xffff;
	v19 =	vand.u32 $0x1F80, v19  }
0x558: {  	v44 =	vadd.s32 s15, v6;
	[tilespmem:v20+s28+$0x0] =	vst.idx.msk $0xffff, v5;
	v5 =	vshll.u32 v28, $0x7;
	v20 =	vld.idx.msk [tilespmem:v27+s22+$0x0], $0xffff;
	v19 =	vor.u32 v4, v19  }
0x559: {  	v11 =	vshll.u32 v26, $0x7;
	v54 =	vand.u32 $0x3F, v44;
	v35 =	vld [tilespmem:$0x1FF90];
	v5 =	vand.u32 $0x1F80, v5  }
0x55a: {  	v22 =	vor.u32 v45, v54;
	[tilespmem:v51+s28+$0x0] =	vst.idx.msk $0xffff, v9;
	v55 =	vld.idx.msk [tilespmem:v24+s22+$0x0], $0xffff;
	v5 =	vor.u32 v4, v5  }
0x55b: {  	v11 =	vand.u32 $0x1F80, v11;
	v31 =	vadd.s32 s21, v6;
	[tilespmem:v17+s28+$0x0] =	vst.idx.msk $0xffff, v25;
	v17 =	vld.idx.msk [tilespmem:v23+s22+$0x0], $0xffff  }
0x55c: {  	v11 =	vor.u32 v4, v11;
	v26 =	vand.u32 $0x3F, v31;
	[tilespmem:v61+s28+$0x0] =	vst.idx.msk $0xffff, v14;
	v24 =	vadd.s32 s14, v6;
	v18 =	vld.idx.msk [tilespmem:v18+s22+$0x0], $0xffff  }
0x55d: {  	v16 =	vor.u32 v45, v26;
	v14 =	vld.idx.msk [tilespmem:v39+s22+$0x0], $0xffff;
	v25 =	vand.u32 $0x3F, v24;
	[tilespmem:v19+s28+$0x0] =	vst.idx.msk $0xffff, v20;
	v19 =	vshll.u32 v44, $0x7  }
0x55e: {  	v7 =	vshll.u32 v7, $0x7;
	v44 =	vld [tilespmem:$0x1FFB0];
	v9 =	vor.u32 v45, v25;
	v19 =	vand.u32 $0x1F80, v19  }
0x55f: {  	v7 =	vand.u32 $0x1F80, v7;
	v57 =	vld.idx.msk [tilespmem:v22+s22+$0x0], $0xffff;
	[tilespmem:v5+s28+$0x0] =	vst.idx.msk $0xffff, v55;
	v19 =	vor.u32 v6, v19  }
0x560: {  	v7 =	vor.u32 v6, v7;
	v26 =	vshll.u32 v31, $0x7;
	v20 =	vadd.s32 s15, v8;
	[tilespmem:v12+s28+$0x0] =	vst.idx.msk $0xffff, v17;
	v12 =	vld.idx.msk [tilespmem:v56+s22+$0x0], $0xffff  }
0x561: {  	v59 =	vand.u32 $0x3F, v20;
	v5 =	vshll.u32 v24, $0x7;
	[tilespmem:v11+s28+$0x0] =	vst.idx.msk $0xffff, v18;
	v11 =	vand.u32 $0x1F80, v26;
	v1 =	vld.idx.msk [tilespmem:v1+s22+$0x0], $0xffff  }
0x562: {  	v22 =	vor.u32 v35, v59;
	v5 =	vand.u32 $0x1F80, v5;
	v16 =	vld.idx.msk [tilespmem:v16+s22+$0x0], $0xffff;
	v11 =	vor.u32 v6, v11  }
0x563: {  	[tilespmem:v38+s28+$0x0] =	vst.idx.msk $0xffff, v14;
	v5 =	vor.u32 v6, v5;
	v18 =	vshll.u32 v60, $0x7;
	v9 =	vld.idx.msk [tilespmem:v9+s22+$0x0], $0xffff;
	v60 =	vadd.s32 s14, v8  }
0x564: {  	v3 =	vld [tilespmem:$0x1FAA0];
	v25 =	vadd.s32 s21, v8;
	v24 =	vand.u32 $0x3F, v60;
	[tilespmem:v19+s28+$0x0] =	vst.idx.msk $0xffff, v57  }
0x565: {  	v41 =	vld [tilespmem:$0x1FFA0];
	v27 =	vand.u32 $0x3F, v25;
	v14 =	vor.u32 v35, v24;
	v24 =	vadd.s32 s21, v10;
	[tilespmem:v53+s28+$0x0] =	vst.idx.msk $0xffff, v12  }
0x566: {  	v17 =	vor.u32 v35, v27;
	v19 =	vshll.u32 v20, $0x7;
	v26 =	vand.u32 $0x3F, v24;
	[tilespmem:v7+s28+$0x0] =	vst.idx.msk $0xffff, v1;
	v7 =	vld.idx.msk [tilespmem:v49+s22+$0x0], $0xffff  }
0x567: {  	v19 =	vand.u32 $0x1F80, v19;
	[tilespmem:v11+s28+$0x0] =	vst.idx.msk $0xffff, v16;
	v16 =	vor.u32 v44, v26;
	v26 =	vld [tilespmem:$0x1FB30]  }
0x568: {  	v18 =	vand.u32 $0x1F80, v18;
	v19 =	vor.u32 v8, v19;
	[tilespmem:v5+s28+$0x0] =	vst.idx.msk $0xffff, v9;
	v9 =	vld.idx.msk [tilespmem:v22+s22+$0x0], $0xffff  }
0x569: {  	v25 =	vshll.u32 v25, $0x7;
	v1 =	vor.u32 v8, v18;
	v18 =	vld.idx.msk [tilespmem:v58+s22+$0x0], $0xffff  }
0x56a: {  	v12 =	vld.idx.msk [tilespmem:v34+s22+$0x0], $0xffff;
	v11 =	vand.u32 $0x1F80, v25  }
0x56b: {  	v5 =	vshll.u32 v60, $0x7;
	v17 =	vld.idx.msk [tilespmem:v17+s22+$0x0], $0xffff;
	v11 =	vor.u32 v8, v11  }
0x56c: {  	v20 =	vadd.s32 s15, v10;
	v5 =	vand.u32 $0x1F80, v5;
	v14 =	vld.idx.msk [tilespmem:v14+s22+$0x0], $0xffff;
	[tilespmem:v29+s28+$0x0] =	vst.idx.msk $0xffff, v7  }
0x56d: {  	v62 =	vadd.s32 s14, v10;
	v61 =	vand.u32 $0x3F, v20;
	v5 =	vor.u32 v8, v5;
	v7 =	vld [tilespmem:$0x1FB10];
	[tilespmem:v19+s28+$0x0] =	vst.idx.msk $0xffff, v9  }
0x56e: {  	v3 =	vld.idx.msk [tilespmem:v3+s22+$0x0], $0xffff;
	v63 =	vand.u32 $0x3F, v62;
	v21 =	vor.u32 v44, v61;
	[tilespmem:v1+s28+$0x0] =	vst.idx.msk $0xffff, v18  }
0x56f: {  	v32 =	vadd.s32 s21, v13;
	v58 =	vld [tilespmem:$0x1FF80];
	[tilespmem:v26+s28+$0x0] =	vst.idx.msk $0xffff, v12;
	v12 =	vor.u32 v44, v63  }
0x570: {  	v24 =	vshll.u32 v24, $0x7;
	v9 =	vshll.u32 v20, $0x7;
	v19 =	vadd.s32 s15, v13;
	v18 =	vld.idx.msk [tilespmem:v43+s22+$0x0], $0xffff;
	[tilespmem:v11+s28+$0x0] =	vst.idx.msk $0xffff, v17  }
0x571: {  	v9 =	vand.u32 $0x1F80, v9;
	v11 =	vand.u32 $0x1F80, v24;
	v16 =	vld.idx.msk [tilespmem:v16+s22+$0x0], $0xffff;
	v26 =	vand.u32 $0x3F, v32  }
0x572: {  	[tilespmem:v5+s28+$0x0] =	vst.idx.msk $0xffff, v14;
	v5 =	vshll.u32 v62, $0x7;
	v11 =	vor.u32 v10, v11;
	v17 =	vor.u32 v41, v26;
	v26 =	vld [tilespmem:$0x1FB40]  }
0x573: {  	v20 =	vand.u32 $0x3F, v19;
	v14 =	vld.idx.msk [tilespmem:v21+s22+$0x0], $0xffff;
	v9 =	vor.u32 v10, v9;
	v5 =	vand.u32 $0x1F80, v5  }
0x574: {  	v20 =	vor.u32 v41, v20;
	v5 =	vor.u32 v10, v5;
	v12 =	vld.idx.msk [tilespmem:v12+s22+$0x0], $0xffff  }
0x575: {  	v25 =	vshll.u32 v52, $0x7;
	v7 =	vld.idx.msk [tilespmem:v7+s22+$0x0], $0xffff  }
0x576: {  	v25 =	vand.u32 $0x1F80, v25;
	v24 =	vld.idx.msk [tilespmem:v50+s22+$0x0], $0xffff;
	[tilespmem:v42+s28+$0x0] =	vst.idx.msk $0xffff, v18  }
0x577: {  	v33 =	vadd.s32 s14, v13;
	v1 =	vor.u32 v10, v25;
	v18 =	vld [tilespmem:$0x1FB00];
	[tilespmem:v11+s28+$0x0] =	vst.idx.msk $0xffff, v16  }
0x578: {  	v51 =	vadd.s32 s6, v2;
	v23 =	vshll.u32 v32, $0x7;
	v38 =	vadd.s32 s21, v15;
	[tilespmem:v9+s28+$0x0] =	vst.idx.msk $0xffff, v14;
	v17 =	vld.idx.msk [tilespmem:v17+s22+$0x0], $0xffff  }
0x579: {  	v34 =	vand.u32 $0x3F, v33;
	v9 =	vshll.u32 v19, $0x7;
	v11 =	vand.u32 $0x1F80, v23;
	[tilespmem:v5+s28+$0x0] =	vst.idx.msk $0xffff, v12;
	v12 =	vld.idx.msk [tilespmem:v20+s22+$0x0], $0xffff  }
0x57a: {  	v9 =	vand.u32 $0x1F80, v9;
	v11 =	vor.u32 v13, v11;
	[tilespmem:v26+s28+$0x0] =	vst.idx.msk $0xffff, v7;
	v26 =	vand.u32 $0x3F, v38;
	v20 =	vld [tilespmem:$0x1FAB0]  }
0x57b: {  	v25 =	vshll.u32 v46, $0x7;
	v42 =	vld [tilespmem:$0x1FB20];
	v9 =	vor.u32 v13, v9;
	v16 =	vor.u32 v58, v26  }
0x57c: {  	v49 =	vadd.s32 s6, v6;
	v25 =	vand.u32 $0x1F80, v25;
	v50 =	vadd.s32 s6, v8;
	[tilespmem:v1+s28+$0x0] =	vst.idx.msk $0xffff, v24;
	v24 =	vld [tilespmem:$0x1FB70]  }
0x57d: {  	v1 =	vor.u32 v13, v25;
	v25 =	vld [tilespmem:$0x1FAE0];
	v14 =	vadd.s32 s15, v15;
	s15 =	sadd.s32 $0x7, s6;
	v7 =	vor.u32 v41, v34  }
0x57e: {  	v39 =	vld.idx.msk [tilespmem:v36+s22+$0x0], $0xffff;
	v19 =	vand.u32 $0x3F, v14;
	v57 =	vadd.s32 s15, v15;
	v27 =	vadd.s32 s15, v10  }
0x57f: {  	v29 =	vadd.s32 s15, v6;
	v19 =	vor.u32 v58, v19;
	v31 =	vand.u32 $0x3F, v57;
	v18 =	vld.idx.msk [tilespmem:v18+s22+$0x0], $0xffff;
	[tilespmem:v11+s28+$0x0] =	vst.idx.msk $0xffff, v17  }
0x580: {  	v59 =	vshll.u32 v27, $0x7;
	v27 =	vand.u32 $0x3F, v27;
	v5 =	vshll.u32 v33, $0x7;
	[tilespmem:v9+s28+$0x0] =	vst.idx.msk $0xffff, v12;
	v12 =	vld.idx.msk [tilespmem:v16+s22+$0x0], $0xffff  }
0x581: {  	v62 =	vand.u32 $0x3F, v29;
	v36 =	vor.u32 v44, v27;
	v5 =	vand.u32 $0x1F80, v5;
	v16 =	vld [tilespmem:$0x1FAD0]  }
0x582: {  	v29 =	vshll.u32 v29, $0x7;
	v5 =	vor.u32 v13, v5;
	[tilespmem:v20+s28+$0x0] =	vst.idx.msk $0xffff, v3;
	v3 =	vld.idx.msk [tilespmem:v7+s22+$0x0], $0xffff;
	v7 =	vadd.s32 s14, v15  }
0x583: {  	v43 =	vld [tilespmem:$0x1FAF0];
	v27 =	vor.u32 v45, v62;
	[tilespmem:v1+s28+$0x0] =	vst.idx.msk $0xffff, v39;
	v1 =	vshll.u32 v37, $0x7;
	v20 =	vand.u32 $0x3F, v7  }
0x584: {  	v25 =	vshll.u32 v25, $0x7;
	v1 =	vand.u32 $0x1F80, v1;
	[tilespmem:v42+s28+$0x0] =	vst.idx.msk $0xffff, v18;
	v18 =	vor.u32 v58, v20;
	v20 =	vld [tilespmem:$0x1FB80]  }
0x585: {  	v26 =	vadd.s32 s15, v8;
	v11 =	vshll.u32 v38, $0x7;
	v1 =	vor.u32 v15, v1  }
0x586: {  	v17 =	vld.idx.msk [tilespmem:v40+s22+$0x0], $0xffff;
	v61 =	vand.u32 $0x3F, v26;
	v26 =	vshll.u32 v26, $0x7;
	v9 =	vshll.u32 v14, $0x7  }
0x587: {  	v24 =	vld.idx.msk [tilespmem:v24+s22+$0x0], $0xffff;
	v11 =	vand.u32 $0x1F80, v11;
	[tilespmem:v5+s28+$0x0] =	vst.idx.msk $0xffff, v3;
	v3 =	vshll.u32 v7, $0x7;
	v7 =	vand.u32 $0x1F80, v9  }
0x588: {  	v5 =	vld.idx.msk [tilespmem:v19+s22+$0x0], $0xffff;
	v9 =	vor.u32 v15, v11;
	v11 =	vadd.s32 s6, v15;
	v3 =	vand.u32 $0x1F80, v3  }
0x589: {  	[tilespmem:v16+s28+$0x0] =	vst.idx.msk $0xffff, v30;
	v16 =	vadd.s32 s6, v10;
	v19 =	vadd.s32 s6, v4;
	v14 =	vld.idx.msk [tilespmem:v18+s22+$0x0], $0xffff;
	v3 =	vor.u32 v15, v3  }
0x58a: {  	v54 =	vld [tilespmem:$0x1FF30];
	v7 =	vor.u32 v15, v7;
	v52 =	vand.u32 $0x38, v19;
	v19 =	vshll.u32 v19, $0x7  }
0x58b: {  	v46 =	vld [tilespmem:$0x1FB60];
	[tilespmem:v1+s28+$0x0] =	vst.idx.msk $0xffff, v17;
	v30 =	vadd.s32 s15, v2;
	v18 =	vadd.s32 s6, v13;
	v19 =	vand.u32 $0x1F80, v19  }
0x58c: {  	v21 =	vld.idx.msk [tilespmem:v43+s22+$0x0], $0xffff;
	v1 =	vand.u32 $0x38, v18;
	v17 =	vshll.u32 v18, $0x7;
	[tilespmem:v20+s28+$0x0] =	vst.idx.msk $0xffff, v24;
	v24 =	vand.u32 $0x1F80, v25  }
0x58d: {  	v18 =	vand.u32 $0x38, v50;
	v19 =	vor.u32 v4, v19;
	v20 =	vld [tilespmem:$0x1FB50];
	[tilespmem:v9+s28+$0x0] =	vst.idx.msk $0xffff, v12;
	v24 =	vor.u32 v15, v24  }
0x58e: {  	v17 =	vand.u32 $0x1F80, v17;
	v12 =	vshll.u32 v50, $0x7;
	v9 =	vand.u32 $0x38, v16;
	[tilespmem:v3+s28+$0x0] =	vst.idx.msk $0xffff, v14;
	v14 =	vld [tilespmem:$0x1FF70]  }
0x58f: {  	v16 =	vshll.u32 v16, $0x7;
	v50 =	vand.u32 $0x1F80, v26;
	[tilespmem:v7+s28+$0x0] =	vst.idx.msk $0xffff, v5;
	v5 =	vand.u32 $0x38, v49  }
0x590: {  	v7 =	vshll.u32 v49, $0x7;
	v16 =	vand.u32 $0x1F80, v16;
	v12 =	vand.u32 $0x1F80, v12  }
0x591: {  	v3 =	vshll.u32 v51, $0x7;
	v7 =	vand.u32 $0x1F80, v7;
	v5 =	vor.u32 v54, v5  }
0x592: {  	s16 =	sadd.s32 $0x6, s6;
	v28 =	vld [tilespmem:$0x1FF00];
	v20 =	vshll.u32 v20, $0x7;
	[tilespmem:v24+s28+$0x0] =	vst.idx.msk $0xffff, v21;
	v24 =	vshll.u32 v11, $0x7;
	v11 =	vand.u32 $0x38, v11  }
0x593: {  	v54 =	vadd.s32 s16, v8;
	v20 =	vand.u32 $0x1F80, v20;
	v11 =	vor.u32 v14, v11  }
0x594: {  	v56 =	vand.u32 $0x1F80, v3;
	v20 =	vor.u32 v15, v20;
	[tilespmem:$0x1FAA0] =	vst v11;
	v11 =	vand.u32 $0x1F80, v24  }
0x595: {  	v23 =	vld.idx.msk [tilespmem:v46+s22+$0x0], $0xffff;
	v24 =	vor.u32 v6, v7;
	v7 =	vor.u32 v10, v16;
	v16 =	vadd.s32 s15, v0  }
0x596: {  	v33 =	vshll.u32 v54, $0x7;
	v14 =	vld [tilespmem:$0x1FF50];
	v11 =	vor.u32 v15, v11;
	v25 =	vand.u32 $0x3F, v16  }
0x597: {  	v16 =	vshll.u32 v16, $0x7;
	v25 =	vor.u32 v28, v25;
	v28 =	vadd.s32 s15, v4  }
0x598: {  	v55 =	vld [tilespmem:$0x1FF10];
	[tilespmem:$0x1FAB0] =	vst v11;
	v11 =	vor.u32 v8, v12;
	v16 =	vand.u32 $0x1F80, v16;
	v63 =	vand.u32 $0x3F, v28  }
0x599: {  	v3 =	vld [tilespmem:$0x1FFF0];
	v28 =	vshll.u32 v28, $0x7;
	v46 =	vor.u32 v0, v16;
	v16 =	vand.u32 $0x3F, v30  }
0x59a: {  	v30 =	vshll.u32 v30, $0x7;
	[tilespmem:v20+s28+$0x0] =	vst.idx.msk $0xffff, v23;
	v20 =	vadd.s32 s6, v0;
	v23 =	vand.u32 $0x38, v51  }
0x59b: {  	v9 =	vor.u32 v14, v9;
	v14 =	vld [tilespmem:$0x1FF60];
	v49 =	vor.u32 v48, v16;
	v16 =	vor.u32 v58, v31  }
0x59c: {  	v31 =	vand.u32 $0x1F80, v59;
	v26 =	vand.u32 $0x1F80, v28;
	v28 =	vand.u32 $0x1F80, v29  }
0x59d: {  	v29 =	vor.u32 v47, v63;
	v53 =	vand.u32 $0x38, v20;
	v20 =	vshll.u32 v20, $0x7  }
0x59e: {  	v21 =	vor.u32 v55, v23;
	v23 =	vshll.u32 v57, $0x7;
	v22 =	vor.u32 v3, v53  }
0x59f: {  	v40 =	vor.u32 v10, v31;
	v31 =	vadd.s32 s16, v4;
	v20 =	vand.u32 $0x1F80, v20;
	v25 =	vld.idx.msk [tilespmem:v25+s22+$0x0], $0xffff  }
0x5a0: {  	v3 =	vor.u32 v13, v17;
	v17 =	vor.u32 v2, v56;
	v1 =	vor.u32 v14, v1;
	v14 =	vld [tilespmem:$0x1FF40]  }
0x5a1: {  	v23 =	vand.u32 $0x1F80, v23;
	v53 =	vadd.s32 s16, v6;
	v56 =	vadd.s32 s16, v2  }
0x5a2: {  	v12 =	vor.u32 v0, v20;
	v20 =	vadd.s32 s15, v13;
	v23 =	vor.u32 v15, v23  }
0x5a3: {  	v32 =	vshll.u32 v53, $0x7;
	v60 =	vand.u32 $0x3F, v20;
	v20 =	vshll.u32 v20, $0x7;
	v22 =	vld.idx.msk [tilespmem:v22+s22+$0x0], $0xffff  }
0x5a4: {  	[tilespmem:$0x1FAC0] =	vst v16;
	v62 =	vand.u32 $0x3F, v56;
	v16 =	vor.u32 v41, v60;
	v20 =	vand.u32 $0x1F80, v20  }
0x5a5: {  	v60 =	vand.u32 $0x3F, v54;
	[tilespmem:v46+s28+$0x0] =	vst.idx.msk $0xffff, v25;
	v25 =	vand.u32 $0x1F80, v30;
	v14 =	vor.u32 v14, v18;
	v18 =	vld [tilespmem:$0x1FF20]  }
0x5a6: {  	v55 =	vor.u32 v13, v20;
	v30 =	vadd.s32 s16, v13;
	v51 =	vld.idx.msk [tilespmem:v49+s22+$0x0], $0xffff;
	v20 =	vor.u32 v2, v25  }
0x5a7: {  	v46 =	vand.u32 $0x1F80, v32;
	v25 =	vor.u32 v4, v26;
	v26 =	vor.u32 v6, v28  }
0x5a8: {  	s21 =	sadd.s32 $0x5, s6;
	v28 =	vadd.s32 s16, v10;
	v59 =	vand.u32 $0x3F, v30;
	v30 =	vshll.u32 v30, $0x7;
	[tilespmem:v12+s28+$0x0] =	vst.idx.msk $0xffff, v22  }
0x5a9: {  	v49 =	vadd.s32 s21, v6;
	v57 =	vshll.u32 v28, $0x7;
	v38 =	vor.u32 v41, v59;
	v21 =	vld.idx.msk [tilespmem:v21+s22+$0x0], $0xffff  }
0x5aa: {  	v28 =	vand.u32 $0x3F, v28;
	v30 =	vand.u32 $0x1F80, v30;
	[tilespmem:$0x1FB00] =	vst v38;
	v18 =	vor.u32 v18, v52  }
0x5ab: {  	s25 =	sadd.s32 $0x4, s6;
	v59 =	vor.u32 v48, v62;
	v37 =	vand.u32 $0x1F80, v57;
	v38 =	vor.u32 v6, v46;
	[tilespmem:v20+s28+$0x0] =	vst.idx.msk $0xffff, v51  }
0x5ac: {  	v46 =	vadd.s32 s25, v13;
	v12 =	vor.u32 v35, v61;
	v22 =	vor.u32 v8, v50;
	v29 =	vld.idx.msk [tilespmem:v29+s22+$0x0], $0xffff  }
0x5ad: {  	[tilespmem:$0x1FAD0] =	vst v23;
	v61 =	vand.u32 $0x3F, v53;
	v50 =	vadd.s32 s21, v8;
	v52 =	vadd.s32 s16, v15  }
0x5ae: {  	v39 =	vor.u32 v45, v61;
	v23 =	vshll.u32 v50, $0x7;
	v34 =	vand.u32 $0x3F, v52;
	[tilespmem:v17+s28+$0x0] =	vst.idx.msk $0xffff, v21  }
0x5af: {  	v20 =	vshll.u32 v31, $0x7;
	v31 =	vand.u32 $0x3F, v31;
	v34 =	vor.u32 v58, v34;
	v18 =	vld.idx.msk [tilespmem:v18+s22+$0x0], $0xffff  }
0x5b0: {  	v20 =	vand.u32 $0x1F80, v20;
	v54 =	vor.u32 v47, v31;
	v31 =	vand.u32 $0x3F, v49;
	[tilespmem:$0x1FAF0] =	vst v34  }
0x5b1: {  	v51 =	vor.u32 v4, v20;
	v20 =	vadd.s32 s21, v4;
	[tilespmem:v25+s28+$0x0] =	vst.idx.msk $0xffff, v29;
	v25 =	vor.u32 v13, v30  }
0x5b2: {  	v17 =	vadd.s32 s16, v0;
	v21 =	vshll.u32 v56, $0x7;
	v34 =	vor.u32 v35, v60;
	[tilespmem:$0x1FB20] =	vst v25;
	v25 =	vld.idx.msk [tilespmem:v27+s22+$0x0], $0xffff  }
0x5b3: {  	v56 =	vor.u32 v45, v31;
	v60 =	vadd.s32 s25, v8;
	v63 =	vand.u32 $0x3F, v17  }
0x5b4: {  	v17 =	vshll.u32 v17, $0x7;
	v21 =	vand.u32 $0x1F80, v21;
	[tilespmem:v19+s28+$0x0] =	vst.idx.msk $0xffff, v18;
	v19 =	vor.u32 v44, v28  }
0x5b5: {  	v17 =	vand.u32 $0x1F80, v17;
	v57 =	vor.u32 v2, v21;
	v27 =	vadd.s32 s21, v15;
	[tilespmem:$0x1FB10] =	vst v19;
	v19 =	vld.idx.msk [tilespmem:v5+s22+$0x0], $0xffff  }
0x5b6: {  	v21 =	vshll.u32 v49, $0x7;
	v62 =	vor.u32 v0, v17;
	[tilespmem:$0x1FB50] =	vst v27;
	v18 =	vand.u32 $0x1F80, v33  }
0x5b7: {  	v17 =	vadd.s32 s21, v10;
	v27 =	vand.u32 $0x3F, v27;
	v18 =	vor.u32 v8, v18;
	[tilespmem:v26+s28+$0x0] =	vst.idx.msk $0xffff, v25  }
0x5b8: {  	v28 =	vshll.u32 v17, $0x7;
	v17 =	vand.u32 $0x3F, v17;
	v5 =	vld [tilespmem:$0x1FF00];
	[tilespmem:$0x1FB30] =	vst v18;
	v18 =	vor.u32 v10, v37  }
0x5b9: {  	v25 =	vand.u32 $0x3F, v50;
	v26 =	vshll.u32 v20, $0x7;
	v43 =	vor.u32 v44, v17;
	[tilespmem:$0x1FB40] =	vst v18  }
0x5ba: {  	v20 =	vand.u32 $0x3F, v20;
	v12 =	vld.idx.msk [tilespmem:v12+s22+$0x0], $0xffff;
	v49 =	vor.u32 v35, v25;
	v18 =	vadd.s32 s21, v13;
	[tilespmem:v24+s28+$0x0] =	vst.idx.msk $0xffff, v19  }
0x5bb: {  	v37 =	vand.u32 $0x1F80, v26;
	v30 =	vand.u32 $0x3F, v18;
	v18 =	vshll.u32 v18, $0x7;
	v14 =	vld.idx.msk [tilespmem:v14+s22+$0x0], $0xffff  }
0x5bc: {  	v61 =	vor.u32 v4, v37;
	v37 =	vadd.s32 s25, v15;
	v18 =	vand.u32 $0x1F80, v18  }
0x5bd: {  	[tilespmem:$0x1FAE0] =	vst v52;
	v26 =	vld [tilespmem:$0x1FF00];
	v5 =	vor.u32 v5, v63;
	v19 =	vadd.s32 s21, v0;
	v0 =	vor.u32 v58, v27  }
0x5be: {  	v24 =	vadd.s32 s21, v2;
	v27 =	vand.u32 $0x1F80, v28;
	v63 =	vor.u32 v47, v20;
	[tilespmem:$0x1FB60] =	vst v0  }
0x5bf: {  	v18 =	vor.u32 v13, v18;
	v52 =	vand.u32 $0x3F, v24;
	v24 =	vshll.u32 v24, $0x7;
	[tilespmem:v22+s28+$0x0] =	vst.idx.msk $0xffff, v12  }
0x5c0: {  	v53 =	vand.u32 $0x3F, v19;
	v19 =	vshll.u32 v19, $0x7;
	v0 =	vor.u32 v41, v30;
	v20 =	vld.idx.msk [tilespmem:v36+s22+$0x0], $0xffff;
	[tilespmem:v11+s28+$0x0] =	vst.idx.msk $0xffff, v14  }
0x5c1: {  	v42 =	vor.u32 v10, v27;
	[tilespmem:$0x1FB70] =	vst v0;
	v0 =	vlaneseq.u32;
	v19 =	vand.u32 $0x1F80, v19;
	v17 =	vld.idx.msk [tilespmem:v9+s22+$0x0], $0xffff  }
0x5c2: {  	s15 =	sadd.s32 $0x2, s6;
	v12 =	vand.u32 $0x1F80, v24;
	v25 =	vor.u32 v26, v53;
	v24 =	vor.u32 v0, v19  }
0x5c3: {  	v19 =	vand.u32 $0x3F, v60;
	v31 =	vadd.s32 s15, v0;
	v14 =	vand.u32 $0x1F80, v23  }
0x5c4: {  	v11 =	vor.u32 v48, v52;
	v52 =	vadd.s32 s25, v10;
	v9 =	vand.u32 $0x1F80, v21  }
0x5c5: {  	v29 =	vor.u32 v8, v14;
	v14 =	vadd.s32 s25, v4;
	[tilespmem:v40+s28+$0x0] =	vst.idx.msk $0xffff, v20;
	v20 =	vand.u32 $0x3F, v52  }
0x5c6: {  	v40 =	vand.u32 $0x3F, v46;
	v53 =	vor.u32 v6, v9;
	v9 =	vor.u32 v2, v12;
	[tilespmem:v7+s28+$0x0] =	vst.idx.msk $0xffff, v17  }
0x5c7: {  	p0 =	slt.u32 s6, $0x38;
	[tilespmem:$0x1FB80] =	vst v18;
	v12 =	vadd.s32 s25, v2;
	v30 =	vand.u32 $0x3F, v14;
	v50 =	vor.u32 v44, v20;
	v18 =	vld.idx.msk [tilespmem:v1+s22+$0x0], $0xffff  }
.Ltmp5:
0x5c8: {  	v28 =	vld.idx.msk [tilespmem:v16+s22+$0x0], $0xffff;
	v36 =	vor.u32 v41, v40;
	v16 =	vshll.u32 v12, $0x7;
	v12 =	vand.u32 $0x3F, v12;
	(pc) =	sbr.rel @p0 .LBB2_9-.Ltmp5, $4  }
0x5c9: {  	s21 =	sadd.s32 $0x3, s6;
	v7 =	vadd.s32 s25, v6;
	v17 =	vand.u32 $0x3F, v37;
	v1 =	vadd.s32 s25, v0  }
0x5ca: {  	v33 =	vand.u32 $0x3F, v7;
	v40 =	vor.u32 v58, v17;
	v17 =	vadd.s32 s21, v0  }
0x5cb: {  	v58 =	vor.u32 v35, v19;
	v47 =	vand.u32 $0x3F, v1;
	v27 =	vshll.u32 v1, $0x7  }
0x5cc: {  	s14 =	sadd.s32 $0x1, s6;
	s6 =	sadd.s32 $0x8, s6;
	v1 =	vor.u32 v45, v33;
	v19 =	vand.u32 $0x3F, v17;
	[tilespmem:v3+s28+$0x0] =	vst.idx.msk $0xffff, v18;
	v18 =	vor.u32 v26, v47  }
0x5cd: {  	_ =	sdelay $0x1  }
0x5ce: {  	v3 =	vadd.s32 s14, v0;
	v35 =	vld [tilespmem:$0x1FFD0]  }
0x5cf: {  	v20 =	vand.u32 $0x3F, v31;
	v19 =	vor.u32 v26, v19;
	v41 =	vld [tilespmem:$0x1FFE0];
	v21 =	vand.u32 $0x3F, v3  }
0x5d0: {  	v23 =	vadd.s32 s21, v2;
	v5 =	vld.idx.msk [tilespmem:v5+s22+$0x0], $0xffff;
	v17 =	vshll.u32 v17, $0x7;
	v21 =	vor.u32 v26, v21  }
0x5d1: {  	v27 =	vand.u32 $0x1F80, v27;
	v25 =	vld.idx.msk [tilespmem:v25+s22+$0x0], $0xffff;
	v20 =	vor.u32 v26, v20;
	v3 =	vshll.u32 v3, $0x7  }
0x5d2: {  	v33 =	vld [tilespmem:$0x1FFF0];
	[tilespmem:v55+s28+$0x0] =	vst.idx.msk $0xffff, v28;
	v48 =	vand.u32 $0x3F, v23;
	v17 =	vand.u32 $0x1F80, v17;
	v3 =	vand.u32 $0x1F80, v3  }
0x5d3: {  	v18 =	vld.idx.msk [tilespmem:v18+s22+$0x0], $0xffff;
	v27 =	vor.u32 v0, v27;
	v17 =	vor.u32 v0, v17;
	v3 =	vor.u32 v0, v3  }
0x5d4: {  	v22 =	vor.u32 v35, v30;
	v12 =	vor.u32 v41, v12;
	v30 =	vshll.u32 v31, $0x7;
	v19 =	vld.idx.msk [tilespmem:v19+s22+$0x0], $0xffff  }
0x5d5: {  	v26 =	vor.u32 v41, v48;
	v31 =	vadd.s32 s15, v2;
	[tilespmem:v62+s28+$0x0] =	vst.idx.msk $0xffff, v5;
	v28 =	vand.u32 $0x1F80, v30;
	v21 =	vld.idx.msk [tilespmem:v21+s22+$0x0], $0xffff  }
0x5d6: {  	v5 =	vadd.s32 s14, v2;
	[tilespmem:v24+s28+$0x0] =	vst.idx.msk $0xffff, v25;
	v30 =	vand.u32 $0x3F, v31;
	v20 =	vld.idx.msk [tilespmem:v20+s22+$0x0], $0xffff;
	v28 =	vor.u32 v0, v28  }
0x5d7: {  	v32 =	vand.u32 $0x3F, v5;
	v11 =	vld.idx.msk [tilespmem:v11+s22+$0x0], $0xffff;
	v30 =	vor.u32 v41, v30  }
0x5d8: {  	v16 =	vand.u32 $0x1F80, v16;
	[tilespmem:v27+s28+$0x0] =	vst.idx.msk $0xffff, v18;
	v24 =	vor.u32 v41, v32;
	v32 =	vld.idx.msk [tilespmem:v59+s22+$0x0], $0xffff;
	v59 =	vshll.u32 v23, $0x7  }
0x5d9: {  	v16 =	vor.u32 v2, v16;
	[tilespmem:v17+s28+$0x0] =	vst.idx.msk $0xffff, v19;
	v17 =	vand.u32 $0x1F80, v59;
	v12 =	vld.idx.msk [tilespmem:v12+s22+$0x0], $0xffff  }
0x5da: {  	v25 =	vadd.s32 s21, v4;
	v17 =	vor.u32 v2, v17;
	[tilespmem:v3+s28+$0x0] =	vst.idx.msk $0xffff, v21;
	v3 =	vld.idx.msk [tilespmem:v26+s22+$0x0], $0xffff  }
0x5db: {  	v55 =	vmovc v41;
	v62 =	vand.u32 $0x3F, v25;
	v44 =	vshll.u32 v31, $0x7;
	v5 =	vshll.u32 v5, $0x7;
	[tilespmem:v28+s28+$0x0] =	vst.idx.msk $0xffff, v20  }
0x5dc: {  	v41 =	vor.u32 v35, v62;
	v5 =	vand.u32 $0x1F80, v5;
	v59 =	vadd.s32 s14, v4;
	[tilespmem:v9+s28+$0x0] =	vst.idx.msk $0xffff, v11;
	v48 =	vld.idx.msk [tilespmem:v30+s22+$0x0], $0xffff  }
0x5dd: {  	v5 =	vor.u32 v2, v5;
	v19 =	vand.u32 $0x1F80, v44;
	v27 =	vand.u32 $0x3F, v59;
	[tilespmem:v57+s28+$0x0] =	vst.idx.msk $0xffff, v32;
	v24 =	vld.idx.msk [tilespmem:v24+s22+$0x0], $0xffff  }
0x5de: {  	v19 =	vor.u32 v2, v19;
	v9 =	vor.u32 v35, v27;
	v27 =	vld.idx.msk [tilespmem:v54+s22+$0x0], $0xffff;
	[tilespmem:v16+s28+$0x0] =	vst.idx.msk $0xffff, v12  }
0x5df: {  	v14 =	vshll.u32 v14, $0x7;
	v45 =	vadd.s32 s15, v4;
	[tilespmem:v17+s28+$0x0] =	vst.idx.msk $0xffff, v3;
	v3 =	vld.idx.msk [tilespmem:v63+s22+$0x0], $0xffff  }
0x5e0: {  	v47 =	vand.u32 $0x3F, v45;
	v14 =	vand.u32 $0x1F80, v14;
	v12 =	vshll.u32 v25, $0x7;
	v17 =	vld.idx.msk [tilespmem:v22+s22+$0x0], $0xffff  }
0x5e1: {  	v14 =	vor.u32 v4, v14;
	v21 =	vor.u32 v35, v47;
	v12 =	vand.u32 $0x1F80, v12;
	v0 =	vld [tilespmem:$0x1FFC0]  }
0x5e2: {  	v12 =	vor.u32 v4, v12;
	[tilespmem:v5+s28+$0x0] =	vst.idx.msk $0xffff, v24;
	v5 =	vld.idx.msk [tilespmem:v41+s22+$0x0], $0xffff  }
0x5e3: {  	v32 =	vshll.u32 v59, $0x7;
	[tilespmem:v19+s28+$0x0] =	vst.idx.msk $0xffff, v48  }
0x5e4: {  	v62 =	vshll.u32 v45, $0x7;
	v18 =	vand.u32 $0x1F80, v32;
	[tilespmem:v51+s28+$0x0] =	vst.idx.msk $0xffff, v27  }
0x5e5: {  	v11 =	vadd.s32 s21, v6;
	v28 =	vmovc v35;
	v18 =	vor.u32 v4, v18;
	v19 =	vand.u32 $0x1F80, v62;
	[tilespmem:v61+s28+$0x0] =	vst.idx.msk $0xffff, v3  }
0x5e6: {  	v16 =	vand.u32 $0x3F, v11;
	v63 =	vadd.s32 s15, v6;
	v21 =	vld.idx.msk [tilespmem:v21+s22+$0x0], $0xffff;
	v19 =	vor.u32 v4, v19;
	[tilespmem:v14+s28+$0x0] =	vst.idx.msk $0xffff, v17  }
0x5e7: {  	v35 =	vand.u32 $0x3F, v63;
	v41 =	vadd.s32 s14, v6;
	v9 =	vld.idx.msk [tilespmem:v9+s22+$0x0], $0xffff;
	v16 =	vor.u32 v0, v16;
	[tilespmem:v12+s28+$0x0] =	vst.idx.msk $0xffff, v5  }
0x5e8: {  	v7 =	vshll.u32 v7, $0x7;
	v48 =	vand.u32 $0x3F, v41;
	v22 =	vor.u32 v0, v35;
	v47 =	vld [tilespmem:$0x1FF90]  }
0x5e9: {  	v7 =	vand.u32 $0x1F80, v7;
	v11 =	vshll.u32 v11, $0x7;
	v54 =	vld.idx.msk [tilespmem:v39+s22+$0x0], $0xffff;
	v3 =	vor.u32 v0, v48  }
0x5ea: {  	v7 =	vor.u32 v6, v7;
	v11 =	vand.u32 $0x1F80, v11;
	v17 =	vshll.u32 v63, $0x7;
	v5 =	vld.idx.msk [tilespmem:v56+s22+$0x0], $0xffff  }
0x5eb: {  	v11 =	vor.u32 v6, v11;
	v51 =	vadd.s32 s21, v8;
	v1 =	vld.idx.msk [tilespmem:v1+s22+$0x0], $0xffff;
	v17 =	vand.u32 $0x1F80, v17;
	[tilespmem:v19+s28+$0x0] =	vst.idx.msk $0xffff, v21  }
0x5ec: {  	v14 =	vand.u32 $0x3F, v51;
	[tilespmem:v18+s28+$0x0] =	vst.idx.msk $0xffff, v9;
	v17 =	vor.u32 v6, v17;
	v9 =	vld.idx.msk [tilespmem:v16+s22+$0x0], $0xffff;
	v16 =	vshll.u32 v41, $0x7  }
0x5ed: {  	v12 =	vor.u32 v47, v14;
	v14 =	vshll.u32 v60, $0x7;
	v60 =	vld.idx.msk [tilespmem:v22+s22+$0x0], $0xffff;
	v16 =	vand.u32 $0x1F80, v16  }
0x5ee: {  	[tilespmem:v38+s28+$0x0] =	vst.idx.msk $0xffff, v54;
	v3 =	vld.idx.msk [tilespmem:v3+s22+$0x0], $0xffff;
	v16 =	vor.u32 v6, v16  }
0x5ef: {  	[tilespmem:v53+s28+$0x0] =	vst.idx.msk $0xffff, v5  }
0x5f0: {  	[tilespmem:v7+s28+$0x0] =	vst.idx.msk $0xffff, v1  }
0x5f1: {  	[tilespmem:v11+s28+$0x0] =	vst.idx.msk $0xffff, v9;
	v9 =	vld.idx.msk [tilespmem:v49+s22+$0x0], $0xffff  }
0x5f2: {  	v49 =	vld [tilespmem:$0x1FFB0];
	[tilespmem:v17+s28+$0x0] =	vst.idx.msk $0xffff, v60  }
0x5f3: {  	[tilespmem:v16+s28+$0x0] =	vst.idx.msk $0xffff, v3  }
0x5f4: {  	v57 =	vadd.s32 s15, v8;
	v35 =	vld [tilespmem:$0x1FB30]  }
0x5f5: {  	v59 =	vand.u32 $0x3F, v57;
	v61 =	vadd.s32 s14, v8  }
0x5f6: {  	v62 =	vand.u32 $0x3F, v61;
	v18 =	vor.u32 v47, v59  }
0x5f7: {  	v26 =	vld.idx.msk [tilespmem:v34+s22+$0x0], $0xffff;
	v5 =	vor.u32 v47, v62  }
0x5f8: {  	v1 =	vshll.u32 v51, $0x7;
	v14 =	vand.u32 $0x1F80, v14  }
0x5f9: {  	v19 =	vshll.u32 v57, $0x7;
	v1 =	vand.u32 $0x1F80, v1;
	v14 =	vor.u32 v8, v14;
	v17 =	vld.idx.msk [tilespmem:v58+s22+$0x0], $0xffff  }
0x5fa: {  	v1 =	vor.u32 v8, v1;
	v3 =	vld.idx.msk [tilespmem:v12+s22+$0x0], $0xffff;
	v12 =	vshll.u32 v61, $0x7;
	v16 =	vand.u32 $0x1F80, v19  }
0x5fb: {  	v18 =	vld.idx.msk [tilespmem:v18+s22+$0x0], $0xffff;
	v12 =	vand.u32 $0x1F80, v12;
	v16 =	vor.u32 v8, v16;
	[tilespmem:v29+s28+$0x0] =	vst.idx.msk $0xffff, v9  }
0x5fc: {  	v5 =	vld.idx.msk [tilespmem:v5+s22+$0x0], $0xffff;
	v12 =	vor.u32 v8, v12;
	[tilespmem:v35+s28+$0x0] =	vst.idx.msk $0xffff, v26  }
0x5fd: {  	v44 =	vld [tilespmem:$0x1FB10]  }
0x5fe: {  	[tilespmem:v14+s28+$0x0] =	vst.idx.msk $0xffff, v17  }
0x5ff: {  	[tilespmem:v1+s28+$0x0] =	vst.idx.msk $0xffff, v3  }
0x600: {  	v63 =	vadd.s32 s21, v10;
	v48 =	vld [tilespmem:$0x1FFA0];
	[tilespmem:v16+s28+$0x0] =	vst.idx.msk $0xffff, v18  }
0x601: {  	v32 =	vadd.s32 s15, v10;
	v7 =	vand.u32 $0x3F, v63;
	[tilespmem:v12+s28+$0x0] =	vst.idx.msk $0xffff, v5  }
0x602: {  	v34 =	vand.u32 $0x3F, v32;
	v11 =	vshll.u32 v52, $0x7;
	v7 =	vor.u32 v49, v7;
	v18 =	vld [tilespmem:$0x1FB40]  }
0x603: {  	v38 =	vadd.s32 s14, v10;
	v11 =	vand.u32 $0x1F80, v11;
	v19 =	vor.u32 v49, v34  }
0x604: {  	v39 =	vand.u32 $0x3F, v38;
	v41 =	vadd.s32 s21, v13;
	v11 =	vor.u32 v10, v11;
	v45 =	vld.idx.msk [tilespmem:v43+s22+$0x0], $0xffff  }
0x605: {  	v9 =	vor.u32 v49, v39;
	v14 =	vshll.u32 v63, $0x7;
	v17 =	vand.u32 $0x3F, v41;
	v24 =	vld.idx.msk [tilespmem:v44+s22+$0x0], $0xffff  }
0x606: {  	v1 =	vand.u32 $0x1F80, v14;
	v14 =	vld.idx.msk [tilespmem:v50+s22+$0x0], $0xffff;
	v3 =	vor.u32 v48, v17;
	v17 =	vshll.u32 v32, $0x7  }
0x607: {  	v7 =	vld.idx.msk [tilespmem:v7+s22+$0x0], $0xffff;
	v1 =	vor.u32 v10, v1;
	v17 =	vand.u32 $0x1F80, v17  }
0x608: {  	v12 =	vld.idx.msk [tilespmem:v19+s22+$0x0], $0xffff;
	v17 =	vor.u32 v10, v17  }
0x609: {  	v16 =	vshll.u32 v38, $0x7;
	[tilespmem:v42+s28+$0x0] =	vst.idx.msk $0xffff, v45  }
0x60a: {  	v16 =	vand.u32 $0x1F80, v16;
	v9 =	vld.idx.msk [tilespmem:v9+s22+$0x0], $0xffff;
	[tilespmem:v18+s28+$0x0] =	vst.idx.msk $0xffff, v24  }
0x60b: {  	v16 =	vor.u32 v10, v16;
	v53 =	vld [tilespmem:$0x1FAA0];
	[tilespmem:v11+s28+$0x0] =	vst.idx.msk $0xffff, v14  }
0x60c: {  	v57 =	vld [tilespmem:$0x1FB00];
	[tilespmem:v1+s28+$0x0] =	vst.idx.msk $0xffff, v7  }
0x60d: {  	[tilespmem:v17+s28+$0x0] =	vst.idx.msk $0xffff, v12  }
0x60e: {  	v12 =	vld [tilespmem:$0x1FB70]  }
0x60f: {  	v43 =	vld [tilespmem:$0x1FF80]  }
0x610: {  	v17 =	vld [tilespmem:$0x1FAE0];
	[tilespmem:v16+s28+$0x0] =	vst.idx.msk $0xffff, v9  }
0x611: {  	v58 =	vld [tilespmem:$0x1FAB0];
	_ =	sdelay $0x2  }
0x612: {  	v20 =	vld.idx.msk [tilespmem:v53+s22+$0x0], $0xffff;
	_ =	sdelay $0x4  }
0x613: {  	[tilespmem:v58+s28+$0x0] =	vst.idx.msk $0xffff, v20  }
0x614: {  	v23 =	vld [tilespmem:$0x1FB20];
	_ =	sdelay $0x2  }
0x615: {  	v22 =	vld.idx.msk [tilespmem:v57+s22+$0x0], $0xffff;
	_ =	sdelay $0x4  }
0x616: {  	[tilespmem:v23+s28+$0x0] =	vst.idx.msk $0xffff, v22  }
0x617: {  	v5 =	vadd.s32 s15, v13;
	v24 =	vld [tilespmem:$0x1FB80]  }
0x618: {  	v52 =	vadd.s32 s14, v13;
	v51 =	vand.u32 $0x3F, v5  }
0x619: {  	v56 =	vand.u32 $0x3F, v52;
	v18 =	vor.u32 v48, v51  }
0x61a: {  	v54 =	vshll.u32 v46, $0x7;
	v11 =	vor.u32 v48, v56;
	v12 =	vld.idx.msk [tilespmem:v12+s22+$0x0], $0xffff  }
0x61b: {  	v21 =	vand.u32 $0x1F80, v54  }
0x61c: {  	v21 =	vor.u32 v13, v21;
	v1 =	vshll.u32 v41, $0x7;
	v9 =	vld.idx.msk [tilespmem:v36+s22+$0x0], $0xffff  }
0x61d: {  	v5 =	vshll.u32 v5, $0x7;
	v1 =	vand.u32 $0x1F80, v1;
	v3 =	vld.idx.msk [tilespmem:v3+s22+$0x0], $0xffff  }
0x61e: {  	v19 =	vshll.u32 v52, $0x7;
	v5 =	vand.u32 $0x1F80, v5;
	v1 =	vor.u32 v13, v1;
	v18 =	vld.idx.msk [tilespmem:v18+s22+$0x0], $0xffff  }
0x61f: {  	v19 =	vand.u32 $0x1F80, v19;
	v5 =	vor.u32 v13, v5;
	v11 =	vld.idx.msk [tilespmem:v11+s22+$0x0], $0xffff;
	[tilespmem:v24+s28+$0x0] =	vst.idx.msk $0xffff, v12  }
0x620: {  	v19 =	vor.u32 v13, v19;
	v12 =	vld [tilespmem:$0x1FAC0]  }
0x621: {  	v24 =	vld [tilespmem:$0x1FB50];
	[tilespmem:v21+s28+$0x0] =	vst.idx.msk $0xffff, v9  }
0x622: {  	v9 =	vld [tilespmem:$0x1FAF0]  }
0x623: {  	[tilespmem:v1+s28+$0x0] =	vst.idx.msk $0xffff, v3  }
0x624: {  	v1 =	vld [tilespmem:$0x1FB60];
	[tilespmem:v5+s28+$0x0] =	vst.idx.msk $0xffff, v18  }
0x625: {  	v14 =	vadd.s32 s21, v15;
	[tilespmem:v19+s28+$0x0] =	vst.idx.msk $0xffff, v11  }
0x626: {  	v62 =	vshll.u32 v37, $0x7;
	v7 =	vand.u32 $0x3F, v14;
	v18 =	vld [tilespmem:$0x1FAD0]  }
0x627: {  	v16 =	vadd.s32 s15, v15;
	v7 =	vor.u32 v43, v7;
	v17 =	vshll.u32 v17, $0x7  }
0x628: {  	v60 =	vadd.s32 s14, v15;
	v59 =	vand.u32 $0x3F, v16;
	v17 =	vand.u32 $0x1F80, v17  }
0x629: {  	v61 =	vand.u32 $0x3F, v60;
	v17 =	vor.u32 v15, v17;
	v20 =	vor.u32 v43, v59;
	v12 =	vld.idx.msk [tilespmem:v12+s22+$0x0], $0xffff  }
0x62a: {  	v23 =	vor.u32 v43, v61;
	v3 =	vshll.u32 v14, $0x7;
	v14 =	vand.u32 $0x1F80, v62;
	v9 =	vld.idx.msk [tilespmem:v9+s22+$0x0], $0xffff  }
0x62b: {  	v5 =	vld.idx.msk [tilespmem:v40+s22+$0x0], $0xffff;
	v3 =	vand.u32 $0x1F80, v3;
	v14 =	vor.u32 v15, v14;
	v24 =	vshll.u32 v24, $0x7  }
0x62c: {  	v16 =	vshll.u32 v16, $0x7;
	v7 =	vld.idx.msk [tilespmem:v7+s22+$0x0], $0xffff;
	v3 =	vor.u32 v15, v3;
	v24 =	vand.u32 $0x1F80, v24  }
0x62d: {  	v16 =	vand.u32 $0x1F80, v16;
	v11 =	vshll.u32 v60, $0x7;
	v63 =	vor.u32 v15, v24;
	v1 =	vld.idx.msk [tilespmem:v1+s22+$0x0], $0xffff  }
0x62e: {  	v16 =	vor.u32 v15, v16;
	v11 =	vand.u32 $0x1F80, v11;
	[tilespmem:v18+s28+$0x0] =	vst.idx.msk $0xffff, v12;
	v12 =	vld.idx.msk [tilespmem:v20+s22+$0x0], $0xffff  }
0x62f: {  	s6 =	sadd.s32 s5, s1;
	v11 =	vor.u32 v15, v11;
	[tilespmem:v17+s28+$0x0] =	vst.idx.msk $0xffff, v9;
	v9 =	vld.idx.msk [tilespmem:v23+s22+$0x0], $0xffff  }
0x630: {  	s25 =	sshll.u32 s1, $0xF;
	s21 =	sshll.u32 s6, $0xA;
	[tilespmem:v14+s28+$0x0] =	vst.idx.msk $0xffff, v5  }
0x631: {  	s1 =	sand.u32 $0x38000, s25;
	s6 =	sshll.u32 s6, $0x4;
	s14 =	sand.u32 $0xFFC0000, s21;
	[tilespmem:v3+s28+$0x0] =	vst.idx.msk $0xffff, v7  }
0x632: {  	s6 =	sand.u32 $0xF80, s6;
	s1 =	sor.u32 s1, s14;
	[tilespmem:v63+s28+$0x0] =	vst.idx.msk $0xffff, v1  }
0x633: {  	s1 =	sor.u32 s6, s1;
	[tilespmem:v16+s28+$0x0] =	vst.idx.msk $0xffff, v12  }
0x634: {  	s6 =	sadd.s32 s2, s1;
	[tilespmem:v11+s28+$0x0] =	vst.idx.msk $0xffff, v9  }
0x635: {  	[hbm4b:s6+s3] =	stream.linear.scatter [tilespmem:s28], [sflag:$0x8], $0x400, $0x38;
	[tilespmem:$0x16400] =	vst v63  }
0x636: {  	s16 =	simm.s32 $0x14800;
	s15 =	sadd.s32 s1, s7  }
0x637: {  	[hbm4b:s15+s3] =	stream.linear.scatter [tilespmem:s16], [sflag:$0x8], $0x400, $0x38;
	[tilespmem:$0x16400] =	vst v63  }
0x638: {  	s25 =	simm.s32 $0x14C00;
	s21 =	sadd.s32 s1, s8  }
0x639: {  	[hbm4b:s21+s3] =	stream.linear.scatter [tilespmem:s25], [sflag:$0x8], $0x400, $0x38;
	[tilespmem:$0x16400] =	vst v63  }
0x63a: {  	s15 =	sadd.s32 s1, s9;
	s16 =	simm.s32 $0x15000  }
0x63b: {  	[hbm4b:s15+s3] =	stream.linear.scatter [tilespmem:s16], [sflag:$0x8], $0x400, $0x38;
	[tilespmem:$0x16400] =	vst v63  }
0x63c: {  	s21 =	sadd.s32 s1, s10;
	s25 =	simm.s32 $0x15400  }
0x63d: {  	[hbm4b:s21+s3] =	stream.linear.scatter [tilespmem:s25], [sflag:$0x8], $0x400, $0x38;
	[tilespmem:$0x16400] =	vst v63  }
0x63e: {  	s14 =	sadd.s32 s1, s11;
	s15 =	simm.s32 $0x15800  }
0x63f: {  	[hbm4b:s14+s3] =	stream.linear.scatter [tilespmem:s15], [sflag:$0x8], $0x400, $0x38;
	[tilespmem:$0x16400] =	vst v63  }
.Ltmp6:
0x640: {  	_ = 	snop;
	(pc) =	sbr.rel @p1 .LBB2_12-.Ltmp6, $4  }
0x641: {  	s16 =	sadd.s32 s1, s12;
	s21 =	simm.s32 $0x15C00  }
0x642: {  	[hbm4b:s16+s3] =	stream.linear.scatter [tilespmem:s21], [sflag:$0x8], $0x400, $0x38;
	[tilespmem:$0x16400] =	vst v63  }
0x643: {  	s1 =	sadd.s32 s1, s13;
	s25 =	simm.s32 $0x16000  }
0x644: {  	v52 =	vmov v0;
	[hbm4b:s1+s3] =	stream.linear.scatter [tilespmem:s25], [sflag:$0x8], $0x400, $0x38;
	[tilespmem:$0x16400] =	vst v63  }
0x645: {  	v31 =	vld [tilespmem:$0x1FF10]  }
0x646: {  	v32 =	vld [tilespmem:$0x1FF20]  }
.Ltmp7:
0x647: {  	v23 =	vld [tilespmem:$0x1FF30];
	(pc) =	sbr.rel .LBB2_2-.Ltmp7, $4  }
0x648: {  	s1 =	sshll.u32 s31, $0x9;
	v20 =	vld [tilespmem:$0x1FF40]  }
0x649: {  	v21 =	vld [tilespmem:$0x1FF50];
	s1 =	sand.u32 $0x3FFFFE00, s1  }
0x64a: {  	s6 =	simm.s32 $0x80;
	s31 =	sadd.s32 $0x1, s31;
	v22 =	vld [tilespmem:$0x1FF60];
	s1 =	sadd.s32 $0x380, s1  }
0x64b: {  	v30 =	vld [tilespmem:$0x1FF70];
	v0 =	vmov v55;
	v40 =	vmov v28;
	[tilespmem:s22], [sflag:$0x4] =	stream.indirect.gather [hbm4b:s4+s6], $0x40, s1, s6, $0xb8  }
.LBB2_13:
0x64c: {  	_ =	sfence.sel $0x180000  }
0x64d: {  	[bflag:$0x0] =	sbarrier.arrive $0xFFFF  }
0x64e: {  	_ =	strace $0x90000047  }
0x64f: {  	s0 =	stileid.u32;
	[bflag:$0x2] =	sbarrier.arrive $0xFFFF  }
0x650: {  	p0 =	sne.s32 s0, $0x0;
	s0 =	rddreg [dreg:$0x3]  }
0x651: {  	s0 =	sadd.s32 @!p0 $0x100000, s0  }
0x652: {  	[sflag:s0] =	ssyncadd.tile.s32 @!p0 $0x1;
	_ =	shalt  }
.Lfunc_end2:
_tile_overlayer_lowered:
.L_overlay_start_2:
0x653: {  	(tag) =	ssettag $0x2  }
0x654: {  	s0 =	rddreg [dreg:$0x0];
	s2 =	stileid.u32  }
0x655: {  	s1 =	rddreg [dreg:$0x1];
	p0 =	sne.s32 s2, $0x0  }
0x656: {  	s3 =	rddreg [dreg:$0x2];
	[bflag:$0x3] =	sbarrier.arrive $0xFFFF;
	s2 =	simm.s32 @!p0 $0x1C09  }
0x657: {  	[timem:s3], [sflag:s2] =	dma.local @!p0 [hbm:s0], s1  }
0x658: {  	s0 =	simm.s32 @!p0 $0x9  }
0x659: {  	_ =	swait.ge @!p0 [sflag:s0], s1  }
0x65a: {  	s1 =	ssub.s32 @!p0 $0x0, s1;
	[sflag:s0] =	ssyncset.done @!p0 $0x0  }
0x65b: {  	[sflag:s0] =	ssyncadd.s32 @!p0 s1  }
0x65c: {  	[bflag:$0x3] =	sbarrier.arrive $0xFFFF  }
0x65d: {  	_ =	shalt  }

</sc_bundles>
